<compile_context>
chip_gen: v7x
topology: tpu7x:2x2x1
jax: 0.10.2.dev20260603
libtpu: 0.0.44.dev20260713+nightly
codegen_flags: <defaults>
</compile_context>

<pallas_src>
import functools

import jax
import jax.numpy as jnp
from jax import lax
from jax.experimental import pallas as pl
from jax.experimental.pallas import tpu as pltpu
from jax.experimental.pallas import tpu_sc as plsc

N = 10000
E = 160000
D = 256
HD = 128
NPC = N // 2
NT = 16
ET = E // NT
CHUNK = 80
EB = 2000
NCH = EB // CHUNK
TCH = ET // CHUNK
DUMP = 2 * NPC
ACC_ROWS = 2 * NPC + 64
ZSH = 624
ZC = 104

BM = 1000
NB = N // BM


def _mm_body(x_ref, w_ref, g_ref):
    g_ref[...] = jnp.dot(x_ref[...], w_ref[0],
                         preferred_element_type=jnp.float32)


def _tc_transform(x, wall):
    return pl.pallas_call(
        _mm_body,
        grid=(6, NB),
        in_specs=[
            pl.BlockSpec((BM, D), lambda q, i: (i, 0)),
            pl.BlockSpec((1, D, HD), lambda q, i: (q % 3, 0, q // 3)),
        ],
        out_specs=pl.BlockSpec((BM, HD), lambda q, i: (q * NB + i, 0)),
        out_shape=jax.ShapeDtypeStruct((6 * N, HD), jnp.float32),
    )(x, wall)


def _comb_body(g_ref, s0_ref, s1_ref, c0_ref, c1_ref, b_ref, o_ref):
    h = pl.program_id(0)
    c0 = jnp.maximum(c0_ref[:, 0:1], 1.0)
    c1 = jnp.maximum(c1_ref[:, 0:1], 1.0)
    o_ref[...] = (g_ref[...] + b_ref[pl.ds(h, 1), :]
                  + s0_ref[...] / c0 + s1_ref[...] / c1)


def _tc_combine(g, ss, bias2):
    return pl.pallas_call(
        _comb_body,
        grid=(2, NB),
        in_specs=[
            pl.BlockSpec((BM, HD), lambda h, i: (h * 3 * NB + i, 0)),
            pl.BlockSpec((BM, HD), lambda h, i: (h * 2 * NB + i, 0)),
            pl.BlockSpec((BM, HD), lambda h, i: ((h * 2 + 1) * NB + i, 0)),
            pl.BlockSpec((BM, HD), lambda h, i: (4 * NB + i, 0)),
            pl.BlockSpec((BM, HD), lambda h, i: (5 * NB + i, 0)),
            pl.BlockSpec((2, HD), lambda h, i: (0, 0)),
        ],
        out_specs=pl.BlockSpec((BM, HD), lambda h, i: (i, h)),
        out_shape=jax.ShapeDtypeStruct((N, D), jnp.float32),
    )(g, ss, ss, ss, ss, bias2)


def _sc_body(g_hbm, src_hbm, dst_hbm, et_hbm,
             s_hbm,
             acc,
             src_v, dst_v, et_v,
             rows_0, rows_1, rows_2, rows_3,
             gidx_0, gidx_1, gidx_2, gidx_3,
             sidx_0, sidx_1, sidx_2, sidx_3,
             gsem_0, gsem_1, gsem_2, gsem_3,
             ssem_0, ssem_1, ssem_2, ssem_3):
    c = lax.axis_index("c")
    s = lax.axis_index("s")
    lo = c * NPC

    rows = (rows_0, rows_1, rows_2, rows_3)
    gidx = (gidx_0, gidx_1, gidx_2, gidx_3)
    sidx = (sidx_0, sidx_1, sidx_2, sidx_3)
    gsem = (gsem_0, gsem_1, gsem_2, gsem_3)
    ssem = (ssem_0, ssem_1, ssem_2, ssem_3)

    zeros16 = jnp.zeros((16,), jnp.float32)
    ones16 = jnp.ones((16,), jnp.float32)

    def fill_rows0(val):
        def body(i, carry):
            for j in range(HD // 16):
                rows_0[i, pl.ds(j * 16, 16)] = val
            return carry

        lax.fori_loop(0, CHUNK, body, 0)

    def fill_ones(i, carry):
        for j in range(HD // 16):
            rows_1[i, pl.ds(j * 16, 16)] = ones16
            rows_2[i, pl.ds(j * 16, 16)] = ones16
            rows_3[i, pl.ds(j * 16, 16)] = ones16
        return carry

    zbase = s * ZSH
    r = s // 8
    m = s % 8
    wrow0 = r * NPC + m * ZSH

    def zero_acc():
        fill_rows0(zeros16)

        def zb(k, carry):
            dst = pl.multiple_of(zbase + k * CHUNK, 8)
            pltpu.sync_copy(rows_0, acc.at[pl.ds(dst, CHUNK)])
            return carry

        def ztail64(k, carry):
            dst = pl.multiple_of(zbase + 7 * CHUNK, 8)
            pltpu.sync_copy(rows_0.at[pl.ds(0, 64)], acc.at[pl.ds(dst, 64)])
            return carry

        def ztail64b(k, carry):
            dst = pl.multiple_of(15 * ZSH + 8 * CHUNK, 8)
            pltpu.sync_copy(rows_0.at[pl.ds(0, 64)], acc.at[pl.ds(dst, 64)])
            return carry

        lax.fori_loop(0, jnp.where(s < 15, 7, 8), zb, 0)
        lax.fori_loop(0, jnp.where(s < 15, 1, 0), ztail64, 0)
        lax.fori_loop(0, jnp.where(s == 15, 1, 0), ztail64b, 0)

    def run_pass(h):
        h3n = h * 3 * N
        gate = jnp.where(h < 2, 1, 0)

        def stage_if(q):
            def body(k, carry):
                e_base = pl.multiple_of(s * ET + (q // NCH) * EB, 8)
                pltpu.sync_copy(src_hbm.at[pl.ds(e_base, EB)], src_v)
                pltpu.sync_copy(dst_hbm.at[pl.ds(e_base, EB)], dst_v)
                pltpu.sync_copy(et_hbm.at[pl.ds(e_base, EB)], et_v)
                return carry

            lax.fori_loop(0, jnp.where(q % NCH == 0, 1, 0), body, 0)

        def keys(q, j):
            e0 = (q % NCH) * CHUNK
            for g in range(CHUNK // 16):
                d16 = dst_v[pl.ds(e0 + g * 16, 16)]
                t16 = et_v[pl.ds(e0 + g * 16, 16)]
                own = (d16 >= lo) & (d16 < lo + NPC)
                sidx[j][pl.ds(g * 16, 16)] = jnp.where(
                    own, t16 * NPC + (d16 - lo), DUMP + (d16 & 63))
                s16 = src_v[pl.ds(e0 + g * 16, 16)]
                gidx[j][pl.ds(g * 16, 16)] = (t16 + 1) * N + s16 + h3n

        def gstart(j):
            def body(k, carry):
                pltpu.async_copy(g_hbm.at[gidx[j]], rows[j], gsem[j])
                return carry

            lax.fori_loop(0, gate, body, 0)

        def gwait(j):
            def body(k, carry):
                pltpu.make_async_copy(g_hbm.at[gidx[j]], rows[j],
                                      gsem[j]).wait()
                return carry

            lax.fori_loop(0, gate, body, 0)

        def sstart(j):
            pltpu.async_copy(rows[j], acc.at[sidx[j]], ssem[j], add=True)

        def swait(j, trip):
            def body(k, carry):
                pltpu.make_async_copy(rows[j], acc.at[sidx[j]],
                                      ssem[j]).wait()
                return carry

            lax.fori_loop(0, trip, body, 0)

        def issue(q, j, k):
            swait(j, jnp.where(q >= 4, 1, 0))
            stage_if(q)
            keys(q, j)
            gstart(j)

        def drain(q, j):
            gwait(j)
            sstart(j)

        def quad(k, carry):
            for j in range(4):
                q = 4 * k + j
                issue(q, j, k)
                jd = (j + 1) % 4

                def do_drain(_, carry2):
                    drain(q - 3, jd)
                    return carry2

                lax.fori_loop(0, jnp.where(q >= 3, 1, 0), do_drain, 0)
            return carry

        lax.fori_loop(0, TCH // 4, quad, 0)
        issue(TCH - 1, 0, 0)
        drain(TCH - 4, 1)
        drain(TCH - 3, 2)
        drain(TCH - 2, 3)
        drain(TCH - 1, 0)
        swait(0, 1)
        swait(1, 1)
        swait(2, 1)
        swait(3, 1)

    def writeback(h):
        srow0 = h * 2 * N + r * N + lo + m * ZSH

        def wb(k, carry):
            a = pl.multiple_of(wrow0 + k * ZC, 8)
            pltpu.sync_copy(acc.at[pl.ds(a, ZC)],
                            s_hbm.at[pl.ds(pl.multiple_of(srow0 + k * ZC, 8),
                                           ZC)])
            return carry

        def wtail(k, carry):
            a = pl.multiple_of(wrow0 + 6 * ZC, 8)
            pltpu.sync_copy(
                acc.at[pl.ds(a, 8)],
                s_hbm.at[pl.ds(pl.multiple_of(srow0 + 6 * ZC, 8), 8)])
            return carry

        lax.fori_loop(0, ZSH // ZC, wb, 0)
        lax.fori_loop(0, jnp.where(m == 7, 1, 0), wtail, 0)

    def h_pass(h, carry):
        zero_acc()
        lax.fori_loop(0, jnp.where(h == 2, CHUNK, 0), fill_ones, 0)
        lax.fori_loop(0, jnp.where(h == 2, 1, 0),
                      lambda k, cr: (fill_rows0(ones16), cr)[1], 0)
        plsc.subcore_barrier()
        run_pass(h)
        plsc.subcore_barrier()
        writeback(h)
        plsc.subcore_barrier()
        return carry

    lax.fori_loop(0, 3, h_pass, 0)


@functools.cache
def _make_sc_scatter():
    return pl.kernel(
        _sc_body,
        out_type=jax.ShapeDtypeStruct((6 * N, HD), jnp.float32),
        mesh=plsc.VectorSubcoreMesh(core_axis_name="c",
                                    subcore_axis_name="s"),
        scratch_types=(
            pltpu.VMEM_SHARED((ACC_ROWS, HD), jnp.float32),
            pltpu.VMEM((EB,), jnp.int32),
            pltpu.VMEM((EB,), jnp.int32),
            pltpu.VMEM((EB,), jnp.int32),
            pltpu.VMEM((CHUNK, HD), jnp.float32),
            pltpu.VMEM((CHUNK, HD), jnp.float32),
            pltpu.VMEM((CHUNK, HD), jnp.float32),
            pltpu.VMEM((CHUNK, HD), jnp.float32),
            pltpu.VMEM((CHUNK,), jnp.int32),
            pltpu.VMEM((CHUNK,), jnp.int32),
            pltpu.VMEM((CHUNK,), jnp.int32),
            pltpu.VMEM((CHUNK,), jnp.int32),
            pltpu.VMEM((CHUNK,), jnp.int32),
            pltpu.VMEM((CHUNK,), jnp.int32),
            pltpu.VMEM((CHUNK,), jnp.int32),
            pltpu.VMEM((CHUNK,), jnp.int32),
            pltpu.SemaphoreType.DMA,
            pltpu.SemaphoreType.DMA,
            pltpu.SemaphoreType.DMA,
            pltpu.SemaphoreType.DMA,
            pltpu.SemaphoreType.DMA,
            pltpu.SemaphoreType.DMA,
            pltpu.SemaphoreType.DMA,
            pltpu.SemaphoreType.DMA,
        ),
    )


def kernel(x, edge_index, edge_type, W, W_root, bias):
    wall = jnp.concatenate([W_root[None], W], axis=0)
    g = _tc_transform(x, wall)
    src = edge_index[0].astype(jnp.int32)
    dst = edge_index[1].astype(jnp.int32)
    et = edge_type.astype(jnp.int32)
    ss = _make_sc_scatter()(g, src, dst, et)
    bias2 = bias.reshape(2, HD)
    return _tc_combine(g, ss, bias2)

# --- scband reference (transcript-rebuilt; emitter-appended) ---
"""Pipeline reference for scband-rgcnlayer-51599737094222 (READ-ONLY COPY).

The authoritative reference and input builder live on the scoring server;
editing this copy changes nothing except your own understanding.
"""

import jax, jax.numpy as jnp
import numpy as np

N = 10000
E = 160000
D = 256
R = 2

def setup_inputs(seed: int = 0) -> dict:
    key = jax.random.key(seed)
    k1, k2, k3, k4, k5, k6 = jax.random.split(key, 6)
    x = jax.random.normal(k1, (N, D), dtype=jnp.float32)
    edge_index = jax.random.randint(k2, (2, E), 0, N)
    edge_type = jax.random.randint(k3, (E,), 0, R)
    # RGCNConv parameters: per-relation weights, root weight, bias
    W = jax.random.normal(k4, (R, D, D), dtype=jnp.float32) * (1.0 / np.sqrt(D))
    W_root = jax.random.normal(k5, (D, D), dtype=jnp.float32) * (1.0 / np.sqrt(D))
    bias = jnp.zeros((D,), dtype=jnp.float32)
    return {"x": x, "edge_index": edge_index, "edge_type": edge_type,
            "W": W, "W_root": W_root, "bias": bias}

def reference(x, edge_index, edge_type, W, W_root, bias):
    # Faithful to torch_geometric RGCNConv with num_relations=2 (default aggr='mean'):
    # out = x @ root + bias + sum_r mean_{j in N_r(i)} (x_j @ W_r)
    src = edge_index[0]
    dst = edge_index[1]
    out = x @ W_root + bias
    for r in range(R):
        mask = (edge_type == r).astype(x.dtype)
        h = x @ W[r]                       # dense per-relation transform (compute)
        msg = h[src] * mask[:, None]       # gather + relation masking
        summed = jax.ops.segment_sum(msg, dst, num_segments=N)
        cnt = jax.ops.segment_sum(mask, dst, num_segments=N)
        out = out + summed / jnp.maximum(cnt, 1.0)[:, None]
    return out

if __name__ == "__main__":
    import jax
    _d = setup_inputs()
    print(jax.jit(kernel)(*tuple(_d.values())))

</pallas_src>

<mosaic_0001>
#map = affine_map<(d0, d1) -> (0, 0)>
#map1 = affine_map<(d0, d1) -> (0)>
module attributes {stable_mosaic.version = 14 : i64} {
  func.func @_sc_body(%arg0: i32, %arg1: i32, %arg2: memref<60000x128xf32, #tpu.memory_space<hbm>>, %arg3: memref<160000xi32, #tpu.memory_space<hbm>>, %arg4: memref<160000xi32, #tpu.memory_space<hbm>>, %arg5: memref<160000xi32, #tpu.memory_space<hbm>>, %arg6: memref<60000x128xf32, #tpu.memory_space<hbm>>, %arg7: memref<10064x128xf32, #tpu.memory_space<vmem_shared>>, %arg8: memref<2000xi32, #tpu.memory_space<vmem>>, %arg9: memref<2000xi32, #tpu.memory_space<vmem>>, %arg10: memref<2000xi32, #tpu.memory_space<vmem>>, %arg11: memref<80x128xf32, #tpu.memory_space<vmem>>, %arg12: memref<80x128xf32, #tpu.memory_space<vmem>>, %arg13: memref<80x128xf32, #tpu.memory_space<vmem>>, %arg14: memref<80x128xf32, #tpu.memory_space<vmem>>, %arg15: memref<80xi32, #tpu.memory_space<vmem>>, %arg16: memref<80xi32, #tpu.memory_space<vmem>>, %arg17: memref<80xi32, #tpu.memory_space<vmem>>, %arg18: memref<80xi32, #tpu.memory_space<vmem>>, %arg19: memref<80xi32, #tpu.memory_space<vmem>>, %arg20: memref<80xi32, #tpu.memory_space<vmem>>, %arg21: memref<80xi32, #tpu.memory_space<vmem>>, %arg22: memref<80xi32, #tpu.memory_space<vmem>>, %arg23: memref<!tpu.dma_semaphore, #tpu.memory_space<semaphore_mem>>, %arg24: memref<!tpu.dma_semaphore, #tpu.memory_space<semaphore_mem>>, %arg25: memref<!tpu.dma_semaphore, #tpu.memory_space<semaphore_mem>>, %arg26: memref<!tpu.dma_semaphore, #tpu.memory_space<semaphore_mem>>, %arg27: memref<!tpu.dma_semaphore, #tpu.memory_space<semaphore_mem>>, %arg28: memref<!tpu.dma_semaphore, #tpu.memory_space<semaphore_mem>>, %arg29: memref<!tpu.dma_semaphore, #tpu.memory_space<semaphore_mem>>, %arg30: memref<!tpu.dma_semaphore, #tpu.memory_space<semaphore_mem>>) attributes {dimension_semantics = [#tpu.dimension_semantics<core_parallel>, #tpu.dimension_semantics<subcore_parallel>], iteration_bounds = array<i64: 2, 16>, scalar_prefetch = 0 : i64, scratch_operands = 24 : i64, tpu.core_type = #tpu.core_type<sc_vector_subcore>, window_params = [{transform_indices = #map}, {transform_indices = #map1}, {transform_indices = #map1}, {transform_indices = #map1}, {transform_indices = #map}]} {
    %mul3A = arith.constant 5000 : i32
    %mul3A_0 = arith.muli %arg0, %mul3A : i32
    %broadcast_in_dim3A = arith.constant 0.000000e+00 : f32
    %broadcast_in_dim3A_1 = vector.broadcast %broadcast_in_dim3A : f32 to vector<16xf32>
    %broadcast_in_dim3A_2 = arith.constant 1.000000e+00 : f32
    %broadcast_in_dim3A_3 = vector.broadcast %broadcast_in_dim3A_2 : f32 to vector<16xf32>
    %mul3A_4 = arith.constant 624 : i32
    %mul3A_5 = arith.muli %arg1, %mul3A_4 : i32
    %jit3A = arith.constant 8 : i32
    %div3A = arith.divsi %arg1, %jit3A : i32
    %sign3A = arith.constant 0 : i32
    %sign3A_6 = arith.cmpi sgt, %arg1, %sign3A : i32
    %sign3A_7 = arith.extui %sign3A_6 : i1 to i32
    %sign3A_8 = arith.constant 0 : i32
    %sign3A_9 = arith.cmpi slt, %arg1, %sign3A_8 : i32
    %sign3A_10 = arith.extui %sign3A_9 : i1 to i32
    %sign3A_11 = arith.subi %sign3A_7, %sign3A_10 : i32
    %sign3A_12 = arith.constant 0 : i32
    %sign3A_13 = arith.cmpi sgt, %jit3A, %sign3A_12 : i32
    %sign3A_14 = arith.extui %sign3A_13 : i1 to i32
    %sign3A_15 = arith.constant 0 : i32
    %sign3A_16 = arith.cmpi slt, %jit3A, %sign3A_15 : i32
    %sign3A_17 = arith.extui %sign3A_16 : i1 to i32
    %sign3A_18 = arith.subi %sign3A_14, %sign3A_17 : i32
    %ne3A = arith.cmpi ne, %sign3A_11, %sign3A_18 : i32
    %rem3A = arith.remsi %arg1, %jit3A : i32
    %ne3A_19 = arith.constant 0 : i32
    %ne3A_20 = arith.cmpi ne, %rem3A, %ne3A_19 : i32
    %and3A = arith.andi %ne3A, %ne3A_20 : i1
    %sub3A = arith.constant 1 : i32
    %sub3A_21 = arith.subi %div3A, %sub3A : i32
    %select_n3A = arith.select %and3A, %sub3A_21, %div3A : i32
    %jit3A_22 = arith.constant 8 : i32
    %eq3A = arith.constant 0 : i32
    %eq3A_23 = arith.cmpi eq, %jit3A_22, %eq3A : i32
    %jit3A_24 = arith.constant 1 : i32
    %select_n3A_25 = arith.select %eq3A_23, %jit3A_24, %jit3A_22 : i32
    %rem3A_26 = arith.remsi %arg1, %select_n3A_25 : i32
    %ne3A_27 = arith.constant 0 : i32
    %ne3A_28 = arith.cmpi ne, %rem3A_26, %ne3A_27 : i32
    %lt3A = arith.constant 0 : i32
    %lt3A_29 = arith.cmpi slt, %rem3A_26, %lt3A : i32
    %lt3A_30 = arith.constant 0 : i32
    %lt3A_31 = arith.cmpi slt, %select_n3A_25, %lt3A_30 : i32
    %ne3A_32 = arith.xori %lt3A_29, %lt3A_31 : i1
    %and3A_33 = arith.andi %ne3A_32, %ne3A_28 : i1
    %add3A = arith.addi %rem3A_26, %select_n3A_25 : i32
    %select_n3A_34 = arith.select %and3A_33, %add3A, %rem3A_26 : i32
    %mul3A_35 = arith.constant 5000 : i32
    %mul3A_36 = arith.muli %select_n3A, %mul3A_35 : i32
    %mul3A_37 = arith.constant 624 : i32
    %mul3A_38 = arith.muli %select_n3A_34, %mul3A_37 : i32
    %add3A_39 = arith.addi %mul3A_36, %mul3A_38 : i32
    %scan3A = arith.constant 0 : i32
    %scan3A_40 = arith.constant 0 : i32
    %scan3A_41 = arith.constant 3 : i32
    %scan3A_42 = arith.addi %scan3A_40, %scan3A_41 : i32
    %scan3A_43 = arith.constant 1 : i32
    scf.for %scan3A_45 = %scan3A_40 to %scan3A_42 step %scan3A_43  : i32 {
      %scan3A_46 = arith.constant 0 : i32
      %scan3A_47 = arith.constant 0 : i32
      %scan3A_48 = arith.constant 80 : i32
      %scan3A_49 = arith.addi %scan3A_47, %scan3A_48 : i32
      %scan3A_50 = arith.constant 1 : i32
      scf.for %scan3A_514 = %scan3A_47 to %scan3A_49 step %scan3A_50  : i32 {
        %swap3A_515 = arith.index_cast %scan3A_514 : i32 to index
        %swap3A_516 = arith.constant 0 : index
        %swap3A_517 = tpu.vector_load %arg11[%swap3A_515, %swap3A_516] {strides = array<i32>} : memref<80x128xf32, #tpu.memory_space<vmem>>, vector<1x16xf32>,
        %swap3A_518 = vector.shape_cast %swap3A_517 : vector<1x16xf32> to vector<16xf32>
        %swap3A_519 = vector.shape_cast %broadcast_in_dim3A_1 : vector<16xf32> to vector<1x16xf32>
        tpu.vector_store %arg11[%swap3A_515, %swap3A_516], %swap3A_519 {strides = array<i32>} : memref<80x128xf32, #tpu.memory_space<vmem>>, vector<1x16xf32>,
        %swap3A_520 = arith.index_cast %scan3A_514 : i32 to index
        %swap3A_521 = arith.constant 16 : index
        %swap3A_522 = tpu.vector_load %arg11[%swap3A_520, %swap3A_521] {strides = array<i32>} : memref<80x128xf32, #tpu.memory_space<vmem>>, vector<1x16xf32>,
        %swap3A_523 = vector.shape_cast %swap3A_522 : vector<1x16xf32> to vector<16xf32>
        %swap3A_524 = vector.shape_cast %broadcast_in_dim3A_1 : vector<16xf32> to vector<1x16xf32>
        tpu.vector_store %arg11[%swap3A_520, %swap3A_521], %swap3A_524 {strides = array<i32>} : memref<80x128xf32, #tpu.memory_space<vmem>>, vector<1x16xf32>,
        %swap3A_525 = arith.index_cast %scan3A_514 : i32 to index
        %swap3A_526 = arith.constant 32 : index
        %swap3A_527 = tpu.vector_load %arg11[%swap3A_525, %swap3A_526] {strides = array<i32>} : memref<80x128xf32, #tpu.memory_space<vmem>>, vector<1x16xf32>,
        %swap3A_528 = vector.shape_cast %swap3A_527 : vector<1x16xf32> to vector<16xf32>
        %swap3A_529 = vector.shape_cast %broadcast_in_dim3A_1 : vector<16xf32> to vector<1x16xf32>
        tpu.vector_store %arg11[%swap3A_525, %swap3A_526], %swap3A_529 {strides = array<i32>} : memref<80x128xf32, #tpu.memory_space<vmem>>, vector<1x16xf32>,
        %swap3A_530 = arith.index_cast %scan3A_514 : i32 to index
        %swap3A_531 = arith.constant 48 : index
        %swap3A_532 = tpu.vector_load %arg11[%swap3A_530, %swap3A_531] {strides = array<i32>} : memref<80x128xf32, #tpu.memory_space<vmem>>, vector<1x16xf32>,
        %swap3A_533 = vector.shape_cast %swap3A_532 : vector<1x16xf32> to vector<16xf32>
        %swap3A_534 = vector.shape_cast %broadcast_in_dim3A_1 : vector<16xf32> to vector<1x16xf32>
        tpu.vector_store %arg11[%swap3A_530, %swap3A_531], %swap3A_534 {strides = array<i32>} : memref<80x128xf32, #tpu.memory_space<vmem>>, vector<1x16xf32>,
        %swap3A_535 = arith.index_cast %scan3A_514 : i32 to index
        %swap3A_536 = arith.constant 64 : index
        %swap3A_537 = tpu.vector_load %arg11[%swap3A_535, %swap3A_536] {strides = array<i32>} : memref<80x128xf32, #tpu.memory_space<vmem>>, vector<1x16xf32>,
        %swap3A_538 = vector.shape_cast %swap3A_537 : vector<1x16xf32> to vector<16xf32>
        %swap3A_539 = vector.shape_cast %broadcast_in_dim3A_1 : vector<16xf32> to vector<1x16xf32>
        tpu.vector_store %arg11[%swap3A_535, %swap3A_536], %swap3A_539 {strides = array<i32>} : memref<80x128xf32, #tpu.memory_space<vmem>>, vector<1x16xf32>,
        %swap3A_540 = arith.index_cast %scan3A_514 : i32 to index
        %swap3A_541 = arith.constant 80 : index
        %swap3A_542 = tpu.vector_load %arg11[%swap3A_540, %swap3A_541] {strides = array<i32>} : memref<80x128xf32, #tpu.memory_space<vmem>>, vector<1x16xf32>,
        %swap3A_543 = vector.shape_cast %swap3A_542 : vector<1x16xf32> to vector<16xf32>
        %swap3A_544 = vector.shape_cast %broadcast_in_dim3A_1 : vector<16xf32> to vector<1x16xf32>
        tpu.vector_store %arg11[%swap3A_540, %swap3A_541], %swap3A_544 {strides = array<i32>} : memref<80x128xf32, #tpu.memory_space<vmem>>, vector<1x16xf32>,
        %swap3A_545 = arith.index_cast %scan3A_514 : i32 to index
        %swap3A_546 = arith.constant 96 : index
        %swap3A_547 = tpu.vector_load %arg11[%swap3A_545, %swap3A_546] {strides = array<i32>} : memref<80x128xf32, #tpu.memory_space<vmem>>, vector<1x16xf32>,
        %swap3A_548 = vector.shape_cast %swap3A_547 : vector<1x16xf32> to vector<16xf32>
        %swap3A_549 = vector.shape_cast %broadcast_in_dim3A_1 : vector<16xf32> to vector<1x16xf32>
        tpu.vector_store %arg11[%swap3A_545, %swap3A_546], %swap3A_549 {strides = array<i32>} : memref<80x128xf32, #tpu.memory_space<vmem>>, vector<1x16xf32>,
        %swap3A_550 = arith.index_cast %scan3A_514 : i32 to index
        %swap3A_551 = arith.constant 112 : index
        %swap3A_552 = tpu.vector_load %arg11[%swap3A_550, %swap3A_551] {strides = array<i32>} : memref<80x128xf32, #tpu.memory_space<vmem>>, vector<1x16xf32>,
        %swap3A_553 = vector.shape_cast %swap3A_552 : vector<1x16xf32> to vector<16xf32>
        %swap3A_554 = vector.shape_cast %broadcast_in_dim3A_1 : vector<16xf32> to vector<1x16xf32>
        tpu.vector_store %arg11[%swap3A_550, %swap3A_551], %swap3A_554 {strides = array<i32>} : memref<80x128xf32, #tpu.memory_space<vmem>>, vector<1x16xf32>,
      }
      %scan3A_51 = arith.constant 80 : i32
      %lt3A_52 = arith.constant 15 : i32
      %lt3A_53 = arith.cmpi slt, %arg1, %lt3A_52 : i32
      %jit3A_54 = arith.constant 7 : i32
      %jit3A_55 = arith.constant 8 : i32
      %select_n3A_56 = arith.select %lt3A_53, %jit3A_54, %jit3A_55 : i32
      %while3A = arith.constant 0 : i32
      %while3A_57 = arith.constant 0 : i32
      %while3A_58 = arith.subi %select_n3A_56, %while3A_57 : i32
      %while3A_59 = arith.addi %while3A_57, %while3A_58 : i32
      %while3A_60 = arith.constant 1 : i32
      %while3A_61 = arith.divsi %while3A_58, %while3A_60 : i32
      %while3A_62 = arith.muli %while3A_61, %while3A_60 : i32
      %while3A_63 = arith.addi %while3A_57, %while3A_62 : i32
      %while3A_64 = arith.constant 1 : i32
      scf.for %while3A_514 = %while3A_57 to %while3A_63 step %while3A_64  : i32 {
        %mul3A_515 = arith.constant 80 : i32
        %mul3A_516 = arith.muli %while3A_514, %mul3A_515 : i32
        %add3A_517 = arith.addi %mul3A_5, %mul3A_516 : i32
        %multiple_of3A = tpu.assume_multiple %add3A_517, 8 : i32
        "tpu.region"() ({
          %run_scoped3A = tpu.sem_alloc : memref<!tpu.dma_semaphore, #tpu.memory_space<semaphore_mem>>
          %dma_start3A_518 = arith.constant 0 : i32
          %dma_start3A_519 = tpu.memref_slice %arg7[%multiple_of3A, %dma_start3A_518] : memref<10064x128xf32, #tpu.memory_space<vmem_shared>> -> memref<80x128xf32, #tpu.memory_space<vmem_shared>>
          %dma_start3A_520 = arith.constant 0 : i32
          %dma_start3A_521 = tpu.memref_slice %arg7[%multiple_of3A, %dma_start3A_520] : memref<10064x128xf32, #tpu.memory_space<vmem_shared>> -> memref<80x128xf32, #tpu.memory_space<vmem_shared>>
          tpu.enqueue_dma source(%arg11 : memref<80x128xf32, #tpu.memory_space<vmem>>) target(%dma_start3A_521 : memref<80x128xf32, #tpu.memory_space<vmem_shared>>) target_semaphore(%run_scoped3A : memref<!tpu.dma_semaphore, #tpu.memory_space<semaphore_mem>>)
          %dma_wait3A_522 = arith.constant 0 : i32
          %dma_wait3A_523 = tpu.memref_slice %arg7[%multiple_of3A, %dma_wait3A_522] : memref<10064x128xf32, #tpu.memory_space<vmem_shared>> -> memref<80x128xf32, #tpu.memory_space<vmem_shared>>
          %dma_wait3A_524 = arith.constant 0 : i32
          %dma_wait3A_525 = tpu.memref_slice %arg7[%multiple_of3A, %dma_wait3A_524] : memref<10064x128xf32, #tpu.memory_space<vmem_shared>> -> memref<80x128xf32, #tpu.memory_space<vmem_shared>>
          tpu.wait_dma2 semaphore(%run_scoped3A : memref<!tpu.dma_semaphore, #tpu.memory_space<semaphore_mem>>) src(%arg11 : memref<80x128xf32, #tpu.memory_space<vmem>>) dst(%dma_wait3A_525 : memref<80x128xf32, #tpu.memory_space<vmem_shared>>)
          tpu.yield
        }) : () -> ()
      }
      %while3A_65 = arith.constant 1 : i32
      scf.for %while3A_514 = %while3A_63 to %while3A_59 step %while3A_65  : i32 {
        %mul3A_515 = arith.constant 80 : i32
        %mul3A_516 = arith.muli %while3A_514, %mul3A_515 : i32
        %add3A_517 = arith.addi %mul3A_5, %mul3A_516 : i32
        %multiple_of3A = tpu.assume_multiple %add3A_517, 8 : i32
        "tpu.region"() ({
          %run_scoped3A = tpu.sem_alloc : memref<!tpu.dma_semaphore, #tpu.memory_space<semaphore_mem>>
          %dma_start3A_518 = arith.constant 0 : i32
          %dma_start3A_519 = tpu.memref_slice %arg7[%multiple_of3A, %dma_start3A_518] : memref<10064x128xf32, #tpu.memory_space<vmem_shared>> -> memref<80x128xf32, #tpu.memory_space<vmem_shared>>
          %dma_start3A_520 = arith.constant 0 : i32
          %dma_start3A_521 = tpu.memref_slice %arg7[%multiple_of3A, %dma_start3A_520] : memref<10064x128xf32, #tpu.memory_space<vmem_shared>> -> memref<80x128xf32, #tpu.memory_space<vmem_shared>>
          tpu.enqueue_dma source(%arg11 : memref<80x128xf32, #tpu.memory_space<vmem>>) target(%dma_start3A_521 : memref<80x128xf32, #tpu.memory_space<vmem_shared>>) target_semaphore(%run_scoped3A : memref<!tpu.dma_semaphore, #tpu.memory_space<semaphore_mem>>)
          %dma_wait3A_522 = arith.constant 0 : i32
          %dma_wait3A_523 = tpu.memref_slice %arg7[%multiple_of3A, %dma_wait3A_522] : memref<10064x128xf32, #tpu.memory_space<vmem_shared>> -> memref<80x128xf32, #tpu.memory_space<vmem_shared>>
          %dma_wait3A_524 = arith.constant 0 : i32
          %dma_wait3A_525 = tpu.memref_slice %arg7[%multiple_of3A, %dma_wait3A_524] : memref<10064x128xf32, #tpu.memory_space<vmem_shared>> -> memref<80x128xf32, #tpu.memory_space<vmem_shared>>
          tpu.wait_dma2 semaphore(%run_scoped3A : memref<!tpu.dma_semaphore, #tpu.memory_space<semaphore_mem>>) src(%arg11 : memref<80x128xf32, #tpu.memory_space<vmem>>) dst(%dma_wait3A_525 : memref<80x128xf32, #tpu.memory_space<vmem_shared>>)
          tpu.yield
        }) : () -> ()
      }
      %lt3A_66 = arith.constant 15 : i32
      %lt3A_67 = arith.cmpi slt, %arg1, %lt3A_66 : i32
      %jit3A_68 = arith.constant 1 : i32
      %jit3A_69 = arith.constant 0 : i32
      %select_n3A_70 = arith.select %lt3A_67, %jit3A_68, %jit3A_69 : i32
      %while3A_71 = arith.constant 0 : i32
      %while3A_72 = arith.constant 0 : i32
      %while3A_73 = arith.subi %select_n3A_70, %while3A_72 : i32
      %while3A_74 = arith.addi %while3A_72, %while3A_73 : i32
      %while3A_75 = arith.constant 1 : i32
      %while3A_76 = arith.divsi %while3A_73, %while3A_75 : i32
      %while3A_77 = arith.muli %while3A_76, %while3A_75 : i32
      %while3A_78 = arith.addi %while3A_72, %while3A_77 : i32
      %while3A_79 = arith.constant 1 : i32
      scf.for %while3A_514 = %while3A_72 to %while3A_78 step %while3A_79  : i32 {
        %add3A_515 = arith.constant 560 : i32
        %add3A_516 = arith.addi %mul3A_5, %add3A_515 : i32
        %multiple_of3A = tpu.assume_multiple %add3A_516, 8 : i32
        "tpu.region"() ({
          %run_scoped3A = tpu.sem_alloc : memref<!tpu.dma_semaphore, #tpu.memory_space<semaphore_mem>>
          %dma_start3A_517 = arith.constant 0 : i32
          %dma_start3A_518 = arith.constant 0 : i32
          %dma_start3A_519 = tpu.memref_slice %arg11[%dma_start3A_517, %dma_start3A_518] : memref<80x128xf32, #tpu.memory_space<vmem>> -> memref<64x128xf32, #tpu.memory_space<vmem>>
          %dma_start3A_520 = arith.constant 0 : i32
          %dma_start3A_521 = tpu.memref_slice %arg7[%multiple_of3A, %dma_start3A_520] : memref<10064x128xf32, #tpu.memory_space<vmem_shared>> -> memref<64x128xf32, #tpu.memory_space<vmem_shared>>
          %dma_start3A_522 = arith.constant 0 : i32
          %dma_start3A_523 = tpu.memref_slice %arg7[%multiple_of3A, %dma_start3A_522] : memref<10064x128xf32, #tpu.memory_space<vmem_shared>> -> memref<64x128xf32, #tpu.memory_space<vmem_shared>>
          %dma_start3A_524 = arith.constant 0 : i32
          %dma_start3A_525 = arith.constant 0 : i32
          %dma_start3A_526 = tpu.memref_slice %arg11[%dma_start3A_524, %dma_start3A_525] : memref<80x128xf32, #tpu.memory_space<vmem>> -> memref<64x128xf32, #tpu.memory_space<vmem>>
          tpu.enqueue_dma source(%dma_start3A_526 : memref<64x128xf32, #tpu.memory_space<vmem>>) target(%dma_start3A_523 : memref<64x128xf32, #tpu.memory_space<vmem_shared>>) target_semaphore(%run_scoped3A : memref<!tpu.dma_semaphore, #tpu.memory_space<semaphore_mem>>)
          %dma_wait3A_527 = arith.constant 0 : i32
          %dma_wait3A_528 = arith.constant 0 : i32
          %dma_wait3A_529 = tpu.memref_slice %arg11[%dma_wait3A_527, %dma_wait3A_528] : memref<80x128xf32, #tpu.memory_space<vmem>> -> memref<64x128xf32, #tpu.memory_space<vmem>>
          %dma_wait3A_530 = arith.constant 0 : i32
          %dma_wait3A_531 = tpu.memref_slice %arg7[%multiple_of3A, %dma_wait3A_530] : memref<10064x128xf32, #tpu.memory_space<vmem_shared>> -> memref<64x128xf32, #tpu.memory_space<vmem_shared>>
          %dma_wait3A_532 = arith.constant 0 : i32
          %dma_wait3A_533 = tpu.memref_slice %arg7[%multiple_of3A, %dma_wait3A_532] : memref<10064x128xf32, #tpu.memory_space<vmem_shared>> -> memref<64x128xf32, #tpu.memory_space<vmem_shared>>
          %dma_wait3A_534 = arith.constant 0 : i32
          %dma_wait3A_535 = arith.constant 0 : i32
          %dma_wait3A_536 = tpu.memref_slice %arg11[%dma_wait3A_534, %dma_wait3A_535] : memref<80x128xf32, #tpu.memory_space<vmem>> -> memref<64x128xf32, #tpu.memory_space<vmem>>
          tpu.wait_dma2 semaphore(%run_scoped3A : memref<!tpu.dma_semaphore, #tpu.memory_space<semaphore_mem>>) src(%dma_wait3A_536 : memref<64x128xf32, #tpu.memory_space<vmem>>) dst(%dma_wait3A_533 : memref<64x128xf32, #tpu.memory_space<vmem_shared>>)
          tpu.yield
        }) : () -> ()
      }
      %while3A_80 = arith.constant 1 : i32
      scf.for %while3A_514 = %while3A_78 to %while3A_74 step %while3A_80  : i32 {
        %add3A_515 = arith.constant 560 : i32
        %add3A_516 = arith.addi %mul3A_5, %add3A_515 : i32
        %multiple_of3A = tpu.assume_multiple %add3A_516, 8 : i32
        "tpu.region"() ({
          %run_scoped3A = tpu.sem_alloc : memref<!tpu.dma_semaphore, #tpu.memory_space<semaphore_mem>>
          %dma_start3A_517 = arith.constant 0 : i32
          %dma_start3A_518 = arith.constant 0 : i32
          %dma_start3A_519 = tpu.memref_slice %arg11[%dma_start3A_517, %dma_start3A_518] : memref<80x128xf32, #tpu.memory_space<vmem>> -> memref<64x128xf32, #tpu.memory_space<vmem>>
          %dma_start3A_520 = arith.constant 0 : i32
          %dma_start3A_521 = tpu.memref_slice %arg7[%multiple_of3A, %dma_start3A_520] : memref<10064x128xf32, #tpu.memory_space<vmem_shared>> -> memref<64x128xf32, #tpu.memory_space<vmem_shared>>
          %dma_start3A_522 = arith.constant 0 : i32
          %dma_start3A_523 = tpu.memref_slice %arg7[%multiple_of3A, %dma_start3A_522] : memref<10064x128xf32, #tpu.memory_space<vmem_shared>> -> memref<64x128xf32, #tpu.memory_space<vmem_shared>>
          %dma_start3A_524 = arith.constant 0 : i32
          %dma_start3A_525 = arith.constant 0 : i32
          %dma_start3A_526 = tpu.memref_slice %arg11[%dma_start3A_524, %dma_start3A_525] : memref<80x128xf32, #tpu.memory_space<vmem>> -> memref<64x128xf32, #tpu.memory_space<vmem>>
          tpu.enqueue_dma source(%dma_start3A_526 : memref<64x128xf32, #tpu.memory_space<vmem>>) target(%dma_start3A_523 : memref<64x128xf32, #tpu.memory_space<vmem_shared>>) target_semaphore(%run_scoped3A : memref<!tpu.dma_semaphore, #tpu.memory_space<semaphore_mem>>)
          %dma_wait3A_527 = arith.constant 0 : i32
          %dma_wait3A_528 = arith.constant 0 : i32
          %dma_wait3A_529 = tpu.memref_slice %arg11[%dma_wait3A_527, %dma_wait3A_528] : memref<80x128xf32, #tpu.memory_space<vmem>> -> memref<64x128xf32, #tpu.memory_space<vmem>>
          %dma_wait3A_530 = arith.constant 0 : i32
          %dma_wait3A_531 = tpu.memref_slice %arg7[%multiple_of3A, %dma_wait3A_530] : memref<10064x128xf32, #tpu.memory_space<vmem_shared>> -> memref<64x128xf32, #tpu.memory_space<vmem_shared>>
          %dma_wait3A_532 = arith.constant 0 : i32
          %dma_wait3A_533 = tpu.memref_slice %arg7[%multiple_of3A, %dma_wait3A_532] : memref<10064x128xf32, #tpu.memory_space<vmem_shared>> -> memref<64x128xf32, #tpu.memory_space<vmem_shared>>
          %dma_wait3A_534 = arith.constant 0 : i32
          %dma_wait3A_535 = arith.constant 0 : i32
          %dma_wait3A_536 = tpu.memref_slice %arg11[%dma_wait3A_534, %dma_wait3A_535] : memref<80x128xf32, #tpu.memory_space<vmem>> -> memref<64x128xf32, #tpu.memory_space<vmem>>
          tpu.wait_dma2 semaphore(%run_scoped3A : memref<!tpu.dma_semaphore, #tpu.memory_space<semaphore_mem>>) src(%dma_wait3A_536 : memref<64x128xf32, #tpu.memory_space<vmem>>) dst(%dma_wait3A_533 : memref<64x128xf32, #tpu.memory_space<vmem_shared>>)
          tpu.yield
        }) : () -> ()
      }
      %eq3A_81 = arith.constant 15 : i32
      %eq3A_82 = arith.cmpi eq, %arg1, %eq3A_81 : i32
      %jit3A_83 = arith.constant 1 : i32
      %jit3A_84 = arith.constant 0 : i32
      %select_n3A_85 = arith.select %eq3A_82, %jit3A_83, %jit3A_84 : i32
      %while3A_86 = arith.constant 0 : i32
      %while3A_87 = arith.constant 0 : i32
      %while3A_88 = arith.subi %select_n3A_85, %while3A_87 : i32
      %while3A_89 = arith.addi %while3A_87, %while3A_88 : i32
      %while3A_90 = arith.constant 1 : i32
      %while3A_91 = arith.divsi %while3A_88, %while3A_90 : i32
      %while3A_92 = arith.muli %while3A_91, %while3A_90 : i32
      %while3A_93 = arith.addi %while3A_87, %while3A_92 : i32
      %while3A_94 = arith.constant 1 : i32
      scf.for %while3A_514 = %while3A_87 to %while3A_93 step %while3A_94  : i32 {
        %multiple_of3A = arith.constant 10000 : i32
        %multiple_of3A_515 = tpu.assume_multiple %multiple_of3A, 8 : i32
        "tpu.region"() ({
          %run_scoped3A = tpu.sem_alloc : memref<!tpu.dma_semaphore, #tpu.memory_space<semaphore_mem>>
          %dma_start3A_516 = arith.constant 0 : i32
          %dma_start3A_517 = arith.constant 0 : i32
          %dma_start3A_518 = tpu.memref_slice %arg11[%dma_start3A_516, %dma_start3A_517] : memref<80x128xf32, #tpu.memory_space<vmem>> -> memref<64x128xf32, #tpu.memory_space<vmem>>
          %dma_start3A_519 = arith.constant 0 : i32
          %dma_start3A_520 = tpu.memref_slice %arg7[%multiple_of3A_515, %dma_start3A_519] : memref<10064x128xf32, #tpu.memory_space<vmem_shared>> -> memref<64x128xf32, #tpu.memory_space<vmem_shared>>
          %dma_start3A_521 = arith.constant 0 : i32
          %dma_start3A_522 = tpu.memref_slice %arg7[%multiple_of3A_515, %dma_start3A_521] : memref<10064x128xf32, #tpu.memory_space<vmem_shared>> -> memref<64x128xf32, #tpu.memory_space<vmem_shared>>
          %dma_start3A_523 = arith.constant 0 : i32
          %dma_start3A_524 = arith.constant 0 : i32
          %dma_start3A_525 = tpu.memref_slice %arg11[%dma_start3A_523, %dma_start3A_524] : memref<80x128xf32, #tpu.memory_space<vmem>> -> memref<64x128xf32, #tpu.memory_space<vmem>>
          tpu.enqueue_dma source(%dma_start3A_525 : memref<64x128xf32, #tpu.memory_space<vmem>>) target(%dma_start3A_522 : memref<64x128xf32, #tpu.memory_space<vmem_shared>>) target_semaphore(%run_scoped3A : memref<!tpu.dma_semaphore, #tpu.memory_space<semaphore_mem>>)
          %dma_wait3A_526 = arith.constant 0 : i32
          %dma_wait3A_527 = arith.constant 0 : i32
          %dma_wait3A_528 = tpu.memref_slice %arg11[%dma_wait3A_526, %dma_wait3A_527] : memref<80x128xf32, #tpu.memory_space<vmem>> -> memref<64x128xf32, #tpu.memory_space<vmem>>
          %dma_wait3A_529 = arith.constant 0 : i32
          %dma_wait3A_530 = tpu.memref_slice %arg7[%multiple_of3A_515, %dma_wait3A_529] : memref<10064x128xf32, #tpu.memory_space<vmem_shared>> -> memref<64x128xf32, #tpu.memory_space<vmem_shared>>
          %dma_wait3A_531 = arith.constant 0 : i32
          %dma_wait3A_532 = tpu.memref_slice %arg7[%multiple_of3A_515, %dma_wait3A_531] : memref<10064x128xf32, #tpu.memory_space<vmem_shared>> -> memref<64x128xf32, #tpu.memory_space<vmem_shared>>
          %dma_wait3A_533 = arith.constant 0 : i32
          %dma_wait3A_534 = arith.constant 0 : i32
          %dma_wait3A_535 = tpu.memref_slice %arg11[%dma_wait3A_533, %dma_wait3A_534] : memref<80x128xf32, #tpu.memory_space<vmem>> -> memref<64x128xf32, #tpu.memory_space<vmem>>
          tpu.wait_dma2 semaphore(%run_scoped3A : memref<!tpu.dma_semaphore, #tpu.memory_space<semaphore_mem>>) src(%dma_wait3A_535 : memref<64x128xf32, #tpu.memory_space<vmem>>) dst(%dma_wait3A_532 : memref<64x128xf32, #tpu.memory_space<vmem_shared>>)
          tpu.yield
        }) : () -> ()
      }
      %while3A_95 = arith.constant 1 : i32
      scf.for %while3A_514 = %while3A_93 to %while3A_89 step %while3A_95  : i32 {
        %multiple_of3A = arith.constant 10000 : i32
        %multiple_of3A_515 = tpu.assume_multiple %multiple_of3A, 8 : i32
        "tpu.region"() ({
          %run_scoped3A = tpu.sem_alloc : memref<!tpu.dma_semaphore, #tpu.memory_space<semaphore_mem>>
          %dma_start3A_516 = arith.constant 0 : i32
          %dma_start3A_517 = arith.constant 0 : i32
          %dma_start3A_518 = tpu.memref_slice %arg11[%dma_start3A_516, %dma_start3A_517] : memref<80x128xf32, #tpu.memory_space<vmem>> -> memref<64x128xf32, #tpu.memory_space<vmem>>
          %dma_start3A_519 = arith.constant 0 : i32
          %dma_start3A_520 = tpu.memref_slice %arg7[%multiple_of3A_515, %dma_start3A_519] : memref<10064x128xf32, #tpu.memory_space<vmem_shared>> -> memref<64x128xf32, #tpu.memory_space<vmem_shared>>
          %dma_start3A_521 = arith.constant 0 : i32
          %dma_start3A_522 = tpu.memref_slice %arg7[%multiple_of3A_515, %dma_start3A_521] : memref<10064x128xf32, #tpu.memory_space<vmem_shared>> -> memref<64x128xf32, #tpu.memory_space<vmem_shared>>
          %dma_start3A_523 = arith.constant 0 : i32
          %dma_start3A_524 = arith.constant 0 : i32
          %dma_start3A_525 = tpu.memref_slice %arg11[%dma_start3A_523, %dma_start3A_524] : memref<80x128xf32, #tpu.memory_space<vmem>> -> memref<64x128xf32, #tpu.memory_space<vmem>>
          tpu.enqueue_dma source(%dma_start3A_525 : memref<64x128xf32, #tpu.memory_space<vmem>>) target(%dma_start3A_522 : memref<64x128xf32, #tpu.memory_space<vmem_shared>>) target_semaphore(%run_scoped3A : memref<!tpu.dma_semaphore, #tpu.memory_space<semaphore_mem>>)
          %dma_wait3A_526 = arith.constant 0 : i32
          %dma_wait3A_527 = arith.constant 0 : i32
          %dma_wait3A_528 = tpu.memref_slice %arg11[%dma_wait3A_526, %dma_wait3A_527] : memref<80x128xf32, #tpu.memory_space<vmem>> -> memref<64x128xf32, #tpu.memory_space<vmem>>
          %dma_wait3A_529 = arith.constant 0 : i32
          %dma_wait3A_530 = tpu.memref_slice %arg7[%multiple_of3A_515, %dma_wait3A_529] : memref<10064x128xf32, #tpu.memory_space<vmem_shared>> -> memref<64x128xf32, #tpu.memory_space<vmem_shared>>
          %dma_wait3A_531 = arith.constant 0 : i32
          %dma_wait3A_532 = tpu.memref_slice %arg7[%multiple_of3A_515, %dma_wait3A_531] : memref<10064x128xf32, #tpu.memory_space<vmem_shared>> -> memref<64x128xf32, #tpu.memory_space<vmem_shared>>
          %dma_wait3A_533 = arith.constant 0 : i32
          %dma_wait3A_534 = arith.constant 0 : i32
          %dma_wait3A_535 = tpu.memref_slice %arg11[%dma_wait3A_533, %dma_wait3A_534] : memref<80x128xf32, #tpu.memory_space<vmem>> -> memref<64x128xf32, #tpu.memory_space<vmem>>
          tpu.wait_dma2 semaphore(%run_scoped3A : memref<!tpu.dma_semaphore, #tpu.memory_space<semaphore_mem>>) src(%dma_wait3A_535 : memref<64x128xf32, #tpu.memory_space<vmem>>) dst(%dma_wait3A_532 : memref<64x128xf32, #tpu.memory_space<vmem_shared>>)
          tpu.yield
        }) : () -> ()
      }
      %eq3A_96 = arith.constant 2 : i32
      %eq3A_97 = arith.cmpi eq, %scan3A_45, %eq3A_96 : i32
      %jit3A_98 = arith.constant 80 : i32
      %jit3A_99 = arith.constant 0 : i32
      %select_n3A_100 = arith.select %eq3A_97, %jit3A_98, %jit3A_99 : i32
      %while3A_101 = arith.constant 0 : i32
      %while3A_102 = arith.constant 0 : i32
      %while3A_103 = arith.subi %select_n3A_100, %while3A_102 : i32
      %while3A_104 = arith.addi %while3A_102, %while3A_103 : i32
      %while3A_105 = arith.constant 1 : i32
      %while3A_106 = arith.divsi %while3A_103, %while3A_105 : i32
      %while3A_107 = arith.muli %while3A_106, %while3A_105 : i32
      %while3A_108 = arith.addi %while3A_102, %while3A_107 : i32
      %while3A_109 = arith.constant 1 : i32
      scf.for %while3A_514 = %while3A_102 to %while3A_108 step %while3A_109  : i32 {
        %swap3A_515 = arith.index_cast %while3A_514 : i32 to index
        %swap3A_516 = arith.constant 0 : index
        %swap3A_517 = tpu.vector_load %arg12[%swap3A_515, %swap3A_516] {strides = array<i32>} : memref<80x128xf32, #tpu.memory_space<vmem>>, vector<1x16xf32>,
        %swap3A_518 = vector.shape_cast %swap3A_517 : vector<1x16xf32> to vector<16xf32>
        %swap3A_519 = vector.shape_cast %broadcast_in_dim3A_3 : vector<16xf32> to vector<1x16xf32>
        tpu.vector_store %arg12[%swap3A_515, %swap3A_516], %swap3A_519 {strides = array<i32>} : memref<80x128xf32, #tpu.memory_space<vmem>>, vector<1x16xf32>,
        %swap3A_520 = arith.index_cast %while3A_514 : i32 to index
        %swap3A_521 = arith.constant 0 : index
        %swap3A_522 = tpu.vector_load %arg13[%swap3A_520, %swap3A_521] {strides = array<i32>} : memref<80x128xf32, #tpu.memory_space<vmem>>, vector<1x16xf32>,
        %swap3A_523 = vector.shape_cast %swap3A_522 : vector<1x16xf32> to vector<16xf32>
        %swap3A_524 = vector.shape_cast %broadcast_in_dim3A_3 : vector<16xf32> to vector<1x16xf32>
        tpu.vector_store %arg13[%swap3A_520, %swap3A_521], %swap3A_524 {strides = array<i32>} : memref<80x128xf32, #tpu.memory_space<vmem>>, vector<1x16xf32>,
        %swap3A_525 = arith.index_cast %while3A_514 : i32 to index
        %swap3A_526 = arith.constant 0 : index
        %swap3A_527 = tpu.vector_load %arg14[%swap3A_525, %swap3A_526] {strides = array<i32>} : memref<80x128xf32, #tpu.memory_space<vmem>>, vector<1x16xf32>,
        %swap3A_528 = vector.shape_cast %swap3A_527 : vector<1x16xf32> to vector<16xf32>
        %swap3A_529 = vector.shape_cast %broadcast_in_dim3A_3 : vector<16xf32> to vector<1x16xf32>
        tpu.vector_store %arg14[%swap3A_525, %swap3A_526], %swap3A_529 {strides = array<i32>} : memref<80x128xf32, #tpu.memory_space<vmem>>, vector<1x16xf32>,
        %swap3A_530 = arith.index_cast %while3A_514 : i32 to index
        %swap3A_531 = arith.constant 16 : index
        %swap3A_532 = tpu.vector_load %arg12[%swap3A_530, %swap3A_531] {strides = array<i32>} : memref<80x128xf32, #tpu.memory_space<vmem>>, vector<1x16xf32>,
        %swap3A_533 = vector.shape_cast %swap3A_532 : vector<1x16xf32> to vector<16xf32>
        %swap3A_534 = vector.shape_cast %broadcast_in_dim3A_3 : vector<16xf32> to vector<1x16xf32>
        tpu.vector_store %arg12[%swap3A_530, %swap3A_531], %swap3A_534 {strides = array<i32>} : memref<80x128xf32, #tpu.memory_space<vmem>>, vector<1x16xf32>,
        %swap3A_535 = arith.index_cast %while3A_514 : i32 to index
        %swap3A_536 = arith.constant 16 : index
        %swap3A_537 = tpu.vector_load %arg13[%swap3A_535, %swap3A_536] {strides = array<i32>} : memref<80x128xf32, #tpu.memory_space<vmem>>, vector<1x16xf32>,
        %swap3A_538 = vector.shape_cast %swap3A_537 : vector<1x16xf32> to vector<16xf32>
        %swap3A_539 = vector.shape_cast %broadcast_in_dim3A_3 : vector<16xf32> to vector<1x16xf32>
        tpu.vector_store %arg13[%swap3A_535, %swap3A_536], %swap3A_539 {strides = array<i32>} : memref<80x128xf32, #tpu.memory_space<vmem>>, vector<1x16xf32>,
        %swap3A_540 = arith.index_cast %while3A_514 : i32 to index
        %swap3A_541 = arith.constant 16 : index
        %swap3A_542 = tpu.vector_load %arg14[%swap3A_540, %swap3A_541] {strides = array<i32>} : memref<80x128xf32, #tpu.memory_space<vmem>>, vector<1x16xf32>,
        %swap3A_543 = vector.shape_cast %swap3A_542 : vector<1x16xf32> to vector<16xf32>
        %swap3A_544 = vector.shape_cast %broadcast_in_dim3A_3 : vector<16xf32> to vector<1x16xf32>
        tpu.vector_store %arg14[%swap3A_540, %swap3A_541], %swap3A_544 {strides = array<i32>} : memref<80x128xf32, #tpu.memory_space<vmem>>, vector<1x16xf32>,
        %swap3A_545 = arith.index_cast %while3A_514 : i32 to index
        %swap3A_546 = arith.constant 32 : index
        %swap3A_547 = tpu.vector_load %arg12[%swap3A_545, %swap3A_546] {strides = array<i32>} : memref<80x128xf32, #tpu.memory_space<vmem>>, vector<1x16xf32>,
        %swap3A_548 = vector.shape_cast %swap3A_547 : vector<1x16xf32> to vector<16xf32>
        %swap3A_549 = vector.shape_cast %broadcast_in_dim3A_3 : vector<16xf32> to vector<1x16xf32>
        tpu.vector_store %arg12[%swap3A_545, %swap3A_546], %swap3A_549 {strides = array<i32>} : memref<80x128xf32, #tpu.memory_space<vmem>>, vector<1x16xf32>,
        %swap3A_550 = arith.index_cast %while3A_514 : i32 to index
        %swap3A_551 = arith.constant 32 : index
        %swap3A_552 = tpu.vector_load %arg13[%swap3A_550, %swap3A_551] {strides = array<i32>} : memref<80x128xf32, #tpu.memory_space<vmem>>, vector<1x16xf32>,
        %swap3A_553 = vector.shape_cast %swap3A_552 : vector<1x16xf32> to vector<16xf32>
        %swap3A_554 = vector.shape_cast %broadcast_in_dim3A_3 : vector<16xf32> to vector<1x16xf32>
        tpu.vector_store %arg13[%swap3A_550, %swap3A_551], %swap3A_554 {strides = array<i32>} : memref<80x128xf32, #tpu.memory_space<vmem>>, vector<1x16xf32>,
        %swap3A_555 = arith.index_cast %while3A_514 : i32 to index
        %swap3A_556 = arith.constant 32 : index
        %swap3A_557 = tpu.vector_load %arg14[%swap3A_555, %swap3A_556] {strides = array<i32>} : memref<80x128xf32, #tpu.memory_space<vmem>>, vector<1x16xf32>,
        %swap3A_558 = vector.shape_cast %swap3A_557 : vector<1x16xf32> to vector<16xf32>
        %swap3A_559 = vector.shape_cast %broadcast_in_dim3A_3 : vector<16xf32> to vector<1x16xf32>
        tpu.vector_store %arg14[%swap3A_555, %swap3A_556], %swap3A_559 {strides = array<i32>} : memref<80x128xf32, #tpu.memory_space<vmem>>, vector<1x16xf32>,
        %swap3A_560 = arith.index_cast %while3A_514 : i32 to index
        %swap3A_561 = arith.constant 48 : index
        %swap3A_562 = tpu.vector_load %arg12[%swap3A_560, %swap3A_561] {strides = array<i32>} : memref<80x128xf32, #tpu.memory_space<vmem>>, vector<1x16xf32>,
        %swap3A_563 = vector.shape_cast %swap3A_562 : vector<1x16xf32> to vector<16xf32>
        %swap3A_564 = vector.shape_cast %broadcast_in_dim3A_3 : vector<16xf32> to vector<1x16xf32>
        tpu.vector_store %arg12[%swap3A_560, %swap3A_561], %swap3A_564 {strides = array<i32>} : memref<80x128xf32, #tpu.memory_space<vmem>>, vector<1x16xf32>,
        %swap3A_565 = arith.index_cast %while3A_514 : i32 to index
        %swap3A_566 = arith.constant 48 : index
        %swap3A_567 = tpu.vector_load %arg13[%swap3A_565, %swap3A_566] {strides = array<i32>} : memref<80x128xf32, #tpu.memory_space<vmem>>, vector<1x16xf32>,
        %swap3A_568 = vector.shape_cast %swap3A_567 : vector<1x16xf32> to vector<16xf32>
        %swap3A_569 = vector.shape_cast %broadcast_in_dim3A_3 : vector<16xf32> to vector<1x16xf32>
        tpu.vector_store %arg13[%swap3A_565, %swap3A_566], %swap3A_569 {strides = array<i32>} : memref<80x128xf32, #tpu.memory_space<vmem>>, vector<1x16xf32>,
        %swap3A_570 = arith.index_cast %while3A_514 : i32 to index
        %swap3A_571 = arith.constant 48 : index
        %swap3A_572 = tpu.vector_load %arg14[%swap3A_570, %swap3A_571] {strides = array<i32>} : memref<80x128xf32, #tpu.memory_space<vmem>>, vector<1x16xf32>,
        %swap3A_573 = vector.shape_cast %swap3A_572 : vector<1x16xf32> to vector<16xf32>
        %swap3A_574 = vector.shape_cast %broadcast_in_dim3A_3 : vector<16xf32> to vector<1x16xf32>
        tpu.vector_store %arg14[%swap3A_570, %swap3A_571], %swap3A_574 {strides = array<i32>} : memref<80x128xf32, #tpu.memory_space<vmem>>, vector<1x16xf32>,
        %swap3A_575 = arith.index_cast %while3A_514 : i32 to index
        %swap3A_576 = arith.constant 64 : index
        %swap3A_577 = tpu.vector_load %arg12[%swap3A_575, %swap3A_576] {strides = array<i32>} : memref<80x128xf32, #tpu.memory_space<vmem>>, vector<1x16xf32>,
        %swap3A_578 = vector.shape_cast %swap3A_577 : vector<1x16xf32> to vector<16xf32>
        %swap3A_579 = vector.shape_cast %broadcast_in_dim3A_3 : vector<16xf32> to vector<1x16xf32>
        tpu.vector_store %arg12[%swap3A_575, %swap3A_576], %swap3A_579 {strides = array<i32>} : memref<80x128xf32, #tpu.memory_space<vmem>>, vector<1x16xf32>,
        %swap3A_580 = arith.index_cast %while3A_514 : i32 to index
        %swap3A_581 = arith.constant 64 : index
        %swap3A_582 = tpu.vector_load %arg13[%swap3A_580, %swap3A_581] {strides = array<i32>} : memref<80x128xf32, #tpu.memory_space<vmem>>, vector<1x16xf32>,
        %swap3A_583 = vector.shape_cast %swap3A_582 : vector<1x16xf32> to vector<16xf32>
        %swap3A_584 = vector.shape_cast %broadcast_in_dim3A_3 : vector<16xf32> to vector<1x16xf32>
        tpu.vector_store %arg13[%swap3A_580, %swap3A_581], %swap3A_584 {strides = array<i32>} : memref<80x128xf32, #tpu.memory_space<vmem>>, vector<1x16xf32>,
        %swap3A_585 = arith.index_cast %while3A_514 : i32 to index
        %swap3A_586 = arith.constant 64 : index
        %swap3A_587 = tpu.vector_load %arg14[%swap3A_585, %swap3A_586] {strides = array<i32>} : memref<80x128xf32, #tpu.memory_space<vmem>>, vector<1x16xf32>,
        %swap3A_588 = vector.shape_cast %swap3A_587 : vector<1x16xf32> to vector<16xf32>
        %swap3A_589 = vector.shape_cast %broadcast_in_dim3A_3 : vector<16xf32> to vector<1x16xf32>
        tpu.vector_store %arg14[%swap3A_585, %swap3A_586], %swap3A_589 {strides = array<i32>} : memref<80x128xf32, #tpu.memory_space<vmem>>, vector<1x16xf32>,
        %swap3A_590 = arith.index_cast %while3A_514 : i32 to index
        %swap3A_591 = arith.constant 80 : index
        %swap3A_592 = tpu.vector_load %arg12[%swap3A_590, %swap3A_591] {strides = array<i32>} : memref<80x128xf32, #tpu.memory_space<vmem>>, vector<1x16xf32>,
        %swap3A_593 = vector.shape_cast %swap3A_592 : vector<1x16xf32> to vector<16xf32>
        %swap3A_594 = vector.shape_cast %broadcast_in_dim3A_3 : vector<16xf32> to vector<1x16xf32>
        tpu.vector_store %arg12[%swap3A_590, %swap3A_591], %swap3A_594 {strides = array<i32>} : memref<80x128xf32, #tpu.memory_space<vmem>>, vector<1x16xf32>,
        %swap3A_595 = arith.index_cast %while3A_514 : i32 to index
        %swap3A_596 = arith.constant 80 : index
        %swap3A_597 = tpu.vector_load %arg13[%swap3A_595, %swap3A_596] {strides = array<i32>} : memref<80x128xf32, #tpu.memory_space<vmem>>, vector<1x16xf32>,
        %swap3A_598 = vector.shape_cast %swap3A_597 : vector<1x16xf32> to vector<16xf32>
        %swap3A_599 = vector.shape_cast %broadcast_in_dim3A_3 : vector<16xf32> to vector<1x16xf32>
        tpu.vector_store %arg13[%swap3A_595, %swap3A_596], %swap3A_599 {strides = array<i32>} : memref<80x128xf32, #tpu.memory_space<vmem>>, vector<1x16xf32>,
        %swap3A_600 = arith.index_cast %while3A_514 : i32 to index
        %swap3A_601 = arith.constant 80 : index
        %swap3A_602 = tpu.vector_load %arg14[%swap3A_600, %swap3A_601] {strides = array<i32>} : memref<80x128xf32, #tpu.memory_space<vmem>>, vector<1x16xf32>,
        %swap3A_603 = vector.shape_cast %swap3A_602 : vector<1x16xf32> to vector<16xf32>
        %swap3A_604 = vector.shape_cast %broadcast_in_dim3A_3 : vector<16xf32> to vector<1x16xf32>
        tpu.vector_store %arg14[%swap3A_600, %swap3A_601], %swap3A_604 {strides = array<i32>} : memref<80x128xf32, #tpu.memory_space<vmem>>, vector<1x16xf32>,
        %swap3A_605 = arith.index_cast %while3A_514 : i32 to index
        %swap3A_606 = arith.constant 96 : index
        %swap3A_607 = tpu.vector_load %arg12[%swap3A_605, %swap3A_606] {strides = array<i32>} : memref<80x128xf32, #tpu.memory_space<vmem>>, vector<1x16xf32>,
        %swap3A_608 = vector.shape_cast %swap3A_607 : vector<1x16xf32> to vector<16xf32>
        %swap3A_609 = vector.shape_cast %broadcast_in_dim3A_3 : vector<16xf32> to vector<1x16xf32>
        tpu.vector_store %arg12[%swap3A_605, %swap3A_606], %swap3A_609 {strides = array<i32>} : memref<80x128xf32, #tpu.memory_space<vmem>>, vector<1x16xf32>,
        %swap3A_610 = arith.index_cast %while3A_514 : i32 to index
        %swap3A_611 = arith.constant 96 : index
        %swap3A_612 = tpu.vector_load %arg13[%swap3A_610, %swap3A_611] {strides = array<i32>} : memref<80x128xf32, #tpu.memory_space<vmem>>, vector<1x16xf32>,
        %swap3A_613 = vector.shape_cast %swap3A_612 : vector<1x16xf32> to vector<16xf32>
        %swap3A_614 = vector.shape_cast %broadcast_in_dim3A_3 : vector<16xf32> to vector<1x16xf32>
        tpu.vector_store %arg13[%swap3A_610, %swap3A_611], %swap3A_614 {strides = array<i32>} : memref<80x128xf32, #tpu.memory_space<vmem>>, vector<1x16xf32>,
        %swap3A_615 = arith.index_cast %while3A_514 : i32 to index
        %swap3A_616 = arith.constant 96 : index
        %swap3A_617 = tpu.vector_load %arg14[%swap3A_615, %swap3A_616] {strides = array<i32>} : memref<80x128xf32, #tpu.memory_space<vmem>>, vector<1x16xf32>,
        %swap3A_618 = vector.shape_cast %swap3A_617 : vector<1x16xf32> to vector<16xf32>
        %swap3A_619 = vector.shape_cast %broadcast_in_dim3A_3 : vector<16xf32> to vector<1x16xf32>
        tpu.vector_store %arg14[%swap3A_615, %swap3A_616], %swap3A_619 {strides = array<i32>} : memref<80x128xf32, #tpu.memory_space<vmem>>, vector<1x16xf32>,
        %swap3A_620 = arith.index_cast %while3A_514 : i32 to index
        %swap3A_621 = arith.constant 112 : index
        %swap3A_622 = tpu.vector_load %arg12[%swap3A_620, %swap3A_621] {strides = array<i32>} : memref<80x128xf32, #tpu.memory_space<vmem>>, vector<1x16xf32>,
        %swap3A_623 = vector.shape_cast %swap3A_622 : vector<1x16xf32> to vector<16xf32>
        %swap3A_624 = vector.shape_cast %broadcast_in_dim3A_3 : vector<16xf32> to vector<1x16xf32>
        tpu.vector_store %arg12[%swap3A_620, %swap3A_621], %swap3A_624 {strides = array<i32>} : memref<80x128xf32, #tpu.memory_space<vmem>>, vector<1x16xf32>,
        %swap3A_625 = arith.index_cast %while3A_514 : i32 to index
        %swap3A_626 = arith.constant 112 : index
        %swap3A_627 = tpu.vector_load %arg13[%swap3A_625, %swap3A_626] {strides = array<i32>} : memref<80x128xf32, #tpu.memory_space<vmem>>, vector<1x16xf32>,
        %swap3A_628 = vector.shape_cast %swap3A_627 : vector<1x16xf32> to vector<16xf32>
        %swap3A_629 = vector.shape_cast %broadcast_in_dim3A_3 : vector<16xf32> to vector<1x16xf32>
        tpu.vector_store %arg13[%swap3A_625, %swap3A_626], %swap3A_629 {strides = array<i32>} : memref<80x128xf32, #tpu.memory_space<vmem>>, vector<1x16xf32>,
        %swap3A_630 = arith.index_cast %while3A_514 : i32 to index
        %swap3A_631 = arith.constant 112 : index
        %swap3A_632 = tpu.vector_load %arg14[%swap3A_630, %swap3A_631] {strides = array<i32>} : memref<80x128xf32, #tpu.memory_space<vmem>>, vector<1x16xf32>,
        %swap3A_633 = vector.shape_cast %swap3A_632 : vector<1x16xf32> to vector<16xf32>
        %swap3A_634 = vector.shape_cast %broadcast_in_dim3A_3 : vector<16xf32> to vector<1x16xf32>
        tpu.vector_store %arg14[%swap3A_630, %swap3A_631], %swap3A_634 {strides = array<i32>} : memref<80x128xf32, #tpu.memory_space<vmem>>, vector<1x16xf32>,
      }
      %while3A_110 = arith.constant 1 : i32
      scf.for %while3A_514 = %while3A_108 to %while3A_104 step %while3A_110  : i32 {
        %swap3A_515 = arith.index_cast %while3A_514 : i32 to index
        %swap3A_516 = arith.constant 0 : index
        %swap3A_517 = tpu.vector_load %arg12[%swap3A_515, %swap3A_516] {strides = array<i32>} : memref<80x128xf32, #tpu.memory_space<vmem>>, vector<1x16xf32>,
        %swap3A_518 = vector.shape_cast %swap3A_517 : vector<1x16xf32> to vector<16xf32>
        %swap3A_519 = vector.shape_cast %broadcast_in_dim3A_3 : vector<16xf32> to vector<1x16xf32>
        tpu.vector_store %arg12[%swap3A_515, %swap3A_516], %swap3A_519 {strides = array<i32>} : memref<80x128xf32, #tpu.memory_space<vmem>>, vector<1x16xf32>,
        %swap3A_520 = arith.index_cast %while3A_514 : i32 to index
        %swap3A_521 = arith.constant 0 : index
        %swap3A_522 = tpu.vector_load %arg13[%swap3A_520, %swap3A_521] {strides = array<i32>} : memref<80x128xf32, #tpu.memory_space<vmem>>, vector<1x16xf32>,
        %swap3A_523 = vector.shape_cast %swap3A_522 : vector<1x16xf32> to vector<16xf32>
        %swap3A_524 = vector.shape_cast %broadcast_in_dim3A_3 : vector<16xf32> to vector<1x16xf32>
        tpu.vector_store %arg13[%swap3A_520, %swap3A_521], %swap3A_524 {strides = array<i32>} : memref<80x128xf32, #tpu.memory_space<vmem>>, vector<1x16xf32>,
        %swap3A_525 = arith.index_cast %while3A_514 : i32 to index
        %swap3A_526 = arith.constant 0 : index
        %swap3A_527 = tpu.vector_load %arg14[%swap3A_525, %swap3A_526] {strides = array<i32>} : memref<80x128xf32, #tpu.memory_space<vmem>>, vector<1x16xf32>,
        %swap3A_528 = vector.shape_cast %swap3A_527 : vector<1x16xf32> to vector<16xf32>
        %swap3A_529 = vector.shape_cast %broadcast_in_dim3A_3 : vector<16xf32> to vector<1x16xf32>
        tpu.vector_store %arg14[%swap3A_525, %swap3A_526], %swap3A_529 {strides = array<i32>} : memref<80x128xf32, #tpu.memory_space<vmem>>, vector<1x16xf32>,
        %swap3A_530 = arith.index_cast %while3A_514 : i32 to index
        %swap3A_531 = arith.constant 16 : index
        %swap3A_532 = tpu.vector_load %arg12[%swap3A_530, %swap3A_531] {strides = array<i32>} : memref<80x128xf32, #tpu.memory_space<vmem>>, vector<1x16xf32>,
        %swap3A_533 = vector.shape_cast %swap3A_532 : vector<1x16xf32> to vector<16xf32>
        %swap3A_534 = vector.shape_cast %broadcast_in_dim3A_3 : vector<16xf32> to vector<1x16xf32>
        tpu.vector_store %arg12[%swap3A_530, %swap3A_531], %swap3A_534 {strides = array<i32>} : memref<80x128xf32, #tpu.memory_space<vmem>>, vector<1x16xf32>,
        %swap3A_535 = arith.index_cast %while3A_514 : i32 to index
        %swap3A_536 = arith.constant 16 : index
        %swap3A_537 = tpu.vector_load %arg13[%swap3A_535, %swap3A_536] {strides = array<i32>} : memref<80x128xf32, #tpu.memory_space<vmem>>, vector<1x16xf32>,
        %swap3A_538 = vector.shape_cast %swap3A_537 : vector<1x16xf32> to vector<16xf32>
        %swap3A_539 = vector.shape_cast %broadcast_in_dim3A_3 : vector<16xf32> to vector<1x16xf32>
        tpu.vector_store %arg13[%swap3A_535, %swap3A_536], %swap3A_539 {strides = array<i32>} : memref<80x128xf32, #tpu.memory_space<vmem>>, vector<1x16xf32>,
        %swap3A_540 = arith.index_cast %while3A_514 : i32 to index
        %swap3A_541 = arith.constant 16 : index
        %swap3A_542 = tpu.vector_load %arg14[%swap3A_540, %swap3A_541] {strides = array<i32>} : memref<80x128xf32, #tpu.memory_space<vmem>>, vector<1x16xf32>,
        %swap3A_543 = vector.shape_cast %swap3A_542 : vector<1x16xf32> to vector<16xf32>
        %swap3A_544 = vector.shape_cast %broadcast_in_dim3A_3 : vector<16xf32> to vector<1x16xf32>
        tpu.vector_store %arg14[%swap3A_540, %swap3A_541], %swap3A_544 {strides = array<i32>} : memref<80x128xf32, #tpu.memory_space<vmem>>, vector<1x16xf32>,
        %swap3A_545 = arith.index_cast %while3A_514 : i32 to index
        %swap3A_546 = arith.constant 32 : index
        %swap3A_547 = tpu.vector_load %arg12[%swap3A_545, %swap3A_546] {strides = array<i32>} : memref<80x128xf32, #tpu.memory_space<vmem>>, vector<1x16xf32>,
        %swap3A_548 = vector.shape_cast %swap3A_547 : vector<1x16xf32> to vector<16xf32>
        %swap3A_549 = vector.shape_cast %broadcast_in_dim3A_3 : vector<16xf32> to vector<1x16xf32>
        tpu.vector_store %arg12[%swap3A_545, %swap3A_546], %swap3A_549 {strides = array<i32>} : memref<80x128xf32, #tpu.memory_space<vmem>>, vector<1x16xf32>,
        %swap3A_550 = arith.index_cast %while3A_514 : i32 to index
        %swap3A_551 = arith.constant 32 : index
        %swap3A_552 = tpu.vector_load %arg13[%swap3A_550, %swap3A_551] {strides = array<i32>} : memref<80x128xf32, #tpu.memory_space<vmem>>, vector<1x16xf32>,
        %swap3A_553 = vector.shape_cast %swap3A_552 : vector<1x16xf32> to vector<16xf32>
        %swap3A_554 = vector.shape_cast %broadcast_in_dim3A_3 : vector<16xf32> to vector<1x16xf32>
        tpu.vector_store %arg13[%swap3A_550, %swap3A_551], %swap3A_554 {strides = array<i32>} : memref<80x128xf32, #tpu.memory_space<vmem>>, vector<1x16xf32>,
        %swap3A_555 = arith.index_cast %while3A_514 : i32 to index
        %swap3A_556 = arith.constant 32 : index
        %swap3A_557 = tpu.vector_load %arg14[%swap3A_555, %swap3A_556] {strides = array<i32>} : memref<80x128xf32, #tpu.memory_space<vmem>>, vector<1x16xf32>,
        %swap3A_558 = vector.shape_cast %swap3A_557 : vector<1x16xf32> to vector<16xf32>
        %swap3A_559 = vector.shape_cast %broadcast_in_dim3A_3 : vector<16xf32> to vector<1x16xf32>
        tpu.vector_store %arg14[%swap3A_555, %swap3A_556], %swap3A_559 {strides = array<i32>} : memref<80x128xf32, #tpu.memory_space<vmem>>, vector<1x16xf32>,
        %swap3A_560 = arith.index_cast %while3A_514 : i32 to index
        %swap3A_561 = arith.constant 48 : index
        %swap3A_562 = tpu.vector_load %arg12[%swap3A_560, %swap3A_561] {strides = array<i32>} : memref<80x128xf32, #tpu.memory_space<vmem>>, vector<1x16xf32>,
        %swap3A_563 = vector.shape_cast %swap3A_562 : vector<1x16xf32> to vector<16xf32>
        %swap3A_564 = vector.shape_cast %broadcast_in_dim3A_3 : vector<16xf32> to vector<1x16xf32>
        tpu.vector_store %arg12[%swap3A_560, %swap3A_561], %swap3A_564 {strides = array<i32>} : memref<80x128xf32, #tpu.memory_space<vmem>>, vector<1x16xf32>,
        %swap3A_565 = arith.index_cast %while3A_514 : i32 to index
        %swap3A_566 = arith.constant 48 : index
        %swap3A_567 = tpu.vector_load %arg13[%swap3A_565, %swap3A_566] {strides = array<i32>} : memref<80x128xf32, #tpu.memory_space<vmem>>, vector<1x16xf32>,
        %swap3A_568 = vector.shape_cast %swap3A_567 : vector<1x16xf32> to vector<16xf32>
        %swap3A_569 = vector.shape_cast %broadcast_in_dim3A_3 : vector<16xf32> to vector<1x16xf32>
        tpu.vector_store %arg13[%swap3A_565, %swap3A_566], %swap3A_569 {strides = array<i32>} : memref<80x128xf32, #tpu.memory_space<vmem>>, vector<1x16xf32>,
        %swap3A_570 = arith.index_cast %while3A_514 : i32 to index
        %swap3A_571 = arith.constant 48 : index
        %swap3A_572 = tpu.vector_load %arg14[%swap3A_570, %swap3A_571] {strides = array<i32>} : memref<80x128xf32, #tpu.memory_space<vmem>>, vector<1x16xf32>,
        %swap3A_573 = vector.shape_cast %swap3A_572 : vector<1x16xf32> to vector<16xf32>
        %swap3A_574 = vector.shape_cast %broadcast_in_dim3A_3 : vector<16xf32> to vector<1x16xf32>
        tpu.vector_store %arg14[%swap3A_570, %swap3A_571], %swap3A_574 {strides = array<i32>} : memref<80x128xf32, #tpu.memory_space<vmem>>, vector<1x16xf32>,
        %swap3A_575 = arith.index_cast %while3A_514 : i32 to index
        %swap3A_576 = arith.constant 64 : index
        %swap3A_577 = tpu.vector_load %arg12[%swap3A_575, %swap3A_576] {strides = array<i32>} : memref<80x128xf32, #tpu.memory_space<vmem>>, vector<1x16xf32>,
        %swap3A_578 = vector.shape_cast %swap3A_577 : vector<1x16xf32> to vector<16xf32>
        %swap3A_579 = vector.shape_cast %broadcast_in_dim3A_3 : vector<16xf32> to vector<1x16xf32>
        tpu.vector_store %arg12[%swap3A_575, %swap3A_576], %swap3A_579 {strides = array<i32>} : memref<80x128xf32, #tpu.memory_space<vmem>>, vector<1x16xf32>,
        %swap3A_580 = arith.index_cast %while3A_514 : i32 to index
        %swap3A_581 = arith.constant 64 : index
        %swap3A_582 = tpu.vector_load %arg13[%swap3A_580, %swap3A_581] {strides = array<i32>} : memref<80x128xf32, #tpu.memory_space<vmem>>, vector<1x16xf32>,
        %swap3A_583 = vector.shape_cast %swap3A_582 : vector<1x16xf32> to vector<16xf32>
        %swap3A_584 = vector.shape_cast %broadcast_in_dim3A_3 : vector<16xf32> to vector<1x16xf32>
        tpu.vector_store %arg13[%swap3A_580, %swap3A_581], %swap3A_584 {strides = array<i32>} : memref<80x128xf32, #tpu.memory_space<vmem>>, vector<1x16xf32>,
        %swap3A_585 = arith.index_cast %while3A_514 : i32 to index
        %swap3A_586 = arith.constant 64 : index
        %swap3A_587 = tpu.vector_load %arg14[%swap3A_585, %swap3A_586] {strides = array<i32>} : memref<80x128xf32, #tpu.memory_space<vmem>>, vector<1x16xf32>,
        %swap3A_588 = vector.shape_cast %swap3A_587 : vector<1x16xf32> to vector<16xf32>
        %swap3A_589 = vector.shape_cast %broadcast_in_dim3A_3 : vector<16xf32> to vector<1x16xf32>
        tpu.vector_store %arg14[%swap3A_585, %swap3A_586], %swap3A_589 {strides = array<i32>} : memref<80x128xf32, #tpu.memory_space<vmem>>, vector<1x16xf32>,
        %swap3A_590 = arith.index_cast %while3A_514 : i32 to index
        %swap3A_591 = arith.constant 80 : index
        %swap3A_592 = tpu.vector_load %arg12[%swap3A_590, %swap3A_591] {strides = array<i32>} : memref<80x128xf32, #tpu.memory_space<vmem>>, vector<1x16xf32>,
        %swap3A_593 = vector.shape_cast %swap3A_592 : vector<1x16xf32> to vector<16xf32>
        %swap3A_594 = vector.shape_cast %broadcast_in_dim3A_3 : vector<16xf32> to vector<1x16xf32>
        tpu.vector_store %arg12[%swap3A_590, %swap3A_591], %swap3A_594 {strides = array<i32>} : memref<80x128xf32, #tpu.memory_space<vmem>>, vector<1x16xf32>,
        %swap3A_595 = arith.index_cast %while3A_514 : i32 to index
        %swap3A_596 = arith.constant 80 : index
        %swap3A_597 = tpu.vector_load %arg13[%swap3A_595, %swap3A_596] {strides = array<i32>} : memref<80x128xf32, #tpu.memory_space<vmem>>, vector<1x16xf32>,
        %swap3A_598 = vector.shape_cast %swap3A_597 : vector<1x16xf32> to vector<16xf32>
        %swap3A_599 = vector.shape_cast %broadcast_in_dim3A_3 : vector<16xf32> to vector<1x16xf32>
        tpu.vector_store %arg13[%swap3A_595, %swap3A_596], %swap3A_599 {strides = array<i32>} : memref<80x128xf32, #tpu.memory_space<vmem>>, vector<1x16xf32>,
        %swap3A_600 = arith.index_cast %while3A_514 : i32 to index
        %swap3A_601 = arith.constant 80 : index
        %swap3A_602 = tpu.vector_load %arg14[%swap3A_600, %swap3A_601] {strides = array<i32>} : memref<80x128xf32, #tpu.memory_space<vmem>>, vector<1x16xf32>,
        %swap3A_603 = vector.shape_cast %swap3A_602 : vector<1x16xf32> to vector<16xf32>
        %swap3A_604 = vector.shape_cast %broadcast_in_dim3A_3 : vector<16xf32> to vector<1x16xf32>
        tpu.vector_store %arg14[%swap3A_600, %swap3A_601], %swap3A_604 {strides = array<i32>} : memref<80x128xf32, #tpu.memory_space<vmem>>, vector<1x16xf32>,
        %swap3A_605 = arith.index_cast %while3A_514 : i32 to index
        %swap3A_606 = arith.constant 96 : index
        %swap3A_607 = tpu.vector_load %arg12[%swap3A_605, %swap3A_606] {strides = array<i32>} : memref<80x128xf32, #tpu.memory_space<vmem>>, vector<1x16xf32>,
        %swap3A_608 = vector.shape_cast %swap3A_607 : vector<1x16xf32> to vector<16xf32>
        %swap3A_609 = vector.shape_cast %broadcast_in_dim3A_3 : vector<16xf32> to vector<1x16xf32>
        tpu.vector_store %arg12[%swap3A_605, %swap3A_606], %swap3A_609 {strides = array<i32>} : memref<80x128xf32, #tpu.memory_space<vmem>>, vector<1x16xf32>,
        %swap3A_610 = arith.index_cast %while3A_514 : i32 to index
        %swap3A_611 = arith.constant 96 : index
        %swap3A_612 = tpu.vector_load %arg13[%swap3A_610, %swap3A_611] {strides = array<i32>} : memref<80x128xf32, #tpu.memory_space<vmem>>, vector<1x16xf32>,
        %swap3A_613 = vector.shape_cast %swap3A_612 : vector<1x16xf32> to vector<16xf32>
        %swap3A_614 = vector.shape_cast %broadcast_in_dim3A_3 : vector<16xf32> to vector<1x16xf32>
        tpu.vector_store %arg13[%swap3A_610, %swap3A_611], %swap3A_614 {strides = array<i32>} : memref<80x128xf32, #tpu.memory_space<vmem>>, vector<1x16xf32>,
        %swap3A_615 = arith.index_cast %while3A_514 : i32 to index
        %swap3A_616 = arith.constant 96 : index
        %swap3A_617 = tpu.vector_load %arg14[%swap3A_615, %swap3A_616] {strides = array<i32>} : memref<80x128xf32, #tpu.memory_space<vmem>>, vector<1x16xf32>,
        %swap3A_618 = vector.shape_cast %swap3A_617 : vector<1x16xf32> to vector<16xf32>
        %swap3A_619 = vector.shape_cast %broadcast_in_dim3A_3 : vector<16xf32> to vector<1x16xf32>
        tpu.vector_store %arg14[%swap3A_615, %swap3A_616], %swap3A_619 {strides = array<i32>} : memref<80x128xf32, #tpu.memory_space<vmem>>, vector<1x16xf32>,
        %swap3A_620 = arith.index_cast %while3A_514 : i32 to index
        %swap3A_621 = arith.constant 112 : index
        %swap3A_622 = tpu.vector_load %arg12[%swap3A_620, %swap3A_621] {strides = array<i32>} : memref<80x128xf32, #tpu.memory_space<vmem>>, vector<1x16xf32>,
        %swap3A_623 = vector.shape_cast %swap3A_622 : vector<1x16xf32> to vector<16xf32>
        %swap3A_624 = vector.shape_cast %broadcast_in_dim3A_3 : vector<16xf32> to vector<1x16xf32>
        tpu.vector_store %arg12[%swap3A_620, %swap3A_621], %swap3A_624 {strides = array<i32>} : memref<80x128xf32, #tpu.memory_space<vmem>>, vector<1x16xf32>,
        %swap3A_625 = arith.index_cast %while3A_514 : i32 to index
        %swap3A_626 = arith.constant 112 : index
        %swap3A_627 = tpu.vector_load %arg13[%swap3A_625, %swap3A_626] {strides = array<i32>} : memref<80x128xf32, #tpu.memory_space<vmem>>, vector<1x16xf32>,
        %swap3A_628 = vector.shape_cast %swap3A_627 : vector<1x16xf32> to vector<16xf32>
        %swap3A_629 = vector.shape_cast %broadcast_in_dim3A_3 : vector<16xf32> to vector<1x16xf32>
        tpu.vector_store %arg13[%swap3A_625, %swap3A_626], %swap3A_629 {strides = array<i32>} : memref<80x128xf32, #tpu.memory_space<vmem>>, vector<1x16xf32>,
        %swap3A_630 = arith.index_cast %while3A_514 : i32 to index
        %swap3A_631 = arith.constant 112 : index
        %swap3A_632 = tpu.vector_load %arg14[%swap3A_630, %swap3A_631] {strides = array<i32>} : memref<80x128xf32, #tpu.memory_space<vmem>>, vector<1x16xf32>,
        %swap3A_633 = vector.shape_cast %swap3A_632 : vector<1x16xf32> to vector<16xf32>
        %swap3A_634 = vector.shape_cast %broadcast_in_dim3A_3 : vector<16xf32> to vector<1x16xf32>
        tpu.vector_store %arg14[%swap3A_630, %swap3A_631], %swap3A_634 {strides = array<i32>} : memref<80x128xf32, #tpu.memory_space<vmem>>, vector<1x16xf32>,
      }
      %eq3A_111 = arith.constant 2 : i32
      %eq3A_112 = arith.cmpi eq, %scan3A_45, %eq3A_111 : i32
      %jit3A_113 = arith.constant 1 : i32
      %jit3A_114 = arith.constant 0 : i32
      %select_n3A_115 = arith.select %eq3A_112, %jit3A_113, %jit3A_114 : i32
      %while3A_116 = arith.constant 0 : i32
      %while3A_117 = arith.constant 0 : i32
      %while3A_118 = arith.subi %select_n3A_115, %while3A_117 : i32
      %while3A_119 = arith.addi %while3A_117, %while3A_118 : i32
      %while3A_120 = arith.constant 1 : i32
      %while3A_121 = arith.divsi %while3A_118, %while3A_120 : i32
      %while3A_122 = arith.muli %while3A_121, %while3A_120 : i32
      %while3A_123 = arith.addi %while3A_117, %while3A_122 : i32
      %while3A_124 = arith.constant 1 : i32
      scf.for %while3A_514 = %while3A_117 to %while3A_123 step %while3A_124  : i32 {
        %scan3A_515 = arith.constant 0 : i32
        %scan3A_516 = arith.constant 0 : i32
        %scan3A_517 = arith.constant 80 : i32
        %scan3A_518 = arith.addi %scan3A_516, %scan3A_517 : i32
        %scan3A_519 = arith.constant 1 : i32
        scf.for %scan3A_521 = %scan3A_516 to %scan3A_518 step %scan3A_519  : i32 {
          %swap3A_522 = arith.index_cast %scan3A_521 : i32 to index
          %swap3A_523 = arith.constant 0 : index
          %swap3A_524 = tpu.vector_load %arg11[%swap3A_522, %swap3A_523] {strides = array<i32>} : memref<80x128xf32, #tpu.memory_space<vmem>>, vector<1x16xf32>,
          %swap3A_525 = vector.shape_cast %swap3A_524 : vector<1x16xf32> to vector<16xf32>
          %swap3A_526 = vector.shape_cast %broadcast_in_dim3A_3 : vector<16xf32> to vector<1x16xf32>
          tpu.vector_store %arg11[%swap3A_522, %swap3A_523], %swap3A_526 {strides = array<i32>} : memref<80x128xf32, #tpu.memory_space<vmem>>, vector<1x16xf32>,
          %swap3A_527 = arith.index_cast %scan3A_521 : i32 to index
          %swap3A_528 = arith.constant 16 : index
          %swap3A_529 = tpu.vector_load %arg11[%swap3A_527, %swap3A_528] {strides = array<i32>} : memref<80x128xf32, #tpu.memory_space<vmem>>, vector<1x16xf32>,
          %swap3A_530 = vector.shape_cast %swap3A_529 : vector<1x16xf32> to vector<16xf32>
          %swap3A_531 = vector.shape_cast %broadcast_in_dim3A_3 : vector<16xf32> to vector<1x16xf32>
          tpu.vector_store %arg11[%swap3A_527, %swap3A_528], %swap3A_531 {strides = array<i32>} : memref<80x128xf32, #tpu.memory_space<vmem>>, vector<1x16xf32>,
          %swap3A_532 = arith.index_cast %scan3A_521 : i32 to index
          %swap3A_533 = arith.constant 32 : index
          %swap3A_534 = tpu.vector_load %arg11[%swap3A_532, %swap3A_533] {strides = array<i32>} : memref<80x128xf32, #tpu.memory_space<vmem>>, vector<1x16xf32>,
          %swap3A_535 = vector.shape_cast %swap3A_534 : vector<1x16xf32> to vector<16xf32>
          %swap3A_536 = vector.shape_cast %broadcast_in_dim3A_3 : vector<16xf32> to vector<1x16xf32>
          tpu.vector_store %arg11[%swap3A_532, %swap3A_533], %swap3A_536 {strides = array<i32>} : memref<80x128xf32, #tpu.memory_space<vmem>>, vector<1x16xf32>,
          %swap3A_537 = arith.index_cast %scan3A_521 : i32 to index
          %swap3A_538 = arith.constant 48 : index
          %swap3A_539 = tpu.vector_load %arg11[%swap3A_537, %swap3A_538] {strides = array<i32>} : memref<80x128xf32, #tpu.memory_space<vmem>>, vector<1x16xf32>,
          %swap3A_540 = vector.shape_cast %swap3A_539 : vector<1x16xf32> to vector<16xf32>
          %swap3A_541 = vector.shape_cast %broadcast_in_dim3A_3 : vector<16xf32> to vector<1x16xf32>
          tpu.vector_store %arg11[%swap3A_537, %swap3A_538], %swap3A_541 {strides = array<i32>} : memref<80x128xf32, #tpu.memory_space<vmem>>, vector<1x16xf32>,
          %swap3A_542 = arith.index_cast %scan3A_521 : i32 to index
          %swap3A_543 = arith.constant 64 : index
          %swap3A_544 = tpu.vector_load %arg11[%swap3A_542, %swap3A_543] {strides = array<i32>} : memref<80x128xf32, #tpu.memory_space<vmem>>, vector<1x16xf32>,
          %swap3A_545 = vector.shape_cast %swap3A_544 : vector<1x16xf32> to vector<16xf32>
          %swap3A_546 = vector.shape_cast %broadcast_in_dim3A_3 : vector<16xf32> to vector<1x16xf32>
          tpu.vector_store %arg11[%swap3A_542, %swap3A_543], %swap3A_546 {strides = array<i32>} : memref<80x128xf32, #tpu.memory_space<vmem>>, vector<1x16xf32>,
          %swap3A_547 = arith.index_cast %scan3A_521 : i32 to index
          %swap3A_548 = arith.constant 80 : index
          %swap3A_549 = tpu.vector_load %arg11[%swap3A_547, %swap3A_548] {strides = array<i32>} : memref<80x128xf32, #tpu.memory_space<vmem>>, vector<1x16xf32>,
          %swap3A_550 = vector.shape_cast %swap3A_549 : vector<1x16xf32> to vector<16xf32>
          %swap3A_551 = vector.shape_cast %broadcast_in_dim3A_3 : vector<16xf32> to vector<1x16xf32>
          tpu.vector_store %arg11[%swap3A_547, %swap3A_548], %swap3A_551 {strides = array<i32>} : memref<80x128xf32, #tpu.memory_space<vmem>>, vector<1x16xf32>,
          %swap3A_552 = arith.index_cast %scan3A_521 : i32 to index
          %swap3A_553 = arith.constant 96 : index
          %swap3A_554 = tpu.vector_load %arg11[%swap3A_552, %swap3A_553] {strides = array<i32>} : memref<80x128xf32, #tpu.memory_space<vmem>>, vector<1x16xf32>,
          %swap3A_555 = vector.shape_cast %swap3A_554 : vector<1x16xf32> to vector<16xf32>
          %swap3A_556 = vector.shape_cast %broadcast_in_dim3A_3 : vector<16xf32> to vector<1x16xf32>
          tpu.vector_store %arg11[%swap3A_552, %swap3A_553], %swap3A_556 {strides = array<i32>} : memref<80x128xf32, #tpu.memory_space<vmem>>, vector<1x16xf32>,
          %swap3A_557 = arith.index_cast %scan3A_521 : i32 to index
          %swap3A_558 = arith.constant 112 : index
          %swap3A_559 = tpu.vector_load %arg11[%swap3A_557, %swap3A_558] {strides = array<i32>} : memref<80x128xf32, #tpu.memory_space<vmem>>, vector<1x16xf32>,
          %swap3A_560 = vector.shape_cast %swap3A_559 : vector<1x16xf32> to vector<16xf32>
          %swap3A_561 = vector.shape_cast %broadcast_in_dim3A_3 : vector<16xf32> to vector<1x16xf32>
          tpu.vector_store %arg11[%swap3A_557, %swap3A_558], %swap3A_561 {strides = array<i32>} : memref<80x128xf32, #tpu.memory_space<vmem>>, vector<1x16xf32>,
        }
        %scan3A_520 = arith.constant 80 : i32
      }
      %while3A_125 = arith.constant 1 : i32
      scf.for %while3A_514 = %while3A_123 to %while3A_119 step %while3A_125  : i32 {
        %scan3A_515 = arith.constant 0 : i32
        %scan3A_516 = arith.constant 0 : i32
        %scan3A_517 = arith.constant 80 : i32
        %scan3A_518 = arith.addi %scan3A_516, %scan3A_517 : i32
        %scan3A_519 = arith.constant 1 : i32
        scf.for %scan3A_521 = %scan3A_516 to %scan3A_518 step %scan3A_519  : i32 {
          %swap3A_522 = arith.index_cast %scan3A_521 : i32 to index
          %swap3A_523 = arith.constant 0 : index
          %swap3A_524 = tpu.vector_load %arg11[%swap3A_522, %swap3A_523] {strides = array<i32>} : memref<80x128xf32, #tpu.memory_space<vmem>>, vector<1x16xf32>,
          %swap3A_525 = vector.shape_cast %swap3A_524 : vector<1x16xf32> to vector<16xf32>
          %swap3A_526 = vector.shape_cast %broadcast_in_dim3A_3 : vector<16xf32> to vector<1x16xf32>
          tpu.vector_store %arg11[%swap3A_522, %swap3A_523], %swap3A_526 {strides = array<i32>} : memref<80x128xf32, #tpu.memory_space<vmem>>, vector<1x16xf32>,
          %swap3A_527 = arith.index_cast %scan3A_521 : i32 to index
          %swap3A_528 = arith.constant 16 : index
          %swap3A_529 = tpu.vector_load %arg11[%swap3A_527, %swap3A_528] {strides = array<i32>} : memref<80x128xf32, #tpu.memory_space<vmem>>, vector<1x16xf32>,
          %swap3A_530 = vector.shape_cast %swap3A_529 : vector<1x16xf32> to vector<16xf32>
          %swap3A_531 = vector.shape_cast %broadcast_in_dim3A_3 : vector<16xf32> to vector<1x16xf32>
          tpu.vector_store %arg11[%swap3A_527, %swap3A_528], %swap3A_531 {strides = array<i32>} : memref<80x128xf32, #tpu.memory_space<vmem>>, vector<1x16xf32>,
          %swap3A_532 = arith.index_cast %scan3A_521 : i32 to index
          %swap3A_533 = arith.constant 32 : index
          %swap3A_534 = tpu.vector_load %arg11[%swap3A_532, %swap3A_533] {strides = array<i32>} : memref<80x128xf32, #tpu.memory_space<vmem>>, vector<1x16xf32>,
          %swap3A_535 = vector.shape_cast %swap3A_534 : vector<1x16xf32> to vector<16xf32>
          %swap3A_536 = vector.shape_cast %broadcast_in_dim3A_3 : vector<16xf32> to vector<1x16xf32>
          tpu.vector_store %arg11[%swap3A_532, %swap3A_533], %swap3A_536 {strides = array<i32>} : memref<80x128xf32, #tpu.memory_space<vmem>>, vector<1x16xf32>,
          %swap3A_537 = arith.index_cast %scan3A_521 : i32 to index
          %swap3A_538 = arith.constant 48 : index
          %swap3A_539 = tpu.vector_load %arg11[%swap3A_537, %swap3A_538] {strides = array<i32>} : memref<80x128xf32, #tpu.memory_space<vmem>>, vector<1x16xf32>,
          %swap3A_540 = vector.shape_cast %swap3A_539 : vector<1x16xf32> to vector<16xf32>
          %swap3A_541 = vector.shape_cast %broadcast_in_dim3A_3 : vector<16xf32> to vector<1x16xf32>
          tpu.vector_store %arg11[%swap3A_537, %swap3A_538], %swap3A_541 {strides = array<i32>} : memref<80x128xf32, #tpu.memory_space<vmem>>, vector<1x16xf32>,
          %swap3A_542 = arith.index_cast %scan3A_521 : i32 to index
          %swap3A_543 = arith.constant 64 : index
          %swap3A_544 = tpu.vector_load %arg11[%swap3A_542, %swap3A_543] {strides = array<i32>} : memref<80x128xf32, #tpu.memory_space<vmem>>, vector<1x16xf32>,
          %swap3A_545 = vector.shape_cast %swap3A_544 : vector<1x16xf32> to vector<16xf32>
          %swap3A_546 = vector.shape_cast %broadcast_in_dim3A_3 : vector<16xf32> to vector<1x16xf32>
          tpu.vector_store %arg11[%swap3A_542, %swap3A_543], %swap3A_546 {strides = array<i32>} : memref<80x128xf32, #tpu.memory_space<vmem>>, vector<1x16xf32>,
          %swap3A_547 = arith.index_cast %scan3A_521 : i32 to index
          %swap3A_548 = arith.constant 80 : index
          %swap3A_549 = tpu.vector_load %arg11[%swap3A_547, %swap3A_548] {strides = array<i32>} : memref<80x128xf32, #tpu.memory_space<vmem>>, vector<1x16xf32>,
          %swap3A_550 = vector.shape_cast %swap3A_549 : vector<1x16xf32> to vector<16xf32>
          %swap3A_551 = vector.shape_cast %broadcast_in_dim3A_3 : vector<16xf32> to vector<1x16xf32>
          tpu.vector_store %arg11[%swap3A_547, %swap3A_548], %swap3A_551 {strides = array<i32>} : memref<80x128xf32, #tpu.memory_space<vmem>>, vector<1x16xf32>,
          %swap3A_552 = arith.index_cast %scan3A_521 : i32 to index
          %swap3A_553 = arith.constant 96 : index
          %swap3A_554 = tpu.vector_load %arg11[%swap3A_552, %swap3A_553] {strides = array<i32>} : memref<80x128xf32, #tpu.memory_space<vmem>>, vector<1x16xf32>,
          %swap3A_555 = vector.shape_cast %swap3A_554 : vector<1x16xf32> to vector<16xf32>
          %swap3A_556 = vector.shape_cast %broadcast_in_dim3A_3 : vector<16xf32> to vector<1x16xf32>
          tpu.vector_store %arg11[%swap3A_552, %swap3A_553], %swap3A_556 {strides = array<i32>} : memref<80x128xf32, #tpu.memory_space<vmem>>, vector<1x16xf32>,
          %swap3A_557 = arith.index_cast %scan3A_521 : i32 to index
          %swap3A_558 = arith.constant 112 : index
          %swap3A_559 = tpu.vector_load %arg11[%swap3A_557, %swap3A_558] {strides = array<i32>} : memref<80x128xf32, #tpu.memory_space<vmem>>, vector<1x16xf32>,
          %swap3A_560 = vector.shape_cast %swap3A_559 : vector<1x16xf32> to vector<16xf32>
          %swap3A_561 = vector.shape_cast %broadcast_in_dim3A_3 : vector<16xf32> to vector<1x16xf32>
          tpu.vector_store %arg11[%swap3A_557, %swap3A_558], %swap3A_561 {strides = array<i32>} : memref<80x128xf32, #tpu.memory_space<vmem>>, vector<1x16xf32>,
        }
        %scan3A_520 = arith.constant 80 : i32
      }
      %barrier3A = arith.constant 0 : index
      tpu.barrier barrier_id(%barrier3A)
      %mul3A_126 = arith.constant 3 : i32
      %mul3A_127 = arith.muli %scan3A_45, %mul3A_126 : i32
      %mul3A_128 = arith.constant 10000 : i32
      %mul3A_129 = arith.muli %mul3A_127, %mul3A_128 : i32
      %lt3A_130 = arith.constant 2 : i32
      %lt3A_131 = arith.cmpi slt, %scan3A_45, %lt3A_130 : i32
      %jit3A_132 = arith.constant 1 : i32
      %jit3A_133 = arith.constant 0 : i32
      %select_n3A_134 = arith.select %lt3A_131, %jit3A_132, %jit3A_133 : i32
      %scan3A_135 = arith.constant 0 : i32
      %scan3A_136 = arith.constant 0 : i32
      %scan3A_137 = arith.constant 31 : i32
      %scan3A_138 = arith.addi %scan3A_136, %scan3A_137 : i32
      %scan3A_139 = arith.constant 1 : i32
      scf.for %scan3A_514 = %scan3A_136 to %scan3A_138 step %scan3A_139  : i32 {
        %mul3A_515 = arith.constant 4 : i32
        %mul3A_516 = arith.muli %mul3A_515, %scan3A_514 : i32
        %add3A_517 = arith.constant 0 : i32
        %add3A_518 = arith.addi %mul3A_516, %add3A_517 : i32
        %ge3A_519 = arith.constant 4 : i32
        %ge3A_520 = arith.cmpi sge, %add3A_518, %ge3A_519 : i32
        %jit3A_521 = arith.constant 1 : i32
        %jit3A_522 = arith.constant 0 : i32
        %select_n3A_523 = arith.select %ge3A_520, %jit3A_521, %jit3A_522 : i32
        %while3A_524 = arith.constant 0 : i32
        %while3A_525 = arith.constant 0 : i32
        %while3A_526 = arith.subi %select_n3A_523, %while3A_525 : i32
        %while3A_527 = arith.addi %while3A_525, %while3A_526 : i32
        %while3A_528 = arith.constant 1 : i32
        %while3A_529 = arith.divsi %while3A_526, %while3A_528 : i32
        %while3A_530 = arith.muli %while3A_529, %while3A_528 : i32
        %while3A_531 = arith.addi %while3A_525, %while3A_530 : i32
        %while3A_532 = arith.constant 1 : i32
        scf.for %while3A_1927 = %while3A_525 to %while3A_531 step %while3A_532  : i32 {
          %dma_wait3A_1928 = arith.constant 0 : i32
          %dma_wait3A_1929 = arith.constant 0 : i32
          %dma_wait3A_1930 = tpu.memref_slice %arg7[%dma_wait3A_1928, %dma_wait3A_1929] : memref<10064x128xf32, #tpu.memory_space<vmem_shared>> -> memref<10064x128xf32, #tpu.memory_space<vmem_shared>>
          tpu.wait_indirect_dma semaphore(%arg27 : memref<!tpu.dma_semaphore, #tpu.memory_space<semaphore_mem>>) src(%arg11 : memref<80x128xf32, #tpu.memory_space<vmem>>) dst(%dma_wait3A_1930 : memref<10064x128xf32, #tpu.memory_space<vmem_shared>>)
        }
        %while3A_533 = arith.constant 1 : i32
        scf.for %while3A_1927 = %while3A_531 to %while3A_527 step %while3A_533  : i32 {
          %dma_wait3A_1928 = arith.constant 0 : i32
          %dma_wait3A_1929 = arith.constant 0 : i32
          %dma_wait3A_1930 = tpu.memref_slice %arg7[%dma_wait3A_1928, %dma_wait3A_1929] : memref<10064x128xf32, #tpu.memory_space<vmem_shared>> -> memref<10064x128xf32, #tpu.memory_space<vmem_shared>>
          tpu.wait_indirect_dma semaphore(%arg27 : memref<!tpu.dma_semaphore, #tpu.memory_space<semaphore_mem>>) src(%arg11 : memref<80x128xf32, #tpu.memory_space<vmem>>) dst(%dma_wait3A_1930 : memref<10064x128xf32, #tpu.memory_space<vmem_shared>>)
        }
        %jit3A_534 = arith.constant 25 : i32
        %eq3A_535 = arith.constant 0 : i32
        %eq3A_536 = arith.cmpi eq, %jit3A_534, %eq3A_535 : i32
        %jit3A_537 = arith.constant 1 : i32
        %select_n3A_538 = arith.select %eq3A_536, %jit3A_537, %jit3A_534 : i32
        %rem3A_539 = arith.remsi %add3A_518, %select_n3A_538 : i32
        %ne3A_540 = arith.constant 0 : i32
        %ne3A_541 = arith.cmpi ne, %rem3A_539, %ne3A_540 : i32
        %lt3A_542 = arith.constant 0 : i32
        %lt3A_543 = arith.cmpi slt, %rem3A_539, %lt3A_542 : i32
        %lt3A_544 = arith.constant 0 : i32
        %lt3A_545 = arith.cmpi slt, %select_n3A_538, %lt3A_544 : i32
        %ne3A_546 = arith.xori %lt3A_543, %lt3A_545 : i1
        %and3A_547 = arith.andi %ne3A_546, %ne3A_541 : i1
        %add3A_548 = arith.addi %rem3A_539, %select_n3A_538 : i32
        %select_n3A_549 = arith.select %and3A_547, %add3A_548, %rem3A_539 : i32
        %eq3A_550 = arith.constant 0 : i32
        %eq3A_551 = arith.cmpi eq, %select_n3A_549, %eq3A_550 : i32
        %jit3A_552 = arith.constant 1 : i32
        %jit3A_553 = arith.constant 0 : i32
        %select_n3A_554 = arith.select %eq3A_551, %jit3A_552, %jit3A_553 : i32
        %while3A_555 = arith.constant 0 : i32
        %while3A_556 = arith.constant 0 : i32
        %while3A_557 = arith.subi %select_n3A_554, %while3A_556 : i32
        %while3A_558 = arith.addi %while3A_556, %while3A_557 : i32
        %while3A_559 = arith.constant 1 : i32
        %while3A_560 = arith.divsi %while3A_557, %while3A_559 : i32
        %while3A_561 = arith.muli %while3A_560, %while3A_559 : i32
        %while3A_562 = arith.addi %while3A_556, %while3A_561 : i32
        %while3A_563 = arith.constant 1 : i32
        scf.for %while3A_1927 = %while3A_556 to %while3A_562 step %while3A_563  : i32 {
          %mul3A_1928 = arith.constant 10000 : i32
          %mul3A_1929 = arith.muli %arg1, %mul3A_1928 : i32
          %jit3A_1930 = arith.constant 25 : i32
          %div3A_1931 = arith.divsi %add3A_518, %jit3A_1930 : i32
          %sign3A_1932 = arith.constant 0 : i32
          %sign3A_1933 = arith.cmpi sgt, %add3A_518, %sign3A_1932 : i32
          %sign3A_1934 = arith.extui %sign3A_1933 : i1 to i32
          %sign3A_1935 = arith.constant 0 : i32
          %sign3A_1936 = arith.cmpi slt, %add3A_518, %sign3A_1935 : i32
          %sign3A_1937 = arith.extui %sign3A_1936 : i1 to i32
          %sign3A_1938 = arith.subi %sign3A_1934, %sign3A_1937 : i32
          %sign3A_1939 = arith.constant 0 : i32
          %sign3A_1940 = arith.cmpi sgt, %jit3A_1930, %sign3A_1939 : i32
          %sign3A_1941 = arith.extui %sign3A_1940 : i1 to i32
          %sign3A_1942 = arith.constant 0 : i32
          %sign3A_1943 = arith.cmpi slt, %jit3A_1930, %sign3A_1942 : i32
          %sign3A_1944 = arith.extui %sign3A_1943 : i1 to i32
          %sign3A_1945 = arith.subi %sign3A_1941, %sign3A_1944 : i32
          %ne3A_1946 = arith.cmpi ne, %sign3A_1938, %sign3A_1945 : i32
          %rem3A_1947 = arith.remsi %add3A_518, %jit3A_1930 : i32
          %ne3A_1948 = arith.constant 0 : i32
          %ne3A_1949 = arith.cmpi ne, %rem3A_1947, %ne3A_1948 : i32
          %and3A_1950 = arith.andi %ne3A_1946, %ne3A_1949 : i1
          %sub3A_1951 = arith.constant 1 : i32
          %sub3A_1952 = arith.subi %div3A_1931, %sub3A_1951 : i32
          %select_n3A_1953 = arith.select %and3A_1950, %sub3A_1952, %div3A_1931 : i32
          %mul3A_1954 = arith.constant 2000 : i32
          %mul3A_1955 = arith.muli %select_n3A_1953, %mul3A_1954 : i32
          %add3A_1956 = arith.addi %mul3A_1929, %mul3A_1955 : i32
          %multiple_of3A = tpu.assume_multiple %add3A_1956, 8 : i32
          "tpu.region"() ({
            %run_scoped3A = tpu.sem_alloc : memref<!tpu.dma_semaphore, #tpu.memory_space<semaphore_mem>>
            %dma_start3A_1957 = tpu.memref_slice %arg3[%multiple_of3A] : memref<160000xi32, #tpu.memory_space<hbm>> -> memref<2000xi32, #tpu.memory_space<hbm>>
            %dma_start3A_1958 = tpu.memref_slice %arg3[%multiple_of3A] : memref<160000xi32, #tpu.memory_space<hbm>> -> memref<2000xi32, #tpu.memory_space<hbm>>
            tpu.enqueue_dma source(%dma_start3A_1958 : memref<2000xi32, #tpu.memory_space<hbm>>) target(%arg8 : memref<2000xi32, #tpu.memory_space<vmem>>) target_semaphore(%run_scoped3A : memref<!tpu.dma_semaphore, #tpu.memory_space<semaphore_mem>>)
            %dma_wait3A_1959 = tpu.memref_slice %arg3[%multiple_of3A] : memref<160000xi32, #tpu.memory_space<hbm>> -> memref<2000xi32, #tpu.memory_space<hbm>>
            %dma_wait3A_1960 = tpu.memref_slice %arg3[%multiple_of3A] : memref<160000xi32, #tpu.memory_space<hbm>> -> memref<2000xi32, #tpu.memory_space<hbm>>
            tpu.wait_dma2 semaphore(%run_scoped3A : memref<!tpu.dma_semaphore, #tpu.memory_space<semaphore_mem>>) src(%dma_wait3A_1960 : memref<2000xi32, #tpu.memory_space<hbm>>) dst(%arg8 : memref<2000xi32, #tpu.memory_space<vmem>>)
            tpu.yield
          }) : () -> ()
          "tpu.region"() ({
            %run_scoped3A = tpu.sem_alloc : memref<!tpu.dma_semaphore, #tpu.memory_space<semaphore_mem>>
            %dma_start3A_1957 = tpu.memref_slice %arg4[%multiple_of3A] : memref<160000xi32, #tpu.memory_space<hbm>> -> memref<2000xi32, #tpu.memory_space<hbm>>
            %dma_start3A_1958 = tpu.memref_slice %arg4[%multiple_of3A] : memref<160000xi32, #tpu.memory_space<hbm>> -> memref<2000xi32, #tpu.memory_space<hbm>>
            tpu.enqueue_dma source(%dma_start3A_1958 : memref<2000xi32, #tpu.memory_space<hbm>>) target(%arg9 : memref<2000xi32, #tpu.memory_space<vmem>>) target_semaphore(%run_scoped3A : memref<!tpu.dma_semaphore, #tpu.memory_space<semaphore_mem>>)
            %dma_wait3A_1959 = tpu.memref_slice %arg4[%multiple_of3A] : memref<160000xi32, #tpu.memory_space<hbm>> -> memref<2000xi32, #tpu.memory_space<hbm>>
            %dma_wait3A_1960 = tpu.memref_slice %arg4[%multiple_of3A] : memref<160000xi32, #tpu.memory_space<hbm>> -> memref<2000xi32, #tpu.memory_space<hbm>>
            tpu.wait_dma2 semaphore(%run_scoped3A : memref<!tpu.dma_semaphore, #tpu.memory_space<semaphore_mem>>) src(%dma_wait3A_1960 : memref<2000xi32, #tpu.memory_space<hbm>>) dst(%arg9 : memref<2000xi32, #tpu.memory_space<vmem>>)
            tpu.yield
          }) : () -> ()
          "tpu.region"() ({
            %run_scoped3A = tpu.sem_alloc : memref<!tpu.dma_semaphore, #tpu.memory_space<semaphore_mem>>
            %dma_start3A_1957 = tpu.memref_slice %arg5[%multiple_of3A] : memref<160000xi32, #tpu.memory_space<hbm>> -> memref<2000xi32, #tpu.memory_space<hbm>>
            %dma_start3A_1958 = tpu.memref_slice %arg5[%multiple_of3A] : memref<160000xi32, #tpu.memory_space<hbm>> -> memref<2000xi32, #tpu.memory_space<hbm>>
            tpu.enqueue_dma source(%dma_start3A_1958 : memref<2000xi32, #tpu.memory_space<hbm>>) target(%arg10 : memref<2000xi32, #tpu.memory_space<vmem>>) target_semaphore(%run_scoped3A : memref<!tpu.dma_semaphore, #tpu.memory_space<semaphore_mem>>)
            %dma_wait3A_1959 = tpu.memref_slice %arg5[%multiple_of3A] : memref<160000xi32, #tpu.memory_space<hbm>> -> memref<2000xi32, #tpu.memory_space<hbm>>
            %dma_wait3A_1960 = tpu.memref_slice %arg5[%multiple_of3A] : memref<160000xi32, #tpu.memory_space<hbm>> -> memref<2000xi32, #tpu.memory_space<hbm>>
            tpu.wait_dma2 semaphore(%run_scoped3A : memref<!tpu.dma_semaphore, #tpu.memory_space<semaphore_mem>>) src(%dma_wait3A_1960 : memref<2000xi32, #tpu.memory_space<hbm>>) dst(%arg10 : memref<2000xi32, #tpu.memory_space<vmem>>)
            tpu.yield
          }) : () -> ()
        }
        %while3A_564 = arith.constant 1 : i32
        scf.for %while3A_1927 = %while3A_562 to %while3A_558 step %while3A_564  : i32 {
          %mul3A_1928 = arith.constant 10000 : i32
          %mul3A_1929 = arith.muli %arg1, %mul3A_1928 : i32
          %jit3A_1930 = arith.constant 25 : i32
          %div3A_1931 = arith.divsi %add3A_518, %jit3A_1930 : i32
          %sign3A_1932 = arith.constant 0 : i32
          %sign3A_1933 = arith.cmpi sgt, %add3A_518, %sign3A_1932 : i32
          %sign3A_1934 = arith.extui %sign3A_1933 : i1 to i32
          %sign3A_1935 = arith.constant 0 : i32
          %sign3A_1936 = arith.cmpi slt, %add3A_518, %sign3A_1935 : i32
          %sign3A_1937 = arith.extui %sign3A_1936 : i1 to i32
          %sign3A_1938 = arith.subi %sign3A_1934, %sign3A_1937 : i32
          %sign3A_1939 = arith.constant 0 : i32
          %sign3A_1940 = arith.cmpi sgt, %jit3A_1930, %sign3A_1939 : i32
          %sign3A_1941 = arith.extui %sign3A_1940 : i1 to i32
          %sign3A_1942 = arith.constant 0 : i32
          %sign3A_1943 = arith.cmpi slt, %jit3A_1930, %sign3A_1942 : i32
          %sign3A_1944 = arith.extui %sign3A_1943 : i1 to i32
          %sign3A_1945 = arith.subi %sign3A_1941, %sign3A_1944 : i32
          %ne3A_1946 = arith.cmpi ne, %sign3A_1938, %sign3A_1945 : i32
          %rem3A_1947 = arith.remsi %add3A_518, %jit3A_1930 : i32
          %ne3A_1948 = arith.constant 0 : i32
          %ne3A_1949 = arith.cmpi ne, %rem3A_1947, %ne3A_1948 : i32
          %and3A_1950 = arith.andi %ne3A_1946, %ne3A_1949 : i1
          %sub3A_1951 = arith.constant 1 : i32
          %sub3A_1952 = arith.subi %div3A_1931, %sub3A_1951 : i32
          %select_n3A_1953 = arith.select %and3A_1950, %sub3A_1952, %div3A_1931 : i32
          %mul3A_1954 = arith.constant 2000 : i32
          %mul3A_1955 = arith.muli %select_n3A_1953, %mul3A_1954 : i32
          %add3A_1956 = arith.addi %mul3A_1929, %mul3A_1955 : i32
          %multiple_of3A = tpu.assume_multiple %add3A_1956, 8 : i32
          "tpu.region"() ({
            %run_scoped3A = tpu.sem_alloc : memref<!tpu.dma_semaphore, #tpu.memory_space<semaphore_mem>>
            %dma_start3A_1957 = tpu.memref_slice %arg3[%multiple_of3A] : memref<160000xi32, #tpu.memory_space<hbm>> -> memref<2000xi32, #tpu.memory_space<hbm>>
            %dma_start3A_1958 = tpu.memref_slice %arg3[%multiple_of3A] : memref<160000xi32, #tpu.memory_space<hbm>> -> memref<2000xi32, #tpu.memory_space<hbm>>
            tpu.enqueue_dma source(%dma_start3A_1958 : memref<2000xi32, #tpu.memory_space<hbm>>) target(%arg8 : memref<2000xi32, #tpu.memory_space<vmem>>) target_semaphore(%run_scoped3A : memref<!tpu.dma_semaphore, #tpu.memory_space<semaphore_mem>>)
            %dma_wait3A_1959 = tpu.memref_slice %arg3[%multiple_of3A] : memref<160000xi32, #tpu.memory_space<hbm>> -> memref<2000xi32, #tpu.memory_space<hbm>>
            %dma_wait3A_1960 = tpu.memref_slice %arg3[%multiple_of3A] : memref<160000xi32, #tpu.memory_space<hbm>> -> memref<2000xi32, #tpu.memory_space<hbm>>
            tpu.wait_dma2 semaphore(%run_scoped3A : memref<!tpu.dma_semaphore, #tpu.memory_space<semaphore_mem>>) src(%dma_wait3A_1960 : memref<2000xi32, #tpu.memory_space<hbm>>) dst(%arg8 : memref<2000xi32, #tpu.memory_space<vmem>>)
            tpu.yield
          }) : () -> ()
          "tpu.region"() ({
            %run_scoped3A = tpu.sem_alloc : memref<!tpu.dma_semaphore, #tpu.memory_space<semaphore_mem>>
            %dma_start3A_1957 = tpu.memref_slice %arg4[%multiple_of3A] : memref<160000xi32, #tpu.memory_space<hbm>> -> memref<2000xi32, #tpu.memory_space<hbm>>
            %dma_start3A_1958 = tpu.memref_slice %arg4[%multiple_of3A] : memref<160000xi32, #tpu.memory_space<hbm>> -> memref<2000xi32, #tpu.memory_space<hbm>>
            tpu.enqueue_dma source(%dma_start3A_1958 : memref<2000xi32, #tpu.memory_space<hbm>>) target(%arg9 : memref<2000xi32, #tpu.memory_space<vmem>>) target_semaphore(%run_scoped3A : memref<!tpu.dma_semaphore, #tpu.memory_space<semaphore_mem>>)
            %dma_wait3A_1959 = tpu.memref_slice %arg4[%multiple_of3A] : memref<160000xi32, #tpu.memory_space<hbm>> -> memref<2000xi32, #tpu.memory_space<hbm>>
            %dma_wait3A_1960 = tpu.memref_slice %arg4[%multiple_of3A] : memref<160000xi32, #tpu.memory_space<hbm>> -> memref<2000xi32, #tpu.memory_space<hbm>>
            tpu.wait_dma2 semaphore(%run_scoped3A : memref<!tpu.dma_semaphore, #tpu.memory_space<semaphore_mem>>) src(%dma_wait3A_1960 : memref<2000xi32, #tpu.memory_space<hbm>>) dst(%arg9 : memref<2000xi32, #tpu.memory_space<vmem>>)
            tpu.yield
          }) : () -> ()
          "tpu.region"() ({
            %run_scoped3A = tpu.sem_alloc : memref<!tpu.dma_semaphore, #tpu.memory_space<semaphore_mem>>
            %dma_start3A_1957 = tpu.memref_slice %arg5[%multiple_of3A] : memref<160000xi32, #tpu.memory_space<hbm>> -> memref<2000xi32, #tpu.memory_space<hbm>>
            %dma_start3A_1958 = tpu.memref_slice %arg5[%multiple_of3A] : memref<160000xi32, #tpu.memory_space<hbm>> -> memref<2000xi32, #tpu.memory_space<hbm>>
            tpu.enqueue_dma source(%dma_start3A_1958 : memref<2000xi32, #tpu.memory_space<hbm>>) target(%arg10 : memref<2000xi32, #tpu.memory_space<vmem>>) target_semaphore(%run_scoped3A : memref<!tpu.dma_semaphore, #tpu.memory_space<semaphore_mem>>)
            %dma_wait3A_1959 = tpu.memref_slice %arg5[%multiple_of3A] : memref<160000xi32, #tpu.memory_space<hbm>> -> memref<2000xi32, #tpu.memory_space<hbm>>
            %dma_wait3A_1960 = tpu.memref_slice %arg5[%multiple_of3A] : memref<160000xi32, #tpu.memory_space<hbm>> -> memref<2000xi32, #tpu.memory_space<hbm>>
            tpu.wait_dma2 semaphore(%run_scoped3A : memref<!tpu.dma_semaphore, #tpu.memory_space<semaphore_mem>>) src(%dma_wait3A_1960 : memref<2000xi32, #tpu.memory_space<hbm>>) dst(%arg10 : memref<2000xi32, #tpu.memory_space<vmem>>)
            tpu.yield
          }) : () -> ()
        }
        %jit3A_565 = arith.constant 25 : i32
        %eq3A_566 = arith.constant 0 : i32
        %eq3A_567 = arith.cmpi eq, %jit3A_565, %eq3A_566 : i32
        %jit3A_568 = arith.constant 1 : i32
        %select_n3A_569 = arith.select %eq3A_567, %jit3A_568, %jit3A_565 : i32
        %rem3A_570 = arith.remsi %add3A_518, %select_n3A_569 : i32
        %ne3A_571 = arith.constant 0 : i32
        %ne3A_572 = arith.cmpi ne, %rem3A_570, %ne3A_571 : i32
        %lt3A_573 = arith.constant 0 : i32
        %lt3A_574 = arith.cmpi slt, %rem3A_570, %lt3A_573 : i32
        %lt3A_575 = arith.constant 0 : i32
        %lt3A_576 = arith.cmpi slt, %select_n3A_569, %lt3A_575 : i32
        %ne3A_577 = arith.xori %lt3A_574, %lt3A_576 : i1
        %and3A_578 = arith.andi %ne3A_577, %ne3A_572 : i1
        %add3A_579 = arith.addi %rem3A_570, %select_n3A_569 : i32
        %select_n3A_580 = arith.select %and3A_578, %add3A_579, %rem3A_570 : i32
        %mul3A_581 = arith.constant 80 : i32
        %mul3A_582 = arith.muli %select_n3A_580, %mul3A_581 : i32
        %add3A_583 = arith.constant 0 : i32
        %add3A_584 = arith.addi %mul3A_582, %add3A_583 : i32
        %get3A_585 = arith.index_cast %add3A_584 : i32 to index
        %get3A_586 = tpu.vector_load %arg9[%get3A_585] {strides = array<i32>} : memref<2000xi32, #tpu.memory_space<vmem>>, vector<16xi32>,
        %get3A_587 = vector.shape_cast %get3A_586 : vector<16xi32> to vector<16xi32>
        %add3A_588 = arith.constant 0 : i32
        %add3A_589 = arith.addi %mul3A_582, %add3A_588 : i32
        %get3A_590 = arith.index_cast %add3A_589 : i32 to index
        %get3A_591 = tpu.vector_load %arg10[%get3A_590] {strides = array<i32>} : memref<2000xi32, #tpu.memory_space<vmem>>, vector<16xi32>,
        %get3A_592 = vector.shape_cast %get3A_591 : vector<16xi32> to vector<16xi32>
        %ge3A_593 = vector.broadcast %mul3A_0 : i32 to vector<16xi32>
        %ge3A_594 = arith.cmpi sge, %get3A_587, %ge3A_593 : vector<16xi32>
        %add3A_595 = arith.constant 5000 : i32
        %add3A_596 = arith.addi %mul3A_0, %add3A_595 : i32
        %lt3A_597 = vector.broadcast %add3A_596 : i32 to vector<16xi32>
        %lt3A_598 = arith.cmpi slt, %get3A_587, %lt3A_597 : vector<16xi32>
        %and3A_599 = arith.andi %ge3A_594, %lt3A_598 : vector<16xi1>
        %mul3A_600 = arith.constant 5000 : i32
        %mul3A_601 = vector.broadcast %mul3A_600 : i32 to vector<16xi32>
        %mul3A_602 = arith.muli %get3A_592, %mul3A_601 : vector<16xi32>
        %sub3A_603 = vector.broadcast %mul3A_0 : i32 to vector<16xi32>
        %sub3A_604 = arith.subi %get3A_587, %sub3A_603 : vector<16xi32>
        %add3A_605 = arith.addi %mul3A_602, %sub3A_604 : vector<16xi32>
        %and3A_606 = arith.constant 63 : i32
        %and3A_607 = vector.broadcast %and3A_606 : i32 to vector<16xi32>
        %and3A_608 = arith.andi %get3A_587, %and3A_607 : vector<16xi32>
        %add3A_609 = arith.constant 10000 : i32
        %add3A_610 = vector.broadcast %add3A_609 : i32 to vector<16xi32>
        %add3A_611 = arith.addi %add3A_610, %and3A_608 : vector<16xi32>
        %select_n3A_612 = arith.select %and3A_599, %add3A_605, %add3A_611 : vector<16xi1>, vector<16xi32>
        %swap3A_613 = arith.constant 0 : index
        %swap3A_614 = tpu.vector_load %arg19[%swap3A_613] {strides = array<i32>} : memref<80xi32, #tpu.memory_space<vmem>>, vector<16xi32>,
        %swap3A_615 = vector.shape_cast %swap3A_614 : vector<16xi32> to vector<16xi32>
        %swap3A_616 = vector.shape_cast %select_n3A_612 : vector<16xi32> to vector<16xi32>
        tpu.vector_store %arg19[%swap3A_613], %swap3A_616 {strides = array<i32>} : memref<80xi32, #tpu.memory_space<vmem>>, vector<16xi32>,
        %add3A_617 = arith.constant 0 : i32
        %add3A_618 = arith.addi %mul3A_582, %add3A_617 : i32
        %get3A_619 = arith.index_cast %add3A_618 : i32 to index
        %get3A_620 = tpu.vector_load %arg8[%get3A_619] {strides = array<i32>} : memref<2000xi32, #tpu.memory_space<vmem>>, vector<16xi32>,
        %get3A_621 = vector.shape_cast %get3A_620 : vector<16xi32> to vector<16xi32>
        %add3A_622 = arith.constant 1 : i32
        %add3A_623 = vector.broadcast %add3A_622 : i32 to vector<16xi32>
        %add3A_624 = arith.addi %get3A_592, %add3A_623 : vector<16xi32>
        %mul3A_625 = arith.constant 10000 : i32
        %mul3A_626 = vector.broadcast %mul3A_625 : i32 to vector<16xi32>
        %mul3A_627 = arith.muli %add3A_624, %mul3A_626 : vector<16xi32>
        %add3A_628 = arith.addi %mul3A_627, %get3A_621 : vector<16xi32>
        %add3A_629 = vector.broadcast %mul3A_129 : i32 to vector<16xi32>
        %add3A_630 = arith.addi %add3A_628, %add3A_629 : vector<16xi32>
        %swap3A_631 = arith.constant 0 : index
        %swap3A_632 = tpu.vector_load %arg15[%swap3A_631] {strides = array<i32>} : memref<80xi32, #tpu.memory_space<vmem>>, vector<16xi32>,
        %swap3A_633 = vector.shape_cast %swap3A_632 : vector<16xi32> to vector<16xi32>
        %swap3A_634 = vector.shape_cast %add3A_630 : vector<16xi32> to vector<16xi32>
        tpu.vector_store %arg15[%swap3A_631], %swap3A_634 {strides = array<i32>} : memref<80xi32, #tpu.memory_space<vmem>>, vector<16xi32>,
        %add3A_635 = arith.constant 16 : i32
        %add3A_636 = arith.addi %mul3A_582, %add3A_635 : i32
        %get3A_637 = arith.index_cast %add3A_636 : i32 to index
        %get3A_638 = tpu.vector_load %arg9[%get3A_637] {strides = array<i32>} : memref<2000xi32, #tpu.memory_space<vmem>>, vector<16xi32>,
        %get3A_639 = vector.shape_cast %get3A_638 : vector<16xi32> to vector<16xi32>
        %add3A_640 = arith.constant 16 : i32
        %add3A_641 = arith.addi %mul3A_582, %add3A_640 : i32
        %get3A_642 = arith.index_cast %add3A_641 : i32 to index
        %get3A_643 = tpu.vector_load %arg10[%get3A_642] {strides = array<i32>} : memref<2000xi32, #tpu.memory_space<vmem>>, vector<16xi32>,
        %get3A_644 = vector.shape_cast %get3A_643 : vector<16xi32> to vector<16xi32>
        %ge3A_645 = vector.broadcast %mul3A_0 : i32 to vector<16xi32>
        %ge3A_646 = arith.cmpi sge, %get3A_639, %ge3A_645 : vector<16xi32>
        %add3A_647 = arith.constant 5000 : i32
        %add3A_648 = arith.addi %mul3A_0, %add3A_647 : i32
        %lt3A_649 = vector.broadcast %add3A_648 : i32 to vector<16xi32>
        %lt3A_650 = arith.cmpi slt, %get3A_639, %lt3A_649 : vector<16xi32>
        %and3A_651 = arith.andi %ge3A_646, %lt3A_650 : vector<16xi1>
        %mul3A_652 = arith.constant 5000 : i32
        %mul3A_653 = vector.broadcast %mul3A_652 : i32 to vector<16xi32>
        %mul3A_654 = arith.muli %get3A_644, %mul3A_653 : vector<16xi32>
        %sub3A_655 = vector.broadcast %mul3A_0 : i32 to vector<16xi32>
        %sub3A_656 = arith.subi %get3A_639, %sub3A_655 : vector<16xi32>
        %add3A_657 = arith.addi %mul3A_654, %sub3A_656 : vector<16xi32>
        %and3A_658 = arith.constant 63 : i32
        %and3A_659 = vector.broadcast %and3A_658 : i32 to vector<16xi32>
        %and3A_660 = arith.andi %get3A_639, %and3A_659 : vector<16xi32>
        %add3A_661 = arith.constant 10000 : i32
        %add3A_662 = vector.broadcast %add3A_661 : i32 to vector<16xi32>
        %add3A_663 = arith.addi %add3A_662, %and3A_660 : vector<16xi32>
        %select_n3A_664 = arith.select %and3A_651, %add3A_657, %add3A_663 : vector<16xi1>, vector<16xi32>
        %swap3A_665 = arith.constant 16 : index
        %swap3A_666 = tpu.vector_load %arg19[%swap3A_665] {strides = array<i32>} : memref<80xi32, #tpu.memory_space<vmem>>, vector<16xi32>,
        %swap3A_667 = vector.shape_cast %swap3A_666 : vector<16xi32> to vector<16xi32>
        %swap3A_668 = vector.shape_cast %select_n3A_664 : vector<16xi32> to vector<16xi32>
        tpu.vector_store %arg19[%swap3A_665], %swap3A_668 {strides = array<i32>} : memref<80xi32, #tpu.memory_space<vmem>>, vector<16xi32>,
        %add3A_669 = arith.constant 16 : i32
        %add3A_670 = arith.addi %mul3A_582, %add3A_669 : i32
        %get3A_671 = arith.index_cast %add3A_670 : i32 to index
        %get3A_672 = tpu.vector_load %arg8[%get3A_671] {strides = array<i32>} : memref<2000xi32, #tpu.memory_space<vmem>>, vector<16xi32>,
        %get3A_673 = vector.shape_cast %get3A_672 : vector<16xi32> to vector<16xi32>
        %add3A_674 = arith.constant 1 : i32
        %add3A_675 = vector.broadcast %add3A_674 : i32 to vector<16xi32>
        %add3A_676 = arith.addi %get3A_644, %add3A_675 : vector<16xi32>
        %mul3A_677 = arith.constant 10000 : i32
        %mul3A_678 = vector.broadcast %mul3A_677 : i32 to vector<16xi32>
        %mul3A_679 = arith.muli %add3A_676, %mul3A_678 : vector<16xi32>
        %add3A_680 = arith.addi %mul3A_679, %get3A_673 : vector<16xi32>
        %add3A_681 = vector.broadcast %mul3A_129 : i32 to vector<16xi32>
        %add3A_682 = arith.addi %add3A_680, %add3A_681 : vector<16xi32>
        %swap3A_683 = arith.constant 16 : index
        %swap3A_684 = tpu.vector_load %arg15[%swap3A_683] {strides = array<i32>} : memref<80xi32, #tpu.memory_space<vmem>>, vector<16xi32>,
        %swap3A_685 = vector.shape_cast %swap3A_684 : vector<16xi32> to vector<16xi32>
        %swap3A_686 = vector.shape_cast %add3A_682 : vector<16xi32> to vector<16xi32>
        tpu.vector_store %arg15[%swap3A_683], %swap3A_686 {strides = array<i32>} : memref<80xi32, #tpu.memory_space<vmem>>, vector<16xi32>,
        %add3A_687 = arith.constant 32 : i32
        %add3A_688 = arith.addi %mul3A_582, %add3A_687 : i32
        %get3A_689 = arith.index_cast %add3A_688 : i32 to index
        %get3A_690 = tpu.vector_load %arg9[%get3A_689] {strides = array<i32>} : memref<2000xi32, #tpu.memory_space<vmem>>, vector<16xi32>,
        %get3A_691 = vector.shape_cast %get3A_690 : vector<16xi32> to vector<16xi32>
        %add3A_692 = arith.constant 32 : i32
        %add3A_693 = arith.addi %mul3A_582, %add3A_692 : i32
        %get3A_694 = arith.index_cast %add3A_693 : i32 to index
        %get3A_695 = tpu.vector_load %arg10[%get3A_694] {strides = array<i32>} : memref<2000xi32, #tpu.memory_space<vmem>>, vector<16xi32>,
        %get3A_696 = vector.shape_cast %get3A_695 : vector<16xi32> to vector<16xi32>
        %ge3A_697 = vector.broadcast %mul3A_0 : i32 to vector<16xi32>
        %ge3A_698 = arith.cmpi sge, %get3A_691, %ge3A_697 : vector<16xi32>
        %add3A_699 = arith.constant 5000 : i32
        %add3A_700 = arith.addi %mul3A_0, %add3A_699 : i32
        %lt3A_701 = vector.broadcast %add3A_700 : i32 to vector<16xi32>
        %lt3A_702 = arith.cmpi slt, %get3A_691, %lt3A_701 : vector<16xi32>
        %and3A_703 = arith.andi %ge3A_698, %lt3A_702 : vector<16xi1>
        %mul3A_704 = arith.constant 5000 : i32
        %mul3A_705 = vector.broadcast %mul3A_704 : i32 to vector<16xi32>
        %mul3A_706 = arith.muli %get3A_696, %mul3A_705 : vector<16xi32>
        %sub3A_707 = vector.broadcast %mul3A_0 : i32 to vector<16xi32>
        %sub3A_708 = arith.subi %get3A_691, %sub3A_707 : vector<16xi32>
        %add3A_709 = arith.addi %mul3A_706, %sub3A_708 : vector<16xi32>
        %and3A_710 = arith.constant 63 : i32
        %and3A_711 = vector.broadcast %and3A_710 : i32 to vector<16xi32>
        %and3A_712 = arith.andi %get3A_691, %and3A_711 : vector<16xi32>
        %add3A_713 = arith.constant 10000 : i32
        %add3A_714 = vector.broadcast %add3A_713 : i32 to vector<16xi32>
        %add3A_715 = arith.addi %add3A_714, %and3A_712 : vector<16xi32>
        %select_n3A_716 = arith.select %and3A_703, %add3A_709, %add3A_715 : vector<16xi1>, vector<16xi32>
        %swap3A_717 = arith.constant 32 : index
        %swap3A_718 = tpu.vector_load %arg19[%swap3A_717] {strides = array<i32>} : memref<80xi32, #tpu.memory_space<vmem>>, vector<16xi32>,
        %swap3A_719 = vector.shape_cast %swap3A_718 : vector<16xi32> to vector<16xi32>
        %swap3A_720 = vector.shape_cast %select_n3A_716 : vector<16xi32> to vector<16xi32>
        tpu.vector_store %arg19[%swap3A_717], %swap3A_720 {strides = array<i32>} : memref<80xi32, #tpu.memory_space<vmem>>, vector<16xi32>,
        %add3A_721 = arith.constant 32 : i32
        %add3A_722 = arith.addi %mul3A_582, %add3A_721 : i32
        %get3A_723 = arith.index_cast %add3A_722 : i32 to index
        %get3A_724 = tpu.vector_load %arg8[%get3A_723] {strides = array<i32>} : memref<2000xi32, #tpu.memory_space<vmem>>, vector<16xi32>,
        %get3A_725 = vector.shape_cast %get3A_724 : vector<16xi32> to vector<16xi32>
        %add3A_726 = arith.constant 1 : i32
        %add3A_727 = vector.broadcast %add3A_726 : i32 to vector<16xi32>
        %add3A_728 = arith.addi %get3A_696, %add3A_727 : vector<16xi32>
        %mul3A_729 = arith.constant 10000 : i32
        %mul3A_730 = vector.broadcast %mul3A_729 : i32 to vector<16xi32>
        %mul3A_731 = arith.muli %add3A_728, %mul3A_730 : vector<16xi32>
        %add3A_732 = arith.addi %mul3A_731, %get3A_725 : vector<16xi32>
        %add3A_733 = vector.broadcast %mul3A_129 : i32 to vector<16xi32>
        %add3A_734 = arith.addi %add3A_732, %add3A_733 : vector<16xi32>
        %swap3A_735 = arith.constant 32 : index
        %swap3A_736 = tpu.vector_load %arg15[%swap3A_735] {strides = array<i32>} : memref<80xi32, #tpu.memory_space<vmem>>, vector<16xi32>,
        %swap3A_737 = vector.shape_cast %swap3A_736 : vector<16xi32> to vector<16xi32>
        %swap3A_738 = vector.shape_cast %add3A_734 : vector<16xi32> to vector<16xi32>
        tpu.vector_store %arg15[%swap3A_735], %swap3A_738 {strides = array<i32>} : memref<80xi32, #tpu.memory_space<vmem>>, vector<16xi32>,
        %add3A_739 = arith.constant 48 : i32
        %add3A_740 = arith.addi %mul3A_582, %add3A_739 : i32
        %get3A_741 = arith.index_cast %add3A_740 : i32 to index
        %get3A_742 = tpu.vector_load %arg9[%get3A_741] {strides = array<i32>} : memref<2000xi32, #tpu.memory_space<vmem>>, vector<16xi32>,
        %get3A_743 = vector.shape_cast %get3A_742 : vector<16xi32> to vector<16xi32>
        %add3A_744 = arith.constant 48 : i32
        %add3A_745 = arith.addi %mul3A_582, %add3A_744 : i32
        %get3A_746 = arith.index_cast %add3A_745 : i32 to index
        %get3A_747 = tpu.vector_load %arg10[%get3A_746] {strides = array<i32>} : memref<2000xi32, #tpu.memory_space<vmem>>, vector<16xi32>,
        %get3A_748 = vector.shape_cast %get3A_747 : vector<16xi32> to vector<16xi32>
        %ge3A_749 = vector.broadcast %mul3A_0 : i32 to vector<16xi32>
        %ge3A_750 = arith.cmpi sge, %get3A_743, %ge3A_749 : vector<16xi32>
        %add3A_751 = arith.constant 5000 : i32
        %add3A_752 = arith.addi %mul3A_0, %add3A_751 : i32
        %lt3A_753 = vector.broadcast %add3A_752 : i32 to vector<16xi32>
        %lt3A_754 = arith.cmpi slt, %get3A_743, %lt3A_753 : vector<16xi32>
        %and3A_755 = arith.andi %ge3A_750, %lt3A_754 : vector<16xi1>
        %mul3A_756 = arith.constant 5000 : i32
        %mul3A_757 = vector.broadcast %mul3A_756 : i32 to vector<16xi32>
        %mul3A_758 = arith.muli %get3A_748, %mul3A_757 : vector<16xi32>
        %sub3A_759 = vector.broadcast %mul3A_0 : i32 to vector<16xi32>
        %sub3A_760 = arith.subi %get3A_743, %sub3A_759 : vector<16xi32>
        %add3A_761 = arith.addi %mul3A_758, %sub3A_760 : vector<16xi32>
        %and3A_762 = arith.constant 63 : i32
        %and3A_763 = vector.broadcast %and3A_762 : i32 to vector<16xi32>
        %and3A_764 = arith.andi %get3A_743, %and3A_763 : vector<16xi32>
        %add3A_765 = arith.constant 10000 : i32
        %add3A_766 = vector.broadcast %add3A_765 : i32 to vector<16xi32>
        %add3A_767 = arith.addi %add3A_766, %and3A_764 : vector<16xi32>
        %select_n3A_768 = arith.select %and3A_755, %add3A_761, %add3A_767 : vector<16xi1>, vector<16xi32>
        %swap3A_769 = arith.constant 48 : index
        %swap3A_770 = tpu.vector_load %arg19[%swap3A_769] {strides = array<i32>} : memref<80xi32, #tpu.memory_space<vmem>>, vector<16xi32>,
        %swap3A_771 = vector.shape_cast %swap3A_770 : vector<16xi32> to vector<16xi32>
        %swap3A_772 = vector.shape_cast %select_n3A_768 : vector<16xi32> to vector<16xi32>
        tpu.vector_store %arg19[%swap3A_769], %swap3A_772 {strides = array<i32>} : memref<80xi32, #tpu.memory_space<vmem>>, vector<16xi32>,
        %add3A_773 = arith.constant 48 : i32
        %add3A_774 = arith.addi %mul3A_582, %add3A_773 : i32
        %get3A_775 = arith.index_cast %add3A_774 : i32 to index
        %get3A_776 = tpu.vector_load %arg8[%get3A_775] {strides = array<i32>} : memref<2000xi32, #tpu.memory_space<vmem>>, vector<16xi32>,
        %get3A_777 = vector.shape_cast %get3A_776 : vector<16xi32> to vector<16xi32>
        %add3A_778 = arith.constant 1 : i32
        %add3A_779 = vector.broadcast %add3A_778 : i32 to vector<16xi32>
        %add3A_780 = arith.addi %get3A_748, %add3A_779 : vector<16xi32>
        %mul3A_781 = arith.constant 10000 : i32
        %mul3A_782 = vector.broadcast %mul3A_781 : i32 to vector<16xi32>
        %mul3A_783 = arith.muli %add3A_780, %mul3A_782 : vector<16xi32>
        %add3A_784 = arith.addi %mul3A_783, %get3A_777 : vector<16xi32>
        %add3A_785 = vector.broadcast %mul3A_129 : i32 to vector<16xi32>
        %add3A_786 = arith.addi %add3A_784, %add3A_785 : vector<16xi32>
        %swap3A_787 = arith.constant 48 : index
        %swap3A_788 = tpu.vector_load %arg15[%swap3A_787] {strides = array<i32>} : memref<80xi32, #tpu.memory_space<vmem>>, vector<16xi32>,
        %swap3A_789 = vector.shape_cast %swap3A_788 : vector<16xi32> to vector<16xi32>
        %swap3A_790 = vector.shape_cast %add3A_786 : vector<16xi32> to vector<16xi32>
        tpu.vector_store %arg15[%swap3A_787], %swap3A_790 {strides = array<i32>} : memref<80xi32, #tpu.memory_space<vmem>>, vector<16xi32>,
        %add3A_791 = arith.constant 64 : i32
        %add3A_792 = arith.addi %mul3A_582, %add3A_791 : i32
        %get3A_793 = arith.index_cast %add3A_792 : i32 to index
        %get3A_794 = tpu.vector_load %arg9[%get3A_793] {strides = array<i32>} : memref<2000xi32, #tpu.memory_space<vmem>>, vector<16xi32>,
        %get3A_795 = vector.shape_cast %get3A_794 : vector<16xi32> to vector<16xi32>
        %add3A_796 = arith.constant 64 : i32
        %add3A_797 = arith.addi %mul3A_582, %add3A_796 : i32
        %get3A_798 = arith.index_cast %add3A_797 : i32 to index
        %get3A_799 = tpu.vector_load %arg10[%get3A_798] {strides = array<i32>} : memref<2000xi32, #tpu.memory_space<vmem>>, vector<16xi32>,
        %get3A_800 = vector.shape_cast %get3A_799 : vector<16xi32> to vector<16xi32>
        %ge3A_801 = vector.broadcast %mul3A_0 : i32 to vector<16xi32>
        %ge3A_802 = arith.cmpi sge, %get3A_795, %ge3A_801 : vector<16xi32>
        %add3A_803 = arith.constant 5000 : i32
        %add3A_804 = arith.addi %mul3A_0, %add3A_803 : i32
        %lt3A_805 = vector.broadcast %add3A_804 : i32 to vector<16xi32>
        %lt3A_806 = arith.cmpi slt, %get3A_795, %lt3A_805 : vector<16xi32>
        %and3A_807 = arith.andi %ge3A_802, %lt3A_806 : vector<16xi1>
        %mul3A_808 = arith.constant 5000 : i32
        %mul3A_809 = vector.broadcast %mul3A_808 : i32 to vector<16xi32>
        %mul3A_810 = arith.muli %get3A_800, %mul3A_809 : vector<16xi32>
        %sub3A_811 = vector.broadcast %mul3A_0 : i32 to vector<16xi32>
        %sub3A_812 = arith.subi %get3A_795, %sub3A_811 : vector<16xi32>
        %add3A_813 = arith.addi %mul3A_810, %sub3A_812 : vector<16xi32>
        %and3A_814 = arith.constant 63 : i32
        %and3A_815 = vector.broadcast %and3A_814 : i32 to vector<16xi32>
        %and3A_816 = arith.andi %get3A_795, %and3A_815 : vector<16xi32>
        %add3A_817 = arith.constant 10000 : i32
        %add3A_818 = vector.broadcast %add3A_817 : i32 to vector<16xi32>
        %add3A_819 = arith.addi %add3A_818, %and3A_816 : vector<16xi32>
        %select_n3A_820 = arith.select %and3A_807, %add3A_813, %add3A_819 : vector<16xi1>, vector<16xi32>
        %swap3A_821 = arith.constant 64 : index
        %swap3A_822 = tpu.vector_load %arg19[%swap3A_821] {strides = array<i32>} : memref<80xi32, #tpu.memory_space<vmem>>, vector<16xi32>,
        %swap3A_823 = vector.shape_cast %swap3A_822 : vector<16xi32> to vector<16xi32>
        %swap3A_824 = vector.shape_cast %select_n3A_820 : vector<16xi32> to vector<16xi32>
        tpu.vector_store %arg19[%swap3A_821], %swap3A_824 {strides = array<i32>} : memref<80xi32, #tpu.memory_space<vmem>>, vector<16xi32>,
        %add3A_825 = arith.constant 64 : i32
        %add3A_826 = arith.addi %mul3A_582, %add3A_825 : i32
        %get3A_827 = arith.index_cast %add3A_826 : i32 to index
        %get3A_828 = tpu.vector_load %arg8[%get3A_827] {strides = array<i32>} : memref<2000xi32, #tpu.memory_space<vmem>>, vector<16xi32>,
        %get3A_829 = vector.shape_cast %get3A_828 : vector<16xi32> to vector<16xi32>
        %add3A_830 = arith.constant 1 : i32
        %add3A_831 = vector.broadcast %add3A_830 : i32 to vector<16xi32>
        %add3A_832 = arith.addi %get3A_800, %add3A_831 : vector<16xi32>
        %mul3A_833 = arith.constant 10000 : i32
        %mul3A_834 = vector.broadcast %mul3A_833 : i32 to vector<16xi32>
        %mul3A_835 = arith.muli %add3A_832, %mul3A_834 : vector<16xi32>
        %add3A_836 = arith.addi %mul3A_835, %get3A_829 : vector<16xi32>
        %add3A_837 = vector.broadcast %mul3A_129 : i32 to vector<16xi32>
        %add3A_838 = arith.addi %add3A_836, %add3A_837 : vector<16xi32>
        %swap3A_839 = arith.constant 64 : index
        %swap3A_840 = tpu.vector_load %arg15[%swap3A_839] {strides = array<i32>} : memref<80xi32, #tpu.memory_space<vmem>>, vector<16xi32>,
        %swap3A_841 = vector.shape_cast %swap3A_840 : vector<16xi32> to vector<16xi32>
        %swap3A_842 = vector.shape_cast %add3A_838 : vector<16xi32> to vector<16xi32>
        tpu.vector_store %arg15[%swap3A_839], %swap3A_842 {strides = array<i32>} : memref<80xi32, #tpu.memory_space<vmem>>, vector<16xi32>,
        %while3A_843 = arith.constant 0 : i32
        %while3A_844 = arith.constant 0 : i32
        %while3A_845 = arith.subi %select_n3A_134, %while3A_844 : i32
        %while3A_846 = arith.addi %while3A_844, %while3A_845 : i32
        %while3A_847 = arith.constant 1 : i32
        %while3A_848 = arith.divsi %while3A_845, %while3A_847 : i32
        %while3A_849 = arith.muli %while3A_848, %while3A_847 : i32
        %while3A_850 = arith.addi %while3A_844, %while3A_849 : i32
        %while3A_851 = arith.constant 1 : i32
        scf.for %while3A_1927 = %while3A_844 to %while3A_850 step %while3A_851  : i32 {
          %dma_start3A_1928 = arith.constant 0 : i32
          %dma_start3A_1929 = arith.constant 0 : i32
          %dma_start3A_1930 = tpu.memref_slice %arg2[%dma_start3A_1928, %dma_start3A_1929] : memref<60000x128xf32, #tpu.memory_space<hbm>> -> memref<60000x128xf32, #tpu.memory_space<hbm>>
          tpu.enqueue_indirect_dma source(%dma_start3A_1930 : memref<60000x128xf32, #tpu.memory_space<hbm>>) target(%arg11 : memref<80x128xf32, #tpu.memory_space<vmem>>) offsets(%arg15 : memref<80xi32, #tpu.memory_space<vmem>>) semaphore(%arg23 : memref<!tpu.dma_semaphore, #tpu.memory_space<semaphore_mem>>)
        }
        %while3A_852 = arith.constant 1 : i32
        scf.for %while3A_1927 = %while3A_850 to %while3A_846 step %while3A_852  : i32 {
          %dma_start3A_1928 = arith.constant 0 : i32
          %dma_start3A_1929 = arith.constant 0 : i32
          %dma_start3A_1930 = tpu.memref_slice %arg2[%dma_start3A_1928, %dma_start3A_1929] : memref<60000x128xf32, #tpu.memory_space<hbm>> -> memref<60000x128xf32, #tpu.memory_space<hbm>>
          tpu.enqueue_indirect_dma source(%dma_start3A_1930 : memref<60000x128xf32, #tpu.memory_space<hbm>>) target(%arg11 : memref<80x128xf32, #tpu.memory_space<vmem>>) offsets(%arg15 : memref<80xi32, #tpu.memory_space<vmem>>) semaphore(%arg23 : memref<!tpu.dma_semaphore, #tpu.memory_space<semaphore_mem>>)
        }
        %ge3A_853 = arith.constant 3 : i32
        %ge3A_854 = arith.cmpi sge, %add3A_518, %ge3A_853 : i32
        %jit3A_855 = arith.constant 1 : i32
        %jit3A_856 = arith.constant 0 : i32
        %select_n3A_857 = arith.select %ge3A_854, %jit3A_855, %jit3A_856 : i32
        %while3A_858 = arith.constant 0 : i32
        %while3A_859 = arith.constant 0 : i32
        %while3A_860 = arith.subi %select_n3A_857, %while3A_859 : i32
        %while3A_861 = arith.addi %while3A_859, %while3A_860 : i32
        %while3A_862 = arith.constant 1 : i32
        %while3A_863 = arith.divsi %while3A_860, %while3A_862 : i32
        %while3A_864 = arith.muli %while3A_863, %while3A_862 : i32
        %while3A_865 = arith.addi %while3A_859, %while3A_864 : i32
        %while3A_866 = arith.constant 1 : i32
        scf.for %while3A_1927 = %while3A_859 to %while3A_865 step %while3A_866  : i32 {
          %sub3A_1928 = arith.constant 3 : i32
          %sub3A_1929 = arith.subi %add3A_518, %sub3A_1928 : i32
          %while3A_1930 = arith.constant 0 : i32
          %while3A_1931 = arith.constant 0 : i32
          %while3A_1932 = arith.subi %select_n3A_134, %while3A_1931 : i32
          %while3A_1933 = arith.addi %while3A_1931, %while3A_1932 : i32
          %while3A_1934 = arith.constant 1 : i32
          %while3A_1935 = arith.divsi %while3A_1932, %while3A_1934 : i32
          %while3A_1936 = arith.muli %while3A_1935, %while3A_1934 : i32
          %while3A_1937 = arith.addi %while3A_1931, %while3A_1936 : i32
          %while3A_1938 = arith.constant 1 : i32
          scf.for %while3A_1943 = %while3A_1931 to %while3A_1937 step %while3A_1938  : i32 {
            %dma_wait3A_1944 = arith.constant 0 : i32
            %dma_wait3A_1945 = arith.constant 0 : i32
            %dma_wait3A_1946 = tpu.memref_slice %arg2[%dma_wait3A_1944, %dma_wait3A_1945] : memref<60000x128xf32, #tpu.memory_space<hbm>> -> memref<60000x128xf32, #tpu.memory_space<hbm>>
            tpu.wait_indirect_dma semaphore(%arg24 : memref<!tpu.dma_semaphore, #tpu.memory_space<semaphore_mem>>) src(%dma_wait3A_1946 : memref<60000x128xf32, #tpu.memory_space<hbm>>) dst(%arg12 : memref<80x128xf32, #tpu.memory_space<vmem>>)
          }
          %while3A_1939 = arith.constant 1 : i32
          scf.for %while3A_1943 = %while3A_1937 to %while3A_1933 step %while3A_1939  : i32 {
            %dma_wait3A_1944 = arith.constant 0 : i32
            %dma_wait3A_1945 = arith.constant 0 : i32
            %dma_wait3A_1946 = tpu.memref_slice %arg2[%dma_wait3A_1944, %dma_wait3A_1945] : memref<60000x128xf32, #tpu.memory_space<hbm>> -> memref<60000x128xf32, #tpu.memory_space<hbm>>
            tpu.wait_indirect_dma semaphore(%arg24 : memref<!tpu.dma_semaphore, #tpu.memory_space<semaphore_mem>>) src(%dma_wait3A_1946 : memref<60000x128xf32, #tpu.memory_space<hbm>>) dst(%arg12 : memref<80x128xf32, #tpu.memory_space<vmem>>)
          }
          %dma_start3A_1940 = arith.constant 0 : i32
          %dma_start3A_1941 = arith.constant 0 : i32
          %dma_start3A_1942 = tpu.memref_slice %arg7[%dma_start3A_1940, %dma_start3A_1941] : memref<10064x128xf32, #tpu.memory_space<vmem_shared>> -> memref<10064x128xf32, #tpu.memory_space<vmem_shared>>
          tpu.enqueue_indirect_dma source(%arg12 : memref<80x128xf32, #tpu.memory_space<vmem>>) target(%dma_start3A_1942 : memref<10064x128xf32, #tpu.memory_space<vmem_shared>>) offsets(%arg20 : memref<80xi32, #tpu.memory_space<vmem>>) semaphore(%arg28 : memref<!tpu.dma_semaphore, #tpu.memory_space<semaphore_mem>>) {add = true}
        }
        %while3A_867 = arith.constant 1 : i32
        scf.for %while3A_1927 = %while3A_865 to %while3A_861 step %while3A_867  : i32 {
          %sub3A_1928 = arith.constant 3 : i32
          %sub3A_1929 = arith.subi %add3A_518, %sub3A_1928 : i32
          %while3A_1930 = arith.constant 0 : i32
          %while3A_1931 = arith.constant 0 : i32
          %while3A_1932 = arith.subi %select_n3A_134, %while3A_1931 : i32
          %while3A_1933 = arith.addi %while3A_1931, %while3A_1932 : i32
          %while3A_1934 = arith.constant 1 : i32
          %while3A_1935 = arith.divsi %while3A_1932, %while3A_1934 : i32
          %while3A_1936 = arith.muli %while3A_1935, %while3A_1934 : i32
          %while3A_1937 = arith.addi %while3A_1931, %while3A_1936 : i32
          %while3A_1938 = arith.constant 1 : i32
          scf.for %while3A_1943 = %while3A_1931 to %while3A_1937 step %while3A_1938  : i32 {
            %dma_wait3A_1944 = arith.constant 0 : i32
            %dma_wait3A_1945 = arith.constant 0 : i32
            %dma_wait3A_1946 = tpu.memref_slice %arg2[%dma_wait3A_1944, %dma_wait3A_1945] : memref<60000x128xf32, #tpu.memory_space<hbm>> -> memref<60000x128xf32, #tpu.memory_space<hbm>>
            tpu.wait_indirect_dma semaphore(%arg24 : memref<!tpu.dma_semaphore, #tpu.memory_space<semaphore_mem>>) src(%dma_wait3A_1946 : memref<60000x128xf32, #tpu.memory_space<hbm>>) dst(%arg12 : memref<80x128xf32, #tpu.memory_space<vmem>>)
          }
          %while3A_1939 = arith.constant 1 : i32
          scf.for %while3A_1943 = %while3A_1937 to %while3A_1933 step %while3A_1939  : i32 {
            %dma_wait3A_1944 = arith.constant 0 : i32
            %dma_wait3A_1945 = arith.constant 0 : i32
            %dma_wait3A_1946 = tpu.memref_slice %arg2[%dma_wait3A_1944, %dma_wait3A_1945] : memref<60000x128xf32, #tpu.memory_space<hbm>> -> memref<60000x128xf32, #tpu.memory_space<hbm>>
            tpu.wait_indirect_dma semaphore(%arg24 : memref<!tpu.dma_semaphore, #tpu.memory_space<semaphore_mem>>) src(%dma_wait3A_1946 : memref<60000x128xf32, #tpu.memory_space<hbm>>) dst(%arg12 : memref<80x128xf32, #tpu.memory_space<vmem>>)
          }
          %dma_start3A_1940 = arith.constant 0 : i32
          %dma_start3A_1941 = arith.constant 0 : i32
          %dma_start3A_1942 = tpu.memref_slice %arg7[%dma_start3A_1940, %dma_start3A_1941] : memref<10064x128xf32, #tpu.memory_space<vmem_shared>> -> memref<10064x128xf32, #tpu.memory_space<vmem_shared>>
          tpu.enqueue_indirect_dma source(%arg12 : memref<80x128xf32, #tpu.memory_space<vmem>>) target(%dma_start3A_1942 : memref<10064x128xf32, #tpu.memory_space<vmem_shared>>) offsets(%arg20 : memref<80xi32, #tpu.memory_space<vmem>>) semaphore(%arg28 : memref<!tpu.dma_semaphore, #tpu.memory_space<semaphore_mem>>) {add = true}
        }
        %mul3A_868 = arith.constant 4 : i32
        %mul3A_869 = arith.muli %mul3A_868, %scan3A_514 : i32
        %add3A_870 = arith.constant 1 : i32
        %add3A_871 = arith.addi %mul3A_869, %add3A_870 : i32
        %ge3A_872 = arith.constant 4 : i32
        %ge3A_873 = arith.cmpi sge, %add3A_871, %ge3A_872 : i32
        %jit3A_874 = arith.constant 1 : i32
        %jit3A_875 = arith.constant 0 : i32
        %select_n3A_876 = arith.select %ge3A_873, %jit3A_874, %jit3A_875 : i32
        %while3A_877 = arith.constant 0 : i32
        %while3A_878 = arith.constant 0 : i32
        %while3A_879 = arith.subi %select_n3A_876, %while3A_878 : i32
        %while3A_880 = arith.addi %while3A_878, %while3A_879 : i32
        %while3A_881 = arith.constant 1 : i32
        %while3A_882 = arith.divsi %while3A_879, %while3A_881 : i32
        %while3A_883 = arith.muli %while3A_882, %while3A_881 : i32
        %while3A_884 = arith.addi %while3A_878, %while3A_883 : i32
        %while3A_885 = arith.constant 1 : i32
        scf.for %while3A_1927 = %while3A_878 to %while3A_884 step %while3A_885  : i32 {
          %dma_wait3A_1928 = arith.constant 0 : i32
          %dma_wait3A_1929 = arith.constant 0 : i32
          %dma_wait3A_1930 = tpu.memref_slice %arg7[%dma_wait3A_1928, %dma_wait3A_1929] : memref<10064x128xf32, #tpu.memory_space<vmem_shared>> -> memref<10064x128xf32, #tpu.memory_space<vmem_shared>>
          tpu.wait_indirect_dma semaphore(%arg28 : memref<!tpu.dma_semaphore, #tpu.memory_space<semaphore_mem>>) src(%arg12 : memref<80x128xf32, #tpu.memory_space<vmem>>) dst(%dma_wait3A_1930 : memref<10064x128xf32, #tpu.memory_space<vmem_shared>>)
        }
        %while3A_886 = arith.constant 1 : i32
        scf.for %while3A_1927 = %while3A_884 to %while3A_880 step %while3A_886  : i32 {
          %dma_wait3A_1928 = arith.constant 0 : i32
          %dma_wait3A_1929 = arith.constant 0 : i32
          %dma_wait3A_1930 = tpu.memref_slice %arg7[%dma_wait3A_1928, %dma_wait3A_1929] : memref<10064x128xf32, #tpu.memory_space<vmem_shared>> -> memref<10064x128xf32, #tpu.memory_space<vmem_shared>>
          tpu.wait_indirect_dma semaphore(%arg28 : memref<!tpu.dma_semaphore, #tpu.memory_space<semaphore_mem>>) src(%arg12 : memref<80x128xf32, #tpu.memory_space<vmem>>) dst(%dma_wait3A_1930 : memref<10064x128xf32, #tpu.memory_space<vmem_shared>>)
        }
        %jit3A_887 = arith.constant 25 : i32
        %eq3A_888 = arith.constant 0 : i32
        %eq3A_889 = arith.cmpi eq, %jit3A_887, %eq3A_888 : i32
        %jit3A_890 = arith.constant 1 : i32
        %select_n3A_891 = arith.select %eq3A_889, %jit3A_890, %jit3A_887 : i32
        %rem3A_892 = arith.remsi %add3A_871, %select_n3A_891 : i32
        %ne3A_893 = arith.constant 0 : i32
        %ne3A_894 = arith.cmpi ne, %rem3A_892, %ne3A_893 : i32
        %lt3A_895 = arith.constant 0 : i32
        %lt3A_896 = arith.cmpi slt, %rem3A_892, %lt3A_895 : i32
        %lt3A_897 = arith.constant 0 : i32
        %lt3A_898 = arith.cmpi slt, %select_n3A_891, %lt3A_897 : i32
        %ne3A_899 = arith.xori %lt3A_896, %lt3A_898 : i1
        %and3A_900 = arith.andi %ne3A_899, %ne3A_894 : i1
        %add3A_901 = arith.addi %rem3A_892, %select_n3A_891 : i32
        %select_n3A_902 = arith.select %and3A_900, %add3A_901, %rem3A_892 : i32
        %eq3A_903 = arith.constant 0 : i32
        %eq3A_904 = arith.cmpi eq, %select_n3A_902, %eq3A_903 : i32
        %jit3A_905 = arith.constant 1 : i32
        %jit3A_906 = arith.constant 0 : i32
        %select_n3A_907 = arith.select %eq3A_904, %jit3A_905, %jit3A_906 : i32
        %while3A_908 = arith.constant 0 : i32
        %while3A_909 = arith.constant 0 : i32
        %while3A_910 = arith.subi %select_n3A_907, %while3A_909 : i32
        %while3A_911 = arith.addi %while3A_909, %while3A_910 : i32
        %while3A_912 = arith.constant 1 : i32
        %while3A_913 = arith.divsi %while3A_910, %while3A_912 : i32
        %while3A_914 = arith.muli %while3A_913, %while3A_912 : i32
        %while3A_915 = arith.addi %while3A_909, %while3A_914 : i32
        %while3A_916 = arith.constant 1 : i32
        scf.for %while3A_1927 = %while3A_909 to %while3A_915 step %while3A_916  : i32 {
          %mul3A_1928 = arith.constant 10000 : i32
          %mul3A_1929 = arith.muli %arg1, %mul3A_1928 : i32
          %jit3A_1930 = arith.constant 25 : i32
          %div3A_1931 = arith.divsi %add3A_871, %jit3A_1930 : i32
          %sign3A_1932 = arith.constant 0 : i32
          %sign3A_1933 = arith.cmpi sgt, %add3A_871, %sign3A_1932 : i32
          %sign3A_1934 = arith.extui %sign3A_1933 : i1 to i32
          %sign3A_1935 = arith.constant 0 : i32
          %sign3A_1936 = arith.cmpi slt, %add3A_871, %sign3A_1935 : i32
          %sign3A_1937 = arith.extui %sign3A_1936 : i1 to i32
          %sign3A_1938 = arith.subi %sign3A_1934, %sign3A_1937 : i32
          %sign3A_1939 = arith.constant 0 : i32
          %sign3A_1940 = arith.cmpi sgt, %jit3A_1930, %sign3A_1939 : i32
          %sign3A_1941 = arith.extui %sign3A_1940 : i1 to i32
          %sign3A_1942 = arith.constant 0 : i32
          %sign3A_1943 = arith.cmpi slt, %jit3A_1930, %sign3A_1942 : i32
          %sign3A_1944 = arith.extui %sign3A_1943 : i1 to i32
          %sign3A_1945 = arith.subi %sign3A_1941, %sign3A_1944 : i32
          %ne3A_1946 = arith.cmpi ne, %sign3A_1938, %sign3A_1945 : i32
          %rem3A_1947 = arith.remsi %add3A_871, %jit3A_1930 : i32
          %ne3A_1948 = arith.constant 0 : i32
          %ne3A_1949 = arith.cmpi ne, %rem3A_1947, %ne3A_1948 : i32
          %and3A_1950 = arith.andi %ne3A_1946, %ne3A_1949 : i1
          %sub3A_1951 = arith.constant 1 : i32
          %sub3A_1952 = arith.subi %div3A_1931, %sub3A_1951 : i32
          %select_n3A_1953 = arith.select %and3A_1950, %sub3A_1952, %div3A_1931 : i32
          %mul3A_1954 = arith.constant 2000 : i32
          %mul3A_1955 = arith.muli %select_n3A_1953, %mul3A_1954 : i32
          %add3A_1956 = arith.addi %mul3A_1929, %mul3A_1955 : i32
          %multiple_of3A = tpu.assume_multiple %add3A_1956, 8 : i32
          "tpu.region"() ({
            %run_scoped3A = tpu.sem_alloc : memref<!tpu.dma_semaphore, #tpu.memory_space<semaphore_mem>>
            %dma_start3A_1957 = tpu.memref_slice %arg3[%multiple_of3A] : memref<160000xi32, #tpu.memory_space<hbm>> -> memref<2000xi32, #tpu.memory_space<hbm>>
            %dma_start3A_1958 = tpu.memref_slice %arg3[%multiple_of3A] : memref<160000xi32, #tpu.memory_space<hbm>> -> memref<2000xi32, #tpu.memory_space<hbm>>
            tpu.enqueue_dma source(%dma_start3A_1958 : memref<2000xi32, #tpu.memory_space<hbm>>) target(%arg8 : memref<2000xi32, #tpu.memory_space<vmem>>) target_semaphore(%run_scoped3A : memref<!tpu.dma_semaphore, #tpu.memory_space<semaphore_mem>>)
            %dma_wait3A_1959 = tpu.memref_slice %arg3[%multiple_of3A] : memref<160000xi32, #tpu.memory_space<hbm>> -> memref<2000xi32, #tpu.memory_space<hbm>>
            %dma_wait3A_1960 = tpu.memref_slice %arg3[%multiple_of3A] : memref<160000xi32, #tpu.memory_space<hbm>> -> memref<2000xi32, #tpu.memory_space<hbm>>
            tpu.wait_dma2 semaphore(%run_scoped3A : memref<!tpu.dma_semaphore, #tpu.memory_space<semaphore_mem>>) src(%dma_wait3A_1960 : memref<2000xi32, #tpu.memory_space<hbm>>) dst(%arg8 : memref<2000xi32, #tpu.memory_space<vmem>>)
            tpu.yield
          }) : () -> ()
          "tpu.region"() ({
            %run_scoped3A = tpu.sem_alloc : memref<!tpu.dma_semaphore, #tpu.memory_space<semaphore_mem>>
            %dma_start3A_1957 = tpu.memref_slice %arg4[%multiple_of3A] : memref<160000xi32, #tpu.memory_space<hbm>> -> memref<2000xi32, #tpu.memory_space<hbm>>
            %dma_start3A_1958 = tpu.memref_slice %arg4[%multiple_of3A] : memref<160000xi32, #tpu.memory_space<hbm>> -> memref<2000xi32, #tpu.memory_space<hbm>>
            tpu.enqueue_dma source(%dma_start3A_1958 : memref<2000xi32, #tpu.memory_space<hbm>>) target(%arg9 : memref<2000xi32, #tpu.memory_space<vmem>>) target_semaphore(%run_scoped3A : memref<!tpu.dma_semaphore, #tpu.memory_space<semaphore_mem>>)
            %dma_wait3A_1959 = tpu.memref_slice %arg4[%multiple_of3A] : memref<160000xi32, #tpu.memory_space<hbm>> -> memref<2000xi32, #tpu.memory_space<hbm>>
            %dma_wait3A_1960 = tpu.memref_slice %arg4[%multiple_of3A] : memref<160000xi32, #tpu.memory_space<hbm>> -> memref<2000xi32, #tpu.memory_space<hbm>>
            tpu.wait_dma2 semaphore(%run_scoped3A : memref<!tpu.dma_semaphore, #tpu.memory_space<semaphore_mem>>) src(%dma_wait3A_1960 : memref<2000xi32, #tpu.memory_space<hbm>>) dst(%arg9 : memref<2000xi32, #tpu.memory_space<vmem>>)
            tpu.yield
          }) : () -> ()
          "tpu.region"() ({
            %run_scoped3A = tpu.sem_alloc : memref<!tpu.dma_semaphore, #tpu.memory_space<semaphore_mem>>
            %dma_start3A_1957 = tpu.memref_slice %arg5[%multiple_of3A] : memref<160000xi32, #tpu.memory_space<hbm>> -> memref<2000xi32, #tpu.memory_space<hbm>>
            %dma_start3A_1958 = tpu.memref_slice %arg5[%multiple_of3A] : memref<160000xi32, #tpu.memory_space<hbm>> -> memref<2000xi32, #tpu.memory_space<hbm>>
            tpu.enqueue_dma source(%dma_start3A_1958 : memref<2000xi32, #tpu.memory_space<hbm>>) target(%arg10 : memref<2000xi32, #tpu.memory_space<vmem>>) target_semaphore(%run_scoped3A : memref<!tpu.dma_semaphore, #tpu.memory_space<semaphore_mem>>)
            %dma_wait3A_1959 = tpu.memref_slice %arg5[%multiple_of3A] : memref<160000xi32, #tpu.memory_space<hbm>> -> memref<2000xi32, #tpu.memory_space<hbm>>
            %dma_wait3A_1960 = tpu.memref_slice %arg5[%multiple_of3A] : memref<160000xi32, #tpu.memory_space<hbm>> -> memref<2000xi32, #tpu.memory_space<hbm>>
            tpu.wait_dma2 semaphore(%run_scoped3A : memref<!tpu.dma_semaphore, #tpu.memory_space<semaphore_mem>>) src(%dma_wait3A_1960 : memref<2000xi32, #tpu.memory_space<hbm>>) dst(%arg10 : memref<2000xi32, #tpu.memory_space<vmem>>)
            tpu.yield
          }) : () -> ()
        }
        %while3A_917 = arith.constant 1 : i32
        scf.for %while3A_1927 = %while3A_915 to %while3A_911 step %while3A_917  : i32 {
          %mul3A_1928 = arith.constant 10000 : i32
          %mul3A_1929 = arith.muli %arg1, %mul3A_1928 : i32
          %jit3A_1930 = arith.constant 25 : i32
          %div3A_1931 = arith.divsi %add3A_871, %jit3A_1930 : i32
          %sign3A_1932 = arith.constant 0 : i32
          %sign3A_1933 = arith.cmpi sgt, %add3A_871, %sign3A_1932 : i32
          %sign3A_1934 = arith.extui %sign3A_1933 : i1 to i32
          %sign3A_1935 = arith.constant 0 : i32
          %sign3A_1936 = arith.cmpi slt, %add3A_871, %sign3A_1935 : i32
          %sign3A_1937 = arith.extui %sign3A_1936 : i1 to i32
          %sign3A_1938 = arith.subi %sign3A_1934, %sign3A_1937 : i32
          %sign3A_1939 = arith.constant 0 : i32
          %sign3A_1940 = arith.cmpi sgt, %jit3A_1930, %sign3A_1939 : i32
          %sign3A_1941 = arith.extui %sign3A_1940 : i1 to i32
          %sign3A_1942 = arith.constant 0 : i32
          %sign3A_1943 = arith.cmpi slt, %jit3A_1930, %sign3A_1942 : i32
          %sign3A_1944 = arith.extui %sign3A_1943 : i1 to i32
          %sign3A_1945 = arith.subi %sign3A_1941, %sign3A_1944 : i32
          %ne3A_1946 = arith.cmpi ne, %sign3A_1938, %sign3A_1945 : i32
          %rem3A_1947 = arith.remsi %add3A_871, %jit3A_1930 : i32
          %ne3A_1948 = arith.constant 0 : i32
          %ne3A_1949 = arith.cmpi ne, %rem3A_1947, %ne3A_1948 : i32
          %and3A_1950 = arith.andi %ne3A_1946, %ne3A_1949 : i1
          %sub3A_1951 = arith.constant 1 : i32
          %sub3A_1952 = arith.subi %div3A_1931, %sub3A_1951 : i32
          %select_n3A_1953 = arith.select %and3A_1950, %sub3A_1952, %div3A_1931 : i32
          %mul3A_1954 = arith.constant 2000 : i32
          %mul3A_1955 = arith.muli %select_n3A_1953, %mul3A_1954 : i32
          %add3A_1956 = arith.addi %mul3A_1929, %mul3A_1955 : i32
          %multiple_of3A = tpu.assume_multiple %add3A_1956, 8 : i32
          "tpu.region"() ({
            %run_scoped3A = tpu.sem_alloc : memref<!tpu.dma_semaphore, #tpu.memory_space<semaphore_mem>>
            %dma_start3A_1957 = tpu.memref_slice %arg3[%multiple_of3A] : memref<160000xi32, #tpu.memory_space<hbm>> -> memref<2000xi32, #tpu.memory_space<hbm>>
            %dma_start3A_1958 = tpu.memref_slice %arg3[%multiple_of3A] : memref<160000xi32, #tpu.memory_space<hbm>> -> memref<2000xi32, #tpu.memory_space<hbm>>
            tpu.enqueue_dma source(%dma_start3A_1958 : memref<2000xi32, #tpu.memory_space<hbm>>) target(%arg8 : memref<2000xi32, #tpu.memory_space<vmem>>) target_semaphore(%run_scoped3A : memref<!tpu.dma_semaphore, #tpu.memory_space<semaphore_mem>>)
            %dma_wait3A_1959 = tpu.memref_slice %arg3[%multiple_of3A] : memref<160000xi32, #tpu.memory_space<hbm>> -> memref<2000xi32, #tpu.memory_space<hbm>>
            %dma_wait3A_1960 = tpu.memref_slice %arg3[%multiple_of3A] : memref<160000xi32, #tpu.memory_space<hbm>> -> memref<2000xi32, #tpu.memory_space<hbm>>
            tpu.wait_dma2 semaphore(%run_scoped3A : memref<!tpu.dma_semaphore, #tpu.memory_space<semaphore_mem>>) src(%dma_wait3A_1960 : memref<2000xi32, #tpu.memory_space<hbm>>) dst(%arg8 : memref<2000xi32, #tpu.memory_space<vmem>>)
            tpu.yield
          }) : () -> ()
          "tpu.region"() ({
            %run_scoped3A = tpu.sem_alloc : memref<!tpu.dma_semaphore, #tpu.memory_space<semaphore_mem>>
            %dma_start3A_1957 = tpu.memref_slice %arg4[%multiple_of3A] : memref<160000xi32, #tpu.memory_space<hbm>> -> memref<2000xi32, #tpu.memory_space<hbm>>
            %dma_start3A_1958 = tpu.memref_slice %arg4[%multiple_of3A] : memref<160000xi32, #tpu.memory_space<hbm>> -> memref<2000xi32, #tpu.memory_space<hbm>>
            tpu.enqueue_dma source(%dma_start3A_1958 : memref<2000xi32, #tpu.memory_space<hbm>>) target(%arg9 : memref<2000xi32, #tpu.memory_space<vmem>>) target_semaphore(%run_scoped3A : memref<!tpu.dma_semaphore, #tpu.memory_space<semaphore_mem>>)
            %dma_wait3A_1959 = tpu.memref_slice %arg4[%multiple_of3A] : memref<160000xi32, #tpu.memory_space<hbm>> -> memref<2000xi32, #tpu.memory_space<hbm>>
            %dma_wait3A_1960 = tpu.memref_slice %arg4[%multiple_of3A] : memref<160000xi32, #tpu.memory_space<hbm>> -> memref<2000xi32, #tpu.memory_space<hbm>>
            tpu.wait_dma2 semaphore(%run_scoped3A : memref<!tpu.dma_semaphore, #tpu.memory_space<semaphore_mem>>) src(%dma_wait3A_1960 : memref<2000xi32, #tpu.memory_space<hbm>>) dst(%arg9 : memref<2000xi32, #tpu.memory_space<vmem>>)
            tpu.yield
          }) : () -> ()
          "tpu.region"() ({
            %run_scoped3A = tpu.sem_alloc : memref<!tpu.dma_semaphore, #tpu.memory_space<semaphore_mem>>
            %dma_start3A_1957 = tpu.memref_slice %arg5[%multiple_of3A] : memref<160000xi32, #tpu.memory_space<hbm>> -> memref<2000xi32, #tpu.memory_space<hbm>>
            %dma_start3A_1958 = tpu.memref_slice %arg5[%multiple_of3A] : memref<160000xi32, #tpu.memory_space<hbm>> -> memref<2000xi32, #tpu.memory_space<hbm>>
            tpu.enqueue_dma source(%dma_start3A_1958 : memref<2000xi32, #tpu.memory_space<hbm>>) target(%arg10 : memref<2000xi32, #tpu.memory_space<vmem>>) target_semaphore(%run_scoped3A : memref<!tpu.dma_semaphore, #tpu.memory_space<semaphore_mem>>)
            %dma_wait3A_1959 = tpu.memref_slice %arg5[%multiple_of3A] : memref<160000xi32, #tpu.memory_space<hbm>> -> memref<2000xi32, #tpu.memory_space<hbm>>
            %dma_wait3A_1960 = tpu.memref_slice %arg5[%multiple_of3A] : memref<160000xi32, #tpu.memory_space<hbm>> -> memref<2000xi32, #tpu.memory_space<hbm>>
            tpu.wait_dma2 semaphore(%run_scoped3A : memref<!tpu.dma_semaphore, #tpu.memory_space<semaphore_mem>>) src(%dma_wait3A_1960 : memref<2000xi32, #tpu.memory_space<hbm>>) dst(%arg10 : memref<2000xi32, #tpu.memory_space<vmem>>)
            tpu.yield
          }) : () -> ()
        }
        %jit3A_918 = arith.constant 25 : i32
        %eq3A_919 = arith.constant 0 : i32
        %eq3A_920 = arith.cmpi eq, %jit3A_918, %eq3A_919 : i32
        %jit3A_921 = arith.constant 1 : i32
        %select_n3A_922 = arith.select %eq3A_920, %jit3A_921, %jit3A_918 : i32
        %rem3A_923 = arith.remsi %add3A_871, %select_n3A_922 : i32
        %ne3A_924 = arith.constant 0 : i32
        %ne3A_925 = arith.cmpi ne, %rem3A_923, %ne3A_924 : i32
        %lt3A_926 = arith.constant 0 : i32
        %lt3A_927 = arith.cmpi slt, %rem3A_923, %lt3A_926 : i32
        %lt3A_928 = arith.constant 0 : i32
        %lt3A_929 = arith.cmpi slt, %select_n3A_922, %lt3A_928 : i32
        %ne3A_930 = arith.xori %lt3A_927, %lt3A_929 : i1
        %and3A_931 = arith.andi %ne3A_930, %ne3A_925 : i1
        %add3A_932 = arith.addi %rem3A_923, %select_n3A_922 : i32
        %select_n3A_933 = arith.select %and3A_931, %add3A_932, %rem3A_923 : i32
        %mul3A_934 = arith.constant 80 : i32
        %mul3A_935 = arith.muli %select_n3A_933, %mul3A_934 : i32
        %add3A_936 = arith.constant 0 : i32
        %add3A_937 = arith.addi %mul3A_935, %add3A_936 : i32
        %get3A_938 = arith.index_cast %add3A_937 : i32 to index
        %get3A_939 = tpu.vector_load %arg9[%get3A_938] {strides = array<i32>} : memref<2000xi32, #tpu.memory_space<vmem>>, vector<16xi32>,
        %get3A_940 = vector.shape_cast %get3A_939 : vector<16xi32> to vector<16xi32>
        %add3A_941 = arith.constant 0 : i32
        %add3A_942 = arith.addi %mul3A_935, %add3A_941 : i32
        %get3A_943 = arith.index_cast %add3A_942 : i32 to index
        %get3A_944 = tpu.vector_load %arg10[%get3A_943] {strides = array<i32>} : memref<2000xi32, #tpu.memory_space<vmem>>, vector<16xi32>,
        %get3A_945 = vector.shape_cast %get3A_944 : vector<16xi32> to vector<16xi32>
        %ge3A_946 = vector.broadcast %mul3A_0 : i32 to vector<16xi32>
        %ge3A_947 = arith.cmpi sge, %get3A_940, %ge3A_946 : vector<16xi32>
        %add3A_948 = arith.constant 5000 : i32
        %add3A_949 = arith.addi %mul3A_0, %add3A_948 : i32
        %lt3A_950 = vector.broadcast %add3A_949 : i32 to vector<16xi32>
        %lt3A_951 = arith.cmpi slt, %get3A_940, %lt3A_950 : vector<16xi32>
        %and3A_952 = arith.andi %ge3A_947, %lt3A_951 : vector<16xi1>
        %mul3A_953 = arith.constant 5000 : i32
        %mul3A_954 = vector.broadcast %mul3A_953 : i32 to vector<16xi32>
        %mul3A_955 = arith.muli %get3A_945, %mul3A_954 : vector<16xi32>
        %sub3A_956 = vector.broadcast %mul3A_0 : i32 to vector<16xi32>
        %sub3A_957 = arith.subi %get3A_940, %sub3A_956 : vector<16xi32>
        %add3A_958 = arith.addi %mul3A_955, %sub3A_957 : vector<16xi32>
        %and3A_959 = arith.constant 63 : i32
        %and3A_960 = vector.broadcast %and3A_959 : i32 to vector<16xi32>
        %and3A_961 = arith.andi %get3A_940, %and3A_960 : vector<16xi32>
        %add3A_962 = arith.constant 10000 : i32
        %add3A_963 = vector.broadcast %add3A_962 : i32 to vector<16xi32>
        %add3A_964 = arith.addi %add3A_963, %and3A_961 : vector<16xi32>
        %select_n3A_965 = arith.select %and3A_952, %add3A_958, %add3A_964 : vector<16xi1>, vector<16xi32>
        %swap3A_966 = arith.constant 0 : index
        %swap3A_967 = tpu.vector_load %arg20[%swap3A_966] {strides = array<i32>} : memref<80xi32, #tpu.memory_space<vmem>>, vector<16xi32>,
        %swap3A_968 = vector.shape_cast %swap3A_967 : vector<16xi32> to vector<16xi32>
        %swap3A_969 = vector.shape_cast %select_n3A_965 : vector<16xi32> to vector<16xi32>
        tpu.vector_store %arg20[%swap3A_966], %swap3A_969 {strides = array<i32>} : memref<80xi32, #tpu.memory_space<vmem>>, vector<16xi32>,
        %add3A_970 = arith.constant 0 : i32
        %add3A_971 = arith.addi %mul3A_935, %add3A_970 : i32
        %get3A_972 = arith.index_cast %add3A_971 : i32 to index
        %get3A_973 = tpu.vector_load %arg8[%get3A_972] {strides = array<i32>} : memref<2000xi32, #tpu.memory_space<vmem>>, vector<16xi32>,
        %get3A_974 = vector.shape_cast %get3A_973 : vector<16xi32> to vector<16xi32>
        %add3A_975 = arith.constant 1 : i32
        %add3A_976 = vector.broadcast %add3A_975 : i32 to vector<16xi32>
        %add3A_977 = arith.addi %get3A_945, %add3A_976 : vector<16xi32>
        %mul3A_978 = arith.constant 10000 : i32
        %mul3A_979 = vector.broadcast %mul3A_978 : i32 to vector<16xi32>
        %mul3A_980 = arith.muli %add3A_977, %mul3A_979 : vector<16xi32>
        %add3A_981 = arith.addi %mul3A_980, %get3A_974 : vector<16xi32>
        %add3A_982 = vector.broadcast %mul3A_129 : i32 to vector<16xi32>
        %add3A_983 = arith.addi %add3A_981, %add3A_982 : vector<16xi32>
        %swap3A_984 = arith.constant 0 : index
        %swap3A_985 = tpu.vector_load %arg16[%swap3A_984] {strides = array<i32>} : memref<80xi32, #tpu.memory_space<vmem>>, vector<16xi32>,
        %swap3A_986 = vector.shape_cast %swap3A_985 : vector<16xi32> to vector<16xi32>
        %swap3A_987 = vector.shape_cast %add3A_983 : vector<16xi32> to vector<16xi32>
        tpu.vector_store %arg16[%swap3A_984], %swap3A_987 {strides = array<i32>} : memref<80xi32, #tpu.memory_space<vmem>>, vector<16xi32>,
        %add3A_988 = arith.constant 16 : i32
        %add3A_989 = arith.addi %mul3A_935, %add3A_988 : i32
        %get3A_990 = arith.index_cast %add3A_989 : i32 to index
        %get3A_991 = tpu.vector_load %arg9[%get3A_990] {strides = array<i32>} : memref<2000xi32, #tpu.memory_space<vmem>>, vector<16xi32>,
        %get3A_992 = vector.shape_cast %get3A_991 : vector<16xi32> to vector<16xi32>
        %add3A_993 = arith.constant 16 : i32
        %add3A_994 = arith.addi %mul3A_935, %add3A_993 : i32
        %get3A_995 = arith.index_cast %add3A_994 : i32 to index
        %get3A_996 = tpu.vector_load %arg10[%get3A_995] {strides = array<i32>} : memref<2000xi32, #tpu.memory_space<vmem>>, vector<16xi32>,
        %get3A_997 = vector.shape_cast %get3A_996 : vector<16xi32> to vector<16xi32>
        %ge3A_998 = vector.broadcast %mul3A_0 : i32 to vector<16xi32>
        %ge3A_999 = arith.cmpi sge, %get3A_992, %ge3A_998 : vector<16xi32>
        %add3A_1000 = arith.constant 5000 : i32
        %add3A_1001 = arith.addi %mul3A_0, %add3A_1000 : i32
        %lt3A_1002 = vector.broadcast %add3A_1001 : i32 to vector<16xi32>
        %lt3A_1003 = arith.cmpi slt, %get3A_992, %lt3A_1002 : vector<16xi32>
        %and3A_1004 = arith.andi %ge3A_999, %lt3A_1003 : vector<16xi1>
        %mul3A_1005 = arith.constant 5000 : i32
        %mul3A_1006 = vector.broadcast %mul3A_1005 : i32 to vector<16xi32>
        %mul3A_1007 = arith.muli %get3A_997, %mul3A_1006 : vector<16xi32>
        %sub3A_1008 = vector.broadcast %mul3A_0 : i32 to vector<16xi32>
        %sub3A_1009 = arith.subi %get3A_992, %sub3A_1008 : vector<16xi32>
        %add3A_1010 = arith.addi %mul3A_1007, %sub3A_1009 : vector<16xi32>
        %and3A_1011 = arith.constant 63 : i32
        %and3A_1012 = vector.broadcast %and3A_1011 : i32 to vector<16xi32>
        %and3A_1013 = arith.andi %get3A_992, %and3A_1012 : vector<16xi32>
        %add3A_1014 = arith.constant 10000 : i32
        %add3A_1015 = vector.broadcast %add3A_1014 : i32 to vector<16xi32>
        %add3A_1016 = arith.addi %add3A_1015, %and3A_1013 : vector<16xi32>
        %select_n3A_1017 = arith.select %and3A_1004, %add3A_1010, %add3A_1016 : vector<16xi1>, vector<16xi32>
        %swap3A_1018 = arith.constant 16 : index
        %swap3A_1019 = tpu.vector_load %arg20[%swap3A_1018] {strides = array<i32>} : memref<80xi32, #tpu.memory_space<vmem>>, vector<16xi32>,
        %swap3A_1020 = vector.shape_cast %swap3A_1019 : vector<16xi32> to vector<16xi32>
        %swap3A_1021 = vector.shape_cast %select_n3A_1017 : vector<16xi32> to vector<16xi32>
        tpu.vector_store %arg20[%swap3A_1018], %swap3A_1021 {strides = array<i32>} : memref<80xi32, #tpu.memory_space<vmem>>, vector<16xi32>,
        %add3A_1022 = arith.constant 16 : i32
        %add3A_1023 = arith.addi %mul3A_935, %add3A_1022 : i32
        %get3A_1024 = arith.index_cast %add3A_1023 : i32 to index
        %get3A_1025 = tpu.vector_load %arg8[%get3A_1024] {strides = array<i32>} : memref<2000xi32, #tpu.memory_space<vmem>>, vector<16xi32>,
        %get3A_1026 = vector.shape_cast %get3A_1025 : vector<16xi32> to vector<16xi32>
        %add3A_1027 = arith.constant 1 : i32
        %add3A_1028 = vector.broadcast %add3A_1027 : i32 to vector<16xi32>
        %add3A_1029 = arith.addi %get3A_997, %add3A_1028 : vector<16xi32>
        %mul3A_1030 = arith.constant 10000 : i32
        %mul3A_1031 = vector.broadcast %mul3A_1030 : i32 to vector<16xi32>
        %mul3A_1032 = arith.muli %add3A_1029, %mul3A_1031 : vector<16xi32>
        %add3A_1033 = arith.addi %mul3A_1032, %get3A_1026 : vector<16xi32>
        %add3A_1034 = vector.broadcast %mul3A_129 : i32 to vector<16xi32>
        %add3A_1035 = arith.addi %add3A_1033, %add3A_1034 : vector<16xi32>
        %swap3A_1036 = arith.constant 16 : index
        %swap3A_1037 = tpu.vector_load %arg16[%swap3A_1036] {strides = array<i32>} : memref<80xi32, #tpu.memory_space<vmem>>, vector<16xi32>,
        %swap3A_1038 = vector.shape_cast %swap3A_1037 : vector<16xi32> to vector<16xi32>
        %swap3A_1039 = vector.shape_cast %add3A_1035 : vector<16xi32> to vector<16xi32>
        tpu.vector_store %arg16[%swap3A_1036], %swap3A_1039 {strides = array<i32>} : memref<80xi32, #tpu.memory_space<vmem>>, vector<16xi32>,
        %add3A_1040 = arith.constant 32 : i32
        %add3A_1041 = arith.addi %mul3A_935, %add3A_1040 : i32
        %get3A_1042 = arith.index_cast %add3A_1041 : i32 to index
        %get3A_1043 = tpu.vector_load %arg9[%get3A_1042] {strides = array<i32>} : memref<2000xi32, #tpu.memory_space<vmem>>, vector<16xi32>,
        %get3A_1044 = vector.shape_cast %get3A_1043 : vector<16xi32> to vector<16xi32>
        %add3A_1045 = arith.constant 32 : i32
        %add3A_1046 = arith.addi %mul3A_935, %add3A_1045 : i32
        %get3A_1047 = arith.index_cast %add3A_1046 : i32 to index
        %get3A_1048 = tpu.vector_load %arg10[%get3A_1047] {strides = array<i32>} : memref<2000xi32, #tpu.memory_space<vmem>>, vector<16xi32>,
        %get3A_1049 = vector.shape_cast %get3A_1048 : vector<16xi32> to vector<16xi32>
        %ge3A_1050 = vector.broadcast %mul3A_0 : i32 to vector<16xi32>
        %ge3A_1051 = arith.cmpi sge, %get3A_1044, %ge3A_1050 : vector<16xi32>
        %add3A_1052 = arith.constant 5000 : i32
        %add3A_1053 = arith.addi %mul3A_0, %add3A_1052 : i32
        %lt3A_1054 = vector.broadcast %add3A_1053 : i32 to vector<16xi32>
        %lt3A_1055 = arith.cmpi slt, %get3A_1044, %lt3A_1054 : vector<16xi32>
        %and3A_1056 = arith.andi %ge3A_1051, %lt3A_1055 : vector<16xi1>
        %mul3A_1057 = arith.constant 5000 : i32
        %mul3A_1058 = vector.broadcast %mul3A_1057 : i32 to vector<16xi32>
        %mul3A_1059 = arith.muli %get3A_1049, %mul3A_1058 : vector<16xi32>
        %sub3A_1060 = vector.broadcast %mul3A_0 : i32 to vector<16xi32>
        %sub3A_1061 = arith.subi %get3A_1044, %sub3A_1060 : vector<16xi32>
        %add3A_1062 = arith.addi %mul3A_1059, %sub3A_1061 : vector<16xi32>
        %and3A_1063 = arith.constant 63 : i32
        %and3A_1064 = vector.broadcast %and3A_1063 : i32 to vector<16xi32>
        %and3A_1065 = arith.andi %get3A_1044, %and3A_1064 : vector<16xi32>
        %add3A_1066 = arith.constant 10000 : i32
        %add3A_1067 = vector.broadcast %add3A_1066 : i32 to vector<16xi32>
        %add3A_1068 = arith.addi %add3A_1067, %and3A_1065 : vector<16xi32>
        %select_n3A_1069 = arith.select %and3A_1056, %add3A_1062, %add3A_1068 : vector<16xi1>, vector<16xi32>
        %swap3A_1070 = arith.constant 32 : index
        %swap3A_1071 = tpu.vector_load %arg20[%swap3A_1070] {strides = array<i32>} : memref<80xi32, #tpu.memory_space<vmem>>, vector<16xi32>,
        %swap3A_1072 = vector.shape_cast %swap3A_1071 : vector<16xi32> to vector<16xi32>
        %swap3A_1073 = vector.shape_cast %select_n3A_1069 : vector<16xi32> to vector<16xi32>
        tpu.vector_store %arg20[%swap3A_1070], %swap3A_1073 {strides = array<i32>} : memref<80xi32, #tpu.memory_space<vmem>>, vector<16xi32>,
        %add3A_1074 = arith.constant 32 : i32
        %add3A_1075 = arith.addi %mul3A_935, %add3A_1074 : i32
        %get3A_1076 = arith.index_cast %add3A_1075 : i32 to index
        %get3A_1077 = tpu.vector_load %arg8[%get3A_1076] {strides = array<i32>} : memref<2000xi32, #tpu.memory_space<vmem>>, vector<16xi32>,
        %get3A_1078 = vector.shape_cast %get3A_1077 : vector<16xi32> to vector<16xi32>
        %add3A_1079 = arith.constant 1 : i32
        %add3A_1080 = vector.broadcast %add3A_1079 : i32 to vector<16xi32>
        %add3A_1081 = arith.addi %get3A_1049, %add3A_1080 : vector<16xi32>
        %mul3A_1082 = arith.constant 10000 : i32
        %mul3A_1083 = vector.broadcast %mul3A_1082 : i32 to vector<16xi32>
        %mul3A_1084 = arith.muli %add3A_1081, %mul3A_1083 : vector<16xi32>
        %add3A_1085 = arith.addi %mul3A_1084, %get3A_1078 : vector<16xi32>
        %add3A_1086 = vector.broadcast %mul3A_129 : i32 to vector<16xi32>
        %add3A_1087 = arith.addi %add3A_1085, %add3A_1086 : vector<16xi32>
        %swap3A_1088 = arith.constant 32 : index
        %swap3A_1089 = tpu.vector_load %arg16[%swap3A_1088] {strides = array<i32>} : memref<80xi32, #tpu.memory_space<vmem>>, vector<16xi32>,
        %swap3A_1090 = vector.shape_cast %swap3A_1089 : vector<16xi32> to vector<16xi32>
        %swap3A_1091 = vector.shape_cast %add3A_1087 : vector<16xi32> to vector<16xi32>
        tpu.vector_store %arg16[%swap3A_1088], %swap3A_1091 {strides = array<i32>} : memref<80xi32, #tpu.memory_space<vmem>>, vector<16xi32>,
        %add3A_1092 = arith.constant 48 : i32
        %add3A_1093 = arith.addi %mul3A_935, %add3A_1092 : i32
        %get3A_1094 = arith.index_cast %add3A_1093 : i32 to index
        %get3A_1095 = tpu.vector_load %arg9[%get3A_1094] {strides = array<i32>} : memref<2000xi32, #tpu.memory_space<vmem>>, vector<16xi32>,
        %get3A_1096 = vector.shape_cast %get3A_1095 : vector<16xi32> to vector<16xi32>
        %add3A_1097 = arith.constant 48 : i32
        %add3A_1098 = arith.addi %mul3A_935, %add3A_1097 : i32
        %get3A_1099 = arith.index_cast %add3A_1098 : i32 to index
        %get3A_1100 = tpu.vector_load %arg10[%get3A_1099] {strides = array<i32>} : memref<2000xi32, #tpu.memory_space<vmem>>, vector<16xi32>,
        %get3A_1101 = vector.shape_cast %get3A_1100 : vector<16xi32> to vector<16xi32>
        %ge3A_1102 = vector.broadcast %mul3A_0 : i32 to vector<16xi32>
        %ge3A_1103 = arith.cmpi sge, %get3A_1096, %ge3A_1102 : vector<16xi32>
        %add3A_1104 = arith.constant 5000 : i32
        %add3A_1105 = arith.addi %mul3A_0, %add3A_1104 : i32
        %lt3A_1106 = vector.broadcast %add3A_1105 : i32 to vector<16xi32>
        %lt3A_1107 = arith.cmpi slt, %get3A_1096, %lt3A_1106 : vector<16xi32>
        %and3A_1108 = arith.andi %ge3A_1103, %lt3A_1107 : vector<16xi1>
        %mul3A_1109 = arith.constant 5000 : i32
        %mul3A_1110 = vector.broadcast %mul3A_1109 : i32 to vector<16xi32>
        %mul3A_1111 = arith.muli %get3A_1101, %mul3A_1110 : vector<16xi32>
        %sub3A_1112 = vector.broadcast %mul3A_0 : i32 to vector<16xi32>
        %sub3A_1113 = arith.subi %get3A_1096, %sub3A_1112 : vector<16xi32>
        %add3A_1114 = arith.addi %mul3A_1111, %sub3A_1113 : vector<16xi32>
        %and3A_1115 = arith.constant 63 : i32
        %and3A_1116 = vector.broadcast %and3A_1115 : i32 to vector<16xi32>
        %and3A_1117 = arith.andi %get3A_1096, %and3A_1116 : vector<16xi32>
        %add3A_1118 = arith.constant 10000 : i32
        %add3A_1119 = vector.broadcast %add3A_1118 : i32 to vector<16xi32>
        %add3A_1120 = arith.addi %add3A_1119, %and3A_1117 : vector<16xi32>
        %select_n3A_1121 = arith.select %and3A_1108, %add3A_1114, %add3A_1120 : vector<16xi1>, vector<16xi32>
        %swap3A_1122 = arith.constant 48 : index
        %swap3A_1123 = tpu.vector_load %arg20[%swap3A_1122] {strides = array<i32>} : memref<80xi32, #tpu.memory_space<vmem>>, vector<16xi32>,
        %swap3A_1124 = vector.shape_cast %swap3A_1123 : vector<16xi32> to vector<16xi32>
        %swap3A_1125 = vector.shape_cast %select_n3A_1121 : vector<16xi32> to vector<16xi32>
        tpu.vector_store %arg20[%swap3A_1122], %swap3A_1125 {strides = array<i32>} : memref<80xi32, #tpu.memory_space<vmem>>, vector<16xi32>,
        %add3A_1126 = arith.constant 48 : i32
        %add3A_1127 = arith.addi %mul3A_935, %add3A_1126 : i32
        %get3A_1128 = arith.index_cast %add3A_1127 : i32 to index
        %get3A_1129 = tpu.vector_load %arg8[%get3A_1128] {strides = array<i32>} : memref<2000xi32, #tpu.memory_space<vmem>>, vector<16xi32>,
        %get3A_1130 = vector.shape_cast %get3A_1129 : vector<16xi32> to vector<16xi32>
        %add3A_1131 = arith.constant 1 : i32
        %add3A_1132 = vector.broadcast %add3A_1131 : i32 to vector<16xi32>
        %add3A_1133 = arith.addi %get3A_1101, %add3A_1132 : vector<16xi32>
        %mul3A_1134 = arith.constant 10000 : i32
        %mul3A_1135 = vector.broadcast %mul3A_1134 : i32 to vector<16xi32>
        %mul3A_1136 = arith.muli %add3A_1133, %mul3A_1135 : vector<16xi32>
        %add3A_1137 = arith.addi %mul3A_1136, %get3A_1130 : vector<16xi32>
        %add3A_1138 = vector.broadcast %mul3A_129 : i32 to vector<16xi32>
        %add3A_1139 = arith.addi %add3A_1137, %add3A_1138 : vector<16xi32>
        %swap3A_1140 = arith.constant 48 : index
        %swap3A_1141 = tpu.vector_load %arg16[%swap3A_1140] {strides = array<i32>} : memref<80xi32, #tpu.memory_space<vmem>>, vector<16xi32>,
        %swap3A_1142 = vector.shape_cast %swap3A_1141 : vector<16xi32> to vector<16xi32>
        %swap3A_1143 = vector.shape_cast %add3A_1139 : vector<16xi32> to vector<16xi32>
        tpu.vector_store %arg16[%swap3A_1140], %swap3A_1143 {strides = array<i32>} : memref<80xi32, #tpu.memory_space<vmem>>, vector<16xi32>,
        %add3A_1144 = arith.constant 64 : i32
        %add3A_1145 = arith.addi %mul3A_935, %add3A_1144 : i32
        %get3A_1146 = arith.index_cast %add3A_1145 : i32 to index
        %get3A_1147 = tpu.vector_load %arg9[%get3A_1146] {strides = array<i32>} : memref<2000xi32, #tpu.memory_space<vmem>>, vector<16xi32>,
        %get3A_1148 = vector.shape_cast %get3A_1147 : vector<16xi32> to vector<16xi32>
        %add3A_1149 = arith.constant 64 : i32
        %add3A_1150 = arith.addi %mul3A_935, %add3A_1149 : i32
        %get3A_1151 = arith.index_cast %add3A_1150 : i32 to index
        %get3A_1152 = tpu.vector_load %arg10[%get3A_1151] {strides = array<i32>} : memref<2000xi32, #tpu.memory_space<vmem>>, vector<16xi32>,
        %get3A_1153 = vector.shape_cast %get3A_1152 : vector<16xi32> to vector<16xi32>
        %ge3A_1154 = vector.broadcast %mul3A_0 : i32 to vector<16xi32>
        %ge3A_1155 = arith.cmpi sge, %get3A_1148, %ge3A_1154 : vector<16xi32>
        %add3A_1156 = arith.constant 5000 : i32
        %add3A_1157 = arith.addi %mul3A_0, %add3A_1156 : i32
        %lt3A_1158 = vector.broadcast %add3A_1157 : i32 to vector<16xi32>
        %lt3A_1159 = arith.cmpi slt, %get3A_1148, %lt3A_1158 : vector<16xi32>
        %and3A_1160 = arith.andi %ge3A_1155, %lt3A_1159 : vector<16xi1>
        %mul3A_1161 = arith.constant 5000 : i32
        %mul3A_1162 = vector.broadcast %mul3A_1161 : i32 to vector<16xi32>
        %mul3A_1163 = arith.muli %get3A_1153, %mul3A_1162 : vector<16xi32>
        %sub3A_1164 = vector.broadcast %mul3A_0 : i32 to vector<16xi32>
        %sub3A_1165 = arith.subi %get3A_1148, %sub3A_1164 : vector<16xi32>
        %add3A_1166 = arith.addi %mul3A_1163, %sub3A_1165 : vector<16xi32>
        %and3A_1167 = arith.constant 63 : i32
        %and3A_1168 = vector.broadcast %and3A_1167 : i32 to vector<16xi32>
        %and3A_1169 = arith.andi %get3A_1148, %and3A_1168 : vector<16xi32>
        %add3A_1170 = arith.constant 10000 : i32
        %add3A_1171 = vector.broadcast %add3A_1170 : i32 to vector<16xi32>
        %add3A_1172 = arith.addi %add3A_1171, %and3A_1169 : vector<16xi32>
        %select_n3A_1173 = arith.select %and3A_1160, %add3A_1166, %add3A_1172 : vector<16xi1>, vector<16xi32>
        %swap3A_1174 = arith.constant 64 : index
        %swap3A_1175 = tpu.vector_load %arg20[%swap3A_1174] {strides = array<i32>} : memref<80xi32, #tpu.memory_space<vmem>>, vector<16xi32>,
        %swap3A_1176 = vector.shape_cast %swap3A_1175 : vector<16xi32> to vector<16xi32>
        %swap3A_1177 = vector.shape_cast %select_n3A_1173 : vector<16xi32> to vector<16xi32>
        tpu.vector_store %arg20[%swap3A_1174], %swap3A_1177 {strides = array<i32>} : memref<80xi32, #tpu.memory_space<vmem>>, vector<16xi32>,
        %add3A_1178 = arith.constant 64 : i32
        %add3A_1179 = arith.addi %mul3A_935, %add3A_1178 : i32
        %get3A_1180 = arith.index_cast %add3A_1179 : i32 to index
        %get3A_1181 = tpu.vector_load %arg8[%get3A_1180] {strides = array<i32>} : memref<2000xi32, #tpu.memory_space<vmem>>, vector<16xi32>,
        %get3A_1182 = vector.shape_cast %get3A_1181 : vector<16xi32> to vector<16xi32>
        %add3A_1183 = arith.constant 1 : i32
        %add3A_1184 = vector.broadcast %add3A_1183 : i32 to vector<16xi32>
        %add3A_1185 = arith.addi %get3A_1153, %add3A_1184 : vector<16xi32>
        %mul3A_1186 = arith.constant 10000 : i32
        %mul3A_1187 = vector.broadcast %mul3A_1186 : i32 to vector<16xi32>
        %mul3A_1188 = arith.muli %add3A_1185, %mul3A_1187 : vector<16xi32>
        %add3A_1189 = arith.addi %mul3A_1188, %get3A_1182 : vector<16xi32>
        %add3A_1190 = vector.broadcast %mul3A_129 : i32 to vector<16xi32>
        %add3A_1191 = arith.addi %add3A_1189, %add3A_1190 : vector<16xi32>
        %swap3A_1192 = arith.constant 64 : index
        %swap3A_1193 = tpu.vector_load %arg16[%swap3A_1192] {strides = array<i32>} : memref<80xi32, #tpu.memory_space<vmem>>, vector<16xi32>,
        %swap3A_1194 = vector.shape_cast %swap3A_1193 : vector<16xi32> to vector<16xi32>
        %swap3A_1195 = vector.shape_cast %add3A_1191 : vector<16xi32> to vector<16xi32>
        tpu.vector_store %arg16[%swap3A_1192], %swap3A_1195 {strides = array<i32>} : memref<80xi32, #tpu.memory_space<vmem>>, vector<16xi32>,
        %while3A_1196 = arith.constant 0 : i32
        %while3A_1197 = arith.constant 0 : i32
        %while3A_1198 = arith.subi %select_n3A_134, %while3A_1197 : i32
        %while3A_1199 = arith.addi %while3A_1197, %while3A_1198 : i32
        %while3A_1200 = arith.constant 1 : i32
        %while3A_1201 = arith.divsi %while3A_1198, %while3A_1200 : i32
        %while3A_1202 = arith.muli %while3A_1201, %while3A_1200 : i32
        %while3A_1203 = arith.addi %while3A_1197, %while3A_1202 : i32
        %while3A_1204 = arith.constant 1 : i32
        scf.for %while3A_1927 = %while3A_1197 to %while3A_1203 step %while3A_1204  : i32 {
          %dma_start3A_1928 = arith.constant 0 : i32
          %dma_start3A_1929 = arith.constant 0 : i32
          %dma_start3A_1930 = tpu.memref_slice %arg2[%dma_start3A_1928, %dma_start3A_1929] : memref<60000x128xf32, #tpu.memory_space<hbm>> -> memref<60000x128xf32, #tpu.memory_space<hbm>>
          tpu.enqueue_indirect_dma source(%dma_start3A_1930 : memref<60000x128xf32, #tpu.memory_space<hbm>>) target(%arg12 : memref<80x128xf32, #tpu.memory_space<vmem>>) offsets(%arg16 : memref<80xi32, #tpu.memory_space<vmem>>) semaphore(%arg24 : memref<!tpu.dma_semaphore, #tpu.memory_space<semaphore_mem>>)
        }
        %while3A_1205 = arith.constant 1 : i32
        scf.for %while3A_1927 = %while3A_1203 to %while3A_1199 step %while3A_1205  : i32 {
          %dma_start3A_1928 = arith.constant 0 : i32
          %dma_start3A_1929 = arith.constant 0 : i32
          %dma_start3A_1930 = tpu.memref_slice %arg2[%dma_start3A_1928, %dma_start3A_1929] : memref<60000x128xf32, #tpu.memory_space<hbm>> -> memref<60000x128xf32, #tpu.memory_space<hbm>>
          tpu.enqueue_indirect_dma source(%dma_start3A_1930 : memref<60000x128xf32, #tpu.memory_space<hbm>>) target(%arg12 : memref<80x128xf32, #tpu.memory_space<vmem>>) offsets(%arg16 : memref<80xi32, #tpu.memory_space<vmem>>) semaphore(%arg24 : memref<!tpu.dma_semaphore, #tpu.memory_space<semaphore_mem>>)
        }
        %ge3A_1206 = arith.constant 3 : i32
        %ge3A_1207 = arith.cmpi sge, %add3A_871, %ge3A_1206 : i32
        %jit3A_1208 = arith.constant 1 : i32
        %jit3A_1209 = arith.constant 0 : i32
        %select_n3A_1210 = arith.select %ge3A_1207, %jit3A_1208, %jit3A_1209 : i32
        %while3A_1211 = arith.constant 0 : i32
        %while3A_1212 = arith.constant 0 : i32
        %while3A_1213 = arith.subi %select_n3A_1210, %while3A_1212 : i32
        %while3A_1214 = arith.addi %while3A_1212, %while3A_1213 : i32
        %while3A_1215 = arith.constant 1 : i32
        %while3A_1216 = arith.divsi %while3A_1213, %while3A_1215 : i32
        %while3A_1217 = arith.muli %while3A_1216, %while3A_1215 : i32
        %while3A_1218 = arith.addi %while3A_1212, %while3A_1217 : i32
        %while3A_1219 = arith.constant 1 : i32
        scf.for %while3A_1927 = %while3A_1212 to %while3A_1218 step %while3A_1219  : i32 {
          %sub3A_1928 = arith.constant 3 : i32
          %sub3A_1929 = arith.subi %add3A_871, %sub3A_1928 : i32
          %while3A_1930 = arith.constant 0 : i32
          %while3A_1931 = arith.constant 0 : i32
          %while3A_1932 = arith.subi %select_n3A_134, %while3A_1931 : i32
          %while3A_1933 = arith.addi %while3A_1931, %while3A_1932 : i32
          %while3A_1934 = arith.constant 1 : i32
          %while3A_1935 = arith.divsi %while3A_1932, %while3A_1934 : i32
          %while3A_1936 = arith.muli %while3A_1935, %while3A_1934 : i32
          %while3A_1937 = arith.addi %while3A_1931, %while3A_1936 : i32
          %while3A_1938 = arith.constant 1 : i32
          scf.for %while3A_1943 = %while3A_1931 to %while3A_1937 step %while3A_1938  : i32 {
            %dma_wait3A_1944 = arith.constant 0 : i32
            %dma_wait3A_1945 = arith.constant 0 : i32
            %dma_wait3A_1946 = tpu.memref_slice %arg2[%dma_wait3A_1944, %dma_wait3A_1945] : memref<60000x128xf32, #tpu.memory_space<hbm>> -> memref<60000x128xf32, #tpu.memory_space<hbm>>
            tpu.wait_indirect_dma semaphore(%arg25 : memref<!tpu.dma_semaphore, #tpu.memory_space<semaphore_mem>>) src(%dma_wait3A_1946 : memref<60000x128xf32, #tpu.memory_space<hbm>>) dst(%arg13 : memref<80x128xf32, #tpu.memory_space<vmem>>)
          }
          %while3A_1939 = arith.constant 1 : i32
          scf.for %while3A_1943 = %while3A_1937 to %while3A_1933 step %while3A_1939  : i32 {
            %dma_wait3A_1944 = arith.constant 0 : i32
            %dma_wait3A_1945 = arith.constant 0 : i32
            %dma_wait3A_1946 = tpu.memref_slice %arg2[%dma_wait3A_1944, %dma_wait3A_1945] : memref<60000x128xf32, #tpu.memory_space<hbm>> -> memref<60000x128xf32, #tpu.memory_space<hbm>>
            tpu.wait_indirect_dma semaphore(%arg25 : memref<!tpu.dma_semaphore, #tpu.memory_space<semaphore_mem>>) src(%dma_wait3A_1946 : memref<60000x128xf32, #tpu.memory_space<hbm>>) dst(%arg13 : memref<80x128xf32, #tpu.memory_space<vmem>>)
          }
          %dma_start3A_1940 = arith.constant 0 : i32
          %dma_start3A_1941 = arith.constant 0 : i32
          %dma_start3A_1942 = tpu.memref_slice %arg7[%dma_start3A_1940, %dma_start3A_1941] : memref<10064x128xf32, #tpu.memory_space<vmem_shared>> -> memref<10064x128xf32, #tpu.memory_space<vmem_shared>>
          tpu.enqueue_indirect_dma source(%arg13 : memref<80x128xf32, #tpu.memory_space<vmem>>) target(%dma_start3A_1942 : memref<10064x128xf32, #tpu.memory_space<vmem_shared>>) offsets(%arg21 : memref<80xi32, #tpu.memory_space<vmem>>) semaphore(%arg29 : memref<!tpu.dma_semaphore, #tpu.memory_space<semaphore_mem>>) {add = true}
        }
        %while3A_1220 = arith.constant 1 : i32
        scf.for %while3A_1927 = %while3A_1218 to %while3A_1214 step %while3A_1220  : i32 {
          %sub3A_1928 = arith.constant 3 : i32
          %sub3A_1929 = arith.subi %add3A_871, %sub3A_1928 : i32
          %while3A_1930 = arith.constant 0 : i32
          %while3A_1931 = arith.constant 0 : i32
          %while3A_1932 = arith.subi %select_n3A_134, %while3A_1931 : i32
          %while3A_1933 = arith.addi %while3A_1931, %while3A_1932 : i32
          %while3A_1934 = arith.constant 1 : i32
          %while3A_1935 = arith.divsi %while3A_1932, %while3A_1934 : i32
          %while3A_1936 = arith.muli %while3A_1935, %while3A_1934 : i32
          %while3A_1937 = arith.addi %while3A_1931, %while3A_1936 : i32
          %while3A_1938 = arith.constant 1 : i32
          scf.for %while3A_1943 = %while3A_1931 to %while3A_1937 step %while3A_1938  : i32 {
            %dma_wait3A_1944 = arith.constant 0 : i32
            %dma_wait3A_1945 = arith.constant 0 : i32
            %dma_wait3A_1946 = tpu.memref_slice %arg2[%dma_wait3A_1944, %dma_wait3A_1945] : memref<60000x128xf32, #tpu.memory_space<hbm>> -> memref<60000x128xf32, #tpu.memory_space<hbm>>
            tpu.wait_indirect_dma semaphore(%arg25 : memref<!tpu.dma_semaphore, #tpu.memory_space<semaphore_mem>>) src(%dma_wait3A_1946 : memref<60000x128xf32, #tpu.memory_space<hbm>>) dst(%arg13 : memref<80x128xf32, #tpu.memory_space<vmem>>)
          }
          %while3A_1939 = arith.constant 1 : i32
          scf.for %while3A_1943 = %while3A_1937 to %while3A_1933 step %while3A_1939  : i32 {
            %dma_wait3A_1944 = arith.constant 0 : i32
            %dma_wait3A_1945 = arith.constant 0 : i32
            %dma_wait3A_1946 = tpu.memref_slice %arg2[%dma_wait3A_1944, %dma_wait3A_1945] : memref<60000x128xf32, #tpu.memory_space<hbm>> -> memref<60000x128xf32, #tpu.memory_space<hbm>>
            tpu.wait_indirect_dma semaphore(%arg25 : memref<!tpu.dma_semaphore, #tpu.memory_space<semaphore_mem>>) src(%dma_wait3A_1946 : memref<60000x128xf32, #tpu.memory_space<hbm>>) dst(%arg13 : memref<80x128xf32, #tpu.memory_space<vmem>>)
          }
          %dma_start3A_1940 = arith.constant 0 : i32
          %dma_start3A_1941 = arith.constant 0 : i32
          %dma_start3A_1942 = tpu.memref_slice %arg7[%dma_start3A_1940, %dma_start3A_1941] : memref<10064x128xf32, #tpu.memory_space<vmem_shared>> -> memref<10064x128xf32, #tpu.memory_space<vmem_shared>>
          tpu.enqueue_indirect_dma source(%arg13 : memref<80x128xf32, #tpu.memory_space<vmem>>) target(%dma_start3A_1942 : memref<10064x128xf32, #tpu.memory_space<vmem_shared>>) offsets(%arg21 : memref<80xi32, #tpu.memory_space<vmem>>) semaphore(%arg29 : memref<!tpu.dma_semaphore, #tpu.memory_space<semaphore_mem>>) {add = true}
        }
        %mul3A_1221 = arith.constant 4 : i32
        %mul3A_1222 = arith.muli %mul3A_1221, %scan3A_514 : i32
        %add3A_1223 = arith.constant 2 : i32
        %add3A_1224 = arith.addi %mul3A_1222, %add3A_1223 : i32
        %ge3A_1225 = arith.constant 4 : i32
        %ge3A_1226 = arith.cmpi sge, %add3A_1224, %ge3A_1225 : i32
        %jit3A_1227 = arith.constant 1 : i32
        %jit3A_1228 = arith.constant 0 : i32
        %select_n3A_1229 = arith.select %ge3A_1226, %jit3A_1227, %jit3A_1228 : i32
        %while3A_1230 = arith.constant 0 : i32
        %while3A_1231 = arith.constant 0 : i32
        %while3A_1232 = arith.subi %select_n3A_1229, %while3A_1231 : i32
        %while3A_1233 = arith.addi %while3A_1231, %while3A_1232 : i32
        %while3A_1234 = arith.constant 1 : i32
        %while3A_1235 = arith.divsi %while3A_1232, %while3A_1234 : i32
        %while3A_1236 = arith.muli %while3A_1235, %while3A_1234 : i32
        %while3A_1237 = arith.addi %while3A_1231, %while3A_1236 : i32
        %while3A_1238 = arith.constant 1 : i32
        scf.for %while3A_1927 = %while3A_1231 to %while3A_1237 step %while3A_1238  : i32 {
          %dma_wait3A_1928 = arith.constant 0 : i32
          %dma_wait3A_1929 = arith.constant 0 : i32
          %dma_wait3A_1930 = tpu.memref_slice %arg7[%dma_wait3A_1928, %dma_wait3A_1929] : memref<10064x128xf32, #tpu.memory_space<vmem_shared>> -> memref<10064x128xf32, #tpu.memory_space<vmem_shared>>
          tpu.wait_indirect_dma semaphore(%arg29 : memref<!tpu.dma_semaphore, #tpu.memory_space<semaphore_mem>>) src(%arg13 : memref<80x128xf32, #tpu.memory_space<vmem>>) dst(%dma_wait3A_1930 : memref<10064x128xf32, #tpu.memory_space<vmem_shared>>)
        }
        %while3A_1239 = arith.constant 1 : i32
        scf.for %while3A_1927 = %while3A_1237 to %while3A_1233 step %while3A_1239  : i32 {
          %dma_wait3A_1928 = arith.constant 0 : i32
          %dma_wait3A_1929 = arith.constant 0 : i32
          %dma_wait3A_1930 = tpu.memref_slice %arg7[%dma_wait3A_1928, %dma_wait3A_1929] : memref<10064x128xf32, #tpu.memory_space<vmem_shared>> -> memref<10064x128xf32, #tpu.memory_space<vmem_shared>>
          tpu.wait_indirect_dma semaphore(%arg29 : memref<!tpu.dma_semaphore, #tpu.memory_space<semaphore_mem>>) src(%arg13 : memref<80x128xf32, #tpu.memory_space<vmem>>) dst(%dma_wait3A_1930 : memref<10064x128xf32, #tpu.memory_space<vmem_shared>>)
        }
        %jit3A_1240 = arith.constant 25 : i32
        %eq3A_1241 = arith.constant 0 : i32
        %eq3A_1242 = arith.cmpi eq, %jit3A_1240, %eq3A_1241 : i32
        %jit3A_1243 = arith.constant 1 : i32
        %select_n3A_1244 = arith.select %eq3A_1242, %jit3A_1243, %jit3A_1240 : i32
        %rem3A_1245 = arith.remsi %add3A_1224, %select_n3A_1244 : i32
        %ne3A_1246 = arith.constant 0 : i32
        %ne3A_1247 = arith.cmpi ne, %rem3A_1245, %ne3A_1246 : i32
        %lt3A_1248 = arith.constant 0 : i32
        %lt3A_1249 = arith.cmpi slt, %rem3A_1245, %lt3A_1248 : i32
        %lt3A_1250 = arith.constant 0 : i32
        %lt3A_1251 = arith.cmpi slt, %select_n3A_1244, %lt3A_1250 : i32
        %ne3A_1252 = arith.xori %lt3A_1249, %lt3A_1251 : i1
        %and3A_1253 = arith.andi %ne3A_1252, %ne3A_1247 : i1
        %add3A_1254 = arith.addi %rem3A_1245, %select_n3A_1244 : i32
        %select_n3A_1255 = arith.select %and3A_1253, %add3A_1254, %rem3A_1245 : i32
        %eq3A_1256 = arith.constant 0 : i32
        %eq3A_1257 = arith.cmpi eq, %select_n3A_1255, %eq3A_1256 : i32
        %jit3A_1258 = arith.constant 1 : i32
        %jit3A_1259 = arith.constant 0 : i32
        %select_n3A_1260 = arith.select %eq3A_1257, %jit3A_1258, %jit3A_1259 : i32
        %while3A_1261 = arith.constant 0 : i32
        %while3A_1262 = arith.constant 0 : i32
        %while3A_1263 = arith.subi %select_n3A_1260, %while3A_1262 : i32
        %while3A_1264 = arith.addi %while3A_1262, %while3A_1263 : i32
        %while3A_1265 = arith.constant 1 : i32
        %while3A_1266 = arith.divsi %while3A_1263, %while3A_1265 : i32
        %while3A_1267 = arith.muli %while3A_1266, %while3A_1265 : i32
        %while3A_1268 = arith.addi %while3A_1262, %while3A_1267 : i32
        %while3A_1269 = arith.constant 1 : i32
        scf.for %while3A_1927 = %while3A_1262 to %while3A_1268 step %while3A_1269  : i32 {
          %mul3A_1928 = arith.constant 10000 : i32
          %mul3A_1929 = arith.muli %arg1, %mul3A_1928 : i32
          %jit3A_1930 = arith.constant 25 : i32
          %div3A_1931 = arith.divsi %add3A_1224, %jit3A_1930 : i32
          %sign3A_1932 = arith.constant 0 : i32
          %sign3A_1933 = arith.cmpi sgt, %add3A_1224, %sign3A_1932 : i32
          %sign3A_1934 = arith.extui %sign3A_1933 : i1 to i32
          %sign3A_1935 = arith.constant 0 : i32
          %sign3A_1936 = arith.cmpi slt, %add3A_1224, %sign3A_1935 : i32
          %sign3A_1937 = arith.extui %sign3A_1936 : i1 to i32
          %sign3A_1938 = arith.subi %sign3A_1934, %sign3A_1937 : i32
          %sign3A_1939 = arith.constant 0 : i32
          %sign3A_1940 = arith.cmpi sgt, %jit3A_1930, %sign3A_1939 : i32
          %sign3A_1941 = arith.extui %sign3A_1940 : i1 to i32
          %sign3A_1942 = arith.constant 0 : i32
          %sign3A_1943 = arith.cmpi slt, %jit3A_1930, %sign3A_1942 : i32
          %sign3A_1944 = arith.extui %sign3A_1943 : i1 to i32
          %sign3A_1945 = arith.subi %sign3A_1941, %sign3A_1944 : i32
          %ne3A_1946 = arith.cmpi ne, %sign3A_1938, %sign3A_1945 : i32
          %rem3A_1947 = arith.remsi %add3A_1224, %jit3A_1930 : i32
          %ne3A_1948 = arith.constant 0 : i32
          %ne3A_1949 = arith.cmpi ne, %rem3A_1947, %ne3A_1948 : i32
          %and3A_1950 = arith.andi %ne3A_1946, %ne3A_1949 : i1
          %sub3A_1951 = arith.constant 1 : i32
          %sub3A_1952 = arith.subi %div3A_1931, %sub3A_1951 : i32
          %select_n3A_1953 = arith.select %and3A_1950, %sub3A_1952, %div3A_1931 : i32
          %mul3A_1954 = arith.constant 2000 : i32
          %mul3A_1955 = arith.muli %select_n3A_1953, %mul3A_1954 : i32
          %add3A_1956 = arith.addi %mul3A_1929, %mul3A_1955 : i32
          %multiple_of3A = tpu.assume_multiple %add3A_1956, 8 : i32
          "tpu.region"() ({
            %run_scoped3A = tpu.sem_alloc : memref<!tpu.dma_semaphore, #tpu.memory_space<semaphore_mem>>
            %dma_start3A_1957 = tpu.memref_slice %arg3[%multiple_of3A] : memref<160000xi32, #tpu.memory_space<hbm>> -> memref<2000xi32, #tpu.memory_space<hbm>>
            %dma_start3A_1958 = tpu.memref_slice %arg3[%multiple_of3A] : memref<160000xi32, #tpu.memory_space<hbm>> -> memref<2000xi32, #tpu.memory_space<hbm>>
            tpu.enqueue_dma source(%dma_start3A_1958 : memref<2000xi32, #tpu.memory_space<hbm>>) target(%arg8 : memref<2000xi32, #tpu.memory_space<vmem>>) target_semaphore(%run_scoped3A : memref<!tpu.dma_semaphore, #tpu.memory_space<semaphore_mem>>)
            %dma_wait3A_1959 = tpu.memref_slice %arg3[%multiple_of3A] : memref<160000xi32, #tpu.memory_space<hbm>> -> memref<2000xi32, #tpu.memory_space<hbm>>
            %dma_wait3A_1960 = tpu.memref_slice %arg3[%multiple_of3A] : memref<160000xi32, #tpu.memory_space<hbm>> -> memref<2000xi32, #tpu.memory_space<hbm>>
            tpu.wait_dma2 semaphore(%run_scoped3A : memref<!tpu.dma_semaphore, #tpu.memory_space<semaphore_mem>>) src(%dma_wait3A_1960 : memref<2000xi32, #tpu.memory_space<hbm>>) dst(%arg8 : memref<2000xi32, #tpu.memory_space<vmem>>)
            tpu.yield
          }) : () -> ()
          "tpu.region"() ({
            %run_scoped3A = tpu.sem_alloc : memref<!tpu.dma_semaphore, #tpu.memory_space<semaphore_mem>>
            %dma_start3A_1957 = tpu.memref_slice %arg4[%multiple_of3A] : memref<160000xi32, #tpu.memory_space<hbm>> -> memref<2000xi32, #tpu.memory_space<hbm>>
            %dma_start3A_1958 = tpu.memref_slice %arg4[%multiple_of3A] : memref<160000xi32, #tpu.memory_space<hbm>> -> memref<2000xi32, #tpu.memory_space<hbm>>
            tpu.enqueue_dma source(%dma_start3A_1958 : memref<2000xi32, #tpu.memory_space<hbm>>) target(%arg9 : memref<2000xi32, #tpu.memory_space<vmem>>) target_semaphore(%run_scoped3A : memref<!tpu.dma_semaphore, #tpu.memory_space<semaphore_mem>>)
            %dma_wait3A_1959 = tpu.memref_slice %arg4[%multiple_of3A] : memref<160000xi32, #tpu.memory_space<hbm>> -> memref<2000xi32, #tpu.memory_space<hbm>>
            %dma_wait3A_1960 = tpu.memref_slice %arg4[%multiple_of3A] : memref<160000xi32, #tpu.memory_space<hbm>> -> memref<2000xi32, #tpu.memory_space<hbm>>
            tpu.wait_dma2 semaphore(%run_scoped3A : memref<!tpu.dma_semaphore, #tpu.memory_space<semaphore_mem>>) src(%dma_wait3A_1960 : memref<2000xi32, #tpu.memory_space<hbm>>) dst(%arg9 : memref<2000xi32, #tpu.memory_space<vmem>>)
            tpu.yield
          }) : () -> ()
          "tpu.region"() ({
            %run_scoped3A = tpu.sem_alloc : memref<!tpu.dma_semaphore, #tpu.memory_space<semaphore_mem>>
            %dma_start3A_1957 = tpu.memref_slice %arg5[%multiple_of3A] : memref<160000xi32, #tpu.memory_space<hbm>> -> memref<2000xi32, #tpu.memory_space<hbm>>
            %dma_start3A_1958 = tpu.memref_slice %arg5[%multiple_of3A] : memref<160000xi32, #tpu.memory_space<hbm>> -> memref<2000xi32, #tpu.memory_space<hbm>>
            tpu.enqueue_dma source(%dma_start3A_1958 : memref<2000xi32, #tpu.memory_space<hbm>>) target(%arg10 : memref<2000xi32, #tpu.memory_space<vmem>>) target_semaphore(%run_scoped3A : memref<!tpu.dma_semaphore, #tpu.memory_space<semaphore_mem>>)
            %dma_wait3A_1959 = tpu.memref_slice %arg5[%multiple_of3A] : memref<160000xi32, #tpu.memory_space<hbm>> -> memref<2000xi32, #tpu.memory_space<hbm>>
            %dma_wait3A_1960 = tpu.memref_slice %arg5[%multiple_of3A] : memref<160000xi32, #tpu.memory_space<hbm>> -> memref<2000xi32, #tpu.memory_space<hbm>>
            tpu.wait_dma2 semaphore(%run_scoped3A : memref<!tpu.dma_semaphore, #tpu.memory_space<semaphore_mem>>) src(%dma_wait3A_1960 : memref<2000xi32, #tpu.memory_space<hbm>>) dst(%arg10 : memref<2000xi32, #tpu.memory_space<vmem>>)
            tpu.yield
          }) : () -> ()
        }
        %while3A_1270 = arith.constant 1 : i32
        scf.for %while3A_1927 = %while3A_1268 to %while3A_1264 step %while3A_1270  : i32 {
          %mul3A_1928 = arith.constant 10000 : i32
          %mul3A_1929 = arith.muli %arg1, %mul3A_1928 : i32
          %jit3A_1930 = arith.constant 25 : i32
          %div3A_1931 = arith.divsi %add3A_1224, %jit3A_1930 : i32
          %sign3A_1932 = arith.constant 0 : i32
          %sign3A_1933 = arith.cmpi sgt, %add3A_1224, %sign3A_1932 : i32
          %sign3A_1934 = arith.extui %sign3A_1933 : i1 to i32
          %sign3A_1935 = arith.constant 0 : i32
          %sign3A_1936 = arith.cmpi slt, %add3A_1224, %sign3A_1935 : i32
          %sign3A_1937 = arith.extui %sign3A_1936 : i1 to i32
          %sign3A_1938 = arith.subi %sign3A_1934, %sign3A_1937 : i32
          %sign3A_1939 = arith.constant 0 : i32
          %sign3A_1940 = arith.cmpi sgt, %jit3A_1930, %sign3A_1939 : i32
          %sign3A_1941 = arith.extui %sign3A_1940 : i1 to i32
          %sign3A_1942 = arith.constant 0 : i32
          %sign3A_1943 = arith.cmpi slt, %jit3A_1930, %sign3A_1942 : i32
          %sign3A_1944 = arith.extui %sign3A_1943 : i1 to i32
          %sign3A_1945 = arith.subi %sign3A_1941, %sign3A_1944 : i32
          %ne3A_1946 = arith.cmpi ne, %sign3A_1938, %sign3A_1945 : i32
          %rem3A_1947 = arith.remsi %add3A_1224, %jit3A_1930 : i32
          %ne3A_1948 = arith.constant 0 : i32
          %ne3A_1949 = arith.cmpi ne, %rem3A_1947, %ne3A_1948 : i32
          %and3A_1950 = arith.andi %ne3A_1946, %ne3A_1949 : i1
          %sub3A_1951 = arith.constant 1 : i32
          %sub3A_1952 = arith.subi %div3A_1931, %sub3A_1951 : i32
          %select_n3A_1953 = arith.select %and3A_1950, %sub3A_1952, %div3A_1931 : i32
          %mul3A_1954 = arith.constant 2000 : i32
          %mul3A_1955 = arith.muli %select_n3A_1953, %mul3A_1954 : i32
          %add3A_1956 = arith.addi %mul3A_1929, %mul3A_1955 : i32
          %multiple_of3A = tpu.assume_multiple %add3A_1956, 8 : i32
          "tpu.region"() ({
            %run_scoped3A = tpu.sem_alloc : memref<!tpu.dma_semaphore, #tpu.memory_space<semaphore_mem>>
            %dma_start3A_1957 = tpu.memref_slice %arg3[%multiple_of3A] : memref<160000xi32, #tpu.memory_space<hbm>> -> memref<2000xi32, #tpu.memory_space<hbm>>
            %dma_start3A_1958 = tpu.memref_slice %arg3[%multiple_of3A] : memref<160000xi32, #tpu.memory_space<hbm>> -> memref<2000xi32, #tpu.memory_space<hbm>>
            tpu.enqueue_dma source(%dma_start3A_1958 : memref<2000xi32, #tpu.memory_space<hbm>>) target(%arg8 : memref<2000xi32, #tpu.memory_space<vmem>>) target_semaphore(%run_scoped3A : memref<!tpu.dma_semaphore, #tpu.memory_space<semaphore_mem>>)
            %dma_wait3A_1959 = tpu.memref_slice %arg3[%multiple_of3A] : memref<160000xi32, #tpu.memory_space<hbm>> -> memref<2000xi32, #tpu.memory_space<hbm>>
            %dma_wait3A_1960 = tpu.memref_slice %arg3[%multiple_of3A] : memref<160000xi32, #tpu.memory_space<hbm>> -> memref<2000xi32, #tpu.memory_space<hbm>>
            tpu.wait_dma2 semaphore(%run_scoped3A : memref<!tpu.dma_semaphore, #tpu.memory_space<semaphore_mem>>) src(%dma_wait3A_1960 : memref<2000xi32, #tpu.memory_space<hbm>>) dst(%arg8 : memref<2000xi32, #tpu.memory_space<vmem>>)
            tpu.yield
          }) : () -> ()
          "tpu.region"() ({
            %run_scoped3A = tpu.sem_alloc : memref<!tpu.dma_semaphore, #tpu.memory_space<semaphore_mem>>
            %dma_start3A_1957 = tpu.memref_slice %arg4[%multiple_of3A] : memref<160000xi32, #tpu.memory_space<hbm>> -> memref<2000xi32, #tpu.memory_space<hbm>>
            %dma_start3A_1958 = tpu.memref_slice %arg4[%multiple_of3A] : memref<160000xi32, #tpu.memory_space<hbm>> -> memref<2000xi32, #tpu.memory_space<hbm>>
            tpu.enqueue_dma source(%dma_start3A_1958 : memref<2000xi32, #tpu.memory_space<hbm>>) target(%arg9 : memref<2000xi32, #tpu.memory_space<vmem>>) target_semaphore(%run_scoped3A : memref<!tpu.dma_semaphore, #tpu.memory_space<semaphore_mem>>)
            %dma_wait3A_1959 = tpu.memref_slice %arg4[%multiple_of3A] : memref<160000xi32, #tpu.memory_space<hbm>> -> memref<2000xi32, #tpu.memory_space<hbm>>
            %dma_wait3A_1960 = tpu.memref_slice %arg4[%multiple_of3A] : memref<160000xi32, #tpu.memory_space<hbm>> -> memref<2000xi32, #tpu.memory_space<hbm>>
            tpu.wait_dma2 semaphore(%run_scoped3A : memref<!tpu.dma_semaphore, #tpu.memory_space<semaphore_mem>>) src(%dma_wait3A_1960 : memref<2000xi32, #tpu.memory_space<hbm>>) dst(%arg9 : memref<2000xi32, #tpu.memory_space<vmem>>)
            tpu.yield
          }) : () -> ()
          "tpu.region"() ({
            %run_scoped3A = tpu.sem_alloc : memref<!tpu.dma_semaphore, #tpu.memory_space<semaphore_mem>>
            %dma_start3A_1957 = tpu.memref_slice %arg5[%multiple_of3A] : memref<160000xi32, #tpu.memory_space<hbm>> -> memref<2000xi32, #tpu.memory_space<hbm>>
            %dma_start3A_1958 = tpu.memref_slice %arg5[%multiple_of3A] : memref<160000xi32, #tpu.memory_space<hbm>> -> memref<2000xi32, #tpu.memory_space<hbm>>
            tpu.enqueue_dma source(%dma_start3A_1958 : memref<2000xi32, #tpu.memory_space<hbm>>) target(%arg10 : memref<2000xi32, #tpu.memory_space<vmem>>) target_semaphore(%run_scoped3A : memref<!tpu.dma_semaphore, #tpu.memory_space<semaphore_mem>>)
            %dma_wait3A_1959 = tpu.memref_slice %arg5[%multiple_of3A] : memref<160000xi32, #tpu.memory_space<hbm>> -> memref<2000xi32, #tpu.memory_space<hbm>>
            %dma_wait3A_1960 = tpu.memref_slice %arg5[%multiple_of3A] : memref<160000xi32, #tpu.memory_space<hbm>> -> memref<2000xi32, #tpu.memory_space<hbm>>
            tpu.wait_dma2 semaphore(%run_scoped3A : memref<!tpu.dma_semaphore, #tpu.memory_space<semaphore_mem>>) src(%dma_wait3A_1960 : memref<2000xi32, #tpu.memory_space<hbm>>) dst(%arg10 : memref<2000xi32, #tpu.memory_space<vmem>>)
            tpu.yield
          }) : () -> ()
        }
        %jit3A_1271 = arith.constant 25 : i32
        %eq3A_1272 = arith.constant 0 : i32
        %eq3A_1273 = arith.cmpi eq, %jit3A_1271, %eq3A_1272 : i32
        %jit3A_1274 = arith.constant 1 : i32
        %select_n3A_1275 = arith.select %eq3A_1273, %jit3A_1274, %jit3A_1271 : i32
        %rem3A_1276 = arith.remsi %add3A_1224, %select_n3A_1275 : i32
        %ne3A_1277 = arith.constant 0 : i32
        %ne3A_1278 = arith.cmpi ne, %rem3A_1276, %ne3A_1277 : i32
        %lt3A_1279 = arith.constant 0 : i32
        %lt3A_1280 = arith.cmpi slt, %rem3A_1276, %lt3A_1279 : i32
        %lt3A_1281 = arith.constant 0 : i32
        %lt3A_1282 = arith.cmpi slt, %select_n3A_1275, %lt3A_1281 : i32
        %ne3A_1283 = arith.xori %lt3A_1280, %lt3A_1282 : i1
        %and3A_1284 = arith.andi %ne3A_1283, %ne3A_1278 : i1
        %add3A_1285 = arith.addi %rem3A_1276, %select_n3A_1275 : i32
        %select_n3A_1286 = arith.select %and3A_1284, %add3A_1285, %rem3A_1276 : i32
        %mul3A_1287 = arith.constant 80 : i32
        %mul3A_1288 = arith.muli %select_n3A_1286, %mul3A_1287 : i32
        %add3A_1289 = arith.constant 0 : i32
        %add3A_1290 = arith.addi %mul3A_1288, %add3A_1289 : i32
        %get3A_1291 = arith.index_cast %add3A_1290 : i32 to index
        %get3A_1292 = tpu.vector_load %arg9[%get3A_1291] {strides = array<i32>} : memref<2000xi32, #tpu.memory_space<vmem>>, vector<16xi32>,
        %get3A_1293 = vector.shape_cast %get3A_1292 : vector<16xi32> to vector<16xi32>
        %add3A_1294 = arith.constant 0 : i32
        %add3A_1295 = arith.addi %mul3A_1288, %add3A_1294 : i32
        %get3A_1296 = arith.index_cast %add3A_1295 : i32 to index
        %get3A_1297 = tpu.vector_load %arg10[%get3A_1296] {strides = array<i32>} : memref<2000xi32, #tpu.memory_space<vmem>>, vector<16xi32>,
        %get3A_1298 = vector.shape_cast %get3A_1297 : vector<16xi32> to vector<16xi32>
        %ge3A_1299 = vector.broadcast %mul3A_0 : i32 to vector<16xi32>
        %ge3A_1300 = arith.cmpi sge, %get3A_1293, %ge3A_1299 : vector<16xi32>
        %add3A_1301 = arith.constant 5000 : i32
        %add3A_1302 = arith.addi %mul3A_0, %add3A_1301 : i32
        %lt3A_1303 = vector.broadcast %add3A_1302 : i32 to vector<16xi32>
        %lt3A_1304 = arith.cmpi slt, %get3A_1293, %lt3A_1303 : vector<16xi32>
        %and3A_1305 = arith.andi %ge3A_1300, %lt3A_1304 : vector<16xi1>
        %mul3A_1306 = arith.constant 5000 : i32
        %mul3A_1307 = vector.broadcast %mul3A_1306 : i32 to vector<16xi32>
        %mul3A_1308 = arith.muli %get3A_1298, %mul3A_1307 : vector<16xi32>
        %sub3A_1309 = vector.broadcast %mul3A_0 : i32 to vector<16xi32>
        %sub3A_1310 = arith.subi %get3A_1293, %sub3A_1309 : vector<16xi32>
        %add3A_1311 = arith.addi %mul3A_1308, %sub3A_1310 : vector<16xi32>
        %and3A_1312 = arith.constant 63 : i32
        %and3A_1313 = vector.broadcast %and3A_1312 : i32 to vector<16xi32>
        %and3A_1314 = arith.andi %get3A_1293, %and3A_1313 : vector<16xi32>
        %add3A_1315 = arith.constant 10000 : i32
        %add3A_1316 = vector.broadcast %add3A_1315 : i32 to vector<16xi32>
        %add3A_1317 = arith.addi %add3A_1316, %and3A_1314 : vector<16xi32>
        %select_n3A_1318 = arith.select %and3A_1305, %add3A_1311, %add3A_1317 : vector<16xi1>, vector<16xi32>
        %swap3A_1319 = arith.constant 0 : index
        %swap3A_1320 = tpu.vector_load %arg21[%swap3A_1319] {strides = array<i32>} : memref<80xi32, #tpu.memory_space<vmem>>, vector<16xi32>,
        %swap3A_1321 = vector.shape_cast %swap3A_1320 : vector<16xi32> to vector<16xi32>
        %swap3A_1322 = vector.shape_cast %select_n3A_1318 : vector<16xi32> to vector<16xi32>
        tpu.vector_store %arg21[%swap3A_1319], %swap3A_1322 {strides = array<i32>} : memref<80xi32, #tpu.memory_space<vmem>>, vector<16xi32>,
        %add3A_1323 = arith.constant 0 : i32
        %add3A_1324 = arith.addi %mul3A_1288, %add3A_1323 : i32
        %get3A_1325 = arith.index_cast %add3A_1324 : i32 to index
        %get3A_1326 = tpu.vector_load %arg8[%get3A_1325] {strides = array<i32>} : memref<2000xi32, #tpu.memory_space<vmem>>, vector<16xi32>,
        %get3A_1327 = vector.shape_cast %get3A_1326 : vector<16xi32> to vector<16xi32>
        %add3A_1328 = arith.constant 1 : i32
        %add3A_1329 = vector.broadcast %add3A_1328 : i32 to vector<16xi32>
        %add3A_1330 = arith.addi %get3A_1298, %add3A_1329 : vector<16xi32>
        %mul3A_1331 = arith.constant 10000 : i32
        %mul3A_1332 = vector.broadcast %mul3A_1331 : i32 to vector<16xi32>
        %mul3A_1333 = arith.muli %add3A_1330, %mul3A_1332 : vector<16xi32>
        %add3A_1334 = arith.addi %mul3A_1333, %get3A_1327 : vector<16xi32>
        %add3A_1335 = vector.broadcast %mul3A_129 : i32 to vector<16xi32>
        %add3A_1336 = arith.addi %add3A_1334, %add3A_1335 : vector<16xi32>
        %swap3A_1337 = arith.constant 0 : index
        %swap3A_1338 = tpu.vector_load %arg17[%swap3A_1337] {strides = array<i32>} : memref<80xi32, #tpu.memory_space<vmem>>, vector<16xi32>,
        %swap3A_1339 = vector.shape_cast %swap3A_1338 : vector<16xi32> to vector<16xi32>
        %swap3A_1340 = vector.shape_cast %add3A_1336 : vector<16xi32> to vector<16xi32>
        tpu.vector_store %arg17[%swap3A_1337], %swap3A_1340 {strides = array<i32>} : memref<80xi32, #tpu.memory_space<vmem>>, vector<16xi32>,
        %add3A_1341 = arith.constant 16 : i32
        %add3A_1342 = arith.addi %mul3A_1288, %add3A_1341 : i32
        %get3A_1343 = arith.index_cast %add3A_1342 : i32 to index
        %get3A_1344 = tpu.vector_load %arg9[%get3A_1343] {strides = array<i32>} : memref<2000xi32, #tpu.memory_space<vmem>>, vector<16xi32>,
        %get3A_1345 = vector.shape_cast %get3A_1344 : vector<16xi32> to vector<16xi32>
        %add3A_1346 = arith.constant 16 : i32
        %add3A_1347 = arith.addi %mul3A_1288, %add3A_1346 : i32
        %get3A_1348 = arith.index_cast %add3A_1347 : i32 to index
        %get3A_1349 = tpu.vector_load %arg10[%get3A_1348] {strides = array<i32>} : memref<2000xi32, #tpu.memory_space<vmem>>, vector<16xi32>,
        %get3A_1350 = vector.shape_cast %get3A_1349 : vector<16xi32> to vector<16xi32>
        %ge3A_1351 = vector.broadcast %mul3A_0 : i32 to vector<16xi32>
        %ge3A_1352 = arith.cmpi sge, %get3A_1345, %ge3A_1351 : vector<16xi32>
        %add3A_1353 = arith.constant 5000 : i32
        %add3A_1354 = arith.addi %mul3A_0, %add3A_1353 : i32
        %lt3A_1355 = vector.broadcast %add3A_1354 : i32 to vector<16xi32>
        %lt3A_1356 = arith.cmpi slt, %get3A_1345, %lt3A_1355 : vector<16xi32>
        %and3A_1357 = arith.andi %ge3A_1352, %lt3A_1356 : vector<16xi1>
        %mul3A_1358 = arith.constant 5000 : i32
        %mul3A_1359 = vector.broadcast %mul3A_1358 : i32 to vector<16xi32>
        %mul3A_1360 = arith.muli %get3A_1350, %mul3A_1359 : vector<16xi32>
        %sub3A_1361 = vector.broadcast %mul3A_0 : i32 to vector<16xi32>
        %sub3A_1362 = arith.subi %get3A_1345, %sub3A_1361 : vector<16xi32>
        %add3A_1363 = arith.addi %mul3A_1360, %sub3A_1362 : vector<16xi32>
        %and3A_1364 = arith.constant 63 : i32
        %and3A_1365 = vector.broadcast %and3A_1364 : i32 to vector<16xi32>
        %and3A_1366 = arith.andi %get3A_1345, %and3A_1365 : vector<16xi32>
        %add3A_1367 = arith.constant 10000 : i32
        %add3A_1368 = vector.broadcast %add3A_1367 : i32 to vector<16xi32>
        %add3A_1369 = arith.addi %add3A_1368, %and3A_1366 : vector<16xi32>
        %select_n3A_1370 = arith.select %and3A_1357, %add3A_1363, %add3A_1369 : vector<16xi1>, vector<16xi32>
        %swap3A_1371 = arith.constant 16 : index
        %swap3A_1372 = tpu.vector_load %arg21[%swap3A_1371] {strides = array<i32>} : memref<80xi32, #tpu.memory_space<vmem>>, vector<16xi32>,
        %swap3A_1373 = vector.shape_cast %swap3A_1372 : vector<16xi32> to vector<16xi32>
        %swap3A_1374 = vector.shape_cast %select_n3A_1370 : vector<16xi32> to vector<16xi32>
        tpu.vector_store %arg21[%swap3A_1371], %swap3A_1374 {strides = array<i32>} : memref<80xi32, #tpu.memory_space<vmem>>, vector<16xi32>,
        %add3A_1375 = arith.constant 16 : i32
        %add3A_1376 = arith.addi %mul3A_1288, %add3A_1375 : i32
        %get3A_1377 = arith.index_cast %add3A_1376 : i32 to index
        %get3A_1378 = tpu.vector_load %arg8[%get3A_1377] {strides = array<i32>} : memref<2000xi32, #tpu.memory_space<vmem>>, vector<16xi32>,
        %get3A_1379 = vector.shape_cast %get3A_1378 : vector<16xi32> to vector<16xi32>
        %add3A_1380 = arith.constant 1 : i32
        %add3A_1381 = vector.broadcast %add3A_1380 : i32 to vector<16xi32>
        %add3A_1382 = arith.addi %get3A_1350, %add3A_1381 : vector<16xi32>
        %mul3A_1383 = arith.constant 10000 : i32
        %mul3A_1384 = vector.broadcast %mul3A_1383 : i32 to vector<16xi32>
        %mul3A_1385 = arith.muli %add3A_1382, %mul3A_1384 : vector<16xi32>
        %add3A_1386 = arith.addi %mul3A_1385, %get3A_1379 : vector<16xi32>
        %add3A_1387 = vector.broadcast %mul3A_129 : i32 to vector<16xi32>
        %add3A_1388 = arith.addi %add3A_1386, %add3A_1387 : vector<16xi32>
        %swap3A_1389 = arith.constant 16 : index
        %swap3A_1390 = tpu.vector_load %arg17[%swap3A_1389] {strides = array<i32>} : memref<80xi32, #tpu.memory_space<vmem>>, vector<16xi32>,
        %swap3A_1391 = vector.shape_cast %swap3A_1390 : vector<16xi32> to vector<16xi32>
        %swap3A_1392 = vector.shape_cast %add3A_1388 : vector<16xi32> to vector<16xi32>
        tpu.vector_store %arg17[%swap3A_1389], %swap3A_1392 {strides = array<i32>} : memref<80xi32, #tpu.memory_space<vmem>>, vector<16xi32>,
        %add3A_1393 = arith.constant 32 : i32
        %add3A_1394 = arith.addi %mul3A_1288, %add3A_1393 : i32
        %get3A_1395 = arith.index_cast %add3A_1394 : i32 to index
        %get3A_1396 = tpu.vector_load %arg9[%get3A_1395] {strides = array<i32>} : memref<2000xi32, #tpu.memory_space<vmem>>, vector<16xi32>,
        %get3A_1397 = vector.shape_cast %get3A_1396 : vector<16xi32> to vector<16xi32>
        %add3A_1398 = arith.constant 32 : i32
        %add3A_1399 = arith.addi %mul3A_1288, %add3A_1398 : i32
        %get3A_1400 = arith.index_cast %add3A_1399 : i32 to index
        %get3A_1401 = tpu.vector_load %arg10[%get3A_1400] {strides = array<i32>} : memref<2000xi32, #tpu.memory_space<vmem>>, vector<16xi32>,
        %get3A_1402 = vector.shape_cast %get3A_1401 : vector<16xi32> to vector<16xi32>
        %ge3A_1403 = vector.broadcast %mul3A_0 : i32 to vector<16xi32>
        %ge3A_1404 = arith.cmpi sge, %get3A_1397, %ge3A_1403 : vector<16xi32>
        %add3A_1405 = arith.constant 5000 : i32
        %add3A_1406 = arith.addi %mul3A_0, %add3A_1405 : i32
        %lt3A_1407 = vector.broadcast %add3A_1406 : i32 to vector<16xi32>
        %lt3A_1408 = arith.cmpi slt, %get3A_1397, %lt3A_1407 : vector<16xi32>
        %and3A_1409 = arith.andi %ge3A_1404, %lt3A_1408 : vector<16xi1>
        %mul3A_1410 = arith.constant 5000 : i32
        %mul3A_1411 = vector.broadcast %mul3A_1410 : i32 to vector<16xi32>
        %mul3A_1412 = arith.muli %get3A_1402, %mul3A_1411 : vector<16xi32>
        %sub3A_1413 = vector.broadcast %mul3A_0 : i32 to vector<16xi32>
        %sub3A_1414 = arith.subi %get3A_1397, %sub3A_1413 : vector<16xi32>
        %add3A_1415 = arith.addi %mul3A_1412, %sub3A_1414 : vector<16xi32>
        %and3A_1416 = arith.constant 63 : i32
        %and3A_1417 = vector.broadcast %and3A_1416 : i32 to vector<16xi32>
        %and3A_1418 = arith.andi %get3A_1397, %and3A_1417 : vector<16xi32>
        %add3A_1419 = arith.constant 10000 : i32
        %add3A_1420 = vector.broadcast %add3A_1419 : i32 to vector<16xi32>
        %add3A_1421 = arith.addi %add3A_1420, %and3A_1418 : vector<16xi32>
        %select_n3A_1422 = arith.select %and3A_1409, %add3A_1415, %add3A_1421 : vector<16xi1>, vector<16xi32>
        %swap3A_1423 = arith.constant 32 : index
        %swap3A_1424 = tpu.vector_load %arg21[%swap3A_1423] {strides = array<i32>} : memref<80xi32, #tpu.memory_space<vmem>>, vector<16xi32>,
        %swap3A_1425 = vector.shape_cast %swap3A_1424 : vector<16xi32> to vector<16xi32>
        %swap3A_1426 = vector.shape_cast %select_n3A_1422 : vector<16xi32> to vector<16xi32>
        tpu.vector_store %arg21[%swap3A_1423], %swap3A_1426 {strides = array<i32>} : memref<80xi32, #tpu.memory_space<vmem>>, vector<16xi32>,
        %add3A_1427 = arith.constant 32 : i32
        %add3A_1428 = arith.addi %mul3A_1288, %add3A_1427 : i32
        %get3A_1429 = arith.index_cast %add3A_1428 : i32 to index
        %get3A_1430 = tpu.vector_load %arg8[%get3A_1429] {strides = array<i32>} : memref<2000xi32, #tpu.memory_space<vmem>>, vector<16xi32>,
        %get3A_1431 = vector.shape_cast %get3A_1430 : vector<16xi32> to vector<16xi32>
        %add3A_1432 = arith.constant 1 : i32
        %add3A_1433 = vector.broadcast %add3A_1432 : i32 to vector<16xi32>
        %add3A_1434 = arith.addi %get3A_1402, %add3A_1433 : vector<16xi32>
        %mul3A_1435 = arith.constant 10000 : i32
        %mul3A_1436 = vector.broadcast %mul3A_1435 : i32 to vector<16xi32>
        %mul3A_1437 = arith.muli %add3A_1434, %mul3A_1436 : vector<16xi32>
        %add3A_1438 = arith.addi %mul3A_1437, %get3A_1431 : vector<16xi32>
        %add3A_1439 = vector.broadcast %mul3A_129 : i32 to vector<16xi32>
        %add3A_1440 = arith.addi %add3A_1438, %add3A_1439 : vector<16xi32>
        %swap3A_1441 = arith.constant 32 : index
        %swap3A_1442 = tpu.vector_load %arg17[%swap3A_1441] {strides = array<i32>} : memref<80xi32, #tpu.memory_space<vmem>>, vector<16xi32>,
        %swap3A_1443 = vector.shape_cast %swap3A_1442 : vector<16xi32> to vector<16xi32>
        %swap3A_1444 = vector.shape_cast %add3A_1440 : vector<16xi32> to vector<16xi32>
        tpu.vector_store %arg17[%swap3A_1441], %swap3A_1444 {strides = array<i32>} : memref<80xi32, #tpu.memory_space<vmem>>, vector<16xi32>,
        %add3A_1445 = arith.constant 48 : i32
        %add3A_1446 = arith.addi %mul3A_1288, %add3A_1445 : i32
        %get3A_1447 = arith.index_cast %add3A_1446 : i32 to index
        %get3A_1448 = tpu.vector_load %arg9[%get3A_1447] {strides = array<i32>} : memref<2000xi32, #tpu.memory_space<vmem>>, vector<16xi32>,
        %get3A_1449 = vector.shape_cast %get3A_1448 : vector<16xi32> to vector<16xi32>
        %add3A_1450 = arith.constant 48 : i32
        %add3A_1451 = arith.addi %mul3A_1288, %add3A_1450 : i32
        %get3A_1452 = arith.index_cast %add3A_1451 : i32 to index
        %get3A_1453 = tpu.vector_load %arg10[%get3A_1452] {strides = array<i32>} : memref<2000xi32, #tpu.memory_space<vmem>>, vector<16xi32>,
        %get3A_1454 = vector.shape_cast %get3A_1453 : vector<16xi32> to vector<16xi32>
        %ge3A_1455 = vector.broadcast %mul3A_0 : i32 to vector<16xi32>
        %ge3A_1456 = arith.cmpi sge, %get3A_1449, %ge3A_1455 : vector<16xi32>
        %add3A_1457 = arith.constant 5000 : i32
        %add3A_1458 = arith.addi %mul3A_0, %add3A_1457 : i32
        %lt3A_1459 = vector.broadcast %add3A_1458 : i32 to vector<16xi32>
        %lt3A_1460 = arith.cmpi slt, %get3A_1449, %lt3A_1459 : vector<16xi32>
        %and3A_1461 = arith.andi %ge3A_1456, %lt3A_1460 : vector<16xi1>
        %mul3A_1462 = arith.constant 5000 : i32
        %mul3A_1463 = vector.broadcast %mul3A_1462 : i32 to vector<16xi32>
        %mul3A_1464 = arith.muli %get3A_1454, %mul3A_1463 : vector<16xi32>
        %sub3A_1465 = vector.broadcast %mul3A_0 : i32 to vector<16xi32>
        %sub3A_1466 = arith.subi %get3A_1449, %sub3A_1465 : vector<16xi32>
        %add3A_1467 = arith.addi %mul3A_1464, %sub3A_1466 : vector<16xi32>
        %and3A_1468 = arith.constant 63 : i32
        %and3A_1469 = vector.broadcast %and3A_1468 : i32 to vector<16xi32>
        %and3A_1470 = arith.andi %get3A_1449, %and3A_1469 : vector<16xi32>
        %add3A_1471 = arith.constant 10000 : i32
        %add3A_1472 = vector.broadcast %add3A_1471 : i32 to vector<16xi32>
        %add3A_1473 = arith.addi %add3A_1472, %and3A_1470 : vector<16xi32>
        %select_n3A_1474 = arith.select %and3A_1461, %add3A_1467, %add3A_1473 : vector<16xi1>, vector<16xi32>
        %swap3A_1475 = arith.constant 48 : index
        %swap3A_1476 = tpu.vector_load %arg21[%swap3A_1475] {strides = array<i32>} : memref<80xi32, #tpu.memory_space<vmem>>, vector<16xi32>,
        %swap3A_1477 = vector.shape_cast %swap3A_1476 : vector<16xi32> to vector<16xi32>
        %swap3A_1478 = vector.shape_cast %select_n3A_1474 : vector<16xi32> to vector<16xi32>
        tpu.vector_store %arg21[%swap3A_1475], %swap3A_1478 {strides = array<i32>} : memref<80xi32, #tpu.memory_space<vmem>>, vector<16xi32>,
        %add3A_1479 = arith.constant 48 : i32
        %add3A_1480 = arith.addi %mul3A_1288, %add3A_1479 : i32
        %get3A_1481 = arith.index_cast %add3A_1480 : i32 to index
        %get3A_1482 = tpu.vector_load %arg8[%get3A_1481] {strides = array<i32>} : memref<2000xi32, #tpu.memory_space<vmem>>, vector<16xi32>,
        %get3A_1483 = vector.shape_cast %get3A_1482 : vector<16xi32> to vector<16xi32>
        %add3A_1484 = arith.constant 1 : i32
        %add3A_1485 = vector.broadcast %add3A_1484 : i32 to vector<16xi32>
        %add3A_1486 = arith.addi %get3A_1454, %add3A_1485 : vector<16xi32>
        %mul3A_1487 = arith.constant 10000 : i32
        %mul3A_1488 = vector.broadcast %mul3A_1487 : i32 to vector<16xi32>
        %mul3A_1489 = arith.muli %add3A_1486, %mul3A_1488 : vector<16xi32>
        %add3A_1490 = arith.addi %mul3A_1489, %get3A_1483 : vector<16xi32>
        %add3A_1491 = vector.broadcast %mul3A_129 : i32 to vector<16xi32>
        %add3A_1492 = arith.addi %add3A_1490, %add3A_1491 : vector<16xi32>
        %swap3A_1493 = arith.constant 48 : index
        %swap3A_1494 = tpu.vector_load %arg17[%swap3A_1493] {strides = array<i32>} : memref<80xi32, #tpu.memory_space<vmem>>, vector<16xi32>,
        %swap3A_1495 = vector.shape_cast %swap3A_1494 : vector<16xi32> to vector<16xi32>
        %swap3A_1496 = vector.shape_cast %add3A_1492 : vector<16xi32> to vector<16xi32>
        tpu.vector_store %arg17[%swap3A_1493], %swap3A_1496 {strides = array<i32>} : memref<80xi32, #tpu.memory_space<vmem>>, vector<16xi32>,
        %add3A_1497 = arith.constant 64 : i32
        %add3A_1498 = arith.addi %mul3A_1288, %add3A_1497 : i32
        %get3A_1499 = arith.index_cast %add3A_1498 : i32 to index
        %get3A_1500 = tpu.vector_load %arg9[%get3A_1499] {strides = array<i32>} : memref<2000xi32, #tpu.memory_space<vmem>>, vector<16xi32>,
        %get3A_1501 = vector.shape_cast %get3A_1500 : vector<16xi32> to vector<16xi32>
        %add3A_1502 = arith.constant 64 : i32
        %add3A_1503 = arith.addi %mul3A_1288, %add3A_1502 : i32
        %get3A_1504 = arith.index_cast %add3A_1503 : i32 to index
        %get3A_1505 = tpu.vector_load %arg10[%get3A_1504] {strides = array<i32>} : memref<2000xi32, #tpu.memory_space<vmem>>, vector<16xi32>,
        %get3A_1506 = vector.shape_cast %get3A_1505 : vector<16xi32> to vector<16xi32>
        %ge3A_1507 = vector.broadcast %mul3A_0 : i32 to vector<16xi32>
        %ge3A_1508 = arith.cmpi sge, %get3A_1501, %ge3A_1507 : vector<16xi32>
        %add3A_1509 = arith.constant 5000 : i32
        %add3A_1510 = arith.addi %mul3A_0, %add3A_1509 : i32
        %lt3A_1511 = vector.broadcast %add3A_1510 : i32 to vector<16xi32>
        %lt3A_1512 = arith.cmpi slt, %get3A_1501, %lt3A_1511 : vector<16xi32>
        %and3A_1513 = arith.andi %ge3A_1508, %lt3A_1512 : vector<16xi1>
        %mul3A_1514 = arith.constant 5000 : i32
        %mul3A_1515 = vector.broadcast %mul3A_1514 : i32 to vector<16xi32>
        %mul3A_1516 = arith.muli %get3A_1506, %mul3A_1515 : vector<16xi32>
        %sub3A_1517 = vector.broadcast %mul3A_0 : i32 to vector<16xi32>
        %sub3A_1518 = arith.subi %get3A_1501, %sub3A_1517 : vector<16xi32>
        %add3A_1519 = arith.addi %mul3A_1516, %sub3A_1518 : vector<16xi32>
        %and3A_1520 = arith.constant 63 : i32
        %and3A_1521 = vector.broadcast %and3A_1520 : i32 to vector<16xi32>
        %and3A_1522 = arith.andi %get3A_1501, %and3A_1521 : vector<16xi32>
        %add3A_1523 = arith.constant 10000 : i32
        %add3A_1524 = vector.broadcast %add3A_1523 : i32 to vector<16xi32>
        %add3A_1525 = arith.addi %add3A_1524, %and3A_1522 : vector<16xi32>
        %select_n3A_1526 = arith.select %and3A_1513, %add3A_1519, %add3A_1525 : vector<16xi1>, vector<16xi32>
        %swap3A_1527 = arith.constant 64 : index
        %swap3A_1528 = tpu.vector_load %arg21[%swap3A_1527] {strides = array<i32>} : memref<80xi32, #tpu.memory_space<vmem>>, vector<16xi32>,
        %swap3A_1529 = vector.shape_cast %swap3A_1528 : vector<16xi32> to vector<16xi32>
        %swap3A_1530 = vector.shape_cast %select_n3A_1526 : vector<16xi32> to vector<16xi32>
        tpu.vector_store %arg21[%swap3A_1527], %swap3A_1530 {strides = array<i32>} : memref<80xi32, #tpu.memory_space<vmem>>, vector<16xi32>,
        %add3A_1531 = arith.constant 64 : i32
        %add3A_1532 = arith.addi %mul3A_1288, %add3A_1531 : i32
        %get3A_1533 = arith.index_cast %add3A_1532 : i32 to index
        %get3A_1534 = tpu.vector_load %arg8[%get3A_1533] {strides = array<i32>} : memref<2000xi32, #tpu.memory_space<vmem>>, vector<16xi32>,
        %get3A_1535 = vector.shape_cast %get3A_1534 : vector<16xi32> to vector<16xi32>
        %add3A_1536 = arith.constant 1 : i32
        %add3A_1537 = vector.broadcast %add3A_1536 : i32 to vector<16xi32>
        %add3A_1538 = arith.addi %get3A_1506, %add3A_1537 : vector<16xi32>
        %mul3A_1539 = arith.constant 10000 : i32
        %mul3A_1540 = vector.broadcast %mul3A_1539 : i32 to vector<16xi32>
        %mul3A_1541 = arith.muli %add3A_1538, %mul3A_1540 : vector<16xi32>
        %add3A_1542 = arith.addi %mul3A_1541, %get3A_1535 : vector<16xi32>
        %add3A_1543 = vector.broadcast %mul3A_129 : i32 to vector<16xi32>
        %add3A_1544 = arith.addi %add3A_1542, %add3A_1543 : vector<16xi32>
        %swap3A_1545 = arith.constant 64 : index
        %swap3A_1546 = tpu.vector_load %arg17[%swap3A_1545] {strides = array<i32>} : memref<80xi32, #tpu.memory_space<vmem>>, vector<16xi32>,
        %swap3A_1547 = vector.shape_cast %swap3A_1546 : vector<16xi32> to vector<16xi32>
        %swap3A_1548 = vector.shape_cast %add3A_1544 : vector<16xi32> to vector<16xi32>
        tpu.vector_store %arg17[%swap3A_1545], %swap3A_1548 {strides = array<i32>} : memref<80xi32, #tpu.memory_space<vmem>>, vector<16xi32>,
        %while3A_1549 = arith.constant 0 : i32
        %while3A_1550 = arith.constant 0 : i32
        %while3A_1551 = arith.subi %select_n3A_134, %while3A_1550 : i32
        %while3A_1552 = arith.addi %while3A_1550, %while3A_1551 : i32
        %while3A_1553 = arith.constant 1 : i32
        %while3A_1554 = arith.divsi %while3A_1551, %while3A_1553 : i32
        %while3A_1555 = arith.muli %while3A_1554, %while3A_1553 : i32
        %while3A_1556 = arith.addi %while3A_1550, %while3A_1555 : i32
        %while3A_1557 = arith.constant 1 : i32
        scf.for %while3A_1927 = %while3A_1550 to %while3A_1556 step %while3A_1557  : i32 {
          %dma_start3A_1928 = arith.constant 0 : i32
          %dma_start3A_1929 = arith.constant 0 : i32
          %dma_start3A_1930 = tpu.memref_slice %arg2[%dma_start3A_1928, %dma_start3A_1929] : memref<60000x128xf32, #tpu.memory_space<hbm>> -> memref<60000x128xf32, #tpu.memory_space<hbm>>
          tpu.enqueue_indirect_dma source(%dma_start3A_1930 : memref<60000x128xf32, #tpu.memory_space<hbm>>) target(%arg13 : memref<80x128xf32, #tpu.memory_space<vmem>>) offsets(%arg17 : memref<80xi32, #tpu.memory_space<vmem>>) semaphore(%arg25 : memref<!tpu.dma_semaphore, #tpu.memory_space<semaphore_mem>>)
        }
        %while3A_1558 = arith.constant 1 : i32
        scf.for %while3A_1927 = %while3A_1556 to %while3A_1552 step %while3A_1558  : i32 {
          %dma_start3A_1928 = arith.constant 0 : i32
          %dma_start3A_1929 = arith.constant 0 : i32
          %dma_start3A_1930 = tpu.memref_slice %arg2[%dma_start3A_1928, %dma_start3A_1929] : memref<60000x128xf32, #tpu.memory_space<hbm>> -> memref<60000x128xf32, #tpu.memory_space<hbm>>
          tpu.enqueue_indirect_dma source(%dma_start3A_1930 : memref<60000x128xf32, #tpu.memory_space<hbm>>) target(%arg13 : memref<80x128xf32, #tpu.memory_space<vmem>>) offsets(%arg17 : memref<80xi32, #tpu.memory_space<vmem>>) semaphore(%arg25 : memref<!tpu.dma_semaphore, #tpu.memory_space<semaphore_mem>>)
        }
        %ge3A_1559 = arith.constant 3 : i32
        %ge3A_1560 = arith.cmpi sge, %add3A_1224, %ge3A_1559 : i32
        %jit3A_1561 = arith.constant 1 : i32
        %jit3A_1562 = arith.constant 0 : i32
        %select_n3A_1563 = arith.select %ge3A_1560, %jit3A_1561, %jit3A_1562 : i32
        %while3A_1564 = arith.constant 0 : i32
        %while3A_1565 = arith.constant 0 : i32
        %while3A_1566 = arith.subi %select_n3A_1563, %while3A_1565 : i32
        %while3A_1567 = arith.addi %while3A_1565, %while3A_1566 : i32
        %while3A_1568 = arith.constant 1 : i32
        %while3A_1569 = arith.divsi %while3A_1566, %while3A_1568 : i32
        %while3A_1570 = arith.muli %while3A_1569, %while3A_1568 : i32
        %while3A_1571 = arith.addi %while3A_1565, %while3A_1570 : i32
        %while3A_1572 = arith.constant 1 : i32
        scf.for %while3A_1927 = %while3A_1565 to %while3A_1571 step %while3A_1572  : i32 {
          %sub3A_1928 = arith.constant 3 : i32
          %sub3A_1929 = arith.subi %add3A_1224, %sub3A_1928 : i32
          %while3A_1930 = arith.constant 0 : i32
          %while3A_1931 = arith.constant 0 : i32
          %while3A_1932 = arith.subi %select_n3A_134, %while3A_1931 : i32
          %while3A_1933 = arith.addi %while3A_1931, %while3A_1932 : i32
          %while3A_1934 = arith.constant 1 : i32
          %while3A_1935 = arith.divsi %while3A_1932, %while3A_1934 : i32
          %while3A_1936 = arith.muli %while3A_1935, %while3A_1934 : i32
          %while3A_1937 = arith.addi %while3A_1931, %while3A_1936 : i32
          %while3A_1938 = arith.constant 1 : i32
          scf.for %while3A_1943 = %while3A_1931 to %while3A_1937 step %while3A_1938  : i32 {
            %dma_wait3A_1944 = arith.constant 0 : i32
            %dma_wait3A_1945 = arith.constant 0 : i32
            %dma_wait3A_1946 = tpu.memref_slice %arg2[%dma_wait3A_1944, %dma_wait3A_1945] : memref<60000x128xf32, #tpu.memory_space<hbm>> -> memref<60000x128xf32, #tpu.memory_space<hbm>>
            tpu.wait_indirect_dma semaphore(%arg26 : memref<!tpu.dma_semaphore, #tpu.memory_space<semaphore_mem>>) src(%dma_wait3A_1946 : memref<60000x128xf32, #tpu.memory_space<hbm>>) dst(%arg14 : memref<80x128xf32, #tpu.memory_space<vmem>>)
          }
          %while3A_1939 = arith.constant 1 : i32
          scf.for %while3A_1943 = %while3A_1937 to %while3A_1933 step %while3A_1939  : i32 {
            %dma_wait3A_1944 = arith.constant 0 : i32
            %dma_wait3A_1945 = arith.constant 0 : i32
            %dma_wait3A_1946 = tpu.memref_slice %arg2[%dma_wait3A_1944, %dma_wait3A_1945] : memref<60000x128xf32, #tpu.memory_space<hbm>> -> memref<60000x128xf32, #tpu.memory_space<hbm>>
            tpu.wait_indirect_dma semaphore(%arg26 : memref<!tpu.dma_semaphore, #tpu.memory_space<semaphore_mem>>) src(%dma_wait3A_1946 : memref<60000x128xf32, #tpu.memory_space<hbm>>) dst(%arg14 : memref<80x128xf32, #tpu.memory_space<vmem>>)
          }
          %dma_start3A_1940 = arith.constant 0 : i32
          %dma_start3A_1941 = arith.constant 0 : i32
          %dma_start3A_1942 = tpu.memref_slice %arg7[%dma_start3A_1940, %dma_start3A_1941] : memref<10064x128xf32, #tpu.memory_space<vmem_shared>> -> memref<10064x128xf32, #tpu.memory_space<vmem_shared>>
          tpu.enqueue_indirect_dma source(%arg14 : memref<80x128xf32, #tpu.memory_space<vmem>>) target(%dma_start3A_1942 : memref<10064x128xf32, #tpu.memory_space<vmem_shared>>) offsets(%arg22 : memref<80xi32, #tpu.memory_space<vmem>>) semaphore(%arg30 : memref<!tpu.dma_semaphore, #tpu.memory_space<semaphore_mem>>) {add = true}
        }
        %while3A_1573 = arith.constant 1 : i32
        scf.for %while3A_1927 = %while3A_1571 to %while3A_1567 step %while3A_1573  : i32 {
          %sub3A_1928 = arith.constant 3 : i32
          %sub3A_1929 = arith.subi %add3A_1224, %sub3A_1928 : i32
          %while3A_1930 = arith.constant 0 : i32
          %while3A_1931 = arith.constant 0 : i32
          %while3A_1932 = arith.subi %select_n3A_134, %while3A_1931 : i32
          %while3A_1933 = arith.addi %while3A_1931, %while3A_1932 : i32
          %while3A_1934 = arith.constant 1 : i32
          %while3A_1935 = arith.divsi %while3A_1932, %while3A_1934 : i32
          %while3A_1936 = arith.muli %while3A_1935, %while3A_1934 : i32
          %while3A_1937 = arith.addi %while3A_1931, %while3A_1936 : i32
          %while3A_1938 = arith.constant 1 : i32
          scf.for %while3A_1943 = %while3A_1931 to %while3A_1937 step %while3A_1938  : i32 {
            %dma_wait3A_1944 = arith.constant 0 : i32
            %dma_wait3A_1945 = arith.constant 0 : i32
            %dma_wait3A_1946 = tpu.memref_slice %arg2[%dma_wait3A_1944, %dma_wait3A_1945] : memref<60000x128xf32, #tpu.memory_space<hbm>> -> memref<60000x128xf32, #tpu.memory_space<hbm>>
            tpu.wait_indirect_dma semaphore(%arg26 : memref<!tpu.dma_semaphore, #tpu.memory_space<semaphore_mem>>) src(%dma_wait3A_1946 : memref<60000x128xf32, #tpu.memory_space<hbm>>) dst(%arg14 : memref<80x128xf32, #tpu.memory_space<vmem>>)
          }
          %while3A_1939 = arith.constant 1 : i32
          scf.for %while3A_1943 = %while3A_1937 to %while3A_1933 step %while3A_1939  : i32 {
            %dma_wait3A_1944 = arith.constant 0 : i32
            %dma_wait3A_1945 = arith.constant 0 : i32
            %dma_wait3A_1946 = tpu.memref_slice %arg2[%dma_wait3A_1944, %dma_wait3A_1945] : memref<60000x128xf32, #tpu.memory_space<hbm>> -> memref<60000x128xf32, #tpu.memory_space<hbm>>
            tpu.wait_indirect_dma semaphore(%arg26 : memref<!tpu.dma_semaphore, #tpu.memory_space<semaphore_mem>>) src(%dma_wait3A_1946 : memref<60000x128xf32, #tpu.memory_space<hbm>>) dst(%arg14 : memref<80x128xf32, #tpu.memory_space<vmem>>)
          }
          %dma_start3A_1940 = arith.constant 0 : i32
          %dma_start3A_1941 = arith.constant 0 : i32
          %dma_start3A_1942 = tpu.memref_slice %arg7[%dma_start3A_1940, %dma_start3A_1941] : memref<10064x128xf32, #tpu.memory_space<vmem_shared>> -> memref<10064x128xf32, #tpu.memory_space<vmem_shared>>
          tpu.enqueue_indirect_dma source(%arg14 : memref<80x128xf32, #tpu.memory_space<vmem>>) target(%dma_start3A_1942 : memref<10064x128xf32, #tpu.memory_space<vmem_shared>>) offsets(%arg22 : memref<80xi32, #tpu.memory_space<vmem>>) semaphore(%arg30 : memref<!tpu.dma_semaphore, #tpu.memory_space<semaphore_mem>>) {add = true}
        }
        %mul3A_1574 = arith.constant 4 : i32
        %mul3A_1575 = arith.muli %mul3A_1574, %scan3A_514 : i32
        %add3A_1576 = arith.constant 3 : i32
        %add3A_1577 = arith.addi %mul3A_1575, %add3A_1576 : i32
        %ge3A_1578 = arith.constant 4 : i32
        %ge3A_1579 = arith.cmpi sge, %add3A_1577, %ge3A_1578 : i32
        %jit3A_1580 = arith.constant 1 : i32
        %jit3A_1581 = arith.constant 0 : i32
        %select_n3A_1582 = arith.select %ge3A_1579, %jit3A_1580, %jit3A_1581 : i32
        %while3A_1583 = arith.constant 0 : i32
        %while3A_1584 = arith.constant 0 : i32
        %while3A_1585 = arith.subi %select_n3A_1582, %while3A_1584 : i32
        %while3A_1586 = arith.addi %while3A_1584, %while3A_1585 : i32
        %while3A_1587 = arith.constant 1 : i32
        %while3A_1588 = arith.divsi %while3A_1585, %while3A_1587 : i32
        %while3A_1589 = arith.muli %while3A_1588, %while3A_1587 : i32
        %while3A_1590 = arith.addi %while3A_1584, %while3A_1589 : i32
        %while3A_1591 = arith.constant 1 : i32
        scf.for %while3A_1927 = %while3A_1584 to %while3A_1590 step %while3A_1591  : i32 {
          %dma_wait3A_1928 = arith.constant 0 : i32
          %dma_wait3A_1929 = arith.constant 0 : i32
          %dma_wait3A_1930 = tpu.memref_slice %arg7[%dma_wait3A_1928, %dma_wait3A_1929] : memref<10064x128xf32, #tpu.memory_space<vmem_shared>> -> memref<10064x128xf32, #tpu.memory_space<vmem_shared>>
          tpu.wait_indirect_dma semaphore(%arg30 : memref<!tpu.dma_semaphore, #tpu.memory_space<semaphore_mem>>) src(%arg14 : memref<80x128xf32, #tpu.memory_space<vmem>>) dst(%dma_wait3A_1930 : memref<10064x128xf32, #tpu.memory_space<vmem_shared>>)
        }
        %while3A_1592 = arith.constant 1 : i32
        scf.for %while3A_1927 = %while3A_1590 to %while3A_1586 step %while3A_1592  : i32 {
          %dma_wait3A_1928 = arith.constant 0 : i32
          %dma_wait3A_1929 = arith.constant 0 : i32
          %dma_wait3A_1930 = tpu.memref_slice %arg7[%dma_wait3A_1928, %dma_wait3A_1929] : memref<10064x128xf32, #tpu.memory_space<vmem_shared>> -> memref<10064x128xf32, #tpu.memory_space<vmem_shared>>
          tpu.wait_indirect_dma semaphore(%arg30 : memref<!tpu.dma_semaphore, #tpu.memory_space<semaphore_mem>>) src(%arg14 : memref<80x128xf32, #tpu.memory_space<vmem>>) dst(%dma_wait3A_1930 : memref<10064x128xf32, #tpu.memory_space<vmem_shared>>)
        }
        %jit3A_1593 = arith.constant 25 : i32
        %eq3A_1594 = arith.constant 0 : i32
        %eq3A_1595 = arith.cmpi eq, %jit3A_1593, %eq3A_1594 : i32
        %jit3A_1596 = arith.constant 1 : i32
        %select_n3A_1597 = arith.select %eq3A_1595, %jit3A_1596, %jit3A_1593 : i32
        %rem3A_1598 = arith.remsi %add3A_1577, %select_n3A_1597 : i32
        %ne3A_1599 = arith.constant 0 : i32
        %ne3A_1600 = arith.cmpi ne, %rem3A_1598, %ne3A_1599 : i32
        %lt3A_1601 = arith.constant 0 : i32
        %lt3A_1602 = arith.cmpi slt, %rem3A_1598, %lt3A_1601 : i32
        %lt3A_1603 = arith.constant 0 : i32
        %lt3A_1604 = arith.cmpi slt, %select_n3A_1597, %lt3A_1603 : i32
        %ne3A_1605 = arith.xori %lt3A_1602, %lt3A_1604 : i1
        %and3A_1606 = arith.andi %ne3A_1605, %ne3A_1600 : i1
        %add3A_1607 = arith.addi %rem3A_1598, %select_n3A_1597 : i32
        %select_n3A_1608 = arith.select %and3A_1606, %add3A_1607, %rem3A_1598 : i32
        %eq3A_1609 = arith.constant 0 : i32
        %eq3A_1610 = arith.cmpi eq, %select_n3A_1608, %eq3A_1609 : i32
        %jit3A_1611 = arith.constant 1 : i32
        %jit3A_1612 = arith.constant 0 : i32
        %select_n3A_1613 = arith.select %eq3A_1610, %jit3A_1611, %jit3A_1612 : i32
        %while3A_1614 = arith.constant 0 : i32
        %while3A_1615 = arith.constant 0 : i32
        %while3A_1616 = arith.subi %select_n3A_1613, %while3A_1615 : i32
        %while3A_1617 = arith.addi %while3A_1615, %while3A_1616 : i32
        %while3A_1618 = arith.constant 1 : i32
        %while3A_1619 = arith.divsi %while3A_1616, %while3A_1618 : i32
        %while3A_1620 = arith.muli %while3A_1619, %while3A_1618 : i32
        %while3A_1621 = arith.addi %while3A_1615, %while3A_1620 : i32
        %while3A_1622 = arith.constant 1 : i32
        scf.for %while3A_1927 = %while3A_1615 to %while3A_1621 step %while3A_1622  : i32 {
          %mul3A_1928 = arith.constant 10000 : i32
          %mul3A_1929 = arith.muli %arg1, %mul3A_1928 : i32
          %jit3A_1930 = arith.constant 25 : i32
          %div3A_1931 = arith.divsi %add3A_1577, %jit3A_1930 : i32
          %sign3A_1932 = arith.constant 0 : i32
          %sign3A_1933 = arith.cmpi sgt, %add3A_1577, %sign3A_1932 : i32
          %sign3A_1934 = arith.extui %sign3A_1933 : i1 to i32
          %sign3A_1935 = arith.constant 0 : i32
          %sign3A_1936 = arith.cmpi slt, %add3A_1577, %sign3A_1935 : i32
          %sign3A_1937 = arith.extui %sign3A_1936 : i1 to i32
          %sign3A_1938 = arith.subi %sign3A_1934, %sign3A_1937 : i32
          %sign3A_1939 = arith.constant 0 : i32
          %sign3A_1940 = arith.cmpi sgt, %jit3A_1930, %sign3A_1939 : i32
          %sign3A_1941 = arith.extui %sign3A_1940 : i1 to i32
          %sign3A_1942 = arith.constant 0 : i32
          %sign3A_1943 = arith.cmpi slt, %jit3A_1930, %sign3A_1942 : i32
          %sign3A_1944 = arith.extui %sign3A_1943 : i1 to i32
          %sign3A_1945 = arith.subi %sign3A_1941, %sign3A_1944 : i32
          %ne3A_1946 = arith.cmpi ne, %sign3A_1938, %sign3A_1945 : i32
          %rem3A_1947 = arith.remsi %add3A_1577, %jit3A_1930 : i32
          %ne3A_1948 = arith.constant 0 : i32
          %ne3A_1949 = arith.cmpi ne, %rem3A_1947, %ne3A_1948 : i32
          %and3A_1950 = arith.andi %ne3A_1946, %ne3A_1949 : i1
          %sub3A_1951 = arith.constant 1 : i32
          %sub3A_1952 = arith.subi %div3A_1931, %sub3A_1951 : i32
          %select_n3A_1953 = arith.select %and3A_1950, %sub3A_1952, %div3A_1931 : i32
          %mul3A_1954 = arith.constant 2000 : i32
          %mul3A_1955 = arith.muli %select_n3A_1953, %mul3A_1954 : i32
          %add3A_1956 = arith.addi %mul3A_1929, %mul3A_1955 : i32
          %multiple_of3A = tpu.assume_multiple %add3A_1956, 8 : i32
          "tpu.region"() ({
            %run_scoped3A = tpu.sem_alloc : memref<!tpu.dma_semaphore, #tpu.memory_space<semaphore_mem>>
            %dma_start3A_1957 = tpu.memref_slice %arg3[%multiple_of3A] : memref<160000xi32, #tpu.memory_space<hbm>> -> memref<2000xi32, #tpu.memory_space<hbm>>
            %dma_start3A_1958 = tpu.memref_slice %arg3[%multiple_of3A] : memref<160000xi32, #tpu.memory_space<hbm>> -> memref<2000xi32, #tpu.memory_space<hbm>>
            tpu.enqueue_dma source(%dma_start3A_1958 : memref<2000xi32, #tpu.memory_space<hbm>>) target(%arg8 : memref<2000xi32, #tpu.memory_space<vmem>>) target_semaphore(%run_scoped3A : memref<!tpu.dma_semaphore, #tpu.memory_space<semaphore_mem>>)
            %dma_wait3A_1959 = tpu.memref_slice %arg3[%multiple_of3A] : memref<160000xi32, #tpu.memory_space<hbm>> -> memref<2000xi32, #tpu.memory_space<hbm>>
            %dma_wait3A_1960 = tpu.memref_slice %arg3[%multiple_of3A] : memref<160000xi32, #tpu.memory_space<hbm>> -> memref<2000xi32, #tpu.memory_space<hbm>>
            tpu.wait_dma2 semaphore(%run_scoped3A : memref<!tpu.dma_semaphore, #tpu.memory_space<semaphore_mem>>) src(%dma_wait3A_1960 : memref<2000xi32, #tpu.memory_space<hbm>>) dst(%arg8 : memref<2000xi32, #tpu.memory_space<vmem>>)
            tpu.yield
          }) : () -> ()
          "tpu.region"() ({
            %run_scoped3A = tpu.sem_alloc : memref<!tpu.dma_semaphore, #tpu.memory_space<semaphore_mem>>
            %dma_start3A_1957 = tpu.memref_slice %arg4[%multiple_of3A] : memref<160000xi32, #tpu.memory_space<hbm>> -> memref<2000xi32, #tpu.memory_space<hbm>>
            %dma_start3A_1958 = tpu.memref_slice %arg4[%multiple_of3A] : memref<160000xi32, #tpu.memory_space<hbm>> -> memref<2000xi32, #tpu.memory_space<hbm>>
            tpu.enqueue_dma source(%dma_start3A_1958 : memref<2000xi32, #tpu.memory_space<hbm>>) target(%arg9 : memref<2000xi32, #tpu.memory_space<vmem>>) target_semaphore(%run_scoped3A : memref<!tpu.dma_semaphore, #tpu.memory_space<semaphore_mem>>)
            %dma_wait3A_1959 = tpu.memref_slice %arg4[%multiple_of3A] : memref<160000xi32, #tpu.memory_space<hbm>> -> memref<2000xi32, #tpu.memory_space<hbm>>
            %dma_wait3A_1960 = tpu.memref_slice %arg4[%multiple_of3A] : memref<160000xi32, #tpu.memory_space<hbm>> -> memref<2000xi32, #tpu.memory_space<hbm>>
            tpu.wait_dma2 semaphore(%run_scoped3A : memref<!tpu.dma_semaphore, #tpu.memory_space<semaphore_mem>>) src(%dma_wait3A_1960 : memref<2000xi32, #tpu.memory_space<hbm>>) dst(%arg9 : memref<2000xi32, #tpu.memory_space<vmem>>)
            tpu.yield
          }) : () -> ()
          "tpu.region"() ({
            %run_scoped3A = tpu.sem_alloc : memref<!tpu.dma_semaphore, #tpu.memory_space<semaphore_mem>>
            %dma_start3A_1957 = tpu.memref_slice %arg5[%multiple_of3A] : memref<160000xi32, #tpu.memory_space<hbm>> -> memref<2000xi32, #tpu.memory_space<hbm>>
            %dma_start3A_1958 = tpu.memref_slice %arg5[%multiple_of3A] : memref<160000xi32, #tpu.memory_space<hbm>> -> memref<2000xi32, #tpu.memory_space<hbm>>
            tpu.enqueue_dma source(%dma_start3A_1958 : memref<2000xi32, #tpu.memory_space<hbm>>) target(%arg10 : memref<2000xi32, #tpu.memory_space<vmem>>) target_semaphore(%run_scoped3A : memref<!tpu.dma_semaphore, #tpu.memory_space<semaphore_mem>>)
            %dma_wait3A_1959 = tpu.memref_slice %arg5[%multiple_of3A] : memref<160000xi32, #tpu.memory_space<hbm>> -> memref<2000xi32, #tpu.memory_space<hbm>>
            %dma_wait3A_1960 = tpu.memref_slice %arg5[%multiple_of3A] : memref<160000xi32, #tpu.memory_space<hbm>> -> memref<2000xi32, #tpu.memory_space<hbm>>
            tpu.wait_dma2 semaphore(%run_scoped3A : memref<!tpu.dma_semaphore, #tpu.memory_space<semaphore_mem>>) src(%dma_wait3A_1960 : memref<2000xi32, #tpu.memory_space<hbm>>) dst(%arg10 : memref<2000xi32, #tpu.memory_space<vmem>>)
            tpu.yield
          }) : () -> ()
        }
        %while3A_1623 = arith.constant 1 : i32
        scf.for %while3A_1927 = %while3A_1621 to %while3A_1617 step %while3A_1623  : i32 {
          %mul3A_1928 = arith.constant 10000 : i32
          %mul3A_1929 = arith.muli %arg1, %mul3A_1928 : i32
          %jit3A_1930 = arith.constant 25 : i32
          %div3A_1931 = arith.divsi %add3A_1577, %jit3A_1930 : i32
          %sign3A_1932 = arith.constant 0 : i32
          %sign3A_1933 = arith.cmpi sgt, %add3A_1577, %sign3A_1932 : i32
          %sign3A_1934 = arith.extui %sign3A_1933 : i1 to i32
          %sign3A_1935 = arith.constant 0 : i32
          %sign3A_1936 = arith.cmpi slt, %add3A_1577, %sign3A_1935 : i32
          %sign3A_1937 = arith.extui %sign3A_1936 : i1 to i32
          %sign3A_1938 = arith.subi %sign3A_1934, %sign3A_1937 : i32
          %sign3A_1939 = arith.constant 0 : i32
          %sign3A_1940 = arith.cmpi sgt, %jit3A_1930, %sign3A_1939 : i32
          %sign3A_1941 = arith.extui %sign3A_1940 : i1 to i32
          %sign3A_1942 = arith.constant 0 : i32
          %sign3A_1943 = arith.cmpi slt, %jit3A_1930, %sign3A_1942 : i32
          %sign3A_1944 = arith.extui %sign3A_1943 : i1 to i32
          %sign3A_1945 = arith.subi %sign3A_1941, %sign3A_1944 : i32
          %ne3A_1946 = arith.cmpi ne, %sign3A_1938, %sign3A_1945 : i32
          %rem3A_1947 = arith.remsi %add3A_1577, %jit3A_1930 : i32
          %ne3A_1948 = arith.constant 0 : i32
          %ne3A_1949 = arith.cmpi ne, %rem3A_1947, %ne3A_1948 : i32
          %and3A_1950 = arith.andi %ne3A_1946, %ne3A_1949 : i1
          %sub3A_1951 = arith.constant 1 : i32
          %sub3A_1952 = arith.subi %div3A_1931, %sub3A_1951 : i32
          %select_n3A_1953 = arith.select %and3A_1950, %sub3A_1952, %div3A_1931 : i32
          %mul3A_1954 = arith.constant 2000 : i32
          %mul3A_1955 = arith.muli %select_n3A_1953, %mul3A_1954 : i32
          %add3A_1956 = arith.addi %mul3A_1929, %mul3A_1955 : i32
          %multiple_of3A = tpu.assume_multiple %add3A_1956, 8 : i32
          "tpu.region"() ({
            %run_scoped3A = tpu.sem_alloc : memref<!tpu.dma_semaphore, #tpu.memory_space<semaphore_mem>>
            %dma_start3A_1957 = tpu.memref_slice %arg3[%multiple_of3A] : memref<160000xi32, #tpu.memory_space<hbm>> -> memref<2000xi32, #tpu.memory_space<hbm>>
            %dma_start3A_1958 = tpu.memref_slice %arg3[%multiple_of3A] : memref<160000xi32, #tpu.memory_space<hbm>> -> memref<2000xi32, #tpu.memory_space<hbm>>
            tpu.enqueue_dma source(%dma_start3A_1958 : memref<2000xi32, #tpu.memory_space<hbm>>) target(%arg8 : memref<2000xi32, #tpu.memory_space<vmem>>) target_semaphore(%run_scoped3A : memref<!tpu.dma_semaphore, #tpu.memory_space<semaphore_mem>>)
            %dma_wait3A_1959 = tpu.memref_slice %arg3[%multiple_of3A] : memref<160000xi32, #tpu.memory_space<hbm>> -> memref<2000xi32, #tpu.memory_space<hbm>>
            %dma_wait3A_1960 = tpu.memref_slice %arg3[%multiple_of3A] : memref<160000xi32, #tpu.memory_space<hbm>> -> memref<2000xi32, #tpu.memory_space<hbm>>
            tpu.wait_dma2 semaphore(%run_scoped3A : memref<!tpu.dma_semaphore, #tpu.memory_space<semaphore_mem>>) src(%dma_wait3A_1960 : memref<2000xi32, #tpu.memory_space<hbm>>) dst(%arg8 : memref<2000xi32, #tpu.memory_space<vmem>>)
            tpu.yield
          }) : () -> ()
          "tpu.region"() ({
            %run_scoped3A = tpu.sem_alloc : memref<!tpu.dma_semaphore, #tpu.memory_space<semaphore_mem>>
            %dma_start3A_1957 = tpu.memref_slice %arg4[%multiple_of3A] : memref<160000xi32, #tpu.memory_space<hbm>> -> memref<2000xi32, #tpu.memory_space<hbm>>
            %dma_start3A_1958 = tpu.memref_slice %arg4[%multiple_of3A] : memref<160000xi32, #tpu.memory_space<hbm>> -> memref<2000xi32, #tpu.memory_space<hbm>>
            tpu.enqueue_dma source(%dma_start3A_1958 : memref<2000xi32, #tpu.memory_space<hbm>>) target(%arg9 : memref<2000xi32, #tpu.memory_space<vmem>>) target_semaphore(%run_scoped3A : memref<!tpu.dma_semaphore, #tpu.memory_space<semaphore_mem>>)
            %dma_wait3A_1959 = tpu.memref_slice %arg4[%multiple_of3A] : memref<160000xi32, #tpu.memory_space<hbm>> -> memref<2000xi32, #tpu.memory_space<hbm>>
            %dma_wait3A_1960 = tpu.memref_slice %arg4[%multiple_of3A] : memref<160000xi32, #tpu.memory_space<hbm>> -> memref<2000xi32, #tpu.memory_space<hbm>>
            tpu.wait_dma2 semaphore(%run_scoped3A : memref<!tpu.dma_semaphore, #tpu.memory_space<semaphore_mem>>) src(%dma_wait3A_1960 : memref<2000xi32, #tpu.memory_space<hbm>>) dst(%arg9 : memref<2000xi32, #tpu.memory_space<vmem>>)
            tpu.yield
          }) : () -> ()
          "tpu.region"() ({
            %run_scoped3A = tpu.sem_alloc : memref<!tpu.dma_semaphore, #tpu.memory_space<semaphore_mem>>
            %dma_start3A_1957 = tpu.memref_slice %arg5[%multiple_of3A] : memref<160000xi32, #tpu.memory_space<hbm>> -> memref<2000xi32, #tpu.memory_space<hbm>>
            %dma_start3A_1958 = tpu.memref_slice %arg5[%multiple_of3A] : memref<160000xi32, #tpu.memory_space<hbm>> -> memref<2000xi32, #tpu.memory_space<hbm>>
            tpu.enqueue_dma source(%dma_start3A_1958 : memref<2000xi32, #tpu.memory_space<hbm>>) target(%arg10 : memref<2000xi32, #tpu.memory_space<vmem>>) target_semaphore(%run_scoped3A : memref<!tpu.dma_semaphore, #tpu.memory_space<semaphore_mem>>)
            %dma_wait3A_1959 = tpu.memref_slice %arg5[%multiple_of3A] : memref<160000xi32, #tpu.memory_space<hbm>> -> memref<2000xi32, #tpu.memory_space<hbm>>
            %dma_wait3A_1960 = tpu.memref_slice %arg5[%multiple_of3A] : memref<160000xi32, #tpu.memory_space<hbm>> -> memref<2000xi32, #tpu.memory_space<hbm>>
            tpu.wait_dma2 semaphore(%run_scoped3A : memref<!tpu.dma_semaphore, #tpu.memory_space<semaphore_mem>>) src(%dma_wait3A_1960 : memref<2000xi32, #tpu.memory_space<hbm>>) dst(%arg10 : memref<2000xi32, #tpu.memory_space<vmem>>)
            tpu.yield
          }) : () -> ()
        }
        %jit3A_1624 = arith.constant 25 : i32
        %eq3A_1625 = arith.constant 0 : i32
        %eq3A_1626 = arith.cmpi eq, %jit3A_1624, %eq3A_1625 : i32
        %jit3A_1627 = arith.constant 1 : i32
        %select_n3A_1628 = arith.select %eq3A_1626, %jit3A_1627, %jit3A_1624 : i32
        %rem3A_1629 = arith.remsi %add3A_1577, %select_n3A_1628 : i32
        %ne3A_1630 = arith.constant 0 : i32
        %ne3A_1631 = arith.cmpi ne, %rem3A_1629, %ne3A_1630 : i32
        %lt3A_1632 = arith.constant 0 : i32
        %lt3A_1633 = arith.cmpi slt, %rem3A_1629, %lt3A_1632 : i32
        %lt3A_1634 = arith.constant 0 : i32
        %lt3A_1635 = arith.cmpi slt, %select_n3A_1628, %lt3A_1634 : i32
        %ne3A_1636 = arith.xori %lt3A_1633, %lt3A_1635 : i1
        %and3A_1637 = arith.andi %ne3A_1636, %ne3A_1631 : i1
        %add3A_1638 = arith.addi %rem3A_1629, %select_n3A_1628 : i32
        %select_n3A_1639 = arith.select %and3A_1637, %add3A_1638, %rem3A_1629 : i32
        %mul3A_1640 = arith.constant 80 : i32
        %mul3A_1641 = arith.muli %select_n3A_1639, %mul3A_1640 : i32
        %add3A_1642 = arith.constant 0 : i32
        %add3A_1643 = arith.addi %mul3A_1641, %add3A_1642 : i32
        %get3A_1644 = arith.index_cast %add3A_1643 : i32 to index
        %get3A_1645 = tpu.vector_load %arg9[%get3A_1644] {strides = array<i32>} : memref<2000xi32, #tpu.memory_space<vmem>>, vector<16xi32>,
        %get3A_1646 = vector.shape_cast %get3A_1645 : vector<16xi32> to vector<16xi32>
        %add3A_1647 = arith.constant 0 : i32
        %add3A_1648 = arith.addi %mul3A_1641, %add3A_1647 : i32
        %get3A_1649 = arith.index_cast %add3A_1648 : i32 to index
        %get3A_1650 = tpu.vector_load %arg10[%get3A_1649] {strides = array<i32>} : memref<2000xi32, #tpu.memory_space<vmem>>, vector<16xi32>,
        %get3A_1651 = vector.shape_cast %get3A_1650 : vector<16xi32> to vector<16xi32>
        %ge3A_1652 = vector.broadcast %mul3A_0 : i32 to vector<16xi32>
        %ge3A_1653 = arith.cmpi sge, %get3A_1646, %ge3A_1652 : vector<16xi32>
        %add3A_1654 = arith.constant 5000 : i32
        %add3A_1655 = arith.addi %mul3A_0, %add3A_1654 : i32
        %lt3A_1656 = vector.broadcast %add3A_1655 : i32 to vector<16xi32>
        %lt3A_1657 = arith.cmpi slt, %get3A_1646, %lt3A_1656 : vector<16xi32>
        %and3A_1658 = arith.andi %ge3A_1653, %lt3A_1657 : vector<16xi1>
        %mul3A_1659 = arith.constant 5000 : i32
        %mul3A_1660 = vector.broadcast %mul3A_1659 : i32 to vector<16xi32>
        %mul3A_1661 = arith.muli %get3A_1651, %mul3A_1660 : vector<16xi32>
        %sub3A_1662 = vector.broadcast %mul3A_0 : i32 to vector<16xi32>
        %sub3A_1663 = arith.subi %get3A_1646, %sub3A_1662 : vector<16xi32>
        %add3A_1664 = arith.addi %mul3A_1661, %sub3A_1663 : vector<16xi32>
        %and3A_1665 = arith.constant 63 : i32
        %and3A_1666 = vector.broadcast %and3A_1665 : i32 to vector<16xi32>
        %and3A_1667 = arith.andi %get3A_1646, %and3A_1666 : vector<16xi32>
        %add3A_1668 = arith.constant 10000 : i32
        %add3A_1669 = vector.broadcast %add3A_1668 : i32 to vector<16xi32>
        %add3A_1670 = arith.addi %add3A_1669, %and3A_1667 : vector<16xi32>
        %select_n3A_1671 = arith.select %and3A_1658, %add3A_1664, %add3A_1670 : vector<16xi1>, vector<16xi32>
        %swap3A_1672 = arith.constant 0 : index
        %swap3A_1673 = tpu.vector_load %arg22[%swap3A_1672] {strides = array<i32>} : memref<80xi32, #tpu.memory_space<vmem>>, vector<16xi32>,
        %swap3A_1674 = vector.shape_cast %swap3A_1673 : vector<16xi32> to vector<16xi32>
        %swap3A_1675 = vector.shape_cast %select_n3A_1671 : vector<16xi32> to vector<16xi32>
        tpu.vector_store %arg22[%swap3A_1672], %swap3A_1675 {strides = array<i32>} : memref<80xi32, #tpu.memory_space<vmem>>, vector<16xi32>,
        %add3A_1676 = arith.constant 0 : i32
        %add3A_1677 = arith.addi %mul3A_1641, %add3A_1676 : i32
        %get3A_1678 = arith.index_cast %add3A_1677 : i32 to index
        %get3A_1679 = tpu.vector_load %arg8[%get3A_1678] {strides = array<i32>} : memref<2000xi32, #tpu.memory_space<vmem>>, vector<16xi32>,
        %get3A_1680 = vector.shape_cast %get3A_1679 : vector<16xi32> to vector<16xi32>
        %add3A_1681 = arith.constant 1 : i32
        %add3A_1682 = vector.broadcast %add3A_1681 : i32 to vector<16xi32>
        %add3A_1683 = arith.addi %get3A_1651, %add3A_1682 : vector<16xi32>
        %mul3A_1684 = arith.constant 10000 : i32
        %mul3A_1685 = vector.broadcast %mul3A_1684 : i32 to vector<16xi32>
        %mul3A_1686 = arith.muli %add3A_1683, %mul3A_1685 : vector<16xi32>
        %add3A_1687 = arith.addi %mul3A_1686, %get3A_1680 : vector<16xi32>
        %add3A_1688 = vector.broadcast %mul3A_129 : i32 to vector<16xi32>
        %add3A_1689 = arith.addi %add3A_1687, %add3A_1688 : vector<16xi32>
        %swap3A_1690 = arith.constant 0 : index
        %swap3A_1691 = tpu.vector_load %arg18[%swap3A_1690] {strides = array<i32>} : memref<80xi32, #tpu.memory_space<vmem>>, vector<16xi32>,
        %swap3A_1692 = vector.shape_cast %swap3A_1691 : vector<16xi32> to vector<16xi32>
        %swap3A_1693 = vector.shape_cast %add3A_1689 : vector<16xi32> to vector<16xi32>
        tpu.vector_store %arg18[%swap3A_1690], %swap3A_1693 {strides = array<i32>} : memref<80xi32, #tpu.memory_space<vmem>>, vector<16xi32>,
        %add3A_1694 = arith.constant 16 : i32
        %add3A_1695 = arith.addi %mul3A_1641, %add3A_1694 : i32
        %get3A_1696 = arith.index_cast %add3A_1695 : i32 to index
        %get3A_1697 = tpu.vector_load %arg9[%get3A_1696] {strides = array<i32>} : memref<2000xi32, #tpu.memory_space<vmem>>, vector<16xi32>,
        %get3A_1698 = vector.shape_cast %get3A_1697 : vector<16xi32> to vector<16xi32>
        %add3A_1699 = arith.constant 16 : i32
        %add3A_1700 = arith.addi %mul3A_1641, %add3A_1699 : i32
        %get3A_1701 = arith.index_cast %add3A_1700 : i32 to index
        %get3A_1702 = tpu.vector_load %arg10[%get3A_1701] {strides = array<i32>} : memref<2000xi32, #tpu.memory_space<vmem>>, vector<16xi32>,
        %get3A_1703 = vector.shape_cast %get3A_1702 : vector<16xi32> to vector<16xi32>
        %ge3A_1704 = vector.broadcast %mul3A_0 : i32 to vector<16xi32>
        %ge3A_1705 = arith.cmpi sge, %get3A_1698, %ge3A_1704 : vector<16xi32>
        %add3A_1706 = arith.constant 5000 : i32
        %add3A_1707 = arith.addi %mul3A_0, %add3A_1706 : i32
        %lt3A_1708 = vector.broadcast %add3A_1707 : i32 to vector<16xi32>
        %lt3A_1709 = arith.cmpi slt, %get3A_1698, %lt3A_1708 : vector<16xi32>
        %and3A_1710 = arith.andi %ge3A_1705, %lt3A_1709 : vector<16xi1>
        %mul3A_1711 = arith.constant 5000 : i32
        %mul3A_1712 = vector.broadcast %mul3A_1711 : i32 to vector<16xi32>
        %mul3A_1713 = arith.muli %get3A_1703, %mul3A_1712 : vector<16xi32>
        %sub3A_1714 = vector.broadcast %mul3A_0 : i32 to vector<16xi32>
        %sub3A_1715 = arith.subi %get3A_1698, %sub3A_1714 : vector<16xi32>
        %add3A_1716 = arith.addi %mul3A_1713, %sub3A_1715 : vector<16xi32>
        %and3A_1717 = arith.constant 63 : i32
        %and3A_1718 = vector.broadcast %and3A_1717 : i32 to vector<16xi32>
        %and3A_1719 = arith.andi %get3A_1698, %and3A_1718 : vector<16xi32>
        %add3A_1720 = arith.constant 10000 : i32
        %add3A_1721 = vector.broadcast %add3A_1720 : i32 to vector<16xi32>
        %add3A_1722 = arith.addi %add3A_1721, %and3A_1719 : vector<16xi32>
        %select_n3A_1723 = arith.select %and3A_1710, %add3A_1716, %add3A_1722 : vector<16xi1>, vector<16xi32>
        %swap3A_1724 = arith.constant 16 : index
        %swap3A_1725 = tpu.vector_load %arg22[%swap3A_1724] {strides = array<i32>} : memref<80xi32, #tpu.memory_space<vmem>>, vector<16xi32>,
        %swap3A_1726 = vector.shape_cast %swap3A_1725 : vector<16xi32> to vector<16xi32>
        %swap3A_1727 = vector.shape_cast %select_n3A_1723 : vector<16xi32> to vector<16xi32>
        tpu.vector_store %arg22[%swap3A_1724], %swap3A_1727 {strides = array<i32>} : memref<80xi32, #tpu.memory_space<vmem>>, vector<16xi32>,
        %add3A_1728 = arith.constant 16 : i32
        %add3A_1729 = arith.addi %mul3A_1641, %add3A_1728 : i32
        %get3A_1730 = arith.index_cast %add3A_1729 : i32 to index
        %get3A_1731 = tpu.vector_load %arg8[%get3A_1730] {strides = array<i32>} : memref<2000xi32, #tpu.memory_space<vmem>>, vector<16xi32>,
        %get3A_1732 = vector.shape_cast %get3A_1731 : vector<16xi32> to vector<16xi32>
        %add3A_1733 = arith.constant 1 : i32
        %add3A_1734 = vector.broadcast %add3A_1733 : i32 to vector<16xi32>
        %add3A_1735 = arith.addi %get3A_1703, %add3A_1734 : vector<16xi32>
        %mul3A_1736 = arith.constant 10000 : i32
        %mul3A_1737 = vector.broadcast %mul3A_1736 : i32 to vector<16xi32>
        %mul3A_1738 = arith.muli %add3A_1735, %mul3A_1737 : vector<16xi32>
        %add3A_1739 = arith.addi %mul3A_1738, %get3A_1732 : vector<16xi32>
        %add3A_1740 = vector.broadcast %mul3A_129 : i32 to vector<16xi32>
        %add3A_1741 = arith.addi %add3A_1739, %add3A_1740 : vector<16xi32>
        %swap3A_1742 = arith.constant 16 : index
        %swap3A_1743 = tpu.vector_load %arg18[%swap3A_1742] {strides = array<i32>} : memref<80xi32, #tpu.memory_space<vmem>>, vector<16xi32>,
        %swap3A_1744 = vector.shape_cast %swap3A_1743 : vector<16xi32> to vector<16xi32>
        %swap3A_1745 = vector.shape_cast %add3A_1741 : vector<16xi32> to vector<16xi32>
        tpu.vector_store %arg18[%swap3A_1742], %swap3A_1745 {strides = array<i32>} : memref<80xi32, #tpu.memory_space<vmem>>, vector<16xi32>,
        %add3A_1746 = arith.constant 32 : i32
        %add3A_1747 = arith.addi %mul3A_1641, %add3A_1746 : i32
        %get3A_1748 = arith.index_cast %add3A_1747 : i32 to index
        %get3A_1749 = tpu.vector_load %arg9[%get3A_1748] {strides = array<i32>} : memref<2000xi32, #tpu.memory_space<vmem>>, vector<16xi32>,
        %get3A_1750 = vector.shape_cast %get3A_1749 : vector<16xi32> to vector<16xi32>
        %add3A_1751 = arith.constant 32 : i32
        %add3A_1752 = arith.addi %mul3A_1641, %add3A_1751 : i32
        %get3A_1753 = arith.index_cast %add3A_1752 : i32 to index
        %get3A_1754 = tpu.vector_load %arg10[%get3A_1753] {strides = array<i32>} : memref<2000xi32, #tpu.memory_space<vmem>>, vector<16xi32>,
        %get3A_1755 = vector.shape_cast %get3A_1754 : vector<16xi32> to vector<16xi32>
        %ge3A_1756 = vector.broadcast %mul3A_0 : i32 to vector<16xi32>
        %ge3A_1757 = arith.cmpi sge, %get3A_1750, %ge3A_1756 : vector<16xi32>
        %add3A_1758 = arith.constant 5000 : i32
        %add3A_1759 = arith.addi %mul3A_0, %add3A_1758 : i32
        %lt3A_1760 = vector.broadcast %add3A_1759 : i32 to vector<16xi32>
        %lt3A_1761 = arith.cmpi slt, %get3A_1750, %lt3A_1760 : vector<16xi32>
        %and3A_1762 = arith.andi %ge3A_1757, %lt3A_1761 : vector<16xi1>
        %mul3A_1763 = arith.constant 5000 : i32
        %mul3A_1764 = vector.broadcast %mul3A_1763 : i32 to vector<16xi32>
        %mul3A_1765 = arith.muli %get3A_1755, %mul3A_1764 : vector<16xi32>
        %sub3A_1766 = vector.broadcast %mul3A_0 : i32 to vector<16xi32>
        %sub3A_1767 = arith.subi %get3A_1750, %sub3A_1766 : vector<16xi32>
        %add3A_1768 = arith.addi %mul3A_1765, %sub3A_1767 : vector<16xi32>
        %and3A_1769 = arith.constant 63 : i32
        %and3A_1770 = vector.broadcast %and3A_1769 : i32 to vector<16xi32>
        %and3A_1771 = arith.andi %get3A_1750, %and3A_1770 : vector<16xi32>
        %add3A_1772 = arith.constant 10000 : i32
        %add3A_1773 = vector.broadcast %add3A_1772 : i32 to vector<16xi32>
        %add3A_1774 = arith.addi %add3A_1773, %and3A_1771 : vector<16xi32>
        %select_n3A_1775 = arith.select %and3A_1762, %add3A_1768, %add3A_1774 : vector<16xi1>, vector<16xi32>
        %swap3A_1776 = arith.constant 32 : index
        %swap3A_1777 = tpu.vector_load %arg22[%swap3A_1776] {strides = array<i32>} : memref<80xi32, #tpu.memory_space<vmem>>, vector<16xi32>,
        %swap3A_1778 = vector.shape_cast %swap3A_1777 : vector<16xi32> to vector<16xi32>
        %swap3A_1779 = vector.shape_cast %select_n3A_1775 : vector<16xi32> to vector<16xi32>
        tpu.vector_store %arg22[%swap3A_1776], %swap3A_1779 {strides = array<i32>} : memref<80xi32, #tpu.memory_space<vmem>>, vector<16xi32>,
        %add3A_1780 = arith.constant 32 : i32
        %add3A_1781 = arith.addi %mul3A_1641, %add3A_1780 : i32
        %get3A_1782 = arith.index_cast %add3A_1781 : i32 to index
        %get3A_1783 = tpu.vector_load %arg8[%get3A_1782] {strides = array<i32>} : memref<2000xi32, #tpu.memory_space<vmem>>, vector<16xi32>,
        %get3A_1784 = vector.shape_cast %get3A_1783 : vector<16xi32> to vector<16xi32>
        %add3A_1785 = arith.constant 1 : i32
        %add3A_1786 = vector.broadcast %add3A_1785 : i32 to vector<16xi32>
        %add3A_1787 = arith.addi %get3A_1755, %add3A_1786 : vector<16xi32>
        %mul3A_1788 = arith.constant 10000 : i32
        %mul3A_1789 = vector.broadcast %mul3A_1788 : i32 to vector<16xi32>
        %mul3A_1790 = arith.muli %add3A_1787, %mul3A_1789 : vector<16xi32>
        %add3A_1791 = arith.addi %mul3A_1790, %get3A_1784 : vector<16xi32>
        %add3A_1792 = vector.broadcast %mul3A_129 : i32 to vector<16xi32>
        %add3A_1793 = arith.addi %add3A_1791, %add3A_1792 : vector<16xi32>
        %swap3A_1794 = arith.constant 32 : index
        %swap3A_1795 = tpu.vector_load %arg18[%swap3A_1794] {strides = array<i32>} : memref<80xi32, #tpu.memory_space<vmem>>, vector<16xi32>,
        %swap3A_1796 = vector.shape_cast %swap3A_1795 : vector<16xi32> to vector<16xi32>
        %swap3A_1797 = vector.shape_cast %add3A_1793 : vector<16xi32> to vector<16xi32>
        tpu.vector_store %arg18[%swap3A_1794], %swap3A_1797 {strides = array<i32>} : memref<80xi32, #tpu.memory_space<vmem>>, vector<16xi32>,
        %add3A_1798 = arith.constant 48 : i32
        %add3A_1799 = arith.addi %mul3A_1641, %add3A_1798 : i32
        %get3A_1800 = arith.index_cast %add3A_1799 : i32 to index
        %get3A_1801 = tpu.vector_load %arg9[%get3A_1800] {strides = array<i32>} : memref<2000xi32, #tpu.memory_space<vmem>>, vector<16xi32>,
        %get3A_1802 = vector.shape_cast %get3A_1801 : vector<16xi32> to vector<16xi32>
        %add3A_1803 = arith.constant 48 : i32
        %add3A_1804 = arith.addi %mul3A_1641, %add3A_1803 : i32
        %get3A_1805 = arith.index_cast %add3A_1804 : i32 to index
        %get3A_1806 = tpu.vector_load %arg10[%get3A_1805] {strides = array<i32>} : memref<2000xi32, #tpu.memory_space<vmem>>, vector<16xi32>,
        %get3A_1807 = vector.shape_cast %get3A_1806 : vector<16xi32> to vector<16xi32>
        %ge3A_1808 = vector.broadcast %mul3A_0 : i32 to vector<16xi32>
        %ge3A_1809 = arith.cmpi sge, %get3A_1802, %ge3A_1808 : vector<16xi32>
        %add3A_1810 = arith.constant 5000 : i32
        %add3A_1811 = arith.addi %mul3A_0, %add3A_1810 : i32
        %lt3A_1812 = vector.broadcast %add3A_1811 : i32 to vector<16xi32>
        %lt3A_1813 = arith.cmpi slt, %get3A_1802, %lt3A_1812 : vector<16xi32>
        %and3A_1814 = arith.andi %ge3A_1809, %lt3A_1813 : vector<16xi1>
        %mul3A_1815 = arith.constant 5000 : i32
        %mul3A_1816 = vector.broadcast %mul3A_1815 : i32 to vector<16xi32>
        %mul3A_1817 = arith.muli %get3A_1807, %mul3A_1816 : vector<16xi32>
        %sub3A_1818 = vector.broadcast %mul3A_0 : i32 to vector<16xi32>
        %sub3A_1819 = arith.subi %get3A_1802, %sub3A_1818 : vector<16xi32>
        %add3A_1820 = arith.addi %mul3A_1817, %sub3A_1819 : vector<16xi32>
        %and3A_1821 = arith.constant 63 : i32
        %and3A_1822 = vector.broadcast %and3A_1821 : i32 to vector<16xi32>
        %and3A_1823 = arith.andi %get3A_1802, %and3A_1822 : vector<16xi32>
        %add3A_1824 = arith.constant 10000 : i32
        %add3A_1825 = vector.broadcast %add3A_1824 : i32 to vector<16xi32>
        %add3A_1826 = arith.addi %add3A_1825, %and3A_1823 : vector<16xi32>
        %select_n3A_1827 = arith.select %and3A_1814, %add3A_1820, %add3A_1826 : vector<16xi1>, vector<16xi32>
        %swap3A_1828 = arith.constant 48 : index
        %swap3A_1829 = tpu.vector_load %arg22[%swap3A_1828] {strides = array<i32>} : memref<80xi32, #tpu.memory_space<vmem>>, vector<16xi32>,
        %swap3A_1830 = vector.shape_cast %swap3A_1829 : vector<16xi32> to vector<16xi32>
        %swap3A_1831 = vector.shape_cast %select_n3A_1827 : vector<16xi32> to vector<16xi32>
        tpu.vector_store %arg22[%swap3A_1828], %swap3A_1831 {strides = array<i32>} : memref<80xi32, #tpu.memory_space<vmem>>, vector<16xi32>,
        %add3A_1832 = arith.constant 48 : i32
        %add3A_1833 = arith.addi %mul3A_1641, %add3A_1832 : i32
        %get3A_1834 = arith.index_cast %add3A_1833 : i32 to index
        %get3A_1835 = tpu.vector_load %arg8[%get3A_1834] {strides = array<i32>} : memref<2000xi32, #tpu.memory_space<vmem>>, vector<16xi32>,
        %get3A_1836 = vector.shape_cast %get3A_1835 : vector<16xi32> to vector<16xi32>
        %add3A_1837 = arith.constant 1 : i32
        %add3A_1838 = vector.broadcast %add3A_1837 : i32 to vector<16xi32>
        %add3A_1839 = arith.addi %get3A_1807, %add3A_1838 : vector<16xi32>
        %mul3A_1840 = arith.constant 10000 : i32
        %mul3A_1841 = vector.broadcast %mul3A_1840 : i32 to vector<16xi32>
        %mul3A_1842 = arith.muli %add3A_1839, %mul3A_1841 : vector<16xi32>
        %add3A_1843 = arith.addi %mul3A_1842, %get3A_1836 : vector<16xi32>
        %add3A_1844 = vector.broadcast %mul3A_129 : i32 to vector<16xi32>
        %add3A_1845 = arith.addi %add3A_1843, %add3A_1844 : vector<16xi32>
        %swap3A_1846 = arith.constant 48 : index
        %swap3A_1847 = tpu.vector_load %arg18[%swap3A_1846] {strides = array<i32>} : memref<80xi32, #tpu.memory_space<vmem>>, vector<16xi32>,
        %swap3A_1848 = vector.shape_cast %swap3A_1847 : vector<16xi32> to vector<16xi32>
        %swap3A_1849 = vector.shape_cast %add3A_1845 : vector<16xi32> to vector<16xi32>
        tpu.vector_store %arg18[%swap3A_1846], %swap3A_1849 {strides = array<i32>} : memref<80xi32, #tpu.memory_space<vmem>>, vector<16xi32>,
        %add3A_1850 = arith.constant 64 : i32
        %add3A_1851 = arith.addi %mul3A_1641, %add3A_1850 : i32
        %get3A_1852 = arith.index_cast %add3A_1851 : i32 to index
        %get3A_1853 = tpu.vector_load %arg9[%get3A_1852] {strides = array<i32>} : memref<2000xi32, #tpu.memory_space<vmem>>, vector<16xi32>,
        %get3A_1854 = vector.shape_cast %get3A_1853 : vector<16xi32> to vector<16xi32>
        %add3A_1855 = arith.constant 64 : i32
        %add3A_1856 = arith.addi %mul3A_1641, %add3A_1855 : i32
        %get3A_1857 = arith.index_cast %add3A_1856 : i32 to index
        %get3A_1858 = tpu.vector_load %arg10[%get3A_1857] {strides = array<i32>} : memref<2000xi32, #tpu.memory_space<vmem>>, vector<16xi32>,
        %get3A_1859 = vector.shape_cast %get3A_1858 : vector<16xi32> to vector<16xi32>
        %ge3A_1860 = vector.broadcast %mul3A_0 : i32 to vector<16xi32>
        %ge3A_1861 = arith.cmpi sge, %get3A_1854, %ge3A_1860 : vector<16xi32>
        %add3A_1862 = arith.constant 5000 : i32
        %add3A_1863 = arith.addi %mul3A_0, %add3A_1862 : i32
        %lt3A_1864 = vector.broadcast %add3A_1863 : i32 to vector<16xi32>
        %lt3A_1865 = arith.cmpi slt, %get3A_1854, %lt3A_1864 : vector<16xi32>
        %and3A_1866 = arith.andi %ge3A_1861, %lt3A_1865 : vector<16xi1>
        %mul3A_1867 = arith.constant 5000 : i32
        %mul3A_1868 = vector.broadcast %mul3A_1867 : i32 to vector<16xi32>
        %mul3A_1869 = arith.muli %get3A_1859, %mul3A_1868 : vector<16xi32>
        %sub3A_1870 = vector.broadcast %mul3A_0 : i32 to vector<16xi32>
        %sub3A_1871 = arith.subi %get3A_1854, %sub3A_1870 : vector<16xi32>
        %add3A_1872 = arith.addi %mul3A_1869, %sub3A_1871 : vector<16xi32>
        %and3A_1873 = arith.constant 63 : i32
        %and3A_1874 = vector.broadcast %and3A_1873 : i32 to vector<16xi32>
        %and3A_1875 = arith.andi %get3A_1854, %and3A_1874 : vector<16xi32>
        %add3A_1876 = arith.constant 10000 : i32
        %add3A_1877 = vector.broadcast %add3A_1876 : i32 to vector<16xi32>
        %add3A_1878 = arith.addi %add3A_1877, %and3A_1875 : vector<16xi32>
        %select_n3A_1879 = arith.select %and3A_1866, %add3A_1872, %add3A_1878 : vector<16xi1>, vector<16xi32>
        %swap3A_1880 = arith.constant 64 : index
        %swap3A_1881 = tpu.vector_load %arg22[%swap3A_1880] {strides = array<i32>} : memref<80xi32, #tpu.memory_space<vmem>>, vector<16xi32>,
        %swap3A_1882 = vector.shape_cast %swap3A_1881 : vector<16xi32> to vector<16xi32>
        %swap3A_1883 = vector.shape_cast %select_n3A_1879 : vector<16xi32> to vector<16xi32>
        tpu.vector_store %arg22[%swap3A_1880], %swap3A_1883 {strides = array<i32>} : memref<80xi32, #tpu.memory_space<vmem>>, vector<16xi32>,
        %add3A_1884 = arith.constant 64 : i32
        %add3A_1885 = arith.addi %mul3A_1641, %add3A_1884 : i32
        %get3A_1886 = arith.index_cast %add3A_1885 : i32 to index
        %get3A_1887 = tpu.vector_load %arg8[%get3A_1886] {strides = array<i32>} : memref<2000xi32, #tpu.memory_space<vmem>>, vector<16xi32>,
        %get3A_1888 = vector.shape_cast %get3A_1887 : vector<16xi32> to vector<16xi32>
        %add3A_1889 = arith.constant 1 : i32
        %add3A_1890 = vector.broadcast %add3A_1889 : i32 to vector<16xi32>
        %add3A_1891 = arith.addi %get3A_1859, %add3A_1890 : vector<16xi32>
        %mul3A_1892 = arith.constant 10000 : i32
        %mul3A_1893 = vector.broadcast %mul3A_1892 : i32 to vector<16xi32>
        %mul3A_1894 = arith.muli %add3A_1891, %mul3A_1893 : vector<16xi32>
        %add3A_1895 = arith.addi %mul3A_1894, %get3A_1888 : vector<16xi32>
        %add3A_1896 = vector.broadcast %mul3A_129 : i32 to vector<16xi32>
        %add3A_1897 = arith.addi %add3A_1895, %add3A_1896 : vector<16xi32>
        %swap3A_1898 = arith.constant 64 : index
        %swap3A_1899 = tpu.vector_load %arg18[%swap3A_1898] {strides = array<i32>} : memref<80xi32, #tpu.memory_space<vmem>>, vector<16xi32>,
        %swap3A_1900 = vector.shape_cast %swap3A_1899 : vector<16xi32> to vector<16xi32>
        %swap3A_1901 = vector.shape_cast %add3A_1897 : vector<16xi32> to vector<16xi32>
        tpu.vector_store %arg18[%swap3A_1898], %swap3A_1901 {strides = array<i32>} : memref<80xi32, #tpu.memory_space<vmem>>, vector<16xi32>,
        %while3A_1902 = arith.constant 0 : i32
        %while3A_1903 = arith.constant 0 : i32
        %while3A_1904 = arith.subi %select_n3A_134, %while3A_1903 : i32
        %while3A_1905 = arith.addi %while3A_1903, %while3A_1904 : i32
        %while3A_1906 = arith.constant 1 : i32
        %while3A_1907 = arith.divsi %while3A_1904, %while3A_1906 : i32
        %while3A_1908 = arith.muli %while3A_1907, %while3A_1906 : i32
        %while3A_1909 = arith.addi %while3A_1903, %while3A_1908 : i32
        %while3A_1910 = arith.constant 1 : i32
        scf.for %while3A_1927 = %while3A_1903 to %while3A_1909 step %while3A_1910  : i32 {
          %dma_start3A_1928 = arith.constant 0 : i32
          %dma_start3A_1929 = arith.constant 0 : i32
          %dma_start3A_1930 = tpu.memref_slice %arg2[%dma_start3A_1928, %dma_start3A_1929] : memref<60000x128xf32, #tpu.memory_space<hbm>> -> memref<60000x128xf32, #tpu.memory_space<hbm>>
          tpu.enqueue_indirect_dma source(%dma_start3A_1930 : memref<60000x128xf32, #tpu.memory_space<hbm>>) target(%arg14 : memref<80x128xf32, #tpu.memory_space<vmem>>) offsets(%arg18 : memref<80xi32, #tpu.memory_space<vmem>>) semaphore(%arg26 : memref<!tpu.dma_semaphore, #tpu.memory_space<semaphore_mem>>)
        }
        %while3A_1911 = arith.constant 1 : i32
        scf.for %while3A_1927 = %while3A_1909 to %while3A_1905 step %while3A_1911  : i32 {
          %dma_start3A_1928 = arith.constant 0 : i32
          %dma_start3A_1929 = arith.constant 0 : i32
          %dma_start3A_1930 = tpu.memref_slice %arg2[%dma_start3A_1928, %dma_start3A_1929] : memref<60000x128xf32, #tpu.memory_space<hbm>> -> memref<60000x128xf32, #tpu.memory_space<hbm>>
          tpu.enqueue_indirect_dma source(%dma_start3A_1930 : memref<60000x128xf32, #tpu.memory_space<hbm>>) target(%arg14 : memref<80x128xf32, #tpu.memory_space<vmem>>) offsets(%arg18 : memref<80xi32, #tpu.memory_space<vmem>>) semaphore(%arg26 : memref<!tpu.dma_semaphore, #tpu.memory_space<semaphore_mem>>)
        }
        %ge3A_1912 = arith.constant 3 : i32
        %ge3A_1913 = arith.cmpi sge, %add3A_1577, %ge3A_1912 : i32
        %jit3A_1914 = arith.constant 1 : i32
        %jit3A_1915 = arith.constant 0 : i32
        %select_n3A_1916 = arith.select %ge3A_1913, %jit3A_1914, %jit3A_1915 : i32
        %while3A_1917 = arith.constant 0 : i32
        %while3A_1918 = arith.constant 0 : i32
        %while3A_1919 = arith.subi %select_n3A_1916, %while3A_1918 : i32
        %while3A_1920 = arith.addi %while3A_1918, %while3A_1919 : i32
        %while3A_1921 = arith.constant 1 : i32
        %while3A_1922 = arith.divsi %while3A_1919, %while3A_1921 : i32
        %while3A_1923 = arith.muli %while3A_1922, %while3A_1921 : i32
        %while3A_1924 = arith.addi %while3A_1918, %while3A_1923 : i32
        %while3A_1925 = arith.constant 1 : i32
        scf.for %while3A_1927 = %while3A_1918 to %while3A_1924 step %while3A_1925  : i32 {
          %sub3A_1928 = arith.constant 3 : i32
          %sub3A_1929 = arith.subi %add3A_1577, %sub3A_1928 : i32
          %while3A_1930 = arith.constant 0 : i32
          %while3A_1931 = arith.constant 0 : i32
          %while3A_1932 = arith.subi %select_n3A_134, %while3A_1931 : i32
          %while3A_1933 = arith.addi %while3A_1931, %while3A_1932 : i32
          %while3A_1934 = arith.constant 1 : i32
          %while3A_1935 = arith.divsi %while3A_1932, %while3A_1934 : i32
          %while3A_1936 = arith.muli %while3A_1935, %while3A_1934 : i32
          %while3A_1937 = arith.addi %while3A_1931, %while3A_1936 : i32
          %while3A_1938 = arith.constant 1 : i32
          scf.for %while3A_1943 = %while3A_1931 to %while3A_1937 step %while3A_1938  : i32 {
            %dma_wait3A_1944 = arith.constant 0 : i32
            %dma_wait3A_1945 = arith.constant 0 : i32
            %dma_wait3A_1946 = tpu.memref_slice %arg2[%dma_wait3A_1944, %dma_wait3A_1945] : memref<60000x128xf32, #tpu.memory_space<hbm>> -> memref<60000x128xf32, #tpu.memory_space<hbm>>
            tpu.wait_indirect_dma semaphore(%arg23 : memref<!tpu.dma_semaphore, #tpu.memory_space<semaphore_mem>>) src(%dma_wait3A_1946 : memref<60000x128xf32, #tpu.memory_space<hbm>>) dst(%arg11 : memref<80x128xf32, #tpu.memory_space<vmem>>)
          }
          %while3A_1939 = arith.constant 1 : i32
          scf.for %while3A_1943 = %while3A_1937 to %while3A_1933 step %while3A_1939  : i32 {
            %dma_wait3A_1944 = arith.constant 0 : i32
            %dma_wait3A_1945 = arith.constant 0 : i32
            %dma_wait3A_1946 = tpu.memref_slice %arg2[%dma_wait3A_1944, %dma_wait3A_1945] : memref<60000x128xf32, #tpu.memory_space<hbm>> -> memref<60000x128xf32, #tpu.memory_space<hbm>>
            tpu.wait_indirect_dma semaphore(%arg23 : memref<!tpu.dma_semaphore, #tpu.memory_space<semaphore_mem>>) src(%dma_wait3A_1946 : memref<60000x128xf32, #tpu.memory_space<hbm>>) dst(%arg11 : memref<80x128xf32, #tpu.memory_space<vmem>>)
          }
          %dma_start3A_1940 = arith.constant 0 : i32
          %dma_start3A_1941 = arith.constant 0 : i32
          %dma_start3A_1942 = tpu.memref_slice %arg7[%dma_start3A_1940, %dma_start3A_1941] : memref<10064x128xf32, #tpu.memory_space<vmem_shared>> -> memref<10064x128xf32, #tpu.memory_space<vmem_shared>>
          tpu.enqueue_indirect_dma source(%arg11 : memref<80x128xf32, #tpu.memory_space<vmem>>) target(%dma_start3A_1942 : memref<10064x128xf32, #tpu.memory_space<vmem_shared>>) offsets(%arg19 : memref<80xi32, #tpu.memory_space<vmem>>) semaphore(%arg27 : memref<!tpu.dma_semaphore, #tpu.memory_space<semaphore_mem>>) {add = true}
        }
        %while3A_1926 = arith.constant 1 : i32
        scf.for %while3A_1927 = %while3A_1924 to %while3A_1920 step %while3A_1926  : i32 {
          %sub3A_1928 = arith.constant 3 : i32
          %sub3A_1929 = arith.subi %add3A_1577, %sub3A_1928 : i32
          %while3A_1930 = arith.constant 0 : i32
          %while3A_1931 = arith.constant 0 : i32
          %while3A_1932 = arith.subi %select_n3A_134, %while3A_1931 : i32
          %while3A_1933 = arith.addi %while3A_1931, %while3A_1932 : i32
          %while3A_1934 = arith.constant 1 : i32
          %while3A_1935 = arith.divsi %while3A_1932, %while3A_1934 : i32
          %while3A_1936 = arith.muli %while3A_1935, %while3A_1934 : i32
          %while3A_1937 = arith.addi %while3A_1931, %while3A_1936 : i32
          %while3A_1938 = arith.constant 1 : i32
          scf.for %while3A_1943 = %while3A_1931 to %while3A_1937 step %while3A_1938  : i32 {
            %dma_wait3A_1944 = arith.constant 0 : i32
            %dma_wait3A_1945 = arith.constant 0 : i32
            %dma_wait3A_1946 = tpu.memref_slice %arg2[%dma_wait3A_1944, %dma_wait3A_1945] : memref<60000x128xf32, #tpu.memory_space<hbm>> -> memref<60000x128xf32, #tpu.memory_space<hbm>>
            tpu.wait_indirect_dma semaphore(%arg23 : memref<!tpu.dma_semaphore, #tpu.memory_space<semaphore_mem>>) src(%dma_wait3A_1946 : memref<60000x128xf32, #tpu.memory_space<hbm>>) dst(%arg11 : memref<80x128xf32, #tpu.memory_space<vmem>>)
          }
          %while3A_1939 = arith.constant 1 : i32
          scf.for %while3A_1943 = %while3A_1937 to %while3A_1933 step %while3A_1939  : i32 {
            %dma_wait3A_1944 = arith.constant 0 : i32
            %dma_wait3A_1945 = arith.constant 0 : i32
            %dma_wait3A_1946 = tpu.memref_slice %arg2[%dma_wait3A_1944, %dma_wait3A_1945] : memref<60000x128xf32, #tpu.memory_space<hbm>> -> memref<60000x128xf32, #tpu.memory_space<hbm>>
            tpu.wait_indirect_dma semaphore(%arg23 : memref<!tpu.dma_semaphore, #tpu.memory_space<semaphore_mem>>) src(%dma_wait3A_1946 : memref<60000x128xf32, #tpu.memory_space<hbm>>) dst(%arg11 : memref<80x128xf32, #tpu.memory_space<vmem>>)
          }
          %dma_start3A_1940 = arith.constant 0 : i32
          %dma_start3A_1941 = arith.constant 0 : i32
          %dma_start3A_1942 = tpu.memref_slice %arg7[%dma_start3A_1940, %dma_start3A_1941] : memref<10064x128xf32, #tpu.memory_space<vmem_shared>> -> memref<10064x128xf32, #tpu.memory_space<vmem_shared>>
          tpu.enqueue_indirect_dma source(%arg11 : memref<80x128xf32, #tpu.memory_space<vmem>>) target(%dma_start3A_1942 : memref<10064x128xf32, #tpu.memory_space<vmem_shared>>) offsets(%arg19 : memref<80xi32, #tpu.memory_space<vmem>>) semaphore(%arg27 : memref<!tpu.dma_semaphore, #tpu.memory_space<semaphore_mem>>) {add = true}
        }
      }
      %scan3A_140 = arith.constant 31 : i32
      %jit3A_141 = arith.constant true
      %jit3A_142 = arith.constant 1 : i32
      %jit3A_143 = arith.constant 0 : i32
      %select_n3A_144 = arith.select %jit3A_141, %jit3A_142, %jit3A_143 : i32
      %while3A_145 = arith.constant 0 : i32
      %while3A_146 = arith.constant 0 : i32
      %while3A_147 = arith.subi %select_n3A_144, %while3A_146 : i32
      %while3A_148 = arith.addi %while3A_146, %while3A_147 : i32
      %while3A_149 = arith.constant 1 : i32
      %while3A_150 = arith.divsi %while3A_147, %while3A_149 : i32
      %while3A_151 = arith.muli %while3A_150, %while3A_149 : i32
      %while3A_152 = arith.addi %while3A_146, %while3A_151 : i32
      %while3A_153 = arith.constant 1 : i32
      scf.for %while3A_514 = %while3A_146 to %while3A_152 step %while3A_153  : i32 {
        %dma_wait3A_515 = arith.constant 0 : i32
        %dma_wait3A_516 = arith.constant 0 : i32
        %dma_wait3A_517 = tpu.memref_slice %arg7[%dma_wait3A_515, %dma_wait3A_516] : memref<10064x128xf32, #tpu.memory_space<vmem_shared>> -> memref<10064x128xf32, #tpu.memory_space<vmem_shared>>
        tpu.wait_indirect_dma semaphore(%arg27 : memref<!tpu.dma_semaphore, #tpu.memory_space<semaphore_mem>>) src(%arg11 : memref<80x128xf32, #tpu.memory_space<vmem>>) dst(%dma_wait3A_517 : memref<10064x128xf32, #tpu.memory_space<vmem_shared>>)
      }
      %while3A_154 = arith.constant 1 : i32
      scf.for %while3A_514 = %while3A_152 to %while3A_148 step %while3A_154  : i32 {
        %dma_wait3A_515 = arith.constant 0 : i32
        %dma_wait3A_516 = arith.constant 0 : i32
        %dma_wait3A_517 = tpu.memref_slice %arg7[%dma_wait3A_515, %dma_wait3A_516] : memref<10064x128xf32, #tpu.memory_space<vmem_shared>> -> memref<10064x128xf32, #tpu.memory_space<vmem_shared>>
        tpu.wait_indirect_dma semaphore(%arg27 : memref<!tpu.dma_semaphore, #tpu.memory_space<semaphore_mem>>) src(%arg11 : memref<80x128xf32, #tpu.memory_space<vmem>>) dst(%dma_wait3A_517 : memref<10064x128xf32, #tpu.memory_space<vmem_shared>>)
      }
      %jit3A_155 = arith.constant false
      %jit3A_156 = arith.constant 1 : i32
      %jit3A_157 = arith.constant 0 : i32
      %select_n3A_158 = arith.select %jit3A_155, %jit3A_156, %jit3A_157 : i32
      %while3A_159 = arith.constant 0 : i32
      %while3A_160 = arith.constant 0 : i32
      %while3A_161 = arith.subi %select_n3A_158, %while3A_160 : i32
      %while3A_162 = arith.addi %while3A_160, %while3A_161 : i32
      %while3A_163 = arith.constant 1 : i32
      %while3A_164 = arith.divsi %while3A_161, %while3A_163 : i32
      %while3A_165 = arith.muli %while3A_164, %while3A_163 : i32
      %while3A_166 = arith.addi %while3A_160, %while3A_165 : i32
      %while3A_167 = arith.constant 1 : i32
      scf.for %while3A_514 = %while3A_160 to %while3A_166 step %while3A_167  : i32 {
        %mul3A_515 = arith.constant 10000 : i32
        %mul3A_516 = arith.muli %arg1, %mul3A_515 : i32
        %add3A_517 = arith.constant 8000 : i32
        %add3A_518 = arith.addi %mul3A_516, %add3A_517 : i32
        %multiple_of3A = tpu.assume_multiple %add3A_518, 8 : i32
        "tpu.region"() ({
          %run_scoped3A = tpu.sem_alloc : memref<!tpu.dma_semaphore, #tpu.memory_space<semaphore_mem>>
          %dma_start3A_519 = tpu.memref_slice %arg3[%multiple_of3A] : memref<160000xi32, #tpu.memory_space<hbm>> -> memref<2000xi32, #tpu.memory_space<hbm>>
          %dma_start3A_520 = tpu.memref_slice %arg3[%multiple_of3A] : memref<160000xi32, #tpu.memory_space<hbm>> -> memref<2000xi32, #tpu.memory_space<hbm>>
          tpu.enqueue_dma source(%dma_start3A_520 : memref<2000xi32, #tpu.memory_space<hbm>>) target(%arg8 : memref<2000xi32, #tpu.memory_space<vmem>>) target_semaphore(%run_scoped3A : memref<!tpu.dma_semaphore, #tpu.memory_space<semaphore_mem>>)
          %dma_wait3A_521 = tpu.memref_slice %arg3[%multiple_of3A] : memref<160000xi32, #tpu.memory_space<hbm>> -> memref<2000xi32, #tpu.memory_space<hbm>>
          %dma_wait3A_522 = tpu.memref_slice %arg3[%multiple_of3A] : memref<160000xi32, #tpu.memory_space<hbm>> -> memref<2000xi32, #tpu.memory_space<hbm>>
          tpu.wait_dma2 semaphore(%run_scoped3A : memref<!tpu.dma_semaphore, #tpu.memory_space<semaphore_mem>>) src(%dma_wait3A_522 : memref<2000xi32, #tpu.memory_space<hbm>>) dst(%arg8 : memref<2000xi32, #tpu.memory_space<vmem>>)
          tpu.yield
        }) : () -> ()
        "tpu.region"() ({
          %run_scoped3A = tpu.sem_alloc : memref<!tpu.dma_semaphore, #tpu.memory_space<semaphore_mem>>
          %dma_start3A_519 = tpu.memref_slice %arg4[%multiple_of3A] : memref<160000xi32, #tpu.memory_space<hbm>> -> memref<2000xi32, #tpu.memory_space<hbm>>
          %dma_start3A_520 = tpu.memref_slice %arg4[%multiple_of3A] : memref<160000xi32, #tpu.memory_space<hbm>> -> memref<2000xi32, #tpu.memory_space<hbm>>
          tpu.enqueue_dma source(%dma_start3A_520 : memref<2000xi32, #tpu.memory_space<hbm>>) target(%arg9 : memref<2000xi32, #tpu.memory_space<vmem>>) target_semaphore(%run_scoped3A : memref<!tpu.dma_semaphore, #tpu.memory_space<semaphore_mem>>)
          %dma_wait3A_521 = tpu.memref_slice %arg4[%multiple_of3A] : memref<160000xi32, #tpu.memory_space<hbm>> -> memref<2000xi32, #tpu.memory_space<hbm>>
          %dma_wait3A_522 = tpu.memref_slice %arg4[%multiple_of3A] : memref<160000xi32, #tpu.memory_space<hbm>> -> memref<2000xi32, #tpu.memory_space<hbm>>
          tpu.wait_dma2 semaphore(%run_scoped3A : memref<!tpu.dma_semaphore, #tpu.memory_space<semaphore_mem>>) src(%dma_wait3A_522 : memref<2000xi32, #tpu.memory_space<hbm>>) dst(%arg9 : memref<2000xi32, #tpu.memory_space<vmem>>)
          tpu.yield
        }) : () -> ()
        "tpu.region"() ({
          %run_scoped3A = tpu.sem_alloc : memref<!tpu.dma_semaphore, #tpu.memory_space<semaphore_mem>>
          %dma_start3A_519 = tpu.memref_slice %arg5[%multiple_of3A] : memref<160000xi32, #tpu.memory_space<hbm>> -> memref<2000xi32, #tpu.memory_space<hbm>>
          %dma_start3A_520 = tpu.memref_slice %arg5[%multiple_of3A] : memref<160000xi32, #tpu.memory_space<hbm>> -> memref<2000xi32, #tpu.memory_space<hbm>>
          tpu.enqueue_dma source(%dma_start3A_520 : memref<2000xi32, #tpu.memory_space<hbm>>) target(%arg10 : memref<2000xi32, #tpu.memory_space<vmem>>) target_semaphore(%run_scoped3A : memref<!tpu.dma_semaphore, #tpu.memory_space<semaphore_mem>>)
          %dma_wait3A_521 = tpu.memref_slice %arg5[%multiple_of3A] : memref<160000xi32, #tpu.memory_space<hbm>> -> memref<2000xi32, #tpu.memory_space<hbm>>
          %dma_wait3A_522 = tpu.memref_slice %arg5[%multiple_of3A] : memref<160000xi32, #tpu.memory_space<hbm>> -> memref<2000xi32, #tpu.memory_space<hbm>>
          tpu.wait_dma2 semaphore(%run_scoped3A : memref<!tpu.dma_semaphore, #tpu.memory_space<semaphore_mem>>) src(%dma_wait3A_522 : memref<2000xi32, #tpu.memory_space<hbm>>) dst(%arg10 : memref<2000xi32, #tpu.memory_space<vmem>>)
          tpu.yield
        }) : () -> ()
      }
      %while3A_168 = arith.constant 1 : i32
      scf.for %while3A_514 = %while3A_166 to %while3A_162 step %while3A_168  : i32 {
        %mul3A_515 = arith.constant 10000 : i32
        %mul3A_516 = arith.muli %arg1, %mul3A_515 : i32
        %add3A_517 = arith.constant 8000 : i32
        %add3A_518 = arith.addi %mul3A_516, %add3A_517 : i32
        %multiple_of3A = tpu.assume_multiple %add3A_518, 8 : i32
        "tpu.region"() ({
          %run_scoped3A = tpu.sem_alloc : memref<!tpu.dma_semaphore, #tpu.memory_space<semaphore_mem>>
          %dma_start3A_519 = tpu.memref_slice %arg3[%multiple_of3A] : memref<160000xi32, #tpu.memory_space<hbm>> -> memref<2000xi32, #tpu.memory_space<hbm>>
          %dma_start3A_520 = tpu.memref_slice %arg3[%multiple_of3A] : memref<160000xi32, #tpu.memory_space<hbm>> -> memref<2000xi32, #tpu.memory_space<hbm>>
          tpu.enqueue_dma source(%dma_start3A_520 : memref<2000xi32, #tpu.memory_space<hbm>>) target(%arg8 : memref<2000xi32, #tpu.memory_space<vmem>>) target_semaphore(%run_scoped3A : memref<!tpu.dma_semaphore, #tpu.memory_space<semaphore_mem>>)
          %dma_wait3A_521 = tpu.memref_slice %arg3[%multiple_of3A] : memref<160000xi32, #tpu.memory_space<hbm>> -> memref<2000xi32, #tpu.memory_space<hbm>>
          %dma_wait3A_522 = tpu.memref_slice %arg3[%multiple_of3A] : memref<160000xi32, #tpu.memory_space<hbm>> -> memref<2000xi32, #tpu.memory_space<hbm>>
          tpu.wait_dma2 semaphore(%run_scoped3A : memref<!tpu.dma_semaphore, #tpu.memory_space<semaphore_mem>>) src(%dma_wait3A_522 : memref<2000xi32, #tpu.memory_space<hbm>>) dst(%arg8 : memref<2000xi32, #tpu.memory_space<vmem>>)
          tpu.yield
        }) : () -> ()
        "tpu.region"() ({
          %run_scoped3A = tpu.sem_alloc : memref<!tpu.dma_semaphore, #tpu.memory_space<semaphore_mem>>
          %dma_start3A_519 = tpu.memref_slice %arg4[%multiple_of3A] : memref<160000xi32, #tpu.memory_space<hbm>> -> memref<2000xi32, #tpu.memory_space<hbm>>
          %dma_start3A_520 = tpu.memref_slice %arg4[%multiple_of3A] : memref<160000xi32, #tpu.memory_space<hbm>> -> memref<2000xi32, #tpu.memory_space<hbm>>
          tpu.enqueue_dma source(%dma_start3A_520 : memref<2000xi32, #tpu.memory_space<hbm>>) target(%arg9 : memref<2000xi32, #tpu.memory_space<vmem>>) target_semaphore(%run_scoped3A : memref<!tpu.dma_semaphore, #tpu.memory_space<semaphore_mem>>)
          %dma_wait3A_521 = tpu.memref_slice %arg4[%multiple_of3A] : memref<160000xi32, #tpu.memory_space<hbm>> -> memref<2000xi32, #tpu.memory_space<hbm>>
          %dma_wait3A_522 = tpu.memref_slice %arg4[%multiple_of3A] : memref<160000xi32, #tpu.memory_space<hbm>> -> memref<2000xi32, #tpu.memory_space<hbm>>
          tpu.wait_dma2 semaphore(%run_scoped3A : memref<!tpu.dma_semaphore, #tpu.memory_space<semaphore_mem>>) src(%dma_wait3A_522 : memref<2000xi32, #tpu.memory_space<hbm>>) dst(%arg9 : memref<2000xi32, #tpu.memory_space<vmem>>)
          tpu.yield
        }) : () -> ()
        "tpu.region"() ({
          %run_scoped3A = tpu.sem_alloc : memref<!tpu.dma_semaphore, #tpu.memory_space<semaphore_mem>>
          %dma_start3A_519 = tpu.memref_slice %arg5[%multiple_of3A] : memref<160000xi32, #tpu.memory_space<hbm>> -> memref<2000xi32, #tpu.memory_space<hbm>>
          %dma_start3A_520 = tpu.memref_slice %arg5[%multiple_of3A] : memref<160000xi32, #tpu.memory_space<hbm>> -> memref<2000xi32, #tpu.memory_space<hbm>>
          tpu.enqueue_dma source(%dma_start3A_520 : memref<2000xi32, #tpu.memory_space<hbm>>) target(%arg10 : memref<2000xi32, #tpu.memory_space<vmem>>) target_semaphore(%run_scoped3A : memref<!tpu.dma_semaphore, #tpu.memory_space<semaphore_mem>>)
          %dma_wait3A_521 = tpu.memref_slice %arg5[%multiple_of3A] : memref<160000xi32, #tpu.memory_space<hbm>> -> memref<2000xi32, #tpu.memory_space<hbm>>
          %dma_wait3A_522 = tpu.memref_slice %arg5[%multiple_of3A] : memref<160000xi32, #tpu.memory_space<hbm>> -> memref<2000xi32, #tpu.memory_space<hbm>>
          tpu.wait_dma2 semaphore(%run_scoped3A : memref<!tpu.dma_semaphore, #tpu.memory_space<semaphore_mem>>) src(%dma_wait3A_522 : memref<2000xi32, #tpu.memory_space<hbm>>) dst(%arg10 : memref<2000xi32, #tpu.memory_space<vmem>>)
          tpu.yield
        }) : () -> ()
      }
      %get3A = arith.constant 1920 : index
      %get3A_169 = tpu.vector_load %arg9[%get3A] {strides = array<i32>} : memref<2000xi32, #tpu.memory_space<vmem>>, vector<16xi32>,
      %get3A_170 = vector.shape_cast %get3A_169 : vector<16xi32> to vector<16xi32>
      %get3A_171 = arith.constant 1920 : index
      %get3A_172 = tpu.vector_load %arg10[%get3A_171] {strides = array<i32>} : memref<2000xi32, #tpu.memory_space<vmem>>, vector<16xi32>,
      %get3A_173 = vector.shape_cast %get3A_172 : vector<16xi32> to vector<16xi32>
      %ge3A = vector.broadcast %mul3A_0 : i32 to vector<16xi32>
      %ge3A_174 = arith.cmpi sge, %get3A_170, %ge3A : vector<16xi32>
      %add3A_175 = arith.constant 5000 : i32
      %add3A_176 = arith.addi %mul3A_0, %add3A_175 : i32
      %lt3A_177 = vector.broadcast %add3A_176 : i32 to vector<16xi32>
      %lt3A_178 = arith.cmpi slt, %get3A_170, %lt3A_177 : vector<16xi32>
      %and3A_179 = arith.andi %ge3A_174, %lt3A_178 : vector<16xi1>
      %mul3A_180 = arith.constant 5000 : i32
      %mul3A_181 = vector.broadcast %mul3A_180 : i32 to vector<16xi32>
      %mul3A_182 = arith.muli %get3A_173, %mul3A_181 : vector<16xi32>
      %sub3A_183 = vector.broadcast %mul3A_0 : i32 to vector<16xi32>
      %sub3A_184 = arith.subi %get3A_170, %sub3A_183 : vector<16xi32>
      %add3A_185 = arith.addi %mul3A_182, %sub3A_184 : vector<16xi32>
      %and3A_186 = arith.constant 63 : i32
      %and3A_187 = vector.broadcast %and3A_186 : i32 to vector<16xi32>
      %and3A_188 = arith.andi %get3A_170, %and3A_187 : vector<16xi32>
      %add3A_189 = arith.constant 10000 : i32
      %add3A_190 = vector.broadcast %add3A_189 : i32 to vector<16xi32>
      %add3A_191 = arith.addi %add3A_190, %and3A_188 : vector<16xi32>
      %select_n3A_192 = arith.select %and3A_179, %add3A_185, %add3A_191 : vector<16xi1>, vector<16xi32>
      %swap3A = arith.constant 0 : index
      %swap3A_193 = tpu.vector_load %arg19[%swap3A] {strides = array<i32>} : memref<80xi32, #tpu.memory_space<vmem>>, vector<16xi32>,
      %swap3A_194 = vector.shape_cast %swap3A_193 : vector<16xi32> to vector<16xi32>
      %swap3A_195 = vector.shape_cast %select_n3A_192 : vector<16xi32> to vector<16xi32>
      tpu.vector_store %arg19[%swap3A], %swap3A_195 {strides = array<i32>} : memref<80xi32, #tpu.memory_space<vmem>>, vector<16xi32>,
      %get3A_196 = arith.constant 1920 : index
      %get3A_197 = tpu.vector_load %arg8[%get3A_196] {strides = array<i32>} : memref<2000xi32, #tpu.memory_space<vmem>>, vector<16xi32>,
      %get3A_198 = vector.shape_cast %get3A_197 : vector<16xi32> to vector<16xi32>
      %add3A_199 = arith.constant 1 : i32
      %add3A_200 = vector.broadcast %add3A_199 : i32 to vector<16xi32>
      %add3A_201 = arith.addi %get3A_173, %add3A_200 : vector<16xi32>
      %mul3A_202 = arith.constant 10000 : i32
      %mul3A_203 = vector.broadcast %mul3A_202 : i32 to vector<16xi32>
      %mul3A_204 = arith.muli %add3A_201, %mul3A_203 : vector<16xi32>
      %add3A_205 = arith.addi %mul3A_204, %get3A_198 : vector<16xi32>
      %add3A_206 = vector.broadcast %mul3A_129 : i32 to vector<16xi32>
      %add3A_207 = arith.addi %add3A_205, %add3A_206 : vector<16xi32>
      %swap3A_208 = arith.constant 0 : index
      %swap3A_209 = tpu.vector_load %arg15[%swap3A_208] {strides = array<i32>} : memref<80xi32, #tpu.memory_space<vmem>>, vector<16xi32>,
      %swap3A_210 = vector.shape_cast %swap3A_209 : vector<16xi32> to vector<16xi32>
      %swap3A_211 = vector.shape_cast %add3A_207 : vector<16xi32> to vector<16xi32>
      tpu.vector_store %arg15[%swap3A_208], %swap3A_211 {strides = array<i32>} : memref<80xi32, #tpu.memory_space<vmem>>, vector<16xi32>,
      %get3A_212 = arith.constant 1936 : index
      %get3A_213 = tpu.vector_load %arg9[%get3A_212] {strides = array<i32>} : memref<2000xi32, #tpu.memory_space<vmem>>, vector<16xi32>,
      %get3A_214 = vector.shape_cast %get3A_213 : vector<16xi32> to vector<16xi32>
      %get3A_215 = arith.constant 1936 : index
      %get3A_216 = tpu.vector_load %arg10[%get3A_215] {strides = array<i32>} : memref<2000xi32, #tpu.memory_space<vmem>>, vector<16xi32>,
      %get3A_217 = vector.shape_cast %get3A_216 : vector<16xi32> to vector<16xi32>
      %ge3A_218 = vector.broadcast %mul3A_0 : i32 to vector<16xi32>
      %ge3A_219 = arith.cmpi sge, %get3A_214, %ge3A_218 : vector<16xi32>
      %add3A_220 = arith.constant 5000 : i32
      %add3A_221 = arith.addi %mul3A_0, %add3A_220 : i32
      %lt3A_222 = vector.broadcast %add3A_221 : i32 to vector<16xi32>
      %lt3A_223 = arith.cmpi slt, %get3A_214, %lt3A_222 : vector<16xi32>
      %and3A_224 = arith.andi %ge3A_219, %lt3A_223 : vector<16xi1>
      %mul3A_225 = arith.constant 5000 : i32
      %mul3A_226 = vector.broadcast %mul3A_225 : i32 to vector<16xi32>
      %mul3A_227 = arith.muli %get3A_217, %mul3A_226 : vector<16xi32>
      %sub3A_228 = vector.broadcast %mul3A_0 : i32 to vector<16xi32>
      %sub3A_229 = arith.subi %get3A_214, %sub3A_228 : vector<16xi32>
      %add3A_230 = arith.addi %mul3A_227, %sub3A_229 : vector<16xi32>
      %and3A_231 = arith.constant 63 : i32
      %and3A_232 = vector.broadcast %and3A_231 : i32 to vector<16xi32>
      %and3A_233 = arith.andi %get3A_214, %and3A_232 : vector<16xi32>
      %add3A_234 = arith.constant 10000 : i32
      %add3A_235 = vector.broadcast %add3A_234 : i32 to vector<16xi32>
      %add3A_236 = arith.addi %add3A_235, %and3A_233 : vector<16xi32>
      %select_n3A_237 = arith.select %and3A_224, %add3A_230, %add3A_236 : vector<16xi1>, vector<16xi32>
      %swap3A_238 = arith.constant 16 : index
      %swap3A_239 = tpu.vector_load %arg19[%swap3A_238] {strides = array<i32>} : memref<80xi32, #tpu.memory_space<vmem>>, vector<16xi32>,
      %swap3A_240 = vector.shape_cast %swap3A_239 : vector<16xi32> to vector<16xi32>
      %swap3A_241 = vector.shape_cast %select_n3A_237 : vector<16xi32> to vector<16xi32>
      tpu.vector_store %arg19[%swap3A_238], %swap3A_241 {strides = array<i32>} : memref<80xi32, #tpu.memory_space<vmem>>, vector<16xi32>,
      %get3A_242 = arith.constant 1936 : index
      %get3A_243 = tpu.vector_load %arg8[%get3A_242] {strides = array<i32>} : memref<2000xi32, #tpu.memory_space<vmem>>, vector<16xi32>,
      %get3A_244 = vector.shape_cast %get3A_243 : vector<16xi32> to vector<16xi32>
      %add3A_245 = arith.constant 1 : i32
      %add3A_246 = vector.broadcast %add3A_245 : i32 to vector<16xi32>
      %add3A_247 = arith.addi %get3A_217, %add3A_246 : vector<16xi32>
      %mul3A_248 = arith.constant 10000 : i32
      %mul3A_249 = vector.broadcast %mul3A_248 : i32 to vector<16xi32>
      %mul3A_250 = arith.muli %add3A_247, %mul3A_249 : vector<16xi32>
      %add3A_251 = arith.addi %mul3A_250, %get3A_244 : vector<16xi32>
      %add3A_252 = vector.broadcast %mul3A_129 : i32 to vector<16xi32>
      %add3A_253 = arith.addi %add3A_251, %add3A_252 : vector<16xi32>
      %swap3A_254 = arith.constant 16 : index
      %swap3A_255 = tpu.vector_load %arg15[%swap3A_254] {strides = array<i32>} : memref<80xi32, #tpu.memory_space<vmem>>, vector<16xi32>,
      %swap3A_256 = vector.shape_cast %swap3A_255 : vector<16xi32> to vector<16xi32>
      %swap3A_257 = vector.shape_cast %add3A_253 : vector<16xi32> to vector<16xi32>
      tpu.vector_store %arg15[%swap3A_254], %swap3A_257 {strides = array<i32>} : memref<80xi32, #tpu.memory_space<vmem>>, vector<16xi32>,
      %get3A_258 = arith.constant 1952 : index
      %get3A_259 = tpu.vector_load %arg9[%get3A_258] {strides = array<i32>} : memref<2000xi32, #tpu.memory_space<vmem>>, vector<16xi32>,
      %get3A_260 = vector.shape_cast %get3A_259 : vector<16xi32> to vector<16xi32>
      %get3A_261 = arith.constant 1952 : index
      %get3A_262 = tpu.vector_load %arg10[%get3A_261] {strides = array<i32>} : memref<2000xi32, #tpu.memory_space<vmem>>, vector<16xi32>,
      %get3A_263 = vector.shape_cast %get3A_262 : vector<16xi32> to vector<16xi32>
      %ge3A_264 = vector.broadcast %mul3A_0 : i32 to vector<16xi32>
      %ge3A_265 = arith.cmpi sge, %get3A_260, %ge3A_264 : vector<16xi32>
      %add3A_266 = arith.constant 5000 : i32
      %add3A_267 = arith.addi %mul3A_0, %add3A_266 : i32
      %lt3A_268 = vector.broadcast %add3A_267 : i32 to vector<16xi32>
      %lt3A_269 = arith.cmpi slt, %get3A_260, %lt3A_268 : vector<16xi32>
      %and3A_270 = arith.andi %ge3A_265, %lt3A_269 : vector<16xi1>
      %mul3A_271 = arith.constant 5000 : i32
      %mul3A_272 = vector.broadcast %mul3A_271 : i32 to vector<16xi32>
      %mul3A_273 = arith.muli %get3A_263, %mul3A_272 : vector<16xi32>
      %sub3A_274 = vector.broadcast %mul3A_0 : i32 to vector<16xi32>
      %sub3A_275 = arith.subi %get3A_260, %sub3A_274 : vector<16xi32>
      %add3A_276 = arith.addi %mul3A_273, %sub3A_275 : vector<16xi32>
      %and3A_277 = arith.constant 63 : i32
      %and3A_278 = vector.broadcast %and3A_277 : i32 to vector<16xi32>
      %and3A_279 = arith.andi %get3A_260, %and3A_278 : vector<16xi32>
      %add3A_280 = arith.constant 10000 : i32
      %add3A_281 = vector.broadcast %add3A_280 : i32 to vector<16xi32>
      %add3A_282 = arith.addi %add3A_281, %and3A_279 : vector<16xi32>
      %select_n3A_283 = arith.select %and3A_270, %add3A_276, %add3A_282 : vector<16xi1>, vector<16xi32>
      %swap3A_284 = arith.constant 32 : index
      %swap3A_285 = tpu.vector_load %arg19[%swap3A_284] {strides = array<i32>} : memref<80xi32, #tpu.memory_space<vmem>>, vector<16xi32>,
      %swap3A_286 = vector.shape_cast %swap3A_285 : vector<16xi32> to vector<16xi32>
      %swap3A_287 = vector.shape_cast %select_n3A_283 : vector<16xi32> to vector<16xi32>
      tpu.vector_store %arg19[%swap3A_284], %swap3A_287 {strides = array<i32>} : memref<80xi32, #tpu.memory_space<vmem>>, vector<16xi32>,
      %get3A_288 = arith.constant 1952 : index
      %get3A_289 = tpu.vector_load %arg8[%get3A_288] {strides = array<i32>} : memref<2000xi32, #tpu.memory_space<vmem>>, vector<16xi32>,
      %get3A_290 = vector.shape_cast %get3A_289 : vector<16xi32> to vector<16xi32>
      %add3A_291 = arith.constant 1 : i32
      %add3A_292 = vector.broadcast %add3A_291 : i32 to vector<16xi32>
      %add3A_293 = arith.addi %get3A_263, %add3A_292 : vector<16xi32>
      %mul3A_294 = arith.constant 10000 : i32
      %mul3A_295 = vector.broadcast %mul3A_294 : i32 to vector<16xi32>
      %mul3A_296 = arith.muli %add3A_293, %mul3A_295 : vector<16xi32>
      %add3A_297 = arith.addi %mul3A_296, %get3A_290 : vector<16xi32>
      %add3A_298 = vector.broadcast %mul3A_129 : i32 to vector<16xi32>
      %add3A_299 = arith.addi %add3A_297, %add3A_298 : vector<16xi32>
      %swap3A_300 = arith.constant 32 : index
      %swap3A_301 = tpu.vector_load %arg15[%swap3A_300] {strides = array<i32>} : memref<80xi32, #tpu.memory_space<vmem>>, vector<16xi32>,
      %swap3A_302 = vector.shape_cast %swap3A_301 : vector<16xi32> to vector<16xi32>
      %swap3A_303 = vector.shape_cast %add3A_299 : vector<16xi32> to vector<16xi32>
      tpu.vector_store %arg15[%swap3A_300], %swap3A_303 {strides = array<i32>} : memref<80xi32, #tpu.memory_space<vmem>>, vector<16xi32>,
      %get3A_304 = arith.constant 1968 : index
      %get3A_305 = tpu.vector_load %arg9[%get3A_304] {strides = array<i32>} : memref<2000xi32, #tpu.memory_space<vmem>>, vector<16xi32>,
      %get3A_306 = vector.shape_cast %get3A_305 : vector<16xi32> to vector<16xi32>
      %get3A_307 = arith.constant 1968 : index
      %get3A_308 = tpu.vector_load %arg10[%get3A_307] {strides = array<i32>} : memref<2000xi32, #tpu.memory_space<vmem>>, vector<16xi32>,
      %get3A_309 = vector.shape_cast %get3A_308 : vector<16xi32> to vector<16xi32>
      %ge3A_310 = vector.broadcast %mul3A_0 : i32 to vector<16xi32>
      %ge3A_311 = arith.cmpi sge, %get3A_306, %ge3A_310 : vector<16xi32>
      %add3A_312 = arith.constant 5000 : i32
      %add3A_313 = arith.addi %mul3A_0, %add3A_312 : i32
      %lt3A_314 = vector.broadcast %add3A_313 : i32 to vector<16xi32>
      %lt3A_315 = arith.cmpi slt, %get3A_306, %lt3A_314 : vector<16xi32>
      %and3A_316 = arith.andi %ge3A_311, %lt3A_315 : vector<16xi1>
      %mul3A_317 = arith.constant 5000 : i32
      %mul3A_318 = vector.broadcast %mul3A_317 : i32 to vector<16xi32>
      %mul3A_319 = arith.muli %get3A_309, %mul3A_318 : vector<16xi32>
      %sub3A_320 = vector.broadcast %mul3A_0 : i32 to vector<16xi32>
      %sub3A_321 = arith.subi %get3A_306, %sub3A_320 : vector<16xi32>
      %add3A_322 = arith.addi %mul3A_319, %sub3A_321 : vector<16xi32>
      %and3A_323 = arith.constant 63 : i32
      %and3A_324 = vector.broadcast %and3A_323 : i32 to vector<16xi32>
      %and3A_325 = arith.andi %get3A_306, %and3A_324 : vector<16xi32>
      %add3A_326 = arith.constant 10000 : i32
      %add3A_327 = vector.broadcast %add3A_326 : i32 to vector<16xi32>
      %add3A_328 = arith.addi %add3A_327, %and3A_325 : vector<16xi32>
      %select_n3A_329 = arith.select %and3A_316, %add3A_322, %add3A_328 : vector<16xi1>, vector<16xi32>
      %swap3A_330 = arith.constant 48 : index
      %swap3A_331 = tpu.vector_load %arg19[%swap3A_330] {strides = array<i32>} : memref<80xi32, #tpu.memory_space<vmem>>, vector<16xi32>,
      %swap3A_332 = vector.shape_cast %swap3A_331 : vector<16xi32> to vector<16xi32>
      %swap3A_333 = vector.shape_cast %select_n3A_329 : vector<16xi32> to vector<16xi32>
      tpu.vector_store %arg19[%swap3A_330], %swap3A_333 {strides = array<i32>} : memref<80xi32, #tpu.memory_space<vmem>>, vector<16xi32>,
      %get3A_334 = arith.constant 1968 : index
      %get3A_335 = tpu.vector_load %arg8[%get3A_334] {strides = array<i32>} : memref<2000xi32, #tpu.memory_space<vmem>>, vector<16xi32>,
      %get3A_336 = vector.shape_cast %get3A_335 : vector<16xi32> to vector<16xi32>
      %add3A_337 = arith.constant 1 : i32
      %add3A_338 = vector.broadcast %add3A_337 : i32 to vector<16xi32>
      %add3A_339 = arith.addi %get3A_309, %add3A_338 : vector<16xi32>
      %mul3A_340 = arith.constant 10000 : i32
      %mul3A_341 = vector.broadcast %mul3A_340 : i32 to vector<16xi32>
      %mul3A_342 = arith.muli %add3A_339, %mul3A_341 : vector<16xi32>
      %add3A_343 = arith.addi %mul3A_342, %get3A_336 : vector<16xi32>
      %add3A_344 = vector.broadcast %mul3A_129 : i32 to vector<16xi32>
      %add3A_345 = arith.addi %add3A_343, %add3A_344 : vector<16xi32>
      %swap3A_346 = arith.constant 48 : index
      %swap3A_347 = tpu.vector_load %arg15[%swap3A_346] {strides = array<i32>} : memref<80xi32, #tpu.memory_space<vmem>>, vector<16xi32>,
      %swap3A_348 = vector.shape_cast %swap3A_347 : vector<16xi32> to vector<16xi32>
      %swap3A_349 = vector.shape_cast %add3A_345 : vector<16xi32> to vector<16xi32>
      tpu.vector_store %arg15[%swap3A_346], %swap3A_349 {strides = array<i32>} : memref<80xi32, #tpu.memory_space<vmem>>, vector<16xi32>,
      %get3A_350 = arith.constant 1984 : index
      %get3A_351 = tpu.vector_load %arg9[%get3A_350] {strides = array<i32>} : memref<2000xi32, #tpu.memory_space<vmem>>, vector<16xi32>,
      %get3A_352 = vector.shape_cast %get3A_351 : vector<16xi32> to vector<16xi32>
      %get3A_353 = arith.constant 1984 : index
      %get3A_354 = tpu.vector_load %arg10[%get3A_353] {strides = array<i32>} : memref<2000xi32, #tpu.memory_space<vmem>>, vector<16xi32>,
      %get3A_355 = vector.shape_cast %get3A_354 : vector<16xi32> to vector<16xi32>
      %ge3A_356 = vector.broadcast %mul3A_0 : i32 to vector<16xi32>
      %ge3A_357 = arith.cmpi sge, %get3A_352, %ge3A_356 : vector<16xi32>
      %add3A_358 = arith.constant 5000 : i32
      %add3A_359 = arith.addi %mul3A_0, %add3A_358 : i32
      %lt3A_360 = vector.broadcast %add3A_359 : i32 to vector<16xi32>
      %lt3A_361 = arith.cmpi slt, %get3A_352, %lt3A_360 : vector<16xi32>
      %and3A_362 = arith.andi %ge3A_357, %lt3A_361 : vector<16xi1>
      %mul3A_363 = arith.constant 5000 : i32
      %mul3A_364 = vector.broadcast %mul3A_363 : i32 to vector<16xi32>
      %mul3A_365 = arith.muli %get3A_355, %mul3A_364 : vector<16xi32>
      %sub3A_366 = vector.broadcast %mul3A_0 : i32 to vector<16xi32>
      %sub3A_367 = arith.subi %get3A_352, %sub3A_366 : vector<16xi32>
      %add3A_368 = arith.addi %mul3A_365, %sub3A_367 : vector<16xi32>
      %and3A_369 = arith.constant 63 : i32
      %and3A_370 = vector.broadcast %and3A_369 : i32 to vector<16xi32>
      %and3A_371 = arith.andi %get3A_352, %and3A_370 : vector<16xi32>
      %add3A_372 = arith.constant 10000 : i32
      %add3A_373 = vector.broadcast %add3A_372 : i32 to vector<16xi32>
      %add3A_374 = arith.addi %add3A_373, %and3A_371 : vector<16xi32>
      %select_n3A_375 = arith.select %and3A_362, %add3A_368, %add3A_374 : vector<16xi1>, vector<16xi32>
      %swap3A_376 = arith.constant 64 : index
      %swap3A_377 = tpu.vector_load %arg19[%swap3A_376] {strides = array<i32>} : memref<80xi32, #tpu.memory_space<vmem>>, vector<16xi32>,
      %swap3A_378 = vector.shape_cast %swap3A_377 : vector<16xi32> to vector<16xi32>
      %swap3A_379 = vector.shape_cast %select_n3A_375 : vector<16xi32> to vector<16xi32>
      tpu.vector_store %arg19[%swap3A_376], %swap3A_379 {strides = array<i32>} : memref<80xi32, #tpu.memory_space<vmem>>, vector<16xi32>,
      %get3A_380 = arith.constant 1984 : index
      %get3A_381 = tpu.vector_load %arg8[%get3A_380] {strides = array<i32>} : memref<2000xi32, #tpu.memory_space<vmem>>, vector<16xi32>,
      %get3A_382 = vector.shape_cast %get3A_381 : vector<16xi32> to vector<16xi32>
      %add3A_383 = arith.constant 1 : i32
      %add3A_384 = vector.broadcast %add3A_383 : i32 to vector<16xi32>
      %add3A_385 = arith.addi %get3A_355, %add3A_384 : vector<16xi32>
      %mul3A_386 = arith.constant 10000 : i32
      %mul3A_387 = vector.broadcast %mul3A_386 : i32 to vector<16xi32>
      %mul3A_388 = arith.muli %add3A_385, %mul3A_387 : vector<16xi32>
      %add3A_389 = arith.addi %mul3A_388, %get3A_382 : vector<16xi32>
      %add3A_390 = vector.broadcast %mul3A_129 : i32 to vector<16xi32>
      %add3A_391 = arith.addi %add3A_389, %add3A_390 : vector<16xi32>
      %swap3A_392 = arith.constant 64 : index
      %swap3A_393 = tpu.vector_load %arg15[%swap3A_392] {strides = array<i32>} : memref<80xi32, #tpu.memory_space<vmem>>, vector<16xi32>,
      %swap3A_394 = vector.shape_cast %swap3A_393 : vector<16xi32> to vector<16xi32>
      %swap3A_395 = vector.shape_cast %add3A_391 : vector<16xi32> to vector<16xi32>
      tpu.vector_store %arg15[%swap3A_392], %swap3A_395 {strides = array<i32>} : memref<80xi32, #tpu.memory_space<vmem>>, vector<16xi32>,
      %while3A_396 = arith.constant 0 : i32
      %while3A_397 = arith.constant 0 : i32
      %while3A_398 = arith.subi %select_n3A_134, %while3A_397 : i32
      %while3A_399 = arith.addi %while3A_397, %while3A_398 : i32
      %while3A_400 = arith.constant 1 : i32
      %while3A_401 = arith.divsi %while3A_398, %while3A_400 : i32
      %while3A_402 = arith.muli %while3A_401, %while3A_400 : i32
      %while3A_403 = arith.addi %while3A_397, %while3A_402 : i32
      %while3A_404 = arith.constant 1 : i32
      scf.for %while3A_514 = %while3A_397 to %while3A_403 step %while3A_404  : i32 {
        %dma_start3A_515 = arith.constant 0 : i32
        %dma_start3A_516 = arith.constant 0 : i32
        %dma_start3A_517 = tpu.memref_slice %arg2[%dma_start3A_515, %dma_start3A_516] : memref<60000x128xf32, #tpu.memory_space<hbm>> -> memref<60000x128xf32, #tpu.memory_space<hbm>>
        tpu.enqueue_indirect_dma source(%dma_start3A_517 : memref<60000x128xf32, #tpu.memory_space<hbm>>) target(%arg11 : memref<80x128xf32, #tpu.memory_space<vmem>>) offsets(%arg15 : memref<80xi32, #tpu.memory_space<vmem>>) semaphore(%arg23 : memref<!tpu.dma_semaphore, #tpu.memory_space<semaphore_mem>>)
      }
      %while3A_405 = arith.constant 1 : i32
      scf.for %while3A_514 = %while3A_403 to %while3A_399 step %while3A_405  : i32 {
        %dma_start3A_515 = arith.constant 0 : i32
        %dma_start3A_516 = arith.constant 0 : i32
        %dma_start3A_517 = tpu.memref_slice %arg2[%dma_start3A_515, %dma_start3A_516] : memref<60000x128xf32, #tpu.memory_space<hbm>> -> memref<60000x128xf32, #tpu.memory_space<hbm>>
        tpu.enqueue_indirect_dma source(%dma_start3A_517 : memref<60000x128xf32, #tpu.memory_space<hbm>>) target(%arg11 : memref<80x128xf32, #tpu.memory_space<vmem>>) offsets(%arg15 : memref<80xi32, #tpu.memory_space<vmem>>) semaphore(%arg23 : memref<!tpu.dma_semaphore, #tpu.memory_space<semaphore_mem>>)
      }
      %while3A_406 = arith.constant 0 : i32
      %while3A_407 = arith.constant 0 : i32
      %while3A_408 = arith.subi %select_n3A_134, %while3A_407 : i32
      %while3A_409 = arith.addi %while3A_407, %while3A_408 : i32
      %while3A_410 = arith.constant 1 : i32
      %while3A_411 = arith.divsi %while3A_408, %while3A_410 : i32
      %while3A_412 = arith.muli %while3A_411, %while3A_410 : i32
      %while3A_413 = arith.addi %while3A_407, %while3A_412 : i32
      %while3A_414 = arith.constant 1 : i32
      scf.for %while3A_514 = %while3A_407 to %while3A_413 step %while3A_414  : i32 {
        %dma_wait3A_515 = arith.constant 0 : i32
        %dma_wait3A_516 = arith.constant 0 : i32
        %dma_wait3A_517 = tpu.memref_slice %arg2[%dma_wait3A_515, %dma_wait3A_516] : memref<60000x128xf32, #tpu.memory_space<hbm>> -> memref<60000x128xf32, #tpu.memory_space<hbm>>
        tpu.wait_indirect_dma semaphore(%arg24 : memref<!tpu.dma_semaphore, #tpu.memory_space<semaphore_mem>>) src(%dma_wait3A_517 : memref<60000x128xf32, #tpu.memory_space<hbm>>) dst(%arg12 : memref<80x128xf32, #tpu.memory_space<vmem>>)
      }
      %while3A_415 = arith.constant 1 : i32
      scf.for %while3A_514 = %while3A_413 to %while3A_409 step %while3A_415  : i32 {
        %dma_wait3A_515 = arith.constant 0 : i32
        %dma_wait3A_516 = arith.constant 0 : i32
        %dma_wait3A_517 = tpu.memref_slice %arg2[%dma_wait3A_515, %dma_wait3A_516] : memref<60000x128xf32, #tpu.memory_space<hbm>> -> memref<60000x128xf32, #tpu.memory_space<hbm>>
        tpu.wait_indirect_dma semaphore(%arg24 : memref<!tpu.dma_semaphore, #tpu.memory_space<semaphore_mem>>) src(%dma_wait3A_517 : memref<60000x128xf32, #tpu.memory_space<hbm>>) dst(%arg12 : memref<80x128xf32, #tpu.memory_space<vmem>>)
      }
      %dma_start3A = arith.constant 0 : i32
      %dma_start3A_416 = arith.constant 0 : i32
      %dma_start3A_417 = tpu.memref_slice %arg7[%dma_start3A, %dma_start3A_416] : memref<10064x128xf32, #tpu.memory_space<vmem_shared>> -> memref<10064x128xf32, #tpu.memory_space<vmem_shared>>
      tpu.enqueue_indirect_dma source(%arg12 : memref<80x128xf32, #tpu.memory_space<vmem>>) target(%dma_start3A_417 : memref<10064x128xf32, #tpu.memory_space<vmem_shared>>) offsets(%arg20 : memref<80xi32, #tpu.memory_space<vmem>>) semaphore(%arg28 : memref<!tpu.dma_semaphore, #tpu.memory_space<semaphore_mem>>) {add = true}
      %while3A_418 = arith.constant 0 : i32
      %while3A_419 = arith.constant 0 : i32
      %while3A_420 = arith.subi %select_n3A_134, %while3A_419 : i32
      %while3A_421 = arith.addi %while3A_419, %while3A_420 : i32
      %while3A_422 = arith.constant 1 : i32
      %while3A_423 = arith.divsi %while3A_420, %while3A_422 : i32
      %while3A_424 = arith.muli %while3A_423, %while3A_422 : i32
      %while3A_425 = arith.addi %while3A_419, %while3A_424 : i32
      %while3A_426 = arith.constant 1 : i32
      scf.for %while3A_514 = %while3A_419 to %while3A_425 step %while3A_426  : i32 {
        %dma_wait3A_515 = arith.constant 0 : i32
        %dma_wait3A_516 = arith.constant 0 : i32
        %dma_wait3A_517 = tpu.memref_slice %arg2[%dma_wait3A_515, %dma_wait3A_516] : memref<60000x128xf32, #tpu.memory_space<hbm>> -> memref<60000x128xf32, #tpu.memory_space<hbm>>
        tpu.wait_indirect_dma semaphore(%arg25 : memref<!tpu.dma_semaphore, #tpu.memory_space<semaphore_mem>>) src(%dma_wait3A_517 : memref<60000x128xf32, #tpu.memory_space<hbm>>) dst(%arg13 : memref<80x128xf32, #tpu.memory_space<vmem>>)
      }
      %while3A_427 = arith.constant 1 : i32
      scf.for %while3A_514 = %while3A_425 to %while3A_421 step %while3A_427  : i32 {
        %dma_wait3A_515 = arith.constant 0 : i32
        %dma_wait3A_516 = arith.constant 0 : i32
        %dma_wait3A_517 = tpu.memref_slice %arg2[%dma_wait3A_515, %dma_wait3A_516] : memref<60000x128xf32, #tpu.memory_space<hbm>> -> memref<60000x128xf32, #tpu.memory_space<hbm>>
        tpu.wait_indirect_dma semaphore(%arg25 : memref<!tpu.dma_semaphore, #tpu.memory_space<semaphore_mem>>) src(%dma_wait3A_517 : memref<60000x128xf32, #tpu.memory_space<hbm>>) dst(%arg13 : memref<80x128xf32, #tpu.memory_space<vmem>>)
      }
      %dma_start3A_428 = arith.constant 0 : i32
      %dma_start3A_429 = arith.constant 0 : i32
      %dma_start3A_430 = tpu.memref_slice %arg7[%dma_start3A_428, %dma_start3A_429] : memref<10064x128xf32, #tpu.memory_space<vmem_shared>> -> memref<10064x128xf32, #tpu.memory_space<vmem_shared>>
      tpu.enqueue_indirect_dma source(%arg13 : memref<80x128xf32, #tpu.memory_space<vmem>>) target(%dma_start3A_430 : memref<10064x128xf32, #tpu.memory_space<vmem_shared>>) offsets(%arg21 : memref<80xi32, #tpu.memory_space<vmem>>) semaphore(%arg29 : memref<!tpu.dma_semaphore, #tpu.memory_space<semaphore_mem>>) {add = true}
      %while3A_431 = arith.constant 0 : i32
      %while3A_432 = arith.constant 0 : i32
      %while3A_433 = arith.subi %select_n3A_134, %while3A_432 : i32
      %while3A_434 = arith.addi %while3A_432, %while3A_433 : i32
      %while3A_435 = arith.constant 1 : i32
      %while3A_436 = arith.divsi %while3A_433, %while3A_435 : i32
      %while3A_437 = arith.muli %while3A_436, %while3A_435 : i32
      %while3A_438 = arith.addi %while3A_432, %while3A_437 : i32
      %while3A_439 = arith.constant 1 : i32
      scf.for %while3A_514 = %while3A_432 to %while3A_438 step %while3A_439  : i32 {
        %dma_wait3A_515 = arith.constant 0 : i32
        %dma_wait3A_516 = arith.constant 0 : i32
        %dma_wait3A_517 = tpu.memref_slice %arg2[%dma_wait3A_515, %dma_wait3A_516] : memref<60000x128xf32, #tpu.memory_space<hbm>> -> memref<60000x128xf32, #tpu.memory_space<hbm>>
        tpu.wait_indirect_dma semaphore(%arg26 : memref<!tpu.dma_semaphore, #tpu.memory_space<semaphore_mem>>) src(%dma_wait3A_517 : memref<60000x128xf32, #tpu.memory_space<hbm>>) dst(%arg14 : memref<80x128xf32, #tpu.memory_space<vmem>>)
      }
      %while3A_440 = arith.constant 1 : i32
      scf.for %while3A_514 = %while3A_438 to %while3A_434 step %while3A_440  : i32 {
        %dma_wait3A_515 = arith.constant 0 : i32
        %dma_wait3A_516 = arith.constant 0 : i32
        %dma_wait3A_517 = tpu.memref_slice %arg2[%dma_wait3A_515, %dma_wait3A_516] : memref<60000x128xf32, #tpu.memory_space<hbm>> -> memref<60000x128xf32, #tpu.memory_space<hbm>>
        tpu.wait_indirect_dma semaphore(%arg26 : memref<!tpu.dma_semaphore, #tpu.memory_space<semaphore_mem>>) src(%dma_wait3A_517 : memref<60000x128xf32, #tpu.memory_space<hbm>>) dst(%arg14 : memref<80x128xf32, #tpu.memory_space<vmem>>)
      }
      %dma_start3A_441 = arith.constant 0 : i32
      %dma_start3A_442 = arith.constant 0 : i32
      %dma_start3A_443 = tpu.memref_slice %arg7[%dma_start3A_441, %dma_start3A_442] : memref<10064x128xf32, #tpu.memory_space<vmem_shared>> -> memref<10064x128xf32, #tpu.memory_space<vmem_shared>>
      tpu.enqueue_indirect_dma source(%arg14 : memref<80x128xf32, #tpu.memory_space<vmem>>) target(%dma_start3A_443 : memref<10064x128xf32, #tpu.memory_space<vmem_shared>>) offsets(%arg22 : memref<80xi32, #tpu.memory_space<vmem>>) semaphore(%arg30 : memref<!tpu.dma_semaphore, #tpu.memory_space<semaphore_mem>>) {add = true}
      %while3A_444 = arith.constant 0 : i32
      %while3A_445 = arith.constant 0 : i32
      %while3A_446 = arith.subi %select_n3A_134, %while3A_445 : i32
      %while3A_447 = arith.addi %while3A_445, %while3A_446 : i32
      %while3A_448 = arith.constant 1 : i32
      %while3A_449 = arith.divsi %while3A_446, %while3A_448 : i32
      %while3A_450 = arith.muli %while3A_449, %while3A_448 : i32
      %while3A_451 = arith.addi %while3A_445, %while3A_450 : i32
      %while3A_452 = arith.constant 1 : i32
      scf.for %while3A_514 = %while3A_445 to %while3A_451 step %while3A_452  : i32 {
        %dma_wait3A_515 = arith.constant 0 : i32
        %dma_wait3A_516 = arith.constant 0 : i32
        %dma_wait3A_517 = tpu.memref_slice %arg2[%dma_wait3A_515, %dma_wait3A_516] : memref<60000x128xf32, #tpu.memory_space<hbm>> -> memref<60000x128xf32, #tpu.memory_space<hbm>>
        tpu.wait_indirect_dma semaphore(%arg23 : memref<!tpu.dma_semaphore, #tpu.memory_space<semaphore_mem>>) src(%dma_wait3A_517 : memref<60000x128xf32, #tpu.memory_space<hbm>>) dst(%arg11 : memref<80x128xf32, #tpu.memory_space<vmem>>)
      }
      %while3A_453 = arith.constant 1 : i32
      scf.for %while3A_514 = %while3A_451 to %while3A_447 step %while3A_453  : i32 {
        %dma_wait3A_515 = arith.constant 0 : i32
        %dma_wait3A_516 = arith.constant 0 : i32
        %dma_wait3A_517 = tpu.memref_slice %arg2[%dma_wait3A_515, %dma_wait3A_516] : memref<60000x128xf32, #tpu.memory_space<hbm>> -> memref<60000x128xf32, #tpu.memory_space<hbm>>
        tpu.wait_indirect_dma semaphore(%arg23 : memref<!tpu.dma_semaphore, #tpu.memory_space<semaphore_mem>>) src(%dma_wait3A_517 : memref<60000x128xf32, #tpu.memory_space<hbm>>) dst(%arg11 : memref<80x128xf32, #tpu.memory_space<vmem>>)
      }
      %dma_start3A_454 = arith.constant 0 : i32
      %dma_start3A_455 = arith.constant 0 : i32
      %dma_start3A_456 = tpu.memref_slice %arg7[%dma_start3A_454, %dma_start3A_455] : memref<10064x128xf32, #tpu.memory_space<vmem_shared>> -> memref<10064x128xf32, #tpu.memory_space<vmem_shared>>
      tpu.enqueue_indirect_dma source(%arg11 : memref<80x128xf32, #tpu.memory_space<vmem>>) target(%dma_start3A_456 : memref<10064x128xf32, #tpu.memory_space<vmem_shared>>) offsets(%arg19 : memref<80xi32, #tpu.memory_space<vmem>>) semaphore(%arg27 : memref<!tpu.dma_semaphore, #tpu.memory_space<semaphore_mem>>) {add = true}
      %scan3A_457 = arith.constant 0 : i32
      %scan3A_458 = arith.constant 0 : i32
      %dma_wait3A = arith.constant 0 : i32
      %dma_wait3A_459 = arith.constant 0 : i32
      %dma_wait3A_460 = tpu.memref_slice %arg7[%dma_wait3A, %dma_wait3A_459] : memref<10064x128xf32, #tpu.memory_space<vmem_shared>> -> memref<10064x128xf32, #tpu.memory_space<vmem_shared>>
      tpu.wait_indirect_dma semaphore(%arg27 : memref<!tpu.dma_semaphore, #tpu.memory_space<semaphore_mem>>) src(%arg11 : memref<80x128xf32, #tpu.memory_space<vmem>>) dst(%dma_wait3A_460 : memref<10064x128xf32, #tpu.memory_space<vmem_shared>>)
      %scan3A_461 = arith.constant 1 : i32
      %scan3A_462 = arith.constant 0 : i32
      %scan3A_463 = arith.constant 0 : i32
      %dma_wait3A_464 = arith.constant 0 : i32
      %dma_wait3A_465 = arith.constant 0 : i32
      %dma_wait3A_466 = tpu.memref_slice %arg7[%dma_wait3A_464, %dma_wait3A_465] : memref<10064x128xf32, #tpu.memory_space<vmem_shared>> -> memref<10064x128xf32, #tpu.memory_space<vmem_shared>>
      tpu.wait_indirect_dma semaphore(%arg28 : memref<!tpu.dma_semaphore, #tpu.memory_space<semaphore_mem>>) src(%arg12 : memref<80x128xf32, #tpu.memory_space<vmem>>) dst(%dma_wait3A_466 : memref<10064x128xf32, #tpu.memory_space<vmem_shared>>)
      %scan3A_467 = arith.constant 1 : i32
      %scan3A_468 = arith.constant 0 : i32
      %scan3A_469 = arith.constant 0 : i32
      %dma_wait3A_470 = arith.constant 0 : i32
      %dma_wait3A_471 = arith.constant 0 : i32
      %dma_wait3A_472 = tpu.memref_slice %arg7[%dma_wait3A_470, %dma_wait3A_471] : memref<10064x128xf32, #tpu.memory_space<vmem_shared>> -> memref<10064x128xf32, #tpu.memory_space<vmem_shared>>
      tpu.wait_indirect_dma semaphore(%arg29 : memref<!tpu.dma_semaphore, #tpu.memory_space<semaphore_mem>>) src(%arg13 : memref<80x128xf32, #tpu.memory_space<vmem>>) dst(%dma_wait3A_472 : memref<10064x128xf32, #tpu.memory_space<vmem_shared>>)
      %scan3A_473 = arith.constant 1 : i32
      %scan3A_474 = arith.constant 0 : i32
      %scan3A_475 = arith.constant 0 : i32
      %dma_wait3A_476 = arith.constant 0 : i32
      %dma_wait3A_477 = arith.constant 0 : i32
      %dma_wait3A_478 = tpu.memref_slice %arg7[%dma_wait3A_476, %dma_wait3A_477] : memref<10064x128xf32, #tpu.memory_space<vmem_shared>> -> memref<10064x128xf32, #tpu.memory_space<vmem_shared>>
      tpu.wait_indirect_dma semaphore(%arg30 : memref<!tpu.dma_semaphore, #tpu.memory_space<semaphore_mem>>) src(%arg14 : memref<80x128xf32, #tpu.memory_space<vmem>>) dst(%dma_wait3A_478 : memref<10064x128xf32, #tpu.memory_space<vmem_shared>>)
      %scan3A_479 = arith.constant 1 : i32
      %barrier3A_480 = arith.constant 0 : index
      tpu.barrier barrier_id(%barrier3A_480)
      %mul3A_481 = arith.constant 2 : i32
      %mul3A_482 = arith.muli %scan3A_45, %mul3A_481 : i32
      %mul3A_483 = arith.constant 10000 : i32
      %mul3A_484 = arith.muli %mul3A_482, %mul3A_483 : i32
      %mul3A_485 = arith.constant 10000 : i32
      %mul3A_486 = arith.muli %select_n3A, %mul3A_485 : i32
      %add3A_487 = arith.addi %mul3A_484, %mul3A_486 : i32
      %add3A_488 = arith.addi %add3A_487, %mul3A_0 : i32
      %mul3A_489 = arith.constant 624 : i32
      %mul3A_490 = arith.muli %select_n3A_34, %mul3A_489 : i32
      %add3A_491 = arith.addi %add3A_488, %mul3A_490 : i32
      %scan3A_492 = arith.constant 0 : i32
      %scan3A_493 = arith.constant 0 : i32
      %scan3A_494 = arith.constant 6 : i32
      %scan3A_495 = arith.addi %scan3A_493, %scan3A_494 : i32
      %scan3A_496 = arith.constant 1 : i32
      scf.for %scan3A_514 = %scan3A_493 to %scan3A_495 step %scan3A_496  : i32 {
        %mul3A_515 = arith.constant 104 : i32
        %mul3A_516 = arith.muli %scan3A_514, %mul3A_515 : i32
        %add3A_517 = arith.addi %add3A_39, %mul3A_516 : i32
        %multiple_of3A = tpu.assume_multiple %add3A_517, 8 : i32
        %mul3A_518 = arith.constant 104 : i32
        %mul3A_519 = arith.muli %scan3A_514, %mul3A_518 : i32
        %add3A_520 = arith.addi %add3A_491, %mul3A_519 : i32
        %multiple_of3A_521 = tpu.assume_multiple %add3A_520, 8 : i32
        "tpu.region"() ({
          %run_scoped3A = tpu.sem_alloc : memref<!tpu.dma_semaphore, #tpu.memory_space<semaphore_mem>>
          %dma_start3A_522 = arith.constant 0 : i32
          %dma_start3A_523 = tpu.memref_slice %arg6[%multiple_of3A_521, %dma_start3A_522] : memref<60000x128xf32, #tpu.memory_space<hbm>> -> memref<104x128xf32, #tpu.memory_space<hbm>>
          %dma_start3A_524 = arith.constant 0 : i32
          %dma_start3A_525 = tpu.memref_slice %arg7[%multiple_of3A, %dma_start3A_524] : memref<10064x128xf32, #tpu.memory_space<vmem_shared>> -> memref<104x128xf32, #tpu.memory_space<vmem_shared>>
          tpu.enqueue_dma source(%dma_start3A_525 : memref<104x128xf32, #tpu.memory_space<vmem_shared>>) target(%dma_start3A_523 : memref<104x128xf32, #tpu.memory_space<hbm>>) target_semaphore(%run_scoped3A : memref<!tpu.dma_semaphore, #tpu.memory_space<semaphore_mem>>)
          %dma_wait3A_526 = arith.constant 0 : i32
          %dma_wait3A_527 = tpu.memref_slice %arg6[%multiple_of3A_521, %dma_wait3A_526] : memref<60000x128xf32, #tpu.memory_space<hbm>> -> memref<104x128xf32, #tpu.memory_space<hbm>>
          %dma_wait3A_528 = arith.constant 0 : i32
          %dma_wait3A_529 = tpu.memref_slice %arg7[%multiple_of3A, %dma_wait3A_528] : memref<10064x128xf32, #tpu.memory_space<vmem_shared>> -> memref<104x128xf32, #tpu.memory_space<vmem_shared>>
          tpu.wait_dma2 semaphore(%run_scoped3A : memref<!tpu.dma_semaphore, #tpu.memory_space<semaphore_mem>>) src(%dma_wait3A_529 : memref<104x128xf32, #tpu.memory_space<vmem_shared>>) dst(%dma_wait3A_527 : memref<104x128xf32, #tpu.memory_space<hbm>>)
          tpu.yield
        }) : () -> ()
      }
      %scan3A_497 = arith.constant 6 : i32
      %eq3A_498 = arith.constant 7 : i32
      %eq3A_499 = arith.cmpi eq, %select_n3A_34, %eq3A_498 : i32
      %jit3A_500 = arith.constant 1 : i32
      %jit3A_501 = arith.constant 0 : i32
      %select_n3A_502 = arith.select %eq3A_499, %jit3A_500, %jit3A_501 : i32
      %while3A_503 = arith.constant 0 : i32
      %while3A_504 = arith.constant 0 : i32
      %while3A_505 = arith.subi %select_n3A_502, %while3A_504 : i32
      %while3A_506 = arith.addi %while3A_504, %while3A_505 : i32
      %while3A_507 = arith.constant 1 : i32
      %while3A_508 = arith.divsi %while3A_505, %while3A_507 : i32
      %while3A_509 = arith.muli %while3A_508, %while3A_507 : i32
      %while3A_510 = arith.addi %while3A_504, %while3A_509 : i32
      %while3A_511 = arith.constant 1 : i32
      scf.for %while3A_514 = %while3A_504 to %while3A_510 step %while3A_511  : i32 {
        %add3A_515 = arith.constant 624 : i32
        %add3A_516 = arith.addi %add3A_39, %add3A_515 : i32
        %multiple_of3A = tpu.assume_multiple %add3A_516, 8 : i32
        %add3A_517 = arith.constant 624 : i32
        %add3A_518 = arith.addi %add3A_491, %add3A_517 : i32
        %multiple_of3A_519 = tpu.assume_multiple %add3A_518, 8 : i32
        "tpu.region"() ({
          %run_scoped3A = tpu.sem_alloc : memref<!tpu.dma_semaphore, #tpu.memory_space<semaphore_mem>>
          %dma_start3A_520 = arith.constant 0 : i32
          %dma_start3A_521 = tpu.memref_slice %arg6[%multiple_of3A_519, %dma_start3A_520] : memref<60000x128xf32, #tpu.memory_space<hbm>> -> memref<8x128xf32, #tpu.memory_space<hbm>>
          %dma_start3A_522 = arith.constant 0 : i32
          %dma_start3A_523 = tpu.memref_slice %arg7[%multiple_of3A, %dma_start3A_522] : memref<10064x128xf32, #tpu.memory_space<vmem_shared>> -> memref<8x128xf32, #tpu.memory_space<vmem_shared>>
          tpu.enqueue_dma source(%dma_start3A_523 : memref<8x128xf32, #tpu.memory_space<vmem_shared>>) target(%dma_start3A_521 : memref<8x128xf32, #tpu.memory_space<hbm>>) target_semaphore(%run_scoped3A : memref<!tpu.dma_semaphore, #tpu.memory_space<semaphore_mem>>)
          %dma_wait3A_524 = arith.constant 0 : i32
          %dma_wait3A_525 = tpu.memref_slice %arg6[%multiple_of3A_519, %dma_wait3A_524] : memref<60000x128xf32, #tpu.memory_space<hbm>> -> memref<8x128xf32, #tpu.memory_space<hbm>>
          %dma_wait3A_526 = arith.constant 0 : i32
          %dma_wait3A_527 = tpu.memref_slice %arg7[%multiple_of3A, %dma_wait3A_526] : memref<10064x128xf32, #tpu.memory_space<vmem_shared>> -> memref<8x128xf32, #tpu.memory_space<vmem_shared>>
          tpu.wait_dma2 semaphore(%run_scoped3A : memref<!tpu.dma_semaphore, #tpu.memory_space<semaphore_mem>>) src(%dma_wait3A_527 : memref<8x128xf32, #tpu.memory_space<vmem_shared>>) dst(%dma_wait3A_525 : memref<8x128xf32, #tpu.memory_space<hbm>>)
          tpu.yield
        }) : () -> ()
      }
      %while3A_512 = arith.constant 1 : i32
      scf.for %while3A_514 = %while3A_510 to %while3A_506 step %while3A_512  : i32 {
        %add3A_515 = arith.constant 624 : i32
        %add3A_516 = arith.addi %add3A_39, %add3A_515 : i32
        %multiple_of3A = tpu.assume_multiple %add3A_516, 8 : i32
        %add3A_517 = arith.constant 624 : i32
        %add3A_518 = arith.addi %add3A_491, %add3A_517 : i32
        %multiple_of3A_519 = tpu.assume_multiple %add3A_518, 8 : i32
        "tpu.region"() ({
          %run_scoped3A = tpu.sem_alloc : memref<!tpu.dma_semaphore, #tpu.memory_space<semaphore_mem>>
          %dma_start3A_520 = arith.constant 0 : i32
          %dma_start3A_521 = tpu.memref_slice %arg6[%multiple_of3A_519, %dma_start3A_520] : memref<60000x128xf32, #tpu.memory_space<hbm>> -> memref<8x128xf32, #tpu.memory_space<hbm>>
          %dma_start3A_522 = arith.constant 0 : i32
          %dma_start3A_523 = tpu.memref_slice %arg7[%multiple_of3A, %dma_start3A_522] : memref<10064x128xf32, #tpu.memory_space<vmem_shared>> -> memref<8x128xf32, #tpu.memory_space<vmem_shared>>
          tpu.enqueue_dma source(%dma_start3A_523 : memref<8x128xf32, #tpu.memory_space<vmem_shared>>) target(%dma_start3A_521 : memref<8x128xf32, #tpu.memory_space<hbm>>) target_semaphore(%run_scoped3A : memref<!tpu.dma_semaphore, #tpu.memory_space<semaphore_mem>>)
          %dma_wait3A_524 = arith.constant 0 : i32
          %dma_wait3A_525 = tpu.memref_slice %arg6[%multiple_of3A_519, %dma_wait3A_524] : memref<60000x128xf32, #tpu.memory_space<hbm>> -> memref<8x128xf32, #tpu.memory_space<hbm>>
          %dma_wait3A_526 = arith.constant 0 : i32
          %dma_wait3A_527 = tpu.memref_slice %arg7[%multiple_of3A, %dma_wait3A_526] : memref<10064x128xf32, #tpu.memory_space<vmem_shared>> -> memref<8x128xf32, #tpu.memory_space<vmem_shared>>
          tpu.wait_dma2 semaphore(%run_scoped3A : memref<!tpu.dma_semaphore, #tpu.memory_space<semaphore_mem>>) src(%dma_wait3A_527 : memref<8x128xf32, #tpu.memory_space<vmem_shared>>) dst(%dma_wait3A_525 : memref<8x128xf32, #tpu.memory_space<hbm>>)
          tpu.yield
        }) : () -> ()
      }
      %barrier3A_513 = arith.constant 0 : index
      tpu.barrier barrier_id(%barrier3A_513)
    }
    %scan3A_44 = arith.constant 3 : i32
    return
  }
}

module attributes {stable_mosaic.version = 14 : i64} {
  func.func @_mm_body(%arg0: i32, %arg1: i32, %arg2: memref<1000x256xf32, #tpu.memory_space<vmem>>, %arg3: memref<1x256x128xf32, #tpu.memory_space<vmem>>, %arg4: memref<1000x128xf32, #tpu.memory_space<vmem>>) attributes {dimension_semantics = [#tpu.dimension_semantics<arbitrary>, #tpu.dimension_semantics<arbitrary>], iteration_bounds = array<i64: 6, 10>, scalar_prefetch = 0 : i64, scratch_operands = 0 : i64, tpu.core_type = #tpu.core_type<tc>, window_params = [{transform_indices = @transform_0, window_bounds = array<i64: 1000, 256>}, {transform_indices = @transform_1, window_bounds = array<i64: 1, 256, 128>}, {transform_indices = @transform_2, window_bounds = array<i64: 1000, 128>}]} {
    %get3A = arith.constant 0 : index
    %get3A_0 = arith.constant 0 : index
    %get3A_1 = vector.load %arg2[%get3A, %get3A_0] : memref<1000x256xf32, #tpu.memory_space<vmem>>, vector<1000x256xf32>
    %get3A_2 = arith.constant 0 : index
    %get3A_3 = arith.constant 0 : index
    %get3A_4 = arith.constant 0 : index
    %get3A_5 = vector.load %arg3[%get3A_2, %get3A_3, %get3A_4] : memref<1x256x128xf32, #tpu.memory_space<vmem>>, vector<1x256x128xf32>
    %get3A_6 = vector.shape_cast %get3A_5 : vector<1x256x128xf32> to vector<256x128xf32>
    %dot_general3A = arith.constant dense<0.000000e+00> : vector<1000x128xf32>
    %dot_general3A_7 = tpu.matmul %get3A_1, %get3A_6, %dot_general3A {dimension_numbers = #tpu.dot_dimension_numbers<[1], [0], [0], [1], [0, 0, 1, 1], [], []>, transpose_lhs_hint = false} : vector<1000x256xf32>, vector<256x128xf32>, vector<1000x128xf32> -> vector<1000x128xf32>
    %swap3A = arith.constant 0 : index
    %swap3A_8 = arith.constant 0 : index
    %swap3A_9 = vector.load %arg4[%swap3A, %swap3A_8] : memref<1000x128xf32, #tpu.memory_space<vmem>>, vector<1000x128xf32>
    tpu.vector_store %arg4[%swap3A, %swap3A_8], %dot_general3A_7 {strides = array<i32>} : memref<1000x128xf32, #tpu.memory_space<vmem>>, vector<1000x128xf32>,
    return
  }
  func.func @transform_0(%arg0: i32, %arg1: i32) -> (i32, i32) {
    %c0_i32 = arith.constant 0 : i32
    %c0_i32_0 = arith.constant 0 : i32
    return %arg1, %c0_i32 : i32, i32
  }
  func.func @transform_1(%arg0: i32, %arg1: i32) -> (i32, i32, i32) {
    %jit3A = arith.constant 3 : i32
    %eq3A = arith.constant 0 : i32
    %eq3A_0 = arith.cmpi eq, %jit3A, %eq3A : i32
    %jit3A_1 = arith.constant 1 : i32
    %select_n3A = arith.select %eq3A_0, %jit3A_1, %jit3A : i32
    %rem3A = arith.remsi %arg0, %select_n3A : i32
    %ne3A = arith.constant 0 : i32
    %ne3A_2 = arith.cmpi ne, %rem3A, %ne3A : i32
    %lt3A = arith.constant 0 : i32
    %lt3A_3 = arith.cmpi slt, %rem3A, %lt3A : i32
    %lt3A_4 = arith.constant 0 : i32
    %lt3A_5 = arith.cmpi slt, %select_n3A, %lt3A_4 : i32
    %ne3A_6 = arith.xori %lt3A_3, %lt3A_5 : i1
    %and3A = arith.andi %ne3A_6, %ne3A_2 : i1
    %add3A = arith.addi %rem3A, %select_n3A : i32
    %select_n3A_7 = arith.select %and3A, %add3A, %rem3A : i32
    %jit3A_8 = arith.constant 3 : i32
    %div3A = arith.divsi %arg0, %jit3A_8 : i32
    %sign3A = arith.constant 0 : i32
    %sign3A_9 = arith.cmpi sgt, %arg0, %sign3A : i32
    %sign3A_10 = arith.extui %sign3A_9 : i1 to i32
    %sign3A_11 = arith.constant 0 : i32
    %sign3A_12 = arith.cmpi slt, %arg0, %sign3A_11 : i32
    %sign3A_13 = arith.extui %sign3A_12 : i1 to i32
    %sign3A_14 = arith.subi %sign3A_10, %sign3A_13 : i32
    %sign3A_15 = arith.constant 0 : i32
    %sign3A_16 = arith.cmpi sgt, %jit3A_8, %sign3A_15 : i32
    %sign3A_17 = arith.extui %sign3A_16 : i1 to i32
    %sign3A_18 = arith.constant 0 : i32
    %sign3A_19 = arith.cmpi slt, %jit3A_8, %sign3A_18 : i32
    %sign3A_20 = arith.extui %sign3A_19 : i1 to i32
    %sign3A_21 = arith.subi %sign3A_17, %sign3A_20 : i32
    %ne3A_22 = arith.cmpi ne, %sign3A_14, %sign3A_21 : i32
    %rem3A_23 = arith.remsi %arg0, %jit3A_8 : i32
    %ne3A_24 = arith.constant 0 : i32
    %ne3A_25 = arith.cmpi ne, %rem3A_23, %ne3A_24 : i32
    %and3A_26 = arith.andi %ne3A_22, %ne3A_25 : i1
    %sub3A = arith.constant 1 : i32
    %sub3A_27 = arith.subi %div3A, %sub3A : i32
    %select_n3A_28 = arith.select %and3A_26, %sub3A_27, %div3A : i32
    %c0_i32 = arith.constant 0 : i32
    %c0_i32_29 = arith.constant 0 : i32
    return %select_n3A_7, %c0_i32, %select_n3A_28 : i32, i32, i32
  }
  func.func @transform_2(%arg0: i32, %arg1: i32) -> (i32, i32) {
    %mul3A = arith.constant 10 : i32
    %mul3A_0 = arith.muli %arg0, %mul3A : i32
    %add3A = arith.addi %mul3A_0, %arg1 : i32
    %c0_i32 = arith.constant 0 : i32
    %c0_i32_1 = arith.constant 0 : i32
    return %add3A, %c0_i32 : i32, i32
  }
}

module attributes {stable_mosaic.version = 14 : i64} {
  func.func @_comb_body(%arg0: i32, %arg1: i32, %arg2: memref<1000x128xf32, #tpu.memory_space<vmem>>, %arg3: memref<1000x128xf32, #tpu.memory_space<vmem>>, %arg4: memref<1000x128xf32, #tpu.memory_space<vmem>>, %arg5: memref<1000x128xf32, #tpu.memory_space<vmem>>, %arg6: memref<1000x128xf32, #tpu.memory_space<vmem>>, %arg7: memref<2x128xf32, #tpu.memory_space<vmem>>, %arg8: memref<1000x128xf32, #tpu.memory_space<vmem>>) attributes {dimension_semantics = [#tpu.dimension_semantics<arbitrary>, #tpu.dimension_semantics<arbitrary>], iteration_bounds = array<i64: 2, 10>, scalar_prefetch = 0 : i64, scratch_operands = 0 : i64, tpu.core_type = #tpu.core_type<tc>, window_params = [{transform_indices = @transform_0, window_bounds = array<i64: 1000, 128>}, {transform_indices = @transform_1, window_bounds = array<i64: 1000, 128>}, {transform_indices = @transform_2, window_bounds = array<i64: 1000, 128>}, {transform_indices = @transform_3, window_bounds = array<i64: 1000, 128>}, {transform_indices = @transform_4, window_bounds = array<i64: 1000, 128>}, {pipeline_mode = #tpu.pipeline_mode<synchronous>, transform_indices = @transform_5, window_bounds = array<i64: 2, 128>}, {transform_indices = @transform_6, window_bounds = array<i64: 1000, 128>}]} {
    %get3A = arith.constant 0 : index
    %get3A_0 = arith.constant 0 : index
    %get3A_1 = vector.load %arg5[%get3A, %get3A_0] : memref<1000x128xf32, #tpu.memory_space<vmem>>, vector<1000x1xf32>
    %max3A = arith.constant 1.000000e+00 : f32
    %max3A_2 = vector.broadcast %max3A : f32 to vector<1000x1xf32>
    %max3A_3 = arith.maximumf %get3A_1, %max3A_2 : vector<1000x1xf32>
    %get3A_4 = arith.constant 0 : index
    %get3A_5 = arith.constant 0 : index
    %get3A_6 = vector.load %arg6[%get3A_4, %get3A_5] : memref<1000x128xf32, #tpu.memory_space<vmem>>, vector<1000x1xf32>
    %max3A_7 = arith.constant 1.000000e+00 : f32
    %max3A_8 = vector.broadcast %max3A_7 : f32 to vector<1000x1xf32>
    %max3A_9 = arith.maximumf %get3A_6, %max3A_8 : vector<1000x1xf32>
    %get3A_10 = arith.constant 0 : index
    %get3A_11 = arith.constant 0 : index
    %get3A_12 = vector.load %arg2[%get3A_10, %get3A_11] : memref<1000x128xf32, #tpu.memory_space<vmem>>, vector<1000x128xf32>
    %get3A_13 = arith.index_cast %arg0 : i32 to index
    %get3A_14 = arith.constant 0 : index
    %get3A_15 = vector.load %arg7[%get3A_13, %get3A_14] : memref<2x128xf32, #tpu.memory_space<vmem>>, vector<1x128xf32>
    %add3A = vector.broadcast %get3A_15 : vector<1x128xf32> to vector<1000x128xf32>
    %add3A_16 = arith.addf %get3A_12, %add3A : vector<1000x128xf32>
    %get3A_17 = arith.constant 0 : index
    %get3A_18 = arith.constant 0 : index
    %get3A_19 = vector.load %arg3[%get3A_17, %get3A_18] : memref<1000x128xf32, #tpu.memory_space<vmem>>, vector<1000x128xf32>
    %div3A = vector.broadcast %max3A_3 : vector<1000x1xf32> to vector<1000x128xf32>
    %div3A_20 = arith.divf %get3A_19, %div3A : vector<1000x128xf32>
    %add3A_21 = arith.addf %add3A_16, %div3A_20 : vector<1000x128xf32>
    %get3A_22 = arith.constant 0 : index
    %get3A_23 = arith.constant 0 : index
    %get3A_24 = vector.load %arg4[%get3A_22, %get3A_23] : memref<1000x128xf32, #tpu.memory_space<vmem>>, vector<1000x128xf32>
    %div3A_25 = vector.broadcast %max3A_9 : vector<1000x1xf32> to vector<1000x128xf32>
    %div3A_26 = arith.divf %get3A_24, %div3A_25 : vector<1000x128xf32>
    %add3A_27 = arith.addf %add3A_21, %div3A_26 : vector<1000x128xf32>
    %swap3A = arith.constant 0 : index
    %swap3A_28 = arith.constant 0 : index
    %swap3A_29 = vector.load %arg8[%swap3A, %swap3A_28] : memref<1000x128xf32, #tpu.memory_space<vmem>>, vector<1000x128xf32>
    tpu.vector_store %arg8[%swap3A, %swap3A_28], %add3A_27 {strides = array<i32>} : memref<1000x128xf32, #tpu.memory_space<vmem>>, vector<1000x128xf32>,
    return
  }
  func.func @transform_0(%arg0: i32, %arg1: i32) -> (i32, i32) {
    %mul3A = arith.constant 3 : i32
    %mul3A_0 = arith.muli %arg0, %mul3A : i32
    %mul3A_1 = arith.constant 10 : i32
    %mul3A_2 = arith.muli %mul3A_0, %mul3A_1 : i32
    %add3A = arith.addi %mul3A_2, %arg1 : i32
    %c0_i32 = arith.constant 0 : i32
    %c0_i32_3 = arith.constant 0 : i32
    return %add3A, %c0_i32 : i32, i32
  }
  func.func @transform_1(%arg0: i32, %arg1: i32) -> (i32, i32) {
    %mul3A = arith.constant 2 : i32
    %mul3A_0 = arith.muli %arg0, %mul3A : i32
    %mul3A_1 = arith.constant 10 : i32
    %mul3A_2 = arith.muli %mul3A_0, %mul3A_1 : i32
    %add3A = arith.addi %mul3A_2, %arg1 : i32
    %c0_i32 = arith.constant 0 : i32
    %c0_i32_3 = arith.constant 0 : i32
    return %add3A, %c0_i32 : i32, i32
  }
  func.func @transform_2(%arg0: i32, %arg1: i32) -> (i32, i32) {
    %mul3A = arith.constant 2 : i32
    %mul3A_0 = arith.muli %arg0, %mul3A : i32
    %add3A = arith.constant 1 : i32
    %add3A_1 = arith.addi %mul3A_0, %add3A : i32
    %mul3A_2 = arith.constant 10 : i32
    %mul3A_3 = arith.muli %add3A_1, %mul3A_2 : i32
    %add3A_4 = arith.addi %mul3A_3, %arg1 : i32
    %c0_i32 = arith.constant 0 : i32
    %c0_i32_5 = arith.constant 0 : i32
    return %add3A_4, %c0_i32 : i32, i32
  }
  func.func @transform_3(%arg0: i32, %arg1: i32) -> (i32, i32) {
    %add3A = arith.constant 40 : i32
    %add3A_0 = arith.addi %add3A, %arg1 : i32
    %c0_i32 = arith.constant 0 : i32
    %c0_i32_1 = arith.constant 0 : i32
    return %add3A_0, %c0_i32 : i32, i32
  }
  func.func @transform_4(%arg0: i32, %arg1: i32) -> (i32, i32) {
    %add3A = arith.constant 50 : i32
    %add3A_0 = arith.addi %add3A, %arg1 : i32
    %c0_i32 = arith.constant 0 : i32
    %c0_i32_1 = arith.constant 0 : i32
    return %add3A_0, %c0_i32 : i32, i32
  }
  func.func @transform_5(%arg0: i32, %arg1: i32) -> (i32, i32) {
    %c0_i32 = arith.constant 0 : i32
    %c0_i32_0 = arith.constant 0 : i32
    %c0_i32_1 = arith.constant 0 : i32
    return %c0_i32, %c0_i32_0 : i32, i32
  }
  func.func @transform_6(%arg0: i32, %arg1: i32) -> (i32, i32) {
    %c0_i32 = arith.constant 0 : i32
    return %arg1, %arg0 : i32, i32
  }
}

</mosaic_0001>

<sc_bundles>
// kernel: kernel.5.cloned.1.call-start
scs
__scs_entry_jumppad:
0x0: {  	(pc) =	sbr.rel $0x88, $3  }
0x1: {  	(tag) =	ssettag $0x0;
	lr =	simm.s32 $0x1  }
0x2: {  	[smem:$0x3F9B] =	sst lr;
	_ =	strace $0xD0000000  }
0x3: {  	_ = 	snop  }
0x4: {  	_ = 	snop  }
0x5: {  	_ = 	snop  }
0x6: {  	_ = 	snop  }
0x7: {  	_ = 	snop  }
__scs_overlays_trampoline_lowered:
0x8: {  	[smem:$0x3FAA] =	sst s0  }
0x9: {  	[smem:$0x3FAB] =	sst s1  }
0xa: {  	[smem:$0x3FAC] =	sst s2  }
0xb: {  	[smem:$0x3FAD] =	sst s3  }
0xc: {  	[smem:$0x3FAE] =	sst s4  }
0xd: {  	[smem:$0x3FAF] =	sst s5  }
0xe: {  	[smem:$0x3FB0] =	sst s6  }
0xf: {  	[smem:$0x3FB1] =	sst s7  }
0x10: {  	[smem:$0x3FB2] =	sst s8  }
0x11: {  	[smem:$0x3FB3] =	sst s9;
	s0 =	simm.s32 @!p0 $0x0  }
0x12: {  	s1 =	sld [smem:$0x3F99];
	s0 =	simm.s32 @p0 $0x1  }
0x13: {  	[smem:$0x3FB4] =	sst s0;
	s0 =	simm.s32 @!p1 $0x0  }
0x14: {  	s2 =	sld [smem:$0x3F98];
	s0 =	simm.s32 @p1 $0x1  }
0x15: {  	[smem:$0x3FB5] =	sst s0;
	s0 =	simm.s32 @!p2 $0x0  }
0x16: {  	s3 =	sld [smem:$0x3FDB];
	s0 =	simm.s32 @p2 $0x1  }
0x17: {  	s4 =	simm.s32 $0x1BF5;
	[smem:$0x3FB7] =	sst s0  }
0x18: {  	s0 =	sld [smem:$0x3F9A];
	_ =	swait.ge [sflag:s4], $0x0  }
0x19: {  	s7 =	sld [smem:$0x3F9B]  }
0x1a: {  	s8 =	sadd.s32 $0xFFFFE003, lr  }
0x1b: {  	s9 =	sadd.s32 $0xFFFFFEF7, lr;
	s5 =	simm.s32 $0xFFFFFFFF;
	p2 =	slt.u32 s8, $0xFFFFF086  }
0x1c: {  	p1 =	slt.u32 s9, $0xF7A;
	s5 =	simm.s32 @!p2 $0x0  }
0x1d: {  	s5 =	simm.s32 @p1 $0x1;
	p0 =	seq.s32 s7, s2  }
0x1e: {  	s7 =	smul.u32 @!p0 $0xF7A, s2;
	p2 =	seq.s32 @!p0 s5, $0x0  }
0x1f: {  	s9 =	smul.u32 $0xF7A, s1;
	s8 =	simm.s32 @!p0 $0x1BF5;
	p2 =	por !p2, p0  }
0x20: {  	[sflag:s8] =	ssyncset.s32 @!p0 $0xFFFFF086;
	s6 =	sadd.s32 @!p0 s3, s7;
	s7 =	simm.s32 @!p0 $0x108  }
0x21: {  	s3 =	sadd.s32 s3, s9;
	s6 =	sadd.s32 @!p0 $0x88, s6;
	s7 =	simm.s32 @p2 $0x1082  }
0x22: {  	[simem:s7], [sflag:s8] =	dma.local @!p0 [hbm:s6], $0xF7A  }
0x23: {  	s9 =	sor.u32 $0xD0000000, s2;
	s6 =	simm.s32 $0x108;
	_ =	swait.ge @!p0 [sflag:s8], $0x0  }
0x24: {  	s3 =	sadd.s32 $0x88, s3;
	s6 =	simm.s32 @!p1 $0x1082;
	[sflag:s4] =	ssyncset.s32 $0xFFFFF086  }
0x25: {  	[simem:s6], [sflag:s4] =	dma.local [hbm:s3], $0xF7A  }
0x26: {  	[smem:$0x3F9B] =	sst s1;
	(tag) =	ssettag s2;
	_ =	strace s9  }
0x27: {  	s1 =	sld [smem:$0x3FAB]  }
0x28: {  	s2 =	sld [smem:$0x3FAC]  }
0x29: {  	s4 =	sld [smem:$0x3FAE]  }
0x2a: {  	p0 =	seq.s32 s5, $0x0;
	s5 =	sld [smem:$0x3FAF]  }
0x2b: {  	s6 =	sld [smem:$0x3FB0]  }
0x2c: {  	s7 =	sld [smem:$0x3FB1]  }
0x2d: {  	s3 =	simm.s32 $0x108;
	s8 =	sld [smem:$0x3FB2]  }
0x2e: {  	s3 =	simm.s32 @!p0 $0x1082;
	s9 =	sld [smem:$0x3FB3]  }
0x2f: {  	lr =	sadd.s32 s0, s3;
	s0 =	sld [smem:$0x3FAA]  }
0x30: {  	s3 =	sld [smem:$0x3FAD]  }
0x31: {  	[smem:$0x3FB6] =	sst s10  }
0x32: {  	s10 =	sld [smem:$0x3FB4];
	_ =	sdelay $0x3  }
0x33: {  	p0 =	seq.s32 s10, $0x1;
	s10 =	sld [smem:$0x3FB6];
	_ =	sdelay $0x3  }
0x34: {  	[smem:$0x3FB6] =	sst s10  }
0x35: {  	s10 =	sld [smem:$0x3FB5];
	_ =	sdelay $0x3  }
0x36: {  	p1 =	seq.s32 s10, $0x1;
	s10 =	sld [smem:$0x3FB6];
	_ =	sdelay $0x3  }
0x37: {  	[smem:$0x3FB6] =	sst s10  }
0x38: {  	s10 =	sld [smem:$0x3FB7]  }
0x39: {  	_ = 	snop;
	(pc) =	sbr.ind lr, $3  }
0x3a: {  	_ = 	snop  }
0x3b: {  	_ = 	snop  }
0x3c: {  	p2 =	seq.s32 s10, $0x1;
	s10 =	sld [smem:$0x3FB6]  }
0x3d: {  	_ =	shalt  }
0x3e: {  	_ =	shalt  }
0x3f: {  	_ =	shalt  }
0x40: {  	_ =	shalt  }
0x41: {  	_ =	shalt  }
0x42: {  	_ =	shalt  }
0x43: {  	_ =	shalt  }
0x44: {  	_ =	shalt  }
0x45: {  	_ =	shalt  }
0x46: {  	_ =	shalt  }
0x47: {  	_ =	shalt  }
0x48: {  	_ =	shalt  }
0x49: {  	_ =	shalt  }
0x4a: {  	_ =	shalt  }
0x4b: {  	_ =	shalt  }
0x4c: {  	_ =	shalt  }
0x4d: {  	_ =	shalt  }
0x4e: {  	_ =	shalt  }
0x4f: {  	_ =	shalt  }
0x50: {  	_ =	shalt  }
0x51: {  	_ =	shalt  }
0x52: {  	_ =	shalt  }
0x53: {  	_ =	shalt  }
0x54: {  	_ =	shalt  }
0x55: {  	_ =	shalt  }
0x56: {  	_ =	shalt  }
0x57: {  	_ =	shalt  }
0x58: {  	_ =	shalt  }
0x59: {  	_ =	shalt  }
0x5a: {  	_ =	shalt  }
0x5b: {  	_ =	shalt  }
0x5c: {  	_ =	shalt  }
0x5d: {  	_ =	shalt  }
0x5e: {  	_ =	shalt  }
0x5f: {  	_ =	shalt  }
0x60: {  	_ =	shalt  }
0x61: {  	_ =	shalt  }
0x62: {  	_ =	shalt  }
0x63: {  	_ =	shalt  }
0x64: {  	_ =	shalt  }
0x65: {  	_ =	shalt  }
0x66: {  	_ =	shalt  }
0x67: {  	_ =	shalt  }
0x68: {  	_ =	shalt  }
0x69: {  	_ =	shalt  }
0x6a: {  	_ =	shalt  }
0x6b: {  	_ =	shalt  }
0x6c: {  	_ =	shalt  }
0x6d: {  	_ =	shalt  }
0x6e: {  	_ =	shalt  }
0x6f: {  	_ =	shalt  }
0x70: {  	_ =	shalt  }
0x71: {  	_ =	shalt  }
0x72: {  	_ =	shalt  }
0x73: {  	_ =	shalt  }
0x74: {  	_ =	shalt  }
0x75: {  	_ =	shalt  }
0x76: {  	_ =	shalt  }
0x77: {  	_ =	shalt  }
0x78: {  	_ =	shalt  }
0x79: {  	_ =	shalt  }
0x7a: {  	_ =	shalt  }
0x7b: {  	_ =	shalt  }
0x7c: {  	_ =	shalt  }
0x7d: {  	_ =	shalt  }
0x7e: {  	_ =	shalt  }
0x7f: {  	_ =	shalt  }
0x80: {  	_ =	shalt  }
0x81: {  	_ =	shalt  }
0x82: {  	_ =	shalt  }
0x83: {  	_ =	shalt  }
0x84: {  	_ =	shalt  }
0x85: {  	_ =	shalt  }
0x86: {  	_ =	shalt  }
0x87: {  	_ =	shalt  }
.Lfunc_end0:
.L_simem_size_0:
called_computation_lowered:
.L_overlay_start_0:
0x88: {  	s2 =	sld [smem:$0x3FD9]  }
0x89: {  	s3 =	sld [smem:$0x3FFE];
	_ =	sdelay $0x1  }
0x8a: {  	s1 =	srdreg.scid  }
0x8b: {  	s0 =	sand.u32 $0x1, s1  }
0x8c: {  	s17 =	sshll.u32 s0, $0xA;
	s2 =	sadd.s32 s3, s2  }
0x8d: {  	s2 =	sadd.s32 s2, s17  }
0x8e: {  	[smem:$0x3FC2] =	sst s2  }
0x8f: {  	_ = 	snop  }
0x90: {  	s2 =	sld [smem:$0x3FC7]  }
0x91: {  	s18 =	sld [smem:$0x3FD0];
	(tm) =	ssettm $0x1  }
0x92: {  	s4 =	sld [smem:$0x3FFB];
	_ =	sdelay $0x3  }
0x93: {  	_ =	strace s4  }
0x94: {  	s4 =	sld [smem:$0x3FFC];
	_ =	sdelay $0x3  }
0x95: {  	_ =	strace s4  }
0x96: {  	s4 =	sld [smem:$0x3FFD];
	_ =	sdelay $0x3  }
0x97: {  	_ =	strace s4  }
0x98: {  	_ =	strace $0x8FFFFFFF  }
0x99: {  	s19 =	sld [smem:$0x3FDB];
	_ =	sdelay $0x1  }
0x9a: {  	s5 =	simm.s32 $_scs_section_size  }
0x9b: {  	s6 =	simm.s32 $_size__tile_overlayer_lowered;
	s7 =	simm.s32 $_tile_overlayer_lowered  }
0x9c: {  	s22 =	simm.s32 $0x1BFF;
	s21 =	sshll.u32 s7, $0x1;
	s4 =	sadd.s32 s5, s19  }
0x9d: {  	s8 =	simm.s32 $0x0;
	s20 =	sshll.u32 s6, $0x1;
	s6 =	sadd.s32 s21, s4  }
0x9e: {  	[timem:s8], [sflag:s22] =	dma.local [hbm:s6], s20  }
0x9f: {  	_ =	swait.ge [sflag:s22], s20  }
0xa0: {  	s5 =	ssub.s32 $0x0, s20;
	[sflag:s22] =	ssyncset.done $0x0  }
0xa1: {  	[sflag:s22] =	ssyncadd.s32 s5;
	_ =	sdelay $0x1  }
0xa2: {  	s23 =	simm.s32 $0x1B8B  }
0xa3: {  	_ =	swait.ge [sflag:s23], $0x1  }
0xa4: {  	[sflag:s23] =	ssyncset.done $0x0  }
0xa5: {  	s25 =	simm.s32 $0x1B8E;
	s24 =	sld [smem:$0x3FFE];
	[sflag:s23] =	ssyncadd.s32 $0xFFFFFFFF  }
0xa6: {  	s26 =	simm.s32 $execute0_lowered;
	[smem:$0x3FD2] =	sst s25  }
0xa7: {  	s6 =	sshll.u32 s26, $0x1;
	_ =	strace $0x80000046;
	[dreg:$0x1] =	wrdreg $0xFFFFFFFF  }
0xa8: {  	s28 =	simm.s32 $_size_execute0_lowered;
	s4 =	sadd.s32 s4, s6;
	[dreg:$0x0] =	wrdreg $0x0  }
0xa9: {  	s6 =	sshll.u32 s28, $0x1;
	[dreg:$0x2] =	wrdreg s4  }
0xaa: {  	[dreg:$0x3] =	wrdreg s6  }
0xab: {  	[dreg:$0x4] =	wrdreg $0xC0  }
0xac: {  	_ =	task [dreg:s8], $0x5FFFF  }
0xad: {  	[dreg:$0x1] =	wrdreg $0xFFFFFFFF  }
0xae: {  	[dreg:$0x0] =	wrdreg $0x60  }
0xaf: {  	[dreg:$0x2] =	wrdreg s24  }
0xb0: {  	[dreg:$0x3] =	wrdreg s18  }
0xb1: {  	[dreg:$0x4] =	wrdreg s2  }
0xb2: {  	[dreg:$0x5] =	wrdreg $0x0  }
0xb3: {  	[dreg:$0x6] =	wrdreg $0x9  }
0xb4: {  	_ =	task.clear_ibuf [dreg:s8], $0x7FFFF;
	_ =	strace $0x90000046  }
0xb5: {  	s29 =	simm.s32 $0x9;
	_ =	strace $0x80000048  }
0xb6: {  	_ =	swait.ge [sflag:s29], $0x1  }
0xb7: {  	[sflag:s29] =	ssyncadd.s32 $0xFFFFFFFF  }
0xb8: {  	_ =	strace $0x90000048  }
0xb9: {  	_ =	sfence  }
0xba: {  	s30 =	sld [smem:$0x0];
	_ =	sdelay $0x2  }
0xbb: {  	s31 =	sshll.u32 s1, $0xD;
	s1 =	sshrl.u32 s1, $0x2  }
0xbc: {  	s3 =	sand.u32 $0x4000, s31;
	s1 =	sadd.s32 s1, s30  }
0xbd: {  	s0 =	sor.u32 s3, s0;
	s1 =	sshll.u32 s1, $0x11  }
0xbe: {  	s0 =	sor.u32 s1, s0  }
0xbf: {  	s0 =	sadd.s32 $0x8F2B, s0  }
0xc0: {  	[sflag:s0] =	ssyncadd.remote.s32 $0x1  }
0xc1: {  	_ =	sfence.sel $0xFFFF  }
0xc2: {  	[dreg:$0x0] =	wrdreg $0xFFFFFFFF;
	(pc) =	sbr.abs _section_cstart, $3  }
0xc3: {  	[dreg:$0x1] =	wrdreg $0xFFFFFFFF  }
0xc4: {  	_ =	task.clear_ibuf [dreg:s8], $0x2FFFF;
	_ =	strace $0x9FFFFFFF  }
0xc5: {  	(tm) =	ssettm $0x7FFFFFFF  }
tec
execute0_lowered:
.L_overlay_start_1:
0x0: {  	(tag) =	ssettag $0x1  }
0x1: {  	s1 =	rddreg [dreg:$0x0]  }
0x2: {  	s2 =	rddreg [dreg:$0x1]  }
0x3: {  	s3 =	rddreg [dreg:$0x2]  }
0x4: {  	s4 =	rddreg [dreg:$0x3];
	s5 =	simm.s32 $0x0;
	s0 =	simm.s32 $0x0  }
0x5: {  	s19 =	srdreg.scid;
	s13 =	stileid.u32;
	s14 =	simm.s32 $0x8  }
0x6: {  	s30 =	simm.s32 $0x15280;
	s31 =	simm.s32 $0x9;
	[dreg:$0x5] =	wrdreg s0  }
0x7: {  	s29 =	simm.s32 $0x2;
	[smem:$0x7FF] =	sst s5;
	s0 =	sand.u32 $0x1, s19  }
0x8: {  	s20 =	sshrl.u32 s13, $0x3;
	s8 =	sand.u32 $0x7, s13;
	s21 =	smul.u32 $0x4E000, s13  }
0x9: {  	s7 =	sadd.s32 $0x5000, s1;
	p0 =	seq.s32 s13, $0xF;
	s13 =	smul.u32 $0x2710, s13  }
0xa: {  	s12 =	sadd.s32 $0xEF600, s1;
	s24 =	sadd.s32 $0xF1D00, s1;
	s9 =	smul.u32 $0x1388, s20  }
0xb: {  	_ =	strace $0x80000047;
	s6 =	ssub.s32 $0x2, s0;
	s11 =	smul.u32 $0x270, s8  }
0xc: {  	[dreg:$0x6] =	wrdreg s12;
	s0 =	smul.u32 $0x1388, s0;
	s14 =	simm.s32 @!p0 $0x7  }
0xd: {  	s5 =	smul.u32 $0x2710, s20;
	s12 =	sadd.s32 $0x138800, s4;
	[dreg:$0xc] =	wrdreg s24  }
0xe: {  	s24 =	sadd.s32 $0xF0300, s1;
	s10 =	sshrl.u32 s6, $0x1;
	[dreg:$0x7] =	wrdreg s14  }
0xf: {  	[dreg:$0x15] =	wrdreg s24;
	s6 =	ssub.s32 s6, s10;
	s10 =	sshrl.u32 s21, $0x2  }
0x10: {  	s22 =	sadd.s32 s11, s9;
	s11 =	sadd.s32 s11, s0;
	s10 =	sadd.s32 s10, s4  }
0x11: {  	s24 =	simm.s32 $0x17A80;
	s5 =	sadd.s32 s11, s5;
	[dreg:$0x8] =	wrdreg s10  }
0x12: {  	s23 =	sshll.u32 s22, $0x7;
	s6 =	smax.u32 s6, $0x1;
	[dreg:$0xb] =	wrdreg s5  }
0x13: {  	s15 =	sadd.s32 $0x11800, s10;
	s16 =	sadd.s32 s23, s4;
	[dreg:$0xd] =	wrdreg s6  }
0x14: {  	s23 =	sadd.s32 $0xEFC80, s1;
	s5 =	sadd.s32 $0x13800, s16;
	[dreg:$0xa] =	wrdreg s16  }
0x15: {  	s25 =	sadd.s32 $0x3400, s16;
	s15 =	smov.u32 @p0 s12;
	[dreg:$0x14] =	wrdreg s23  }
0x16: {  	s26 =	sadd.s32 $0x6800, s16;
	[dreg:$0x9] =	wrdreg s15;
	s6 =	sshrl.u32 s25, $0x3  }
0x17: {  	s28 =	sadd.s32 $0x9C00, s16;
	s19 =	sshrl.u32 s26, $0x3;
	[dreg:$0xe] =	wrdreg s6  }
0x18: {  	s17 =	sadd.s32 $0xD000, s16;
	s20 =	sshrl.u32 s28, $0x3;
	[dreg:$0xf] =	wrdreg s19  }
0x19: {  	s18 =	sadd.s32 $0x10400, s16;
	s21 =	sshrl.u32 s17, $0x3;
	[dreg:$0x10] =	wrdreg s20  }
0x1a: {  	p0 =	sne.s32 s8, $0x7;
	s22 =	sshrl.u32 s18, $0x3;
	[dreg:$0x11] =	wrdreg s21  }
0x1b: {  	s9 =	simm.s32 $0x8;
	s5 =	sshrl.u32 @!p0 s5, $0x3;
	[dreg:$0x12] =	wrdreg s22  }
0x1c: {  	s10 =	sadd.s32 $0x1388, s0;
	s25 =	sadd.s32 $0xF0980, s1;
	[dreg:$0x13] =	wrdreg s5  }
.Ltmp0:
0x1d: {  	s26 =	sadd.s32 $0xF1000, s1;
	[dreg:$0x16] =	wrdreg s25;
	(pc) =	sbr.rel .LBB2_1-.Ltmp0, $4  }
0x1e: {  	s8 =	simm.s32 $0x1F480;
	s28 =	sadd.s32 $0xF1680, s1;
	[dreg:$0x17] =	wrdreg s26  }
0x1f: {  	s16 =	simm.s32 $0x7;
	s15 =	simm.s32 $0x6;
	[dreg:$0x18] =	wrdreg s28  }
0x20: {  	v2 =	vimm.f32 $0.0e+00;
	s5 =	simm.s32 $0x50;
	s20 =	simm.s32 $0x1A280;
	s21 =	simm.s32 $0x4  }
0x21: {  	v3 =	vimm.f32 $1.000000000e+00;
	v0 =	vmov s0;
	v1 =	vmov s10;
	s22 =	simm.s32 $0x1F580;
	s25 =	simm.s32 $0x3;
	s26 =	simm.s32 $0x1F500  }
.LBB2_36:
0x22: {  	s0 =	rddreg [dreg:$0x5]  }
0x23: {  	s6 =	rddreg [dreg:$0xd];
	s0 =	sadd.s32 $0x1, s0  }
0x24: {  	p1 =	sne.s32 s0, s6  }
.Ltmp1:
0x25: {  	_ = 	snop;
	(pc) =	sbr.rel @!p1 .LBB2_37-.Ltmp1, $2  }
0x26: {  	_ =	sdelay $0x2  }
0x27: {  	[dreg:$0x5] =	wrdreg s0  }
.LBB2_1:
.Ltmp2:
0x28: {  	(pc) =	sbr.rel .LBB2_2-.Ltmp2, $2  }
0x29: {  	_ =	sdelay $0x2  }
0x2a: {  	s10 =	simm.s32 $0x0  }
.LBB2_35:
0x2b: {  	s14 =	simm.s32 $0x5  }
0x2c: {  	_ =	swait.ge [sflag:s14], $0x2800  }
0x2d: {  	[sflag:s14] =	ssyncset.done $0x0  }
0x2e: {  	[sflag:s14] =	ssyncadd.s32 $0xFFFFD800  }
0x2f: {  	v5 =	vld [tilespmem:$0x14A00]  }
0x30: {  	v6 =	vld [tilespmem:$0x15200]  }
0x31: {  	v7 =	vld [tilespmem:$0x14A10]  }
0x32: {  	v8 =	vld [tilespmem:$0x15210]  }
0x33: {  	v10 =	vld [tilespmem:$0x14A20]  }
0x34: {  	v46 =	vld [tilespmem:$0x15220]  }
0x35: {  	v15 =	vld [tilespmem:$0x14A30];
	vm0 =	vge.s32 v5, v0;
	vm1 =	vlt.s32 v5, v1  }
0x36: {  	v48 =	vld [tilespmem:$0x15230];
	v9 =	vmul.u32 $0x1388, v6;
	v11 =	vsub.s32 v5, v0;
	v5 =	vand.u32 $0x3F, v5  }
0x37: {  	v52 =	vld [tilespmem:$0x14A40];
	v6 =	vmul.u32 $0x2710, v6;
	vm9 =	vge.s32 v7, v0;
	vm10 =	vlt.s32 v7, v1  }
0x38: {  	v54 =	vld [tilespmem:$0x15240];
	v47 =	vmul.u32 $0x1388, v8;
	v14 =	vsub.s32 v7, v0;
	vm11 =	vge.s32 v10, v0  }
0x39: {  	vm2 =	vlt.s32 v10, v1;
	v7 =	vand.u32 $0x3F, v7;
	v8 =	vmul.u32 $0x2710, v8  }
0x3a: {  	v49 =	vmul.u32 $0x1388, v46;
	v16 =	vsub.s32 v10, v0;
	v10 =	vand.u32 $0x3F, v10  }
0x3b: {  	vm12 =	vge.s32 v15, v0;
	v53 =	vmul.u32 $0x1388, v48;
	vm13 =	vlt.s32 v15, v1  }
0x3c: {  	v12 =	vld [tilespmem:$0x14200];
	v55 =	vand.u32 $0x3F, v15;
	vm14 =	vge.s32 v52, v0;
	vm15 =	vlt.s32 v52, v1  }
0x3d: {  	v13 =	vld [tilespmem:$0x14210];
	v60 =	vmul.u32 $0x1388, v54;
	v61 =	vsub.s32 v52, v0;
	v62 =	vmul.u32 $0x2710, v54  }
0x3e: {  	vm0 =	vmand vm0, vm1;
	v5 =	vadd.s32 $0x2710, v5;
	vm1 =	vmand vm11, vm2  }
0x3f: {  	v7 =	vadd.s32 $0x2710, v7;
	v10 =	vadd.s32 $0x2710, v10;
	v9 =	vadd.s32 v9, v11  }
0x40: {  	v17 =	vld [tilespmem:$0x14220];
	v6 =	vadd.s32 v6, v4;
	v8 =	vadd.s32 v8, v4;
	v5 =	vsel vm0, v9, v5  }
0x41: {  	v11 =	vmul.u32 $0x2710, v46;
	vm0 =	vmand vm9, vm10;
	v6 =	vadd.s32 v12, v6;
	[tilespmem:$0x1F480] =	vst v5  }
0x42: {  	v50 =	vld [tilespmem:$0x14230];
	v9 =	vadd.s32 v47, v14;
	v14 =	vadd.s32 v49, v16;
	v8 =	vadd.s32 v13, v8;
	[tilespmem:$0x1F280] =	vst v6  }
0x43: {  	v59 =	vld [tilespmem:$0x14240];
	v12 =	vmul.u32 $0x2710, v48;
	v7 =	vsel vm0, v9, v7;
	v51 =	vsel vm1, v14, v10;
	[tilespmem:$0x1F290] =	vst v8  }
0x44: {  	v5 =	vsub.s32 v15, v0;
	vm0 =	vmand vm12, vm13;
	v56 =	vadd.s32 v11, v4;
	[tilespmem:$0x1F490] =	vst v7  }
0x45: {  	v6 =	vadd.s32 $0x2710, v55;
	v5 =	vadd.s32 v53, v5;
	v7 =	vadd.s32 v17, v56;
	[tilespmem:$0x1F4A0] =	vst v51  }
0x46: {  	v10 =	vand.u32 $0x3F, v52;
	v57 =	vadd.s32 v12, v4;
	v5 =	vsel vm0, v5, v6;
	[tilespmem:$0x1F2A0] =	vst v7  }
0x47: {  	v63 =	vadd.s32 $0x2710, v10;
	v4 =	vadd.s32 v62, v4;
	v58 =	vadd.s32 v50, v57;
	[tilespmem:$0x1F4B0] =	vst v5  }
0x48: {  	vm0 =	vmand vm14, vm15;
	v4 =	vadd.s32 v59, v4;
	v5 =	vadd.s32 v60, v61;
	[tilespmem:$0x1F2B0] =	vst v58  }
0x49: {  	[tilespmem:$0x1F2C0] =	vst v4;
	v5 =	vsel vm0, v5, v63  }
0x4a: {  	s0 =	simm.s32 @p1 $0x50;
	s11 =	simm.s32 @p1 $0x1F500;
	s12 =	simm.s32 @p1 $0x17A80;
	[tilespmem:$0x1F4C0] =	vst v5  }
0x4b: {  	[spmem:s4] =	stream.indirect.scatter.add.f32 @p1 [tilespmem:s12], [sflag:$0x6], $0x80, s11, s0, $0xb8;
	[tilespmem:$0x1F680] =	vst v63  }
0x4c: {  	s11 =	simm.s32 @p1 $0x1F580;
	s12 =	simm.s32 @p1 $0x1A280  }
0x4d: {  	[spmem:s4] =	stream.indirect.scatter.add.f32 @p1 [tilespmem:s12], [sflag:$0x7], $0x80, s11, s0, $0xb8;
	[tilespmem:$0x1F680] =	vst v63  }
0x4e: {  	s11 =	simm.s32 @p1 $0x1F600;
	s12 =	simm.s32 @p1 $0x1CA80  }
0x4f: {  	[spmem:s4] =	stream.indirect.scatter.add.f32 @p1 [tilespmem:s12], [sflag:$0x8], $0x80, s11, s0, $0xb8;
	[tilespmem:$0x1F680] =	vst v63  }
0x50: {  	s0 =	simm.s32 @!p1 $0x1F280;
	s11 =	simm.s32 @!p1 $0x15280  }
0x51: {  	[tilespmem:s11], [sflag:$0x1] =	stream.indirect.gather @!p1 [hbm4b:s7+s6], $0x80, s0, s6, $0xb8;
	[tilespmem:$0x1F680] =	vst v63  }
0x52: {  	s0 =	simm.s32 @!p1 $0x2  }
0x53: {  	_ =	swait.ge @!p1 [sflag:s0], $0x2800  }
0x54: {  	[sflag:s0] =	ssyncset.done @!p1 $0x0  }
0x55: {  	s11 =	simm.s32 @!p1 $0x17A80;
	[sflag:s0] =	ssyncadd.s32 @!p1 $0xFFFFD800;
	s0 =	simm.s32 @!p1 $0x1F500  }
0x56: {  	[spmem:s4] =	stream.indirect.scatter.add.f32 @!p1 [tilespmem:s11], [sflag:$0x6], $0x80, s0, s6, $0xb8;
	[tilespmem:$0x1F680] =	vst v63  }
0x57: {  	s0 =	simm.s32 @!p1 $0x3  }
0x58: {  	_ =	swait.ge @!p1 [sflag:s0], $0x2800  }
0x59: {  	[sflag:s0] =	ssyncset.done @!p1 $0x0  }
0x5a: {  	s11 =	simm.s32 @!p1 $0x1A280;
	[sflag:s0] =	ssyncadd.s32 @!p1 $0xFFFFD800;
	s0 =	simm.s32 @!p1 $0x1F580  }
0x5b: {  	[spmem:s4] =	stream.indirect.scatter.add.f32 @!p1 [tilespmem:s11], [sflag:$0x7], $0x80, s0, s6, $0xb8;
	[tilespmem:$0x1F680] =	vst v63  }
0x5c: {  	s0 =	simm.s32 @!p1 $0x4  }
0x5d: {  	_ =	swait.ge @!p1 [sflag:s0], $0x2800  }
0x5e: {  	[sflag:s0] =	ssyncset.done @!p1 $0x0  }
0x5f: {  	[sflag:s0] =	ssyncadd.s32 @!p1 $0xFFFFD800;
	s0 =	simm.s32 @!p1 $0x1F600  }
0x60: {  	[spmem:s4] =	stream.indirect.scatter.add.f32 @!p1 [tilespmem:s23], [sflag:$0x8], $0x80, s0, s6, $0xb8;
	[tilespmem:$0x1F680] =	vst v63  }
0x61: {  	_ =	swait.ge @!p1 [sflag:s19], $0x2800  }
0x62: {  	[sflag:s19] =	ssyncset.done @!p1 $0x0  }
0x63: {  	[sflag:s19] =	ssyncadd.s32 @!p1 $0xFFFFD800  }
0x64: {  	[spmem:s4] =	stream.indirect.scatter.add.f32 [tilespmem:s30], [sflag:$0x5], $0x80, s8, s5, $0xb8;
	[tilespmem:$0x1F680] =	vst v63  }
0x65: {  	_ =	swait.ge [sflag:s14], $0x2800  }
0x66: {  	[sflag:s14] =	ssyncset.done $0x0  }
0x67: {  	[sflag:s14] =	ssyncadd.s32 $0xFFFFD800  }
0x68: {  	_ =	swait.ge [sflag:s15], $0x2800  }
0x69: {  	[sflag:s15] =	ssyncset.done $0x0  }
0x6a: {  	[sflag:s15] =	ssyncadd.s32 $0xFFFFD800  }
0x6b: {  	_ =	swait.ge [sflag:s16], $0x2800  }
0x6c: {  	[sflag:s16] =	ssyncset.done $0x0  }
0x6d: {  	[sflag:s16] =	ssyncadd.s32 $0xFFFFD800  }
0x6e: {  	_ =	swait.ge [sflag:s9], $0x2800  }
0x6f: {  	[sflag:s9] =	ssyncset.done $0x0  }
0x70: {  	s6 =	smul.u32 $0x4E20, s10;
	[sflag:s9] =	ssyncadd.s32 $0xFFFFD800  }
0x71: {  	s11 =	rddreg [dreg:$0xb];
	[bflag:$0x0] =	sbarrier.arrive $0xFFFF  }
0x72: {  	s12 =	stileid.u32;
	s0 =	sadd.s32 s6, s11;
	s14 =	rddreg [dreg:$0x6]  }
0x73: {  	s6 =	sshll.u32 s12, $0x6;
	s0 =	sshll.u32 s0, $0x4;
	s17 =	rddreg [dreg:$0xa]  }
0x74: {  	s6 =	sor.u32 $0x1C09, s6;
	s11 =	sadd.s32 s14, s0;
	s12 =	sshrl.u32 s17, $0x3  }
0x75: {  	[hbm:s11], [sflag:s6] =	dma.local [spmem:s12], $0x680  }
0x76: {  	_ =	swait.ge [sflag:s31], $0x680  }
0x77: {  	[sflag:s31] =	ssyncset.done $0x0;
	s18 =	rddreg [dreg:$0x14]  }
0x78: {  	s19 =	rddreg [dreg:$0xe];
	[sflag:s31] =	ssyncadd.s32 $0xFFFFF980;
	s11 =	sadd.s32 s18, s0  }
0x79: {  	[hbm:s11], [sflag:s6] =	dma.local [spmem:s19], $0x680  }
0x7a: {  	_ =	swait.ge [sflag:s31], $0x680  }
0x7b: {  	[sflag:s31] =	ssyncset.done $0x0;
	s23 =	rddreg [dreg:$0x15]  }
0x7c: {  	s28 =	rddreg [dreg:$0xf];
	[sflag:s31] =	ssyncadd.s32 $0xFFFFF980;
	s11 =	sadd.s32 s23, s0  }
0x7d: {  	[hbm:s11], [sflag:s6] =	dma.local [spmem:s28], $0x680  }
0x7e: {  	_ =	swait.ge [sflag:s31], $0x680  }
0x7f: {  	[sflag:s31] =	ssyncset.done $0x0;
	s14 =	rddreg [dreg:$0x16]  }
0x80: {  	s17 =	rddreg [dreg:$0x10];
	[sflag:s31] =	ssyncadd.s32 $0xFFFFF980;
	s11 =	sadd.s32 s14, s0  }
0x81: {  	[hbm:s11], [sflag:s6] =	dma.local [spmem:s17], $0x680  }
0x82: {  	_ =	swait.ge [sflag:s31], $0x680  }
0x83: {  	[sflag:s31] =	ssyncset.done $0x0;
	s18 =	rddreg [dreg:$0x17]  }
0x84: {  	s19 =	rddreg [dreg:$0x11];
	[sflag:s31] =	ssyncadd.s32 $0xFFFFF980;
	s11 =	sadd.s32 s18, s0  }
0x85: {  	[hbm:s11], [sflag:s6] =	dma.local [spmem:s19], $0x680  }
0x86: {  	_ =	swait.ge [sflag:s31], $0x680  }
0x87: {  	[sflag:s31] =	ssyncset.done $0x0;
	s23 =	rddreg [dreg:$0x18]  }
0x88: {  	s28 =	rddreg [dreg:$0x12];
	[sflag:s31] =	ssyncadd.s32 $0xFFFFF980;
	s11 =	sadd.s32 s23, s0  }
0x89: {  	[hbm:s11], [sflag:s6] =	dma.local [spmem:s28], $0x680  }
0x8a: {  	_ =	swait.ge [sflag:s31], $0x680  }
0x8b: {  	s10 =	sadd.s32 $0x1, s10;
	[sflag:s31] =	ssyncset.done $0x0;
	s11 =	rddreg [dreg:$0xc]  }
0x8c: {  	[sflag:s31] =	ssyncadd.s32 $0xFFFFF980;
	s0 =	sadd.s32 @!p0 s0, s11;
	s11 =	rddreg [dreg:$0x13]  }
0x8d: {  	[hbm:s0], [sflag:s6] =	dma.local @!p0 [spmem:s11], $0x80  }
0x8e: {  	p1 =	sne.s32 s10, $0x3;
	s0 =	simm.s32 @!p0 $0x9  }
.Ltmp3:
0x8f: {  	_ =	swait.ge @!p0 [sflag:s0], $0x80;
	(pc) =	sbr.rel @!p1 .LBB2_36-.Ltmp3, $3  }
0x90: {  	[sflag:s0] =	ssyncset.done @!p0 $0x0  }
0x91: {  	[sflag:s0] =	ssyncadd.s32 @!p0 $0xFFFFFF80  }
0x92: {  	[bflag:$0x0] =	sbarrier.arrive $0xFFFF;
	_ =	sdelay $0x1  }
.LBB2_2:
0x93: {  	s0 =	simm.s32 $0x0;
	s6 =	simm.s32 $0x200  }
.LBB2_3:
0x94: {  	p1 =	seq.s32 s6, $0x9E00;
	[tilespmem:s0+$0x152F0] =	vst v2  }
0x95: {  	[tilespmem:s0+$0x15280] =	vst v2  }
0x96: {  	[tilespmem:s0+$0x15290] =	vst v2  }
.Ltmp4:
0x97: {  	[tilespmem:s0+$0x152A0] =	vst v2;
	(pc) =	sbr.rel @!p1 .LBB2_3-.Ltmp4, $4  }
0x98: {  	[tilespmem:s0+$0x152B0] =	vst v2  }
0x99: {  	[tilespmem:s0+$0x152C0] =	vst v2  }
0x9a: {  	[tilespmem:s0+$0x152D0] =	vst v2  }
0x9b: {  	[tilespmem:s0+$0x152E0] =	vst v2;
	s0 =	sshra.s32 s6, $0x2;
	s6 =	sadd.s32 $0x200, s6  }
0x9c: {  	[tilespmem:s0+$0x152F0] =	vst v2  }
0x9d: {  	[tilespmem:s0+$0x15280] =	vst v2  }
0x9e: {  	[tilespmem:s0+$0x15290] =	vst v2  }
0x9f: {  	[tilespmem:s0+$0x152A0] =	vst v2  }
0xa0: {  	[tilespmem:s0+$0x152B0] =	vst v2;
	s28 =	rddreg [dreg:$0x7]  }
0xa1: {  	[tilespmem:s0+$0x152C0] =	vst v2;
	p1 =	seq.s32 s28, $0x1  }
.Ltmp5:
0xa2: {  	[tilespmem:s0+$0x152D0] =	vst v2;
	(pc) =	sbr.rel @p1 .LBB2_6-.Ltmp5, $4  }
0xa3: {  	[tilespmem:s0+$0x152E0] =	vst v2;
	s6 =	rddreg [dreg:$0x8]  }
0xa4: {  	[spmem:s6] =	stream.linear.scatter [tilespmem:s30], [sflag:$0x9], $0x2800, $0x38;
	[tilespmem:$0x1F680] =	vst v63  }
0xa5: {  	_ =	swait.ge [sflag:s31], $0x2800  }
0xa6: {  	s0 =	sadd.s32 $0xFFFFFFFF, s28;
	[sflag:s31] =	ssyncset.done $0x0  }
.LBB2_5:
0xa7: {  	p1 =	seq.s32 s0, $0x1;
	[sflag:s31] =	ssyncadd.s32 $0xFFFFD800;
	s6 =	sadd.s32 $0x2800, s6  }
.Ltmp6:
0xa8: {  	s0 =	sadd.s32 $0xFFFFFFFF, s0;
	(pc) =	sbr.rel @!p1 .LBB2_5-.Ltmp6, $4  }
0xa9: {  	_ = 	snop  }
0xaa: {  	[spmem:s6] =	stream.linear.scatter [tilespmem:s30], [sflag:$0x9], $0x2800, $0x38;
	[tilespmem:$0x1F680] =	vst v63  }
0xab: {  	_ =	swait.ge [sflag:s31], $0x2800  }
0xac: {  	[sflag:s31] =	ssyncset.done $0x0  }
.LBB2_6:
0xad: {  	p1 =	seq.s32 s10, $0x2  }
.Ltmp7:
0xae: {  	[sflag:s31] =	ssyncadd.s32 $0xFFFFD800;
	s0 =	rddreg [dreg:$0x9];
	(pc) =	sbr.rel @!p1 .LBB2_12-.Ltmp7, $4  }
0xaf: {  	[spmem:s0] =	stream.linear.scatter [tilespmem:s30], [sflag:$0x9], $0x2000, $0x38;
	[tilespmem:$0x1F680] =	vst v63  }
0xb0: {  	_ =	swait.ge [sflag:s31], $0x2000  }
0xb1: {  	[sflag:s31] =	ssyncset.done $0x0  }
0xb2: {  	s6 =	simm.s32 $0x0;
	[sflag:s31] =	ssyncadd.s32 $0xFFFFE000  }
0xb3: {  	s0 =	sshra.s32 s6, $0x2;
	s6 =	sadd.s32 $0x200, s6  }
.LBB2_8:
0xb4: {  	p2 =	sne.s32 s6, $0x9E00;
	[tilespmem:s0+$0x1CAF0] =	vst v3  }
0xb5: {  	[tilespmem:s0+$0x17A80] =	vst v3  }
0xb6: {  	[tilespmem:s0+$0x1A280] =	vst v3  }
0xb7: {  	[tilespmem:s0+$0x1CA80] =	vst v3  }
0xb8: {  	[tilespmem:s0+$0x17A90] =	vst v3  }
0xb9: {  	[tilespmem:s0+$0x1A290] =	vst v3  }
0xba: {  	[tilespmem:s0+$0x1CA90] =	vst v3  }
0xbb: {  	[tilespmem:s0+$0x17AA0] =	vst v3  }
0xbc: {  	[tilespmem:s0+$0x1A2A0] =	vst v3  }
0xbd: {  	[tilespmem:s0+$0x1CAA0] =	vst v3  }
0xbe: {  	[tilespmem:s0+$0x17AB0] =	vst v3  }
0xbf: {  	[tilespmem:s0+$0x1A2B0] =	vst v3  }
0xc0: {  	[tilespmem:s0+$0x1CAB0] =	vst v3  }
0xc1: {  	[tilespmem:s0+$0x17AC0] =	vst v3  }
0xc2: {  	[tilespmem:s0+$0x1A2C0] =	vst v3  }
0xc3: {  	[tilespmem:s0+$0x1CAC0] =	vst v3  }
0xc4: {  	[tilespmem:s0+$0x17AD0] =	vst v3  }
0xc5: {  	[tilespmem:s0+$0x1A2D0] =	vst v3  }
0xc6: {  	[tilespmem:s0+$0x1CAD0] =	vst v3  }
.Ltmp8:
0xc7: {  	[tilespmem:s0+$0x17AE0] =	vst v3;
	(pc) =	sbr.rel @p2 .LBB2_8-.Ltmp8, $4  }
0xc8: {  	[tilespmem:s0+$0x1A2E0] =	vst v3  }
0xc9: {  	[tilespmem:s0+$0x1CAE0] =	vst v3  }
0xca: {  	[tilespmem:s0+$0x17AF0] =	vst v3  }
0xcb: {  	[tilespmem:s0+$0x1A2F0] =	vst v3;
	s0 =	sshra.s32 s6, $0x2;
	s6 =	sadd.s32 $0x200, s6  }
0xcc: {  	[tilespmem:s0+$0x1CAF0] =	vst v3  }
0xcd: {  	[tilespmem:s0+$0x17A80] =	vst v3  }
0xce: {  	[tilespmem:s0+$0x1A280] =	vst v3  }
0xcf: {  	[tilespmem:s0+$0x1CA80] =	vst v3  }
0xd0: {  	[tilespmem:s0+$0x17A90] =	vst v3  }
0xd1: {  	[tilespmem:s0+$0x1A290] =	vst v3  }
0xd2: {  	[tilespmem:s0+$0x1CA90] =	vst v3  }
0xd3: {  	[tilespmem:s0+$0x17AA0] =	vst v3  }
0xd4: {  	[tilespmem:s0+$0x1A2A0] =	vst v3  }
0xd5: {  	[tilespmem:s0+$0x1CAA0] =	vst v3  }
0xd6: {  	[tilespmem:s0+$0x17AB0] =	vst v3  }
0xd7: {  	[tilespmem:s0+$0x1A2B0] =	vst v3  }
0xd8: {  	[tilespmem:s0+$0x1CAB0] =	vst v3  }
0xd9: {  	[tilespmem:s0+$0x17AC0] =	vst v3  }
0xda: {  	[tilespmem:s0+$0x1A2C0] =	vst v3  }
0xdb: {  	[tilespmem:s0+$0x1CAC0] =	vst v3  }
0xdc: {  	[tilespmem:s0+$0x17AD0] =	vst v3  }
0xdd: {  	[tilespmem:s0+$0x1A2D0] =	vst v3  }
0xde: {  	[tilespmem:s0+$0x1CAD0] =	vst v3  }
0xdf: {  	[tilespmem:s0+$0x17AE0] =	vst v3  }
0xe0: {  	[tilespmem:s0+$0x1A2E0] =	vst v3  }
0xe1: {  	[tilespmem:s0+$0x1CAE0] =	vst v3  }
0xe2: {  	[tilespmem:s0+$0x17AF0] =	vst v3  }
0xe3: {  	[tilespmem:s0+$0x1A2F0] =	vst v3;
	s0 =	simm.s32 $0x0;
	s6 =	simm.s32 $0x200  }
.LBB2_10:
0xe4: {  	p2 =	sne.s32 s6, $0x9E00;
	[tilespmem:s0+$0x152F0] =	vst v3  }
0xe5: {  	[tilespmem:s0+$0x15280] =	vst v3  }
0xe6: {  	[tilespmem:s0+$0x15290] =	vst v3  }
.Ltmp9:
0xe7: {  	[tilespmem:s0+$0x152A0] =	vst v3;
	(pc) =	sbr.rel @p2 .LBB2_10-.Ltmp9, $4  }
0xe8: {  	[tilespmem:s0+$0x152B0] =	vst v3  }
0xe9: {  	[tilespmem:s0+$0x152C0] =	vst v3  }
0xea: {  	[tilespmem:s0+$0x152D0] =	vst v3  }
0xeb: {  	[tilespmem:s0+$0x152E0] =	vst v3;
	s0 =	sshra.s32 s6, $0x2;
	s6 =	sadd.s32 $0x200, s6  }
0xec: {  	[tilespmem:s0+$0x152F0] =	vst v3  }
0xed: {  	[tilespmem:s0+$0x15280] =	vst v3  }
0xee: {  	[tilespmem:s0+$0x15290] =	vst v3  }
0xef: {  	[tilespmem:s0+$0x152A0] =	vst v3  }
0xf0: {  	[tilespmem:s0+$0x152B0] =	vst v3  }
0xf1: {  	[tilespmem:s0+$0x152C0] =	vst v3  }
0xf2: {  	[tilespmem:s0+$0x152D0] =	vst v3  }
0xf3: {  	[tilespmem:s0+$0x152E0] =	vst v3  }
.LBB2_12:
0xf4: {  	s0 =	smul.u32 $0x7530, s10  }
.Ltmp10:
0xf5: {  	_ = 	snop;
	(pc) =	sbr.rel .LBB2_13-.Ltmp10, $4  }
0xf6: {  	_ = 	snop  }
0xf7: {  	v4 =	vmov s0  }
0xf8: {  	[bflag:$0x0] =	sbarrier.arrive $0xFFFF;
	s11 =	simm.s32 $0x0;
	s12 =	simm.s32 $0x3;
	v4 =	vadd.s32 $0x2710, v4  }
0xf9: {  	s17 =	simm.s32 $0x1;
	p2 =	sne.s32 s10, $0x2;
	s0 =	simm.s32 $0x2;
	v4 =	vbroadcast v4, $0x0  }
.LBB2_30:
.Ltmp11:
0xfa: {  	(pc) =	sbr.rel @p3 .LBB2_31-.Ltmp11, $3  }
0xfb: {  	_ =	sdelay $0x1  }
0xfc: {  	s6 =	simm.s32 $0x1F380  }
0xfd: {  	[tilespmem:s20], [sflag:$0x3] =	stream.indirect.gather [hbm4b:s7+s5], $0x80, s6, s5, $0xb8;
	[tilespmem:$0x1F680] =	vst v63  }
0xfe: {  	_ =	swait.ge [sflag:s21], $0x2800  }
0xff: {  	[sflag:s21] =	ssyncset.done $0x0  }
0x100: {  	[sflag:s21] =	ssyncadd.s32 $0xFFFFD800  }
.LBB2_33:
0x101: {  	s6 =	smulhi.u32 $0x51EB851F, s12;
	_ =	sdelay $0x1  }
0x102: {  	s6 =	sshrl.u32 s6, $0x3  }
0x103: {  	s6 =	smul.u32 $0x19, s6;
	_ =	sdelay $0x1  }
0x104: {  	s6 =	ssub.s32 $0x3, s6  }
0x105: {  	s6 =	sadd.s32 s6, s11  }
0x106: {  	s14 =	sadd.s32 $0x3, s11;
	p3 =	sne.s32 s6, $0x0  }
0x107: {  	s18 =	simm.s32 $0x1F600;
	s19 =	simm.s32 $0x1CA80;
	s14 =	smulhi.u32 @!p3 $0x51EB851F, s14  }
0x108: {  	[spmem:s4] =	stream.indirect.scatter.add.f32 [tilespmem:s19], [sflag:$0x8], $0x80, s18, s5, $0xb8;
	[tilespmem:$0x1F680] =	vst v63  }
0x109: {  	s14 =	sshrl.u32 @!p3 s14, $0x3  }
0x10a: {  	s14 =	smul.u32 @!p3 $0x7D0, s14  }
0x10b: {  	_ =	swait.ge [sflag:s9], $0x2800  }
0x10c: {  	[sflag:s9] =	ssyncset.done $0x0;
	s14 =	sadd.s32 @!p3 s13, s14  }
0x10d: {  	[sflag:s9] =	ssyncadd.s32 $0xFFFFD800;
	s14 =	sshrl.u32 @!p3 s14, $0x3  }
0x10e: {  	s19 =	simm.s32 @!p3 $0x0;
	s23 =	simm.s32 @!p3 $0x13A80;
	s18 =	sadd.s32 @!p3 s1, s14  }
0x10f: {  	[tilespmem:s23], [sflag:$0x9] =	stream.linear.gather @!p3 [hbm4b:s18+s19], $0x7D0, $0x38;
	[tilespmem:$0x1F680] =	vst v63  }
0x110: {  	s18 =	simm.s32 @!p3 $0x9  }
0x111: {  	_ =	swait.ge @!p3 [sflag:s18], $0x7D0  }
0x112: {  	[sflag:s18] =	ssyncset.done @!p3 $0x0  }
0x113: {  	s28 =	simm.s32 @!p3 $0x14280;
	s23 =	sadd.s32 @!p3 s2, s14;
	[sflag:s18] =	ssyncadd.s32 @!p3 $0xFFFFF830  }
0x114: {  	[tilespmem:s28], [sflag:$0x9] =	stream.linear.gather @!p3 [hbm4b:s23+s19], $0x7D0, $0x38;
	[tilespmem:$0x1F680] =	vst v63  }
0x115: {  	_ =	swait.ge @!p3 [sflag:s18], $0x7D0  }
0x116: {  	[sflag:s18] =	ssyncset.done @!p3 $0x0  }
0x117: {  	s14 =	sadd.s32 @!p3 s3, s14;
	s23 =	simm.s32 @!p3 $0x14A80;
	[sflag:s18] =	ssyncadd.s32 @!p3 $0xFFFFF830  }
0x118: {  	[tilespmem:s23], [sflag:$0x9] =	stream.linear.gather @!p3 [hbm4b:s14+s19], $0x7D0, $0x38;
	[tilespmem:$0x1F680] =	vst v63  }
0x119: {  	_ =	swait.ge @!p3 [sflag:s18], $0x7D0  }
0x11a: {  	[sflag:s18] =	ssyncset.done @!p3 $0x0  }
0x11b: {  	s6 =	simm.s32 @!p3 $0x0;
	[sflag:s18] =	ssyncadd.s32 @!p3 $0xFFFFF830  }
.LBB2_34:
0x11c: {  	s6 =	smul.u32 $0x50, s6;
	_ =	sdelay $0x1  }
0x11d: {  	v5 =	vld [tilespmem:s6+$0x14280]  }
0x11e: {  	v6 =	vld [tilespmem:s6+$0x14A80];
	_ =	sdelay $0x4  }
0x11f: {  	vm0 =	vge.s32 v5, v0;
	v7 =	vmul.u32 $0x1388, v6  }
0x120: {  	vm1 =	vlt.s32 v5, v1;
	v8 =	vsub.s32 v5, v0;
	v5 =	vand.u32 $0x3F, v5  }
0x121: {  	vm0 =	vmand vm0, vm1;
	v5 =	vadd.s32 $0x2710, v5;
	v7 =	vadd.s32 v7, v8  }
0x122: {  	v5 =	vsel vm0, v7, v5  }
0x123: {  	[tilespmem:$0x1F600] =	vst v5  }
0x124: {  	v5 =	vld [tilespmem:s6+$0x13A80];
	_ =	sdelay $0x1  }
0x125: {  	v6 =	vmul.u32 $0x2710, v6;
	_ =	sdelay $0x1  }
0x126: {  	v6 =	vadd.s32 v6, v4  }
0x127: {  	v5 =	vadd.s32 v5, v6  }
0x128: {  	[tilespmem:$0x1F400] =	vst v5  }
0x129: {  	v5 =	vld [tilespmem:s6+$0x14290]  }
0x12a: {  	v6 =	vld [tilespmem:s6+$0x14A90];
	_ =	sdelay $0x4  }
0x12b: {  	vm8 =	vge.s32 v5, v0;
	v7 =	vmul.u32 $0x1388, v6  }
0x12c: {  	vm9 =	vlt.s32 v5, v1;
	v60 =	vsub.s32 v5, v0;
	v5 =	vand.u32 $0x3F, v5  }
0x12d: {  	vm0 =	vmand vm8, vm9;
	v5 =	vadd.s32 $0x2710, v5;
	v7 =	vadd.s32 v7, v60  }
0x12e: {  	v5 =	vsel vm0, v7, v5  }
0x12f: {  	[tilespmem:$0x1F610] =	vst v5  }
0x130: {  	v5 =	vld [tilespmem:s6+$0x13A90];
	_ =	sdelay $0x1  }
0x131: {  	v6 =	vmul.u32 $0x2710, v6;
	_ =	sdelay $0x1  }
0x132: {  	v6 =	vadd.s32 v6, v4  }
0x133: {  	v5 =	vadd.s32 v5, v6  }
0x134: {  	[tilespmem:$0x1F410] =	vst v5  }
0x135: {  	v5 =	vld [tilespmem:s6+$0x142A0]  }
0x136: {  	v6 =	vld [tilespmem:s6+$0x14AA0];
	_ =	sdelay $0x4  }
0x137: {  	vm10 =	vge.s32 v5, v0;
	v7 =	vmul.u32 $0x1388, v6  }
0x138: {  	vm11 =	vlt.s32 v5, v1;
	v61 =	vsub.s32 v5, v0;
	v5 =	vand.u32 $0x3F, v5  }
0x139: {  	vm0 =	vmand vm10, vm11;
	v5 =	vadd.s32 $0x2710, v5;
	v7 =	vadd.s32 v7, v61  }
0x13a: {  	v5 =	vsel vm0, v7, v5  }
0x13b: {  	[tilespmem:$0x1F620] =	vst v5  }
0x13c: {  	v5 =	vld [tilespmem:s6+$0x13AA0];
	_ =	sdelay $0x1  }
0x13d: {  	v6 =	vmul.u32 $0x2710, v6;
	_ =	sdelay $0x1  }
0x13e: {  	v6 =	vadd.s32 v6, v4  }
0x13f: {  	v5 =	vadd.s32 v5, v6  }
0x140: {  	[tilespmem:$0x1F420] =	vst v5  }
0x141: {  	v5 =	vld [tilespmem:s6+$0x142B0]  }
0x142: {  	v6 =	vld [tilespmem:s6+$0x14AB0];
	_ =	sdelay $0x4  }
0x143: {  	vm12 =	vge.s32 v5, v0;
	v7 =	vmul.u32 $0x1388, v6  }
0x144: {  	vm13 =	vlt.s32 v5, v1;
	v62 =	vsub.s32 v5, v0;
	v5 =	vand.u32 $0x3F, v5  }
0x145: {  	vm0 =	vmand vm12, vm13;
	v5 =	vadd.s32 $0x2710, v5;
	v7 =	vadd.s32 v7, v62  }
0x146: {  	v5 =	vsel vm0, v7, v5  }
0x147: {  	[tilespmem:$0x1F630] =	vst v5  }
0x148: {  	v5 =	vld [tilespmem:s6+$0x13AB0];
	_ =	sdelay $0x1  }
0x149: {  	v6 =	vmul.u32 $0x2710, v6;
	_ =	sdelay $0x1  }
0x14a: {  	v6 =	vadd.s32 v6, v4  }
0x14b: {  	v5 =	vadd.s32 v5, v6  }
0x14c: {  	[tilespmem:$0x1F430] =	vst v5  }
0x14d: {  	v5 =	vld [tilespmem:s6+$0x142C0]  }
0x14e: {  	v6 =	vld [tilespmem:s6+$0x14AC0];
	_ =	sdelay $0x4  }
0x14f: {  	vm14 =	vge.s32 v5, v0;
	v7 =	vmul.u32 $0x1388, v6  }
0x150: {  	vm15 =	vlt.s32 v5, v1;
	v63 =	vsub.s32 v5, v0;
	v5 =	vand.u32 $0x3F, v5  }
0x151: {  	vm0 =	vmand vm14, vm15;
	v5 =	vadd.s32 $0x2710, v5;
	v7 =	vadd.s32 v7, v63  }
0x152: {  	v5 =	vsel vm0, v7, v5  }
0x153: {  	[tilespmem:$0x1F640] =	vst v5  }
0x154: {  	v5 =	vld [tilespmem:s6+$0x13AC0];
	_ =	sdelay $0x1  }
0x155: {  	v6 =	vmul.u32 $0x2710, v6;
	_ =	sdelay $0x1  }
0x156: {  	v6 =	vadd.s32 v6, v4  }
0x157: {  	s14 =	simm.s32 @!p1 $0x1F400;
	s11 =	sadd.s32 $0x4, s11;
	v5 =	vadd.s32 v5, v6  }
0x158: {  	s23 =	simm.s32 @!p1 $0x1CA80;
	p3 =	sne.s32 s11, $0x7C;
	s6 =	simm.s32 @!p1 $0x50;
	[tilespmem:$0x1F440] =	vst v5  }
0x159: {  	[tilespmem:s23], [sflag:$0x4] =	stream.indirect.gather @!p1 [hbm4b:s7+s6], $0x80, s14, s6, $0xb8;
	[tilespmem:$0x1F680] =	vst v63  }
.Ltmp12:
0x15a: {  	s19 =	simm.s32 @!p1 $0x1;
	(pc) =	sbr.rel @!p3 .LBB2_35-.Ltmp12, $4  }
0x15b: {  	_ =	swait.ge @!p1 [sflag:s19], $0x2800  }
0x15c: {  	s12 =	sadd.s32 $0x4, s12;
	[sflag:s19] =	ssyncset.done @!p1 $0x0  }
0x15d: {  	s0 =	sadd.s32 $0x4, s0;
	s17 =	sadd.s32 $0x4, s17;
	[sflag:s19] =	ssyncadd.s32 @!p1 $0xFFFFD800  }
0x15e: {  	[spmem:s4] =	stream.indirect.scatter.add.f32 [tilespmem:s30], [sflag:$0x5], $0x80, s8, s5, $0xb8;
	[tilespmem:$0x1F680] =	vst v63  }
.LBB2_13:
0x15f: {  	s6 =	smulhi.u32 $0x51EB851F, s11;
	_ =	sdelay $0x1  }
0x160: {  	s19 =	sshrl.u32 s6, $0x3  }
0x161: {  	s6 =	smul.u32 $0xFFFFFFE7, s19  }
0x162: {  	p3 =	seq.s32 s11, $0x0  }
0x163: {  	s6 =	sadd.s32 @!p3 s6, s11  }
0x164: {  	p4 =	sne.s32 @!p3 s6, $0x0  }
0x165: {  	p4 =	por p3, !p4  }
0x166: {  	s23 =	simm.s32 @!p3 $0x5;
	s6 =	smul.u32 @p4 $0x7D0, s19  }
0x167: {  	_ =	swait.ge @!p3 [sflag:s23], $0x2800  }
0x168: {  	[sflag:s23] =	ssyncset.done @!p3 $0x0;
	s6 =	sadd.s32 @p4 s13, s6  }
0x169: {  	[sflag:s23] =	ssyncadd.s32 @!p3 $0xFFFFD800;
	s19 =	sshrl.u32 @p4 s6, $0x3  }
0x16a: {  	s14 =	simm.s32 @p4 $0x13A80;
	s6 =	simm.s32 @p4 $0x0;
	s23 =	sadd.s32 @p4 s1, s19  }
0x16b: {  	[tilespmem:s14], [sflag:$0x9] =	stream.linear.gather @p4 [hbm4b:s23+s6], $0x7D0, $0x38;
	[tilespmem:$0x1F680] =	vst v63  }
0x16c: {  	_ =	swait.ge @p4 [sflag:s31], $0x7D0  }
0x16d: {  	[sflag:s31] =	ssyncset.done @p4 $0x0  }
0x16e: {  	s23 =	sadd.s32 @p4 s2, s19;
	s14 =	simm.s32 @p4 $0x14280;
	[sflag:s31] =	ssyncadd.s32 @p4 $0xFFFFF830  }
0x16f: {  	[tilespmem:s14], [sflag:$0x9] =	stream.linear.gather @p4 [hbm4b:s23+s6], $0x7D0, $0x38;
	[tilespmem:$0x1F680] =	vst v63  }
0x170: {  	_ =	swait.ge @p4 [sflag:s31], $0x7D0  }
0x171: {  	[sflag:s31] =	ssyncset.done @p4 $0x0  }
0x172: {  	s19 =	sadd.s32 @p4 s3, s19;
	s14 =	simm.s32 @p4 $0x14A80;
	[sflag:s31] =	ssyncadd.s32 @p4 $0xFFFFF830  }
0x173: {  	[tilespmem:s14], [sflag:$0x9] =	stream.linear.gather @p4 [hbm4b:s19+s6], $0x7D0, $0x38;
	[tilespmem:$0x1F680] =	vst v63  }
0x174: {  	_ =	swait.ge @p4 [sflag:s31], $0x7D0  }
0x175: {  	s6 =	smul.u32 $0x50, s6;
	[sflag:s31] =	ssyncset.done @p4 $0x0  }
0x176: {  	[sflag:s31] =	ssyncadd.s32 @p4 $0xFFFFF830  }
0x177: {  	v5 =	vld [tilespmem:s6+$0x14280]  }
0x178: {  	v6 =	vld [tilespmem:s6+$0x14A80];
	_ =	sdelay $0x4  }
0x179: {  	vm0 =	vge.s32 v5, v0;
	v7 =	vmul.u32 $0x1388, v6  }
0x17a: {  	vm1 =	vlt.s32 v5, v1;
	v8 =	vsub.s32 v5, v0;
	v5 =	vand.u32 $0x3F, v5  }
0x17b: {  	vm0 =	vmand vm0, vm1;
	v5 =	vadd.s32 $0x2710, v5;
	v7 =	vadd.s32 v7, v8  }
0x17c: {  	v5 =	vsel vm0, v7, v5  }
0x17d: {  	[tilespmem:$0x1F480] =	vst v5  }
0x17e: {  	v5 =	vld [tilespmem:s6+$0x13A80];
	_ =	sdelay $0x1  }
0x17f: {  	v6 =	vmul.u32 $0x2710, v6;
	_ =	sdelay $0x1  }
0x180: {  	v6 =	vadd.s32 v6, v4  }
0x181: {  	v5 =	vadd.s32 v5, v6  }
0x182: {  	[tilespmem:$0x1F280] =	vst v5  }
0x183: {  	v5 =	vld [tilespmem:s6+$0x14290]  }
0x184: {  	v6 =	vld [tilespmem:s6+$0x14A90];
	_ =	sdelay $0x4  }
0x185: {  	vm8 =	vge.s32 v5, v0;
	v7 =	vmul.u32 $0x1388, v6  }
0x186: {  	vm9 =	vlt.s32 v5, v1;
	v60 =	vsub.s32 v5, v0;
	v5 =	vand.u32 $0x3F, v5  }
0x187: {  	vm0 =	vmand vm8, vm9;
	v5 =	vadd.s32 $0x2710, v5;
	v7 =	vadd.s32 v7, v60  }
0x188: {  	v5 =	vsel vm0, v7, v5  }
0x189: {  	[tilespmem:$0x1F490] =	vst v5  }
0x18a: {  	v5 =	vld [tilespmem:s6+$0x13A90];
	_ =	sdelay $0x1  }
0x18b: {  	v6 =	vmul.u32 $0x2710, v6;
	_ =	sdelay $0x1  }
0x18c: {  	v6 =	vadd.s32 v6, v4  }
0x18d: {  	v5 =	vadd.s32 v5, v6  }
0x18e: {  	[tilespmem:$0x1F290] =	vst v5  }
0x18f: {  	v5 =	vld [tilespmem:s6+$0x142A0]  }
0x190: {  	v6 =	vld [tilespmem:s6+$0x14AA0];
	_ =	sdelay $0x4  }
0x191: {  	vm10 =	vge.s32 v5, v0;
	v7 =	vmul.u32 $0x1388, v6  }
0x192: {  	vm11 =	vlt.s32 v5, v1;
	v61 =	vsub.s32 v5, v0;
	v5 =	vand.u32 $0x3F, v5  }
0x193: {  	vm0 =	vmand vm10, vm11;
	v5 =	vadd.s32 $0x2710, v5;
	v7 =	vadd.s32 v7, v61  }
0x194: {  	v5 =	vsel vm0, v7, v5  }
0x195: {  	[tilespmem:$0x1F4A0] =	vst v5  }
0x196: {  	v5 =	vld [tilespmem:s6+$0x13AA0];
	_ =	sdelay $0x1  }
0x197: {  	v6 =	vmul.u32 $0x2710, v6;
	_ =	sdelay $0x1  }
0x198: {  	v6 =	vadd.s32 v6, v4  }
0x199: {  	v5 =	vadd.s32 v5, v6  }
0x19a: {  	[tilespmem:$0x1F2A0] =	vst v5  }
0x19b: {  	v5 =	vld [tilespmem:s6+$0x142B0]  }
0x19c: {  	v6 =	vld [tilespmem:s6+$0x14AB0];
	_ =	sdelay $0x4  }
0x19d: {  	vm12 =	vge.s32 v5, v0;
	v7 =	vmul.u32 $0x1388, v6  }
0x19e: {  	vm13 =	vlt.s32 v5, v1;
	v62 =	vsub.s32 v5, v0;
	v5 =	vand.u32 $0x3F, v5  }
0x19f: {  	vm0 =	vmand vm12, vm13;
	v5 =	vadd.s32 $0x2710, v5;
	v7 =	vadd.s32 v7, v62  }
0x1a0: {  	v5 =	vsel vm0, v7, v5  }
0x1a1: {  	[tilespmem:$0x1F4B0] =	vst v5  }
0x1a2: {  	v5 =	vld [tilespmem:s6+$0x13AB0];
	_ =	sdelay $0x1  }
0x1a3: {  	v6 =	vmul.u32 $0x2710, v6;
	_ =	sdelay $0x1  }
0x1a4: {  	v6 =	vadd.s32 v6, v4  }
0x1a5: {  	v5 =	vadd.s32 v5, v6  }
0x1a6: {  	[tilespmem:$0x1F2B0] =	vst v5  }
0x1a7: {  	v5 =	vld [tilespmem:s6+$0x142C0]  }
0x1a8: {  	v6 =	vld [tilespmem:s6+$0x14AC0];
	_ =	sdelay $0x4  }
0x1a9: {  	vm14 =	vge.s32 v5, v0;
	v7 =	vmul.u32 $0x1388, v6  }
0x1aa: {  	vm15 =	vlt.s32 v5, v1;
	v63 =	vsub.s32 v5, v0;
	v5 =	vand.u32 $0x3F, v5  }
0x1ab: {  	vm0 =	vmand vm14, vm15;
	v5 =	vadd.s32 $0x2710, v5;
	v7 =	vadd.s32 v7, v63  }
0x1ac: {  	v5 =	vsel vm0, v7, v5  }
0x1ad: {  	[tilespmem:$0x1F4C0] =	vst v5  }
0x1ae: {  	v5 =	vld [tilespmem:s6+$0x13AC0];
	_ =	sdelay $0x1  }
.Ltmp13:
0x1af: {  	v6 =	vmul.u32 $0x2710, v6;
	(pc) =	sbr.rel @p2 .LBB2_16-.Ltmp13, $4  }
0x1b0: {  	_ = 	snop  }
0x1b1: {  	v6 =	vadd.s32 v6, v4  }
0x1b2: {  	v5 =	vadd.s32 v5, v6  }
0x1b3: {  	[tilespmem:$0x1F2C0] =	vst v5  }
.Ltmp14:
0x1b4: {  	(pc) =	sbr.rel @!p3 .LBB2_19-.Ltmp14, $1  }
0x1b5: {  	_ =	sdelay $0x3  }
.Ltmp15:
0x1b6: {  	(pc) =	sbr.rel .LBB2_20-.Ltmp15, $2  }
0x1b7: {  	_ =	sdelay $0x2  }
0x1b8: {  	s6 =	simm.s32 $0x1  }
.LBB2_16:
.Ltmp16:
0x1b9: {  	(pc) =	sbr.rel @p3 .LBB2_17-.Ltmp16, $3  }
0x1ba: {  	_ =	sdelay $0x1  }
0x1bb: {  	s6 =	simm.s32 $0x1F280  }
0x1bc: {  	[tilespmem:s30], [sflag:$0x1] =	stream.indirect.gather [hbm4b:s7+s5], $0x80, s6, s5, $0xb8;
	[tilespmem:$0x1F680] =	vst v63  }
0x1bd: {  	_ =	swait.ge [sflag:s29], $0x2800  }
0x1be: {  	[sflag:s29] =	ssyncset.done $0x0  }
0x1bf: {  	[sflag:s29] =	ssyncadd.s32 $0xFFFFD800  }
.LBB2_19:
0x1c0: {  	s6 =	smulhi.u32 $0x51EB851F, s17;
	_ =	sdelay $0x1  }
0x1c1: {  	s6 =	sshrl.u32 s6, $0x3  }
0x1c2: {  	s6 =	smul.u32 $0x19, s6;
	_ =	sdelay $0x1  }
0x1c3: {  	s6 =	ssub.s32 $0x1, s6  }
0x1c4: {  	s6 =	sadd.s32 s6, s11  }
0x1c5: {  	s19 =	sadd.s32 $0x1, s11;
	p4 =	sne.s32 s6, $0x0  }
0x1c6: {  	s19 =	smulhi.u32 @!p4 $0x51EB851F, s19  }
0x1c7: {  	[spmem:s4] =	stream.indirect.scatter.add.f32 [tilespmem:s24], [sflag:$0x6], $0x80, s26, s5, $0xb8;
	[tilespmem:$0x1F680] =	vst v63  }
0x1c8: {  	s19 =	sshrl.u32 @!p4 s19, $0x3  }
0x1c9: {  	s19 =	smul.u32 @!p4 $0x7D0, s19  }
0x1ca: {  	_ =	swait.ge [sflag:s15], $0x2800  }
0x1cb: {  	[sflag:s15] =	ssyncset.done $0x0;
	s19 =	sadd.s32 @!p4 s13, s19  }
0x1cc: {  	[sflag:s15] =	ssyncadd.s32 $0xFFFFD800;
	s19 =	sshrl.u32 @!p4 s19, $0x3  }
0x1cd: {  	s28 =	simm.s32 @!p4 $0x0;
	s14 =	simm.s32 @!p4 $0x13A80;
	s23 =	sadd.s32 @!p4 s1, s19  }
0x1ce: {  	[tilespmem:s14], [sflag:$0x9] =	stream.linear.gather @!p4 [hbm4b:s23+s28], $0x7D0, $0x38;
	[tilespmem:$0x1F680] =	vst v63  }
0x1cf: {  	s14 =	simm.s32 @!p4 $0x9  }
0x1d0: {  	_ =	swait.ge @!p4 [sflag:s14], $0x7D0  }
0x1d1: {  	[sflag:s14] =	ssyncset.done @!p4 $0x0  }
0x1d2: {  	s18 =	simm.s32 @!p4 $0x14280;
	s23 =	sadd.s32 @!p4 s2, s19;
	[sflag:s14] =	ssyncadd.s32 @!p4 $0xFFFFF830  }
0x1d3: {  	[tilespmem:s18], [sflag:$0x9] =	stream.linear.gather @!p4 [hbm4b:s23+s28], $0x7D0, $0x38;
	[tilespmem:$0x1F680] =	vst v63  }
0x1d4: {  	_ =	swait.ge @!p4 [sflag:s14], $0x7D0  }
0x1d5: {  	s18 =	sadd.s32 @!p4 s3, s19;
	[sflag:s14] =	ssyncset.done @!p4 $0x0  }
.Ltmp17:
0x1d6: {  	s19 =	simm.s32 @!p4 $0x14A80;
	[sflag:s14] =	ssyncadd.s32 @!p4 $0xFFFFF830;
	(pc) =	sbr.rel .LBB2_20-.Ltmp17, $4  }
0x1d7: {  	[tilespmem:s19], [sflag:$0x9] =	stream.linear.gather @!p4 [hbm4b:s18+s28], $0x7D0, $0x38;
	[tilespmem:$0x1F680] =	vst v63  }
0x1d8: {  	_ =	swait.ge @!p4 [sflag:s14], $0x7D0  }
0x1d9: {  	[sflag:s14] =	ssyncset.done @!p4 $0x0  }
0x1da: {  	s6 =	simm.s32 @!p4 $0x0;
	[sflag:s14] =	ssyncadd.s32 @!p4 $0xFFFFF830  }
.LBB2_31:
.Ltmp18:
0x1db: {  	(pc) =	sbr.rel .LBB2_34-.Ltmp18, $2  }
0x1dc: {  	_ =	sdelay $0x2  }
0x1dd: {  	s6 =	simm.s32 $0x3  }
.LBB2_17:
0x1de: {  	s6 =	simm.s32 $0x1  }
.LBB2_20:
0x1df: {  	s6 =	smul.u32 $0x50, s6;
	_ =	sdelay $0x1  }
0x1e0: {  	v5 =	vld [tilespmem:s6+$0x14280]  }
0x1e1: {  	v6 =	vld [tilespmem:s6+$0x14A80];
	_ =	sdelay $0x4  }
0x1e2: {  	vm0 =	vge.s32 v5, v0;
	v7 =	vmul.u32 $0x1388, v6  }
0x1e3: {  	vm1 =	vlt.s32 v5, v1;
	v8 =	vsub.s32 v5, v0;
	v5 =	vand.u32 $0x3F, v5  }
0x1e4: {  	vm0 =	vmand vm0, vm1;
	v5 =	vadd.s32 $0x2710, v5;
	v7 =	vadd.s32 v7, v8  }
0x1e5: {  	v5 =	vsel vm0, v7, v5  }
0x1e6: {  	[tilespmem:$0x1F500] =	vst v5  }
0x1e7: {  	v5 =	vld [tilespmem:s6+$0x13A80];
	_ =	sdelay $0x1  }
0x1e8: {  	v6 =	vmul.u32 $0x2710, v6;
	_ =	sdelay $0x1  }
0x1e9: {  	v6 =	vadd.s32 v6, v4  }
0x1ea: {  	v5 =	vadd.s32 v5, v6  }
0x1eb: {  	[tilespmem:$0x1F300] =	vst v5  }
0x1ec: {  	v5 =	vld [tilespmem:s6+$0x14290]  }
0x1ed: {  	v6 =	vld [tilespmem:s6+$0x14A90];
	_ =	sdelay $0x4  }
0x1ee: {  	vm8 =	vge.s32 v5, v0;
	v7 =	vmul.u32 $0x1388, v6  }
0x1ef: {  	vm9 =	vlt.s32 v5, v1;
	v60 =	vsub.s32 v5, v0;
	v5 =	vand.u32 $0x3F, v5  }
0x1f0: {  	vm0 =	vmand vm8, vm9;
	v5 =	vadd.s32 $0x2710, v5;
	v7 =	vadd.s32 v7, v60  }
0x1f1: {  	v5 =	vsel vm0, v7, v5  }
0x1f2: {  	[tilespmem:$0x1F510] =	vst v5  }
0x1f3: {  	v5 =	vld [tilespmem:s6+$0x13A90];
	_ =	sdelay $0x1  }
0x1f4: {  	v6 =	vmul.u32 $0x2710, v6;
	_ =	sdelay $0x1  }
0x1f5: {  	v6 =	vadd.s32 v6, v4  }
0x1f6: {  	v5 =	vadd.s32 v5, v6  }
0x1f7: {  	[tilespmem:$0x1F310] =	vst v5  }
0x1f8: {  	v5 =	vld [tilespmem:s6+$0x142A0]  }
0x1f9: {  	v6 =	vld [tilespmem:s6+$0x14AA0];
	_ =	sdelay $0x4  }
0x1fa: {  	vm10 =	vge.s32 v5, v0;
	v7 =	vmul.u32 $0x1388, v6  }
0x1fb: {  	vm11 =	vlt.s32 v5, v1;
	v61 =	vsub.s32 v5, v0;
	v5 =	vand.u32 $0x3F, v5  }
0x1fc: {  	vm0 =	vmand vm10, vm11;
	v5 =	vadd.s32 $0x2710, v5;
	v7 =	vadd.s32 v7, v61  }
0x1fd: {  	v5 =	vsel vm0, v7, v5  }
0x1fe: {  	[tilespmem:$0x1F520] =	vst v5  }
0x1ff: {  	v5 =	vld [tilespmem:s6+$0x13AA0];
	_ =	sdelay $0x1  }
0x200: {  	v6 =	vmul.u32 $0x2710, v6;
	_ =	sdelay $0x1  }
0x201: {  	v6 =	vadd.s32 v6, v4  }
0x202: {  	v5 =	vadd.s32 v5, v6  }
0x203: {  	[tilespmem:$0x1F320] =	vst v5  }
0x204: {  	v5 =	vld [tilespmem:s6+$0x142B0]  }
0x205: {  	v6 =	vld [tilespmem:s6+$0x14AB0];
	_ =	sdelay $0x4  }
0x206: {  	vm12 =	vge.s32 v5, v0;
	v7 =	vmul.u32 $0x1388, v6  }
0x207: {  	vm13 =	vlt.s32 v5, v1;
	v62 =	vsub.s32 v5, v0;
	v5 =	vand.u32 $0x3F, v5  }
0x208: {  	vm0 =	vmand vm12, vm13;
	v5 =	vadd.s32 $0x2710, v5;
	v7 =	vadd.s32 v7, v62  }
0x209: {  	v5 =	vsel vm0, v7, v5  }
0x20a: {  	[tilespmem:$0x1F530] =	vst v5  }
0x20b: {  	v5 =	vld [tilespmem:s6+$0x13AB0];
	_ =	sdelay $0x1  }
0x20c: {  	v6 =	vmul.u32 $0x2710, v6;
	_ =	sdelay $0x1  }
0x20d: {  	v6 =	vadd.s32 v6, v4  }
0x20e: {  	v5 =	vadd.s32 v5, v6  }
0x20f: {  	[tilespmem:$0x1F330] =	vst v5  }
0x210: {  	v5 =	vld [tilespmem:s6+$0x142C0]  }
0x211: {  	v6 =	vld [tilespmem:s6+$0x14AC0];
	_ =	sdelay $0x4  }
0x212: {  	vm14 =	vge.s32 v5, v0;
	v7 =	vmul.u32 $0x1388, v6  }
0x213: {  	vm15 =	vlt.s32 v5, v1;
	v63 =	vsub.s32 v5, v0;
	v5 =	vand.u32 $0x3F, v5  }
0x214: {  	vm0 =	vmand vm14, vm15;
	v5 =	vadd.s32 $0x2710, v5;
	v7 =	vadd.s32 v7, v63  }
0x215: {  	v5 =	vsel vm0, v7, v5  }
0x216: {  	[tilespmem:$0x1F540] =	vst v5  }
0x217: {  	v5 =	vld [tilespmem:s6+$0x13AC0];
	_ =	sdelay $0x1  }
.Ltmp19:
0x218: {  	v6 =	vmul.u32 $0x2710, v6;
	(pc) =	sbr.rel @p2 .LBB2_23-.Ltmp19, $4  }
0x219: {  	_ = 	snop  }
0x21a: {  	v6 =	vadd.s32 v6, v4  }
0x21b: {  	v5 =	vadd.s32 v5, v6  }
0x21c: {  	[tilespmem:$0x1F340] =	vst v5  }
.Ltmp20:
0x21d: {  	(pc) =	sbr.rel @!p3 .LBB2_26-.Ltmp20, $1  }
0x21e: {  	_ =	sdelay $0x3  }
.Ltmp21:
0x21f: {  	(pc) =	sbr.rel .LBB2_27-.Ltmp21, $2  }
0x220: {  	_ =	sdelay $0x2  }
0x221: {  	s6 =	simm.s32 $0x2  }
.LBB2_23:
.Ltmp22:
0x222: {  	(pc) =	sbr.rel @p3 .LBB2_24-.Ltmp22, $3  }
0x223: {  	_ =	sdelay $0x1  }
0x224: {  	s6 =	simm.s32 $0x1F300  }
0x225: {  	[tilespmem:s24], [sflag:$0x2] =	stream.indirect.gather [hbm4b:s7+s5], $0x80, s6, s5, $0xb8;
	[tilespmem:$0x1F680] =	vst v63  }
0x226: {  	_ =	swait.ge [sflag:s25], $0x2800  }
0x227: {  	[sflag:s25] =	ssyncset.done $0x0  }
0x228: {  	[sflag:s25] =	ssyncadd.s32 $0xFFFFD800  }
.LBB2_26:
0x229: {  	s6 =	smulhi.u32 $0x51EB851F, s0;
	_ =	sdelay $0x1  }
0x22a: {  	s6 =	sshrl.u32 s6, $0x3  }
0x22b: {  	s6 =	smul.u32 $0x19, s6;
	_ =	sdelay $0x1  }
0x22c: {  	s6 =	ssub.s32 $0x2, s6  }
0x22d: {  	s6 =	sadd.s32 s6, s11  }
0x22e: {  	s14 =	sadd.s32 $0x2, s11;
	p4 =	sne.s32 s6, $0x0  }
0x22f: {  	s14 =	smulhi.u32 @!p4 $0x51EB851F, s14  }
0x230: {  	[spmem:s4] =	stream.indirect.scatter.add.f32 [tilespmem:s20], [sflag:$0x7], $0x80, s22, s5, $0xb8;
	[tilespmem:$0x1F680] =	vst v63  }
0x231: {  	s14 =	sshrl.u32 @!p4 s14, $0x3  }
0x232: {  	s14 =	smul.u32 @!p4 $0x7D0, s14  }
0x233: {  	_ =	swait.ge [sflag:s16], $0x2800  }
0x234: {  	[sflag:s16] =	ssyncset.done $0x0;
	s14 =	sadd.s32 @!p4 s13, s14  }
0x235: {  	[sflag:s16] =	ssyncadd.s32 $0xFFFFD800;
	s14 =	sshrl.u32 @!p4 s14, $0x3  }
0x236: {  	s19 =	simm.s32 @!p4 $0x0;
	s23 =	simm.s32 @!p4 $0x13A80;
	s18 =	sadd.s32 @!p4 s1, s14  }
0x237: {  	[tilespmem:s23], [sflag:$0x9] =	stream.linear.gather @!p4 [hbm4b:s18+s19], $0x7D0, $0x38;
	[tilespmem:$0x1F680] =	vst v63  }
0x238: {  	s18 =	simm.s32 @!p4 $0x9  }
0x239: {  	_ =	swait.ge @!p4 [sflag:s18], $0x7D0  }
0x23a: {  	[sflag:s18] =	ssyncset.done @!p4 $0x0  }
0x23b: {  	s28 =	simm.s32 @!p4 $0x14280;
	s23 =	sadd.s32 @!p4 s2, s14;
	[sflag:s18] =	ssyncadd.s32 @!p4 $0xFFFFF830  }
0x23c: {  	[tilespmem:s28], [sflag:$0x9] =	stream.linear.gather @!p4 [hbm4b:s23+s19], $0x7D0, $0x38;
	[tilespmem:$0x1F680] =	vst v63  }
0x23d: {  	_ =	swait.ge @!p4 [sflag:s18], $0x7D0  }
0x23e: {  	s14 =	sadd.s32 @!p4 s3, s14;
	[sflag:s18] =	ssyncset.done @!p4 $0x0  }
.Ltmp23:
0x23f: {  	s23 =	simm.s32 @!p4 $0x14A80;
	[sflag:s18] =	ssyncadd.s32 @!p4 $0xFFFFF830;
	(pc) =	sbr.rel .LBB2_27-.Ltmp23, $4  }
0x240: {  	[tilespmem:s23], [sflag:$0x9] =	stream.linear.gather @!p4 [hbm4b:s14+s19], $0x7D0, $0x38;
	[tilespmem:$0x1F680] =	vst v63  }
0x241: {  	_ =	swait.ge @!p4 [sflag:s18], $0x7D0  }
0x242: {  	[sflag:s18] =	ssyncset.done @!p4 $0x0  }
0x243: {  	s6 =	simm.s32 @!p4 $0x0;
	[sflag:s18] =	ssyncadd.s32 @!p4 $0xFFFFF830  }
.LBB2_24:
0x244: {  	s6 =	simm.s32 $0x2  }
.LBB2_27:
0x245: {  	s6 =	smul.u32 $0x50, s6;
	_ =	sdelay $0x1  }
0x246: {  	v5 =	vld [tilespmem:s6+$0x14280]  }
0x247: {  	v6 =	vld [tilespmem:s6+$0x14A80];
	_ =	sdelay $0x4  }
0x248: {  	vm0 =	vge.s32 v5, v0;
	v7 =	vmul.u32 $0x1388, v6  }
0x249: {  	vm1 =	vlt.s32 v5, v1;
	v8 =	vsub.s32 v5, v0;
	v5 =	vand.u32 $0x3F, v5  }
0x24a: {  	vm0 =	vmand vm0, vm1;
	v5 =	vadd.s32 $0x2710, v5;
	v7 =	vadd.s32 v7, v8  }
0x24b: {  	v5 =	vsel vm0, v7, v5  }
0x24c: {  	[tilespmem:$0x1F580] =	vst v5  }
0x24d: {  	v5 =	vld [tilespmem:s6+$0x13A80];
	_ =	sdelay $0x1  }
0x24e: {  	v6 =	vmul.u32 $0x2710, v6;
	_ =	sdelay $0x1  }
0x24f: {  	v6 =	vadd.s32 v6, v4  }
0x250: {  	v5 =	vadd.s32 v5, v6  }
0x251: {  	[tilespmem:$0x1F380] =	vst v5  }
0x252: {  	v5 =	vld [tilespmem:s6+$0x14290]  }
0x253: {  	v6 =	vld [tilespmem:s6+$0x14A90];
	_ =	sdelay $0x4  }
0x254: {  	vm8 =	vge.s32 v5, v0;
	v7 =	vmul.u32 $0x1388, v6  }
0x255: {  	vm9 =	vlt.s32 v5, v1;
	v60 =	vsub.s32 v5, v0;
	v5 =	vand.u32 $0x3F, v5  }
0x256: {  	vm0 =	vmand vm8, vm9;
	v5 =	vadd.s32 $0x2710, v5;
	v7 =	vadd.s32 v7, v60  }
0x257: {  	v5 =	vsel vm0, v7, v5  }
0x258: {  	[tilespmem:$0x1F590] =	vst v5  }
0x259: {  	v5 =	vld [tilespmem:s6+$0x13A90];
	_ =	sdelay $0x1  }
0x25a: {  	v6 =	vmul.u32 $0x2710, v6;
	_ =	sdelay $0x1  }
0x25b: {  	v6 =	vadd.s32 v6, v4  }
0x25c: {  	v5 =	vadd.s32 v5, v6  }
0x25d: {  	[tilespmem:$0x1F390] =	vst v5  }
0x25e: {  	v5 =	vld [tilespmem:s6+$0x142A0]  }
0x25f: {  	v6 =	vld [tilespmem:s6+$0x14AA0];
	_ =	sdelay $0x4  }
0x260: {  	vm10 =	vge.s32 v5, v0;
	v7 =	vmul.u32 $0x1388, v6  }
0x261: {  	vm11 =	vlt.s32 v5, v1;
	v61 =	vsub.s32 v5, v0;
	v5 =	vand.u32 $0x3F, v5  }
0x262: {  	vm0 =	vmand vm10, vm11;
	v5 =	vadd.s32 $0x2710, v5;
	v7 =	vadd.s32 v7, v61  }
0x263: {  	v5 =	vsel vm0, v7, v5  }
0x264: {  	[tilespmem:$0x1F5A0] =	vst v5  }
0x265: {  	v5 =	vld [tilespmem:s6+$0x13AA0];
	_ =	sdelay $0x1  }
0x266: {  	v6 =	vmul.u32 $0x2710, v6;
	_ =	sdelay $0x1  }
0x267: {  	v6 =	vadd.s32 v6, v4  }
0x268: {  	v5 =	vadd.s32 v5, v6  }
0x269: {  	[tilespmem:$0x1F3A0] =	vst v5  }
0x26a: {  	v5 =	vld [tilespmem:s6+$0x142B0]  }
0x26b: {  	v6 =	vld [tilespmem:s6+$0x14AB0];
	_ =	sdelay $0x4  }
0x26c: {  	vm12 =	vge.s32 v5, v0;
	v7 =	vmul.u32 $0x1388, v6  }
0x26d: {  	vm13 =	vlt.s32 v5, v1;
	v62 =	vsub.s32 v5, v0;
	v5 =	vand.u32 $0x3F, v5  }
0x26e: {  	vm0 =	vmand vm12, vm13;
	v5 =	vadd.s32 $0x2710, v5;
	v7 =	vadd.s32 v7, v62  }
0x26f: {  	v5 =	vsel vm0, v7, v5  }
0x270: {  	[tilespmem:$0x1F5B0] =	vst v5  }
0x271: {  	v5 =	vld [tilespmem:s6+$0x13AB0];
	_ =	sdelay $0x1  }
0x272: {  	v6 =	vmul.u32 $0x2710, v6;
	_ =	sdelay $0x1  }
0x273: {  	v6 =	vadd.s32 v6, v4  }
0x274: {  	v5 =	vadd.s32 v5, v6  }
0x275: {  	[tilespmem:$0x1F3B0] =	vst v5  }
0x276: {  	v5 =	vld [tilespmem:s6+$0x142C0]  }
0x277: {  	v6 =	vld [tilespmem:s6+$0x14AC0];
	_ =	sdelay $0x4  }
0x278: {  	vm14 =	vge.s32 v5, v0;
	v7 =	vmul.u32 $0x1388, v6  }
0x279: {  	vm15 =	vlt.s32 v5, v1;
	v63 =	vsub.s32 v5, v0;
	v5 =	vand.u32 $0x3F, v5  }
0x27a: {  	vm0 =	vmand vm14, vm15;
	v5 =	vadd.s32 $0x2710, v5;
	v7 =	vadd.s32 v7, v63  }
0x27b: {  	v5 =	vsel vm0, v7, v5  }
0x27c: {  	[tilespmem:$0x1F5C0] =	vst v5  }
0x27d: {  	v5 =	vld [tilespmem:s6+$0x13AC0];
	_ =	sdelay $0x1  }
.Ltmp24:
0x27e: {  	v6 =	vmul.u32 $0x2710, v6;
	(pc) =	sbr.rel @p2 .LBB2_30-.Ltmp24, $4  }
0x27f: {  	_ = 	snop  }
0x280: {  	v6 =	vadd.s32 v6, v4  }
0x281: {  	v5 =	vadd.s32 v5, v6  }
0x282: {  	[tilespmem:$0x1F3C0] =	vst v5  }
.Ltmp25:
0x283: {  	(pc) =	sbr.rel @!p3 .LBB2_33-.Ltmp25, $1  }
0x284: {  	_ =	sdelay $0x3  }
.Ltmp26:
0x285: {  	(pc) =	sbr.rel .LBB2_34-.Ltmp26, $2  }
0x286: {  	_ =	sdelay $0x2  }
0x287: {  	s6 =	simm.s32 $0x3  }
.LBB2_37:
0x288: {  	_ =	sfence.sel $0x180000  }
0x289: {  	[bflag:$0x0] =	sbarrier.arrive $0xFFFF  }
0x28a: {  	_ =	strace $0x90000047  }
0x28b: {  	s0 =	stileid.u32;
	[bflag:$0x2] =	sbarrier.arrive $0xFFFF  }
0x28c: {  	p0 =	sne.s32 s0, $0x0;
	s0 =	rddreg [dreg:$0x4]  }
0x28d: {  	s0 =	sadd.s32 @!p0 $0x100000, s0  }
0x28e: {  	[sflag:s0] =	ssyncadd.tile.s32 @!p0 $0x1;
	_ =	shalt  }
.Lfunc_end2:
_tile_overlayer_lowered:
.L_overlay_start_2:
0x28f: {  	(tag) =	ssettag $0x2  }
0x290: {  	s0 =	rddreg [dreg:$0x0];
	s2 =	stileid.u32  }
0x291: {  	s1 =	rddreg [dreg:$0x1];
	p0 =	sne.s32 s2, $0x0  }
0x292: {  	s3 =	rddreg [dreg:$0x2];
	[bflag:$0x3] =	sbarrier.arrive $0xFFFF;
	s2 =	simm.s32 @!p0 $0x1C09  }
0x293: {  	[timem:s3], [sflag:s2] =	dma.local @!p0 [hbm:s0], s1  }
0x294: {  	s0 =	simm.s32 @!p0 $0x9  }
0x295: {  	_ =	swait.ge @!p0 [sflag:s0], s1  }
0x296: {  	s1 =	ssub.s32 @!p0 $0x0, s1;
	[sflag:s0] =	ssyncset.done @!p0 $0x0  }
0x297: {  	[sflag:s0] =	ssyncadd.s32 @!p0 s1  }
0x298: {  	[bflag:$0x3] =	sbarrier.arrive $0xFFFF  }
0x299: {  	_ =	shalt  }

</sc_bundles>
